<compile_context>
chip_gen: v7x
topology: tpu7x:2x2x1
jax: 0.10.2.dev20260603
libtpu: 0.0.44.dev20260713+nightly
codegen_flags: <defaults>
</compile_context>

<pallas_src>
import functools

import jax
import jax.numpy as jnp
from jax import lax
from jax.experimental import pallas as pl
from jax.experimental.pallas import tpu as pltpu
from jax.experimental.pallas import tpu_sc as plsc

L = 16
NC, NS = 2, 16
NW = NC * NS
N = 1024 * 200
C = 128
PER_W = N // NW
NCHUNK = PER_W // C

X_D = 32
OUT_D = 153
SPECIES_D = 32
EMB_D = 16

NUM_SPECIES = 2048
NUM_ABILITIES = 512
NUM_ITEMS = 2048
NUM_MOVES = 1024

VOCABS = (NUM_SPECIES, NUM_ABILITIES, NUM_ITEMS,
          NUM_MOVES, NUM_MOVES, NUM_MOVES, NUM_MOVES)
RAW_OFF = 121


def _body(x_hbm, g_hbm, sp_hbm, ab_hbm, it_hbm, mv_hbm, out_hbm,
          ab_t, it_t, mv_t, x_a, x_b, sp_v, out_a, out_b,
          ids0, ids1, ids2, ids3, ids4, ids5, ids6,
          g_v, sp_sh, sem_xa, sem_xb, sem_oa, sem_ob, sem):
    sid = lax.axis_index("s")
    wid = sid * NC + lax.axis_index("c")
    base0 = wid * PER_W

    pltpu.sync_copy(ab_hbm, ab_t)
    pltpu.sync_copy(it_hbm, it_t)
    pltpu.sync_copy(mv_hbm, mv_t)
    pltpu.sync_copy(g_hbm, g_v)
    zrow = jnp.zeros((L,), jnp.float32)
    ab_t[0, :] = zrow
    it_t[0, :] = zrow
    mv_t[0, :] = zrow
    g = g_v[...]

    srows = NUM_SPECIES // NS
    pltpu.sync_copy(sp_hbm.at[pl.ds(sid * srows, srows)], sp_v)
    pltpu.sync_copy(sp_v, sp_sh.at[pl.ds(sid * srows, srows)])
    plsc.subcore_barrier()

    id_bufs = (ids0, ids1, ids2, ids3, ids4, ids5, ids6)
    iota = lax.broadcasted_iota(jnp.int32, (L,), 0)
    col_tabs = ((1, 32, ab_t), (2, 48, it_t), (3, 64, mv_t),
                (4, 80, mv_t), (5, 96, mv_t), (6, 112, mv_t))

    def x_slice(base):
        return x_hbm.at[pl.ds(base * X_D, C * X_D)]

    def out_slice(base):
        return out_hbm.at[pl.ds(base * OUT_D, C * OUT_D)]

    def phase(j, x_p, x_q, out_p, sem_xp, sem_xq, sem_op):
        base = base0 + j * C
        pltpu.make_async_copy(x_slice(base), x_p, sem_xp).wait()

        @pl.when(j + 1 < NCHUNK)
        def _():
            pltpu.async_copy(x_slice(base + C), x_q, sem_xq)

        def ids_blk(b, carry2):
            rvec = iota * X_D + b * (L * X_D)
            for col in range(7):
                xc = plsc.load_gather(x_p, [rvec + col])
                idv = jnp.clip((xc + g).astype(jnp.int32), 0, VOCABS[col] - 1)
                id_bufs[col][pl.ds(b * L, L)] = idv
            return carry2

        lax.fori_loop(0, C // L, ids_blk, 0, unroll=True)

        pltpu.async_copy(sp_sh.at[ids0], sp_v, sem)

        @pl.when(j >= 2)
        def _():
            pltpu.make_async_copy(out_p, out_slice(base - 2 * C), sem_op).wait()

        def asm_blk(b, carry2):
            r_out = (iota + b * L) * OUT_D
            for col, off, tab in col_tabs:
                ids = id_bufs[col][pl.ds(b * L, L)]
                for d in range(EMB_D):
                    v = plsc.load_gather(tab, [ids, jnp.full((L,), d, jnp.int32)])
                    plsc.store_scatter(out_p, [r_out + (off + d)], v)
            return carry2

        lax.fori_loop(0, C // L, asm_blk, 0, unroll=False)
        pltpu.make_async_copy(sp_sh.at[ids0], sp_v, sem).wait()

        def asm_row(r, carry2):
            ro = r * OUT_D
            rx = r * X_D
            out_p[pl.ds(ro, L)] = sp_v[r, 0:L]
            out_p[pl.ds(ro + L, L)] = sp_v[r, L:SPECIES_D]
            out_p[pl.ds(ro + 128, L)] = x_p[pl.ds(rx + 7, L)] + g
            out_p[pl.ds(ro + 137, L)] = x_p[pl.ds(rx + 16, L)] + g
            return carry2

        lax.fori_loop(0, C, asm_row, 0, unroll=4)
        pltpu.async_copy(out_p, out_slice(base), sem_op)

    pltpu.async_copy(x_slice(base0), x_a, sem_xa)

    def pair(k, carry):
        j = 2 * k
        phase(j, x_a, x_b, out_a, sem_xa, sem_xb, sem_oa)
        phase(j + 1, x_b, x_a, out_b, sem_xb, sem_xa, sem_ob)
        return carry

    lax.fori_loop(0, NCHUNK // 2, pair, 0, unroll=False)

    last = base0 + (NCHUNK - 2) * C
    pltpu.make_async_copy(out_a, out_slice(last), sem_oa).wait()
    pltpu.make_async_copy(out_b, out_slice(last + C), sem_ob).wait()


@functools.partial(jax.jit)
def _run(xf, g, sp, ab, it, mv):
    mesh = plsc.VectorSubcoreMesh(core_axis_name="c", subcore_axis_name="s")
    f = functools.partial(
        pl.kernel,
        mesh=mesh,
        compiler_params=pltpu.CompilerParams(
            needs_layout_passes=False, use_tc_tiling_on_sc=False),
        out_type=jax.ShapeDtypeStruct((N * OUT_D,), jnp.float32),
        scratch_types=[
            pltpu.VMEM((NUM_ABILITIES, EMB_D), jnp.float32),
            pltpu.VMEM((NUM_ITEMS, EMB_D), jnp.float32),
            pltpu.VMEM((NUM_MOVES, EMB_D), jnp.float32),
            pltpu.VMEM((C * X_D,), jnp.float32),
            pltpu.VMEM((C * X_D,), jnp.float32),
            pltpu.VMEM((C, SPECIES_D), jnp.float32),
            pltpu.VMEM((C * OUT_D,), jnp.float32),
            pltpu.VMEM((C * OUT_D,), jnp.float32),
            pltpu.VMEM((C,), jnp.int32),
            pltpu.VMEM((C,), jnp.int32),
            pltpu.VMEM((C,), jnp.int32),
            pltpu.VMEM((C,), jnp.int32),
            pltpu.VMEM((C,), jnp.int32),
            pltpu.VMEM((C,), jnp.int32),
            pltpu.VMEM((C,), jnp.int32),
            pltpu.VMEM((L,), jnp.float32),
            pltpu.VMEM_SHARED((NUM_SPECIES, SPECIES_D), jnp.float32),
            pltpu.SemaphoreType.DMA,
            pltpu.SemaphoreType.DMA,
            pltpu.SemaphoreType.DMA,
            pltpu.SemaphoreType.DMA,
            pltpu.SemaphoreType.DMA,
        ],
    )(_body)
    return f(xf, g, sp, ab, it, mv)


def kernel(x, group_idx, species_emb, ability_emb, item_emb, move_emb):
    xf = x.reshape(N * X_D)
    g = jnp.full((L,), group_idx, jnp.float32)
    sp = species_emb.at[0].set(0.0)
    out = _run(xf, g, sp, ability_emb, item_emb, move_emb)
    return out.reshape(x.shape[0], x.shape[1], OUT_D)

# --- scband reference (transcript-rebuilt; emitter-appended) ---
"""Pipeline reference for scband-entity-idencoder-24043226923648 (READ-ONLY COPY).

The authoritative reference and input builder live on the scoring server;
editing this copy changes nothing except your own understanding.
"""

import jax, jax.numpy as jnp
import numpy as np

NUM_ABILITIES = 512
NUM_ITEMS = 2048
NUM_SPECIES = 2048
NUM_MOVES = 1024
ABILITY_DIM = 16
ITEM_DIM = 16
SPECIES_DIM = 32
MOVE_DIM = 16
# group 0 map: (local_idx, entity_type), derived from feature_names pattern matching
GMAP = [(0, 'species'), (1, 'ability'), (2, 'item'), (3, 'move'), (4, 'move'), (5, 'move'), (6, 'move')]
GROUP_SIZE = 32


def setup_inputs(seed: int = 0) -> dict:
    key = jax.random.key(seed)
    ks = jax.random.split(key, 5)
    x = jax.random.normal(ks[0], (1024, 200, GROUP_SIZE), dtype=jnp.float32)
    species_emb = jax.random.normal(ks[1], (NUM_SPECIES, SPECIES_DIM), dtype=jnp.float32)
    ability_emb = jax.random.normal(ks[2], (NUM_ABILITIES, ABILITY_DIM), dtype=jnp.float32)
    item_emb = jax.random.normal(ks[3], (NUM_ITEMS, ITEM_DIM), dtype=jnp.float32)
    move_emb = jax.random.normal(ks[4], (NUM_MOVES, MOVE_DIM), dtype=jnp.float32)
    return {
        'x': x,
        'group_idx': 0,
        'species_emb': species_emb,
        'ability_emb': ability_emb,
        'item_emb': item_emb,
        'move_emb': move_emb,
    }


def _embed_group(x, species_emb, ability_emb, item_emb, move_emb):
    tables = {'species': species_emb, 'ability': ability_emb, 'item': item_emb, 'move': move_emb}
    parts = []
    prev_end = 0
    for local_idx, etype in GMAP:
        if local_idx > prev_end:
            parts.append(x[:, :, prev_end:local_idx])
        # raw_id = x[:,:,idx].long().clamp(min=0); astype(int32) truncates toward zero like .long()
        raw_id = jnp.clip(x[:, :, local_idx].astype(jnp.int32), 0, None)
        tab = tables[etype]
        # padding_idx=0: output for id 0 is zero (torch initializes that row to zero);
        # masking reproduces both forward value and zero gradient to row 0.
        emb = jnp.take(tab, raw_id, axis=0) * (raw_id != 0)[..., None].astype(tab.dtype)
        parts.append(emb)
        prev_end = local_idx + 1
    if prev_end < x.shape[2]:
        parts.append(x[:, :, prev_end:])
    return jnp.concatenate(parts, axis=-1)


def reference(x, group_idx, species_emb, ability_emb, item_emb, move_emb):
    # group_idx selects the group map; only group 0 exists here, and
    # setup_inputs always passes group_idx == 0, so the selection is static.
    x = x + jnp.asarray(group_idx, dtype=x.dtype)
    return _embed_group(x, species_emb, ability_emb, item_emb, move_emb)

if __name__ == "__main__":
    import jax
    _d = setup_inputs()
    print(jax.jit(kernel)(*tuple(_d.values())))

</pallas_src>

<mosaic_0001>
#map = affine_map<(d0, d1) -> (0)>
#map1 = affine_map<(d0, d1) -> (0, 0)>
module attributes {stable_mosaic.version = 14 : i64} {
  func.func @_body(%arg0: i32, %arg1: i32, %arg2: memref<6553600xf32, #tpu.memory_space<hbm>>, %arg3: memref<16xf32, #tpu.memory_space<hbm>>, %arg4: memref<2048x32xf32, #tpu.memory_space<hbm>>, %arg5: memref<512x16xf32, #tpu.memory_space<hbm>>, %arg6: memref<2048x16xf32, #tpu.memory_space<hbm>>, %arg7: memref<1024x16xf32, #tpu.memory_space<hbm>>, %arg8: memref<31334400xf32, #tpu.memory_space<hbm>>, %arg9: memref<512x16xf32, #tpu.memory_space<vmem>>, %arg10: memref<2048x16xf32, #tpu.memory_space<vmem>>, %arg11: memref<1024x16xf32, #tpu.memory_space<vmem>>, %arg12: memref<4096xf32, #tpu.memory_space<vmem>>, %arg13: memref<4096xf32, #tpu.memory_space<vmem>>, %arg14: memref<128x32xf32, #tpu.memory_space<vmem>>, %arg15: memref<19584xf32, #tpu.memory_space<vmem>>, %arg16: memref<19584xf32, #tpu.memory_space<vmem>>, %arg17: memref<128xi32, #tpu.memory_space<vmem>>, %arg18: memref<128xi32, #tpu.memory_space<vmem>>, %arg19: memref<128xi32, #tpu.memory_space<vmem>>, %arg20: memref<128xi32, #tpu.memory_space<vmem>>, %arg21: memref<128xi32, #tpu.memory_space<vmem>>, %arg22: memref<128xi32, #tpu.memory_space<vmem>>, %arg23: memref<128xi32, #tpu.memory_space<vmem>>, %arg24: memref<16xf32, #tpu.memory_space<vmem>>, %arg25: memref<2048x32xf32, #tpu.memory_space<vmem_shared>>, %arg26: memref<!tpu.dma_semaphore, #tpu.memory_space<semaphore_mem>>, %arg27: memref<!tpu.dma_semaphore, #tpu.memory_space<semaphore_mem>>, %arg28: memref<!tpu.dma_semaphore, #tpu.memory_space<semaphore_mem>>, %arg29: memref<!tpu.dma_semaphore, #tpu.memory_space<semaphore_mem>>, %arg30: memref<!tpu.dma_semaphore, #tpu.memory_space<semaphore_mem>>) attributes {dimension_semantics = [#tpu.dimension_semantics<core_parallel>, #tpu.dimension_semantics<subcore_parallel>], iteration_bounds = array<i64: 2, 16>, scalar_prefetch = 0 : i64, scratch_operands = 22 : i64, tpu.core_type = #tpu.core_type<sc_vector_subcore>, window_params = [{transform_indices = #map}, {transform_indices = #map}, {transform_indices = #map1}, {transform_indices = #map1}, {transform_indices = #map1}, {transform_indices = #map1}, {transform_indices = #map}]} {
    %mul3A = arith.constant 2 : i32
    %mul3A_0 = arith.muli %arg1, %mul3A : i32
    %add3A = arith.addi %mul3A_0, %arg0 : i32
    %mul3A_1 = arith.constant 6400 : i32
    %mul3A_2 = arith.muli %add3A, %mul3A_1 : i32
    "tpu.region"() ({
      %run_scoped3A = tpu.sem_alloc : memref<!tpu.dma_semaphore, #tpu.memory_space<semaphore_mem>>
      tpu.enqueue_dma source(%arg5 : memref<512x16xf32, #tpu.memory_space<hbm>>) target(%arg9 : memref<512x16xf32, #tpu.memory_space<vmem>>) target_semaphore(%run_scoped3A : memref<!tpu.dma_semaphore, #tpu.memory_space<semaphore_mem>>)
      tpu.wait_dma2 semaphore(%run_scoped3A : memref<!tpu.dma_semaphore, #tpu.memory_space<semaphore_mem>>) src(%arg5 : memref<512x16xf32, #tpu.memory_space<hbm>>) dst(%arg9 : memref<512x16xf32, #tpu.memory_space<vmem>>)
      tpu.yield
    }) : () -> ()
    "tpu.region"() ({
      %run_scoped3A = tpu.sem_alloc : memref<!tpu.dma_semaphore, #tpu.memory_space<semaphore_mem>>
      tpu.enqueue_dma source(%arg6 : memref<2048x16xf32, #tpu.memory_space<hbm>>) target(%arg10 : memref<2048x16xf32, #tpu.memory_space<vmem>>) target_semaphore(%run_scoped3A : memref<!tpu.dma_semaphore, #tpu.memory_space<semaphore_mem>>)
      tpu.wait_dma2 semaphore(%run_scoped3A : memref<!tpu.dma_semaphore, #tpu.memory_space<semaphore_mem>>) src(%arg6 : memref<2048x16xf32, #tpu.memory_space<hbm>>) dst(%arg10 : memref<2048x16xf32, #tpu.memory_space<vmem>>)
      tpu.yield
    }) : () -> ()
    "tpu.region"() ({
      %run_scoped3A = tpu.sem_alloc : memref<!tpu.dma_semaphore, #tpu.memory_space<semaphore_mem>>
      tpu.enqueue_dma source(%arg7 : memref<1024x16xf32, #tpu.memory_space<hbm>>) target(%arg11 : memref<1024x16xf32, #tpu.memory_space<vmem>>) target_semaphore(%run_scoped3A : memref<!tpu.dma_semaphore, #tpu.memory_space<semaphore_mem>>)
      tpu.wait_dma2 semaphore(%run_scoped3A : memref<!tpu.dma_semaphore, #tpu.memory_space<semaphore_mem>>) src(%arg7 : memref<1024x16xf32, #tpu.memory_space<hbm>>) dst(%arg11 : memref<1024x16xf32, #tpu.memory_space<vmem>>)
      tpu.yield
    }) : () -> ()
    "tpu.region"() ({
      %run_scoped3A = tpu.sem_alloc : memref<!tpu.dma_semaphore, #tpu.memory_space<semaphore_mem>>
      tpu.enqueue_dma source(%arg3 : memref<16xf32, #tpu.memory_space<hbm>>) target(%arg24 : memref<16xf32, #tpu.memory_space<vmem>>) target_semaphore(%run_scoped3A : memref<!tpu.dma_semaphore, #tpu.memory_space<semaphore_mem>>)
      tpu.wait_dma2 semaphore(%run_scoped3A : memref<!tpu.dma_semaphore, #tpu.memory_space<semaphore_mem>>) src(%arg3 : memref<16xf32, #tpu.memory_space<hbm>>) dst(%arg24 : memref<16xf32, #tpu.memory_space<vmem>>)
      tpu.yield
    }) : () -> ()
    %broadcast_in_dim3A = arith.constant 0.000000e+00 : f32
    %broadcast_in_dim3A_3 = vector.broadcast %broadcast_in_dim3A : f32 to vector<16xf32>
    %swap3A = arith.constant 0 : i32
    %swap3A_4 = arith.index_cast %swap3A : i32 to index
    %swap3A_5 = arith.constant 0 : index
    %swap3A_6 = tpu.vector_load %arg9[%swap3A_4, %swap3A_5] {strides = array<i32>} : memref<512x16xf32, #tpu.memory_space<vmem>>, vector<16xf32>,
    tpu.vector_store %arg9[%swap3A_4, %swap3A_5], %broadcast_in_dim3A_3 {strides = array<i32>} : memref<512x16xf32, #tpu.memory_space<vmem>>, vector<16xf32>,
    %swap3A_7 = arith.constant 0 : i32
    %swap3A_8 = arith.index_cast %swap3A_7 : i32 to index
    %swap3A_9 = arith.constant 0 : index
    %swap3A_10 = tpu.vector_load %arg10[%swap3A_8, %swap3A_9] {strides = array<i32>} : memref<2048x16xf32, #tpu.memory_space<vmem>>, vector<16xf32>,
    tpu.vector_store %arg10[%swap3A_8, %swap3A_9], %broadcast_in_dim3A_3 {strides = array<i32>} : memref<2048x16xf32, #tpu.memory_space<vmem>>, vector<16xf32>,
    %swap3A_11 = arith.constant 0 : i32
    %swap3A_12 = arith.index_cast %swap3A_11 : i32 to index
    %swap3A_13 = arith.constant 0 : index
    %swap3A_14 = tpu.vector_load %arg11[%swap3A_12, %swap3A_13] {strides = array<i32>} : memref<1024x16xf32, #tpu.memory_space<vmem>>, vector<16xf32>,
    tpu.vector_store %arg11[%swap3A_12, %swap3A_13], %broadcast_in_dim3A_3 {strides = array<i32>} : memref<1024x16xf32, #tpu.memory_space<vmem>>, vector<16xf32>,
    %get3A = arith.constant 0 : index
    %get3A_15 = tpu.vector_load %arg24[%get3A] {strides = array<i32>} : memref<16xf32, #tpu.memory_space<vmem>>, vector<16xf32>,
    %mul3A_16 = arith.constant 128 : i32
    %mul3A_17 = arith.muli %arg1, %mul3A_16 : i32
    "tpu.region"() ({
      %run_scoped3A = tpu.sem_alloc : memref<!tpu.dma_semaphore, #tpu.memory_space<semaphore_mem>>
      %dma_start3A_39 = arith.constant 0 : i32
      %dma_start3A_40 = tpu.memref_slice %arg4[%mul3A_17, %dma_start3A_39] : memref<2048x32xf32, #tpu.memory_space<hbm>> -> memref<128x32xf32, #tpu.memory_space<hbm>>
      %dma_start3A_41 = arith.constant 0 : i32
      %dma_start3A_42 = tpu.memref_slice %arg4[%mul3A_17, %dma_start3A_41] : memref<2048x32xf32, #tpu.memory_space<hbm>> -> memref<128x32xf32, #tpu.memory_space<hbm>>
      tpu.enqueue_dma source(%dma_start3A_42 : memref<128x32xf32, #tpu.memory_space<hbm>>) target(%arg14 : memref<128x32xf32, #tpu.memory_space<vmem>>) target_semaphore(%run_scoped3A : memref<!tpu.dma_semaphore, #tpu.memory_space<semaphore_mem>>)
      %dma_wait3A_43 = arith.constant 0 : i32
      %dma_wait3A_44 = tpu.memref_slice %arg4[%mul3A_17, %dma_wait3A_43] : memref<2048x32xf32, #tpu.memory_space<hbm>> -> memref<128x32xf32, #tpu.memory_space<hbm>>
      %dma_wait3A_45 = arith.constant 0 : i32
      %dma_wait3A_46 = tpu.memref_slice %arg4[%mul3A_17, %dma_wait3A_45] : memref<2048x32xf32, #tpu.memory_space<hbm>> -> memref<128x32xf32, #tpu.memory_space<hbm>>
      tpu.wait_dma2 semaphore(%run_scoped3A : memref<!tpu.dma_semaphore, #tpu.memory_space<semaphore_mem>>) src(%dma_wait3A_46 : memref<128x32xf32, #tpu.memory_space<hbm>>) dst(%arg14 : memref<128x32xf32, #tpu.memory_space<vmem>>)
      tpu.yield
    }) : () -> ()
    %mul3A_18 = arith.constant 128 : i32
    %mul3A_19 = arith.muli %arg1, %mul3A_18 : i32
    "tpu.region"() ({
      %run_scoped3A = tpu.sem_alloc : memref<!tpu.dma_semaphore, #tpu.memory_space<semaphore_mem>>
      %dma_start3A_39 = arith.constant 0 : i32
      %dma_start3A_40 = tpu.memref_slice %arg25[%mul3A_19, %dma_start3A_39] : memref<2048x32xf32, #tpu.memory_space<vmem_shared>> -> memref<128x32xf32, #tpu.memory_space<vmem_shared>>
      %dma_start3A_41 = arith.constant 0 : i32
      %dma_start3A_42 = tpu.memref_slice %arg25[%mul3A_19, %dma_start3A_41] : memref<2048x32xf32, #tpu.memory_space<vmem_shared>> -> memref<128x32xf32, #tpu.memory_space<vmem_shared>>
      tpu.enqueue_dma source(%arg14 : memref<128x32xf32, #tpu.memory_space<vmem>>) target(%dma_start3A_42 : memref<128x32xf32, #tpu.memory_space<vmem_shared>>) target_semaphore(%run_scoped3A : memref<!tpu.dma_semaphore, #tpu.memory_space<semaphore_mem>>)
      %dma_wait3A_43 = arith.constant 0 : i32
      %dma_wait3A_44 = tpu.memref_slice %arg25[%mul3A_19, %dma_wait3A_43] : memref<2048x32xf32, #tpu.memory_space<vmem_shared>> -> memref<128x32xf32, #tpu.memory_space<vmem_shared>>
      %dma_wait3A_45 = arith.constant 0 : i32
      %dma_wait3A_46 = tpu.memref_slice %arg25[%mul3A_19, %dma_wait3A_45] : memref<2048x32xf32, #tpu.memory_space<vmem_shared>> -> memref<128x32xf32, #tpu.memory_space<vmem_shared>>
      tpu.wait_dma2 semaphore(%run_scoped3A : memref<!tpu.dma_semaphore, #tpu.memory_space<semaphore_mem>>) src(%arg14 : memref<128x32xf32, #tpu.memory_space<vmem>>) dst(%dma_wait3A_46 : memref<128x32xf32, #tpu.memory_space<vmem_shared>>)
      tpu.yield
    }) : () -> ()
    %barrier3A = arith.constant 0 : index
    tpu.barrier barrier_id(%barrier3A)
    %iota3A = tpu.iota {dimensions = array<i32: 0>} : vector<16xi32>
    %mul3A_20 = arith.constant 32 : i32
    %mul3A_21 = arith.muli %mul3A_2, %mul3A_20 : i32
    %dma_start3A = tpu.memref_slice %arg2[%mul3A_21] : memref<6553600xf32, #tpu.memory_space<hbm>> -> memref<4096xf32, #tpu.memory_space<hbm>>
    %dma_start3A_22 = tpu.memref_slice %arg2[%mul3A_21] : memref<6553600xf32, #tpu.memory_space<hbm>> -> memref<4096xf32, #tpu.memory_space<hbm>>
    tpu.enqueue_dma source(%dma_start3A_22 : memref<4096xf32, #tpu.memory_space<hbm>>) target(%arg12 : memref<4096xf32, #tpu.memory_space<vmem>>) target_semaphore(%arg26 : memref<!tpu.dma_semaphore, #tpu.memory_space<semaphore_mem>>)
    %scan3A = arith.constant 0 : i32
    %scan3A_23 = arith.constant 0 : i32
    %scan3A_24 = arith.constant 25 : i32
    %scan3A_25 = arith.addi %scan3A_23, %scan3A_24 : i32
    %scan3A_26 = arith.constant 1 : i32
    scf.for %scan3A_39 = %scan3A_23 to %scan3A_25 step %scan3A_26  : i32 {
      %mul3A_40 = arith.constant 2 : i32
      %mul3A_41 = arith.muli %mul3A_40, %scan3A_39 : i32
      %mul3A_42 = arith.constant 128 : i32
      %mul3A_43 = arith.muli %mul3A_41, %mul3A_42 : i32
      %add3A_44 = arith.addi %mul3A_2, %mul3A_43 : i32
      %mul3A_45 = arith.constant 32 : i32
      %mul3A_46 = arith.muli %add3A_44, %mul3A_45 : i32
      %dma_wait3A_47 = tpu.memref_slice %arg2[%mul3A_46] : memref<6553600xf32, #tpu.memory_space<hbm>> -> memref<4096xf32, #tpu.memory_space<hbm>>
      %dma_wait3A_48 = tpu.memref_slice %arg2[%mul3A_46] : memref<6553600xf32, #tpu.memory_space<hbm>> -> memref<4096xf32, #tpu.memory_space<hbm>>
      tpu.wait_dma2 semaphore(%arg26 : memref<!tpu.dma_semaphore, #tpu.memory_space<semaphore_mem>>) src(%dma_wait3A_48 : memref<4096xf32, #tpu.memory_space<hbm>>) dst(%arg12 : memref<4096xf32, #tpu.memory_space<vmem>>)
      %add3A_49 = arith.constant 1 : i32
      %add3A_50 = arith.addi %mul3A_41, %add3A_49 : i32
      %lt3A = arith.constant 50 : i32
      %lt3A_51 = arith.cmpi slt, %add3A_50, %lt3A : i32
      %convert_element_type3A = arith.extui %lt3A_51 : i1 to i32
      %cond3A = arith.constant 0 : i32
      %cond3A_52 = arith.cmpi ne, %convert_element_type3A, %cond3A : i32
      scf.if %cond3A_52 {
        %add3A_2042 = arith.constant 128 : i32
        %add3A_2043 = arith.addi %add3A_44, %add3A_2042 : i32
        %mul3A_2044 = arith.constant 32 : i32
        %mul3A_2045 = arith.muli %add3A_2043, %mul3A_2044 : i32
        %dma_start3A_2046 = tpu.memref_slice %arg2[%mul3A_2045] : memref<6553600xf32, #tpu.memory_space<hbm>> -> memref<4096xf32, #tpu.memory_space<hbm>>
        %dma_start3A_2047 = tpu.memref_slice %arg2[%mul3A_2045] : memref<6553600xf32, #tpu.memory_space<hbm>> -> memref<4096xf32, #tpu.memory_space<hbm>>
        tpu.enqueue_dma source(%dma_start3A_2047 : memref<4096xf32, #tpu.memory_space<hbm>>) target(%arg13 : memref<4096xf32, #tpu.memory_space<vmem>>) target_semaphore(%arg27 : memref<!tpu.dma_semaphore, #tpu.memory_space<semaphore_mem>>)
      } else {
      }
      %scan3A_53 = arith.constant 0 : i32
      %scan3A_54 = arith.constant 0 : i32
      %mul3A_55 = arith.constant 32 : i32
      %mul3A_56 = vector.broadcast %mul3A_55 : i32 to vector<16xi32>
      %mul3A_57 = arith.muli %iota3A, %mul3A_56 : vector<16xi32>
      %mul3A_58 = arith.constant 512 : i32
      %mul3A_59 = arith.muli %scan3A_54, %mul3A_58 : i32
      %add3A_60 = vector.broadcast %mul3A_59 : i32 to vector<16xi32>
      %add3A_61 = arith.addi %mul3A_57, %add3A_60 : vector<16xi32>
      %add3A_62 = arith.constant 0 : i32
      %add3A_63 = vector.broadcast %add3A_62 : i32 to vector<16xi32>
      %add3A_64 = arith.addi %add3A_61, %add3A_63 : vector<16xi32>
      %gather3A = tpu.vector_load_idx %arg12[%add3A_64] : memref<4096xf32, #tpu.memory_space<vmem>>[vector<16xi32>], vector<16xf32>,
      %add3A_65 = arith.addf %gather3A, %get3A_15 : vector<16xf32>
      %convert_element_type3A_66 = arith.fptosi %add3A_65 : vector<16xf32> to vector<16xi32>
      %jit3A = arith.constant 0 : i32
      %jit3A_67 = arith.constant 2047 : i32
      %max3A = vector.broadcast %jit3A : i32 to vector<16xi32>
      %max3A_68 = arith.maxsi %max3A, %convert_element_type3A_66 : vector<16xi32>
      %min3A = vector.broadcast %jit3A_67 : i32 to vector<16xi32>
      %min3A_69 = arith.minsi %min3A, %max3A_68 : vector<16xi32>
      %mul3A_70 = arith.constant 16 : i32
      %mul3A_71 = arith.muli %scan3A_54, %mul3A_70 : i32
      %swap3A_72 = arith.index_cast %mul3A_71 : i32 to index
      %swap3A_73 = tpu.vector_load %arg17[%swap3A_72] {strides = array<i32>} : memref<128xi32, #tpu.memory_space<vmem>>, vector<16xi32>,
      tpu.vector_store %arg17[%swap3A_72], %min3A_69 {strides = array<i32>} : memref<128xi32, #tpu.memory_space<vmem>>, vector<16xi32>,
      %add3A_74 = arith.constant 1 : i32
      %add3A_75 = vector.broadcast %add3A_74 : i32 to vector<16xi32>
      %add3A_76 = arith.addi %add3A_61, %add3A_75 : vector<16xi32>
      %gather3A_77 = tpu.vector_load_idx %arg12[%add3A_76] : memref<4096xf32, #tpu.memory_space<vmem>>[vector<16xi32>], vector<16xf32>,
      %add3A_78 = arith.addf %gather3A_77, %get3A_15 : vector<16xf32>
      %convert_element_type3A_79 = arith.fptosi %add3A_78 : vector<16xf32> to vector<16xi32>
      %jit3A_80 = arith.constant 0 : i32
      %jit3A_81 = arith.constant 511 : i32
      %max3A_82 = vector.broadcast %jit3A_80 : i32 to vector<16xi32>
      %max3A_83 = arith.maxsi %max3A_82, %convert_element_type3A_79 : vector<16xi32>
      %min3A_84 = vector.broadcast %jit3A_81 : i32 to vector<16xi32>
      %min3A_85 = arith.minsi %min3A_84, %max3A_83 : vector<16xi32>
      %mul3A_86 = arith.constant 16 : i32
      %mul3A_87 = arith.muli %scan3A_54, %mul3A_86 : i32
      %swap3A_88 = arith.index_cast %mul3A_87 : i32 to index
      %swap3A_89 = tpu.vector_load %arg18[%swap3A_88] {strides = array<i32>} : memref<128xi32, #tpu.memory_space<vmem>>, vector<16xi32>,
      tpu.vector_store %arg18[%swap3A_88], %min3A_85 {strides = array<i32>} : memref<128xi32, #tpu.memory_space<vmem>>, vector<16xi32>,
      %add3A_90 = arith.constant 2 : i32
      %add3A_91 = vector.broadcast %add3A_90 : i32 to vector<16xi32>
      %add3A_92 = arith.addi %add3A_61, %add3A_91 : vector<16xi32>
      %gather3A_93 = tpu.vector_load_idx %arg12[%add3A_92] : memref<4096xf32, #tpu.memory_space<vmem>>[vector<16xi32>], vector<16xf32>,
      %add3A_94 = arith.addf %gather3A_93, %get3A_15 : vector<16xf32>
      %convert_element_type3A_95 = arith.fptosi %add3A_94 : vector<16xf32> to vector<16xi32>
      %jit3A_96 = arith.constant 0 : i32
      %jit3A_97 = arith.constant 2047 : i32
      %max3A_98 = vector.broadcast %jit3A_96 : i32 to vector<16xi32>
      %max3A_99 = arith.maxsi %max3A_98, %convert_element_type3A_95 : vector<16xi32>
      %min3A_100 = vector.broadcast %jit3A_97 : i32 to vector<16xi32>
      %min3A_101 = arith.minsi %min3A_100, %max3A_99 : vector<16xi32>
      %mul3A_102 = arith.constant 16 : i32
      %mul3A_103 = arith.muli %scan3A_54, %mul3A_102 : i32
      %swap3A_104 = arith.index_cast %mul3A_103 : i32 to index
      %swap3A_105 = tpu.vector_load %arg19[%swap3A_104] {strides = array<i32>} : memref<128xi32, #tpu.memory_space<vmem>>, vector<16xi32>,
      tpu.vector_store %arg19[%swap3A_104], %min3A_101 {strides = array<i32>} : memref<128xi32, #tpu.memory_space<vmem>>, vector<16xi32>,
      %add3A_106 = arith.constant 3 : i32
      %add3A_107 = vector.broadcast %add3A_106 : i32 to vector<16xi32>
      %add3A_108 = arith.addi %add3A_61, %add3A_107 : vector<16xi32>
      %gather3A_109 = tpu.vector_load_idx %arg12[%add3A_108] : memref<4096xf32, #tpu.memory_space<vmem>>[vector<16xi32>], vector<16xf32>,
      %add3A_110 = arith.addf %gather3A_109, %get3A_15 : vector<16xf32>
      %convert_element_type3A_111 = arith.fptosi %add3A_110 : vector<16xf32> to vector<16xi32>
      %jit3A_112 = arith.constant 0 : i32
      %jit3A_113 = arith.constant 1023 : i32
      %max3A_114 = vector.broadcast %jit3A_112 : i32 to vector<16xi32>
      %max3A_115 = arith.maxsi %max3A_114, %convert_element_type3A_111 : vector<16xi32>
      %min3A_116 = vector.broadcast %jit3A_113 : i32 to vector<16xi32>
      %min3A_117 = arith.minsi %min3A_116, %max3A_115 : vector<16xi32>
      %mul3A_118 = arith.constant 16 : i32
      %mul3A_119 = arith.muli %scan3A_54, %mul3A_118 : i32
      %swap3A_120 = arith.index_cast %mul3A_119 : i32 to index
      %swap3A_121 = tpu.vector_load %arg20[%swap3A_120] {strides = array<i32>} : memref<128xi32, #tpu.memory_space<vmem>>, vector<16xi32>,
      tpu.vector_store %arg20[%swap3A_120], %min3A_117 {strides = array<i32>} : memref<128xi32, #tpu.memory_space<vmem>>, vector<16xi32>,
      %add3A_122 = arith.constant 4 : i32
      %add3A_123 = vector.broadcast %add3A_122 : i32 to vector<16xi32>
      %add3A_124 = arith.addi %add3A_61, %add3A_123 : vector<16xi32>
      %gather3A_125 = tpu.vector_load_idx %arg12[%add3A_124] : memref<4096xf32, #tpu.memory_space<vmem>>[vector<16xi32>], vector<16xf32>,
      %add3A_126 = arith.addf %gather3A_125, %get3A_15 : vector<16xf32>
      %convert_element_type3A_127 = arith.fptosi %add3A_126 : vector<16xf32> to vector<16xi32>
      %jit3A_128 = arith.constant 0 : i32
      %jit3A_129 = arith.constant 1023 : i32
      %max3A_130 = vector.broadcast %jit3A_128 : i32 to vector<16xi32>
      %max3A_131 = arith.maxsi %max3A_130, %convert_element_type3A_127 : vector<16xi32>
      %min3A_132 = vector.broadcast %jit3A_129 : i32 to vector<16xi32>
      %min3A_133 = arith.minsi %min3A_132, %max3A_131 : vector<16xi32>
      %mul3A_134 = arith.constant 16 : i32
      %mul3A_135 = arith.muli %scan3A_54, %mul3A_134 : i32
      %swap3A_136 = arith.index_cast %mul3A_135 : i32 to index
      %swap3A_137 = tpu.vector_load %arg21[%swap3A_136] {strides = array<i32>} : memref<128xi32, #tpu.memory_space<vmem>>, vector<16xi32>,
      tpu.vector_store %arg21[%swap3A_136], %min3A_133 {strides = array<i32>} : memref<128xi32, #tpu.memory_space<vmem>>, vector<16xi32>,
      %add3A_138 = arith.constant 5 : i32
      %add3A_139 = vector.broadcast %add3A_138 : i32 to vector<16xi32>
      %add3A_140 = arith.addi %add3A_61, %add3A_139 : vector<16xi32>
      %gather3A_141 = tpu.vector_load_idx %arg12[%add3A_140] : memref<4096xf32, #tpu.memory_space<vmem>>[vector<16xi32>], vector<16xf32>,
      %add3A_142 = arith.addf %gather3A_141, %get3A_15 : vector<16xf32>
      %convert_element_type3A_143 = arith.fptosi %add3A_142 : vector<16xf32> to vector<16xi32>
      %jit3A_144 = arith.constant 0 : i32
      %jit3A_145 = arith.constant 1023 : i32
      %max3A_146 = vector.broadcast %jit3A_144 : i32 to vector<16xi32>
      %max3A_147 = arith.maxsi %max3A_146, %convert_element_type3A_143 : vector<16xi32>
      %min3A_148 = vector.broadcast %jit3A_145 : i32 to vector<16xi32>
      %min3A_149 = arith.minsi %min3A_148, %max3A_147 : vector<16xi32>
      %mul3A_150 = arith.constant 16 : i32
      %mul3A_151 = arith.muli %scan3A_54, %mul3A_150 : i32
      %swap3A_152 = arith.index_cast %mul3A_151 : i32 to index
      %swap3A_153 = tpu.vector_load %arg22[%swap3A_152] {strides = array<i32>} : memref<128xi32, #tpu.memory_space<vmem>>, vector<16xi32>,
      tpu.vector_store %arg22[%swap3A_152], %min3A_149 {strides = array<i32>} : memref<128xi32, #tpu.memory_space<vmem>>, vector<16xi32>,
      %add3A_154 = arith.constant 6 : i32
      %add3A_155 = vector.broadcast %add3A_154 : i32 to vector<16xi32>
      %add3A_156 = arith.addi %add3A_61, %add3A_155 : vector<16xi32>
      %gather3A_157 = tpu.vector_load_idx %arg12[%add3A_156] : memref<4096xf32, #tpu.memory_space<vmem>>[vector<16xi32>], vector<16xf32>,
      %add3A_158 = arith.addf %gather3A_157, %get3A_15 : vector<16xf32>
      %convert_element_type3A_159 = arith.fptosi %add3A_158 : vector<16xf32> to vector<16xi32>
      %jit3A_160 = arith.constant 0 : i32
      %jit3A_161 = arith.constant 1023 : i32
      %max3A_162 = vector.broadcast %jit3A_160 : i32 to vector<16xi32>
      %max3A_163 = arith.maxsi %max3A_162, %convert_element_type3A_159 : vector<16xi32>
      %min3A_164 = vector.broadcast %jit3A_161 : i32 to vector<16xi32>
      %min3A_165 = arith.minsi %min3A_164, %max3A_163 : vector<16xi32>
      %mul3A_166 = arith.constant 16 : i32
      %mul3A_167 = arith.muli %scan3A_54, %mul3A_166 : i32
      %swap3A_168 = arith.index_cast %mul3A_167 : i32 to index
      %swap3A_169 = tpu.vector_load %arg23[%swap3A_168] {strides = array<i32>} : memref<128xi32, #tpu.memory_space<vmem>>, vector<16xi32>,
      tpu.vector_store %arg23[%swap3A_168], %min3A_165 {strides = array<i32>} : memref<128xi32, #tpu.memory_space<vmem>>, vector<16xi32>,
      %scan3A_170 = arith.constant 1 : i32
      %mul3A_171 = arith.constant 32 : i32
      %mul3A_172 = vector.broadcast %mul3A_171 : i32 to vector<16xi32>
      %mul3A_173 = arith.muli %iota3A, %mul3A_172 : vector<16xi32>
      %mul3A_174 = arith.constant 512 : i32
      %mul3A_175 = arith.muli %scan3A_170, %mul3A_174 : i32
      %add3A_176 = vector.broadcast %mul3A_175 : i32 to vector<16xi32>
      %add3A_177 = arith.addi %mul3A_173, %add3A_176 : vector<16xi32>
      %add3A_178 = arith.constant 0 : i32
      %add3A_179 = vector.broadcast %add3A_178 : i32 to vector<16xi32>
      %add3A_180 = arith.addi %add3A_177, %add3A_179 : vector<16xi32>
      %gather3A_181 = tpu.vector_load_idx %arg12[%add3A_180] : memref<4096xf32, #tpu.memory_space<vmem>>[vector<16xi32>], vector<16xf32>,
      %add3A_182 = arith.addf %gather3A_181, %get3A_15 : vector<16xf32>
      %convert_element_type3A_183 = arith.fptosi %add3A_182 : vector<16xf32> to vector<16xi32>
      %jit3A_184 = arith.constant 0 : i32
      %jit3A_185 = arith.constant 2047 : i32
      %max3A_186 = vector.broadcast %jit3A_184 : i32 to vector<16xi32>
      %max3A_187 = arith.maxsi %max3A_186, %convert_element_type3A_183 : vector<16xi32>
      %min3A_188 = vector.broadcast %jit3A_185 : i32 to vector<16xi32>
      %min3A_189 = arith.minsi %min3A_188, %max3A_187 : vector<16xi32>
      %mul3A_190 = arith.constant 16 : i32
      %mul3A_191 = arith.muli %scan3A_170, %mul3A_190 : i32
      %swap3A_192 = arith.index_cast %mul3A_191 : i32 to index
      %swap3A_193 = tpu.vector_load %arg17[%swap3A_192] {strides = array<i32>} : memref<128xi32, #tpu.memory_space<vmem>>, vector<16xi32>,
      tpu.vector_store %arg17[%swap3A_192], %min3A_189 {strides = array<i32>} : memref<128xi32, #tpu.memory_space<vmem>>, vector<16xi32>,
      %add3A_194 = arith.constant 1 : i32
      %add3A_195 = vector.broadcast %add3A_194 : i32 to vector<16xi32>
      %add3A_196 = arith.addi %add3A_177, %add3A_195 : vector<16xi32>
      %gather3A_197 = tpu.vector_load_idx %arg12[%add3A_196] : memref<4096xf32, #tpu.memory_space<vmem>>[vector<16xi32>], vector<16xf32>,
      %add3A_198 = arith.addf %gather3A_197, %get3A_15 : vector<16xf32>
      %convert_element_type3A_199 = arith.fptosi %add3A_198 : vector<16xf32> to vector<16xi32>
      %jit3A_200 = arith.constant 0 : i32
      %jit3A_201 = arith.constant 511 : i32
      %max3A_202 = vector.broadcast %jit3A_200 : i32 to vector<16xi32>
      %max3A_203 = arith.maxsi %max3A_202, %convert_element_type3A_199 : vector<16xi32>
      %min3A_204 = vector.broadcast %jit3A_201 : i32 to vector<16xi32>
      %min3A_205 = arith.minsi %min3A_204, %max3A_203 : vector<16xi32>
      %mul3A_206 = arith.constant 16 : i32
      %mul3A_207 = arith.muli %scan3A_170, %mul3A_206 : i32
      %swap3A_208 = arith.index_cast %mul3A_207 : i32 to index
      %swap3A_209 = tpu.vector_load %arg18[%swap3A_208] {strides = array<i32>} : memref<128xi32, #tpu.memory_space<vmem>>, vector<16xi32>,
      tpu.vector_store %arg18[%swap3A_208], %min3A_205 {strides = array<i32>} : memref<128xi32, #tpu.memory_space<vmem>>, vector<16xi32>,
      %add3A_210 = arith.constant 2 : i32
      %add3A_211 = vector.broadcast %add3A_210 : i32 to vector<16xi32>
      %add3A_212 = arith.addi %add3A_177, %add3A_211 : vector<16xi32>
      %gather3A_213 = tpu.vector_load_idx %arg12[%add3A_212] : memref<4096xf32, #tpu.memory_space<vmem>>[vector<16xi32>], vector<16xf32>,
      %add3A_214 = arith.addf %gather3A_213, %get3A_15 : vector<16xf32>
      %convert_element_type3A_215 = arith.fptosi %add3A_214 : vector<16xf32> to vector<16xi32>
      %jit3A_216 = arith.constant 0 : i32
      %jit3A_217 = arith.constant 2047 : i32
      %max3A_218 = vector.broadcast %jit3A_216 : i32 to vector<16xi32>
      %max3A_219 = arith.maxsi %max3A_218, %convert_element_type3A_215 : vector<16xi32>
      %min3A_220 = vector.broadcast %jit3A_217 : i32 to vector<16xi32>
      %min3A_221 = arith.minsi %min3A_220, %max3A_219 : vector<16xi32>
      %mul3A_222 = arith.constant 16 : i32
      %mul3A_223 = arith.muli %scan3A_170, %mul3A_222 : i32
      %swap3A_224 = arith.index_cast %mul3A_223 : i32 to index
      %swap3A_225 = tpu.vector_load %arg19[%swap3A_224] {strides = array<i32>} : memref<128xi32, #tpu.memory_space<vmem>>, vector<16xi32>,
      tpu.vector_store %arg19[%swap3A_224], %min3A_221 {strides = array<i32>} : memref<128xi32, #tpu.memory_space<vmem>>, vector<16xi32>,
      %add3A_226 = arith.constant 3 : i32
      %add3A_227 = vector.broadcast %add3A_226 : i32 to vector<16xi32>
      %add3A_228 = arith.addi %add3A_177, %add3A_227 : vector<16xi32>
      %gather3A_229 = tpu.vector_load_idx %arg12[%add3A_228] : memref<4096xf32, #tpu.memory_space<vmem>>[vector<16xi32>], vector<16xf32>,
      %add3A_230 = arith.addf %gather3A_229, %get3A_15 : vector<16xf32>
      %convert_element_type3A_231 = arith.fptosi %add3A_230 : vector<16xf32> to vector<16xi32>
      %jit3A_232 = arith.constant 0 : i32
      %jit3A_233 = arith.constant 1023 : i32
      %max3A_234 = vector.broadcast %jit3A_232 : i32 to vector<16xi32>
      %max3A_235 = arith.maxsi %max3A_234, %convert_element_type3A_231 : vector<16xi32>
      %min3A_236 = vector.broadcast %jit3A_233 : i32 to vector<16xi32>
      %min3A_237 = arith.minsi %min3A_236, %max3A_235 : vector<16xi32>
      %mul3A_238 = arith.constant 16 : i32
      %mul3A_239 = arith.muli %scan3A_170, %mul3A_238 : i32
      %swap3A_240 = arith.index_cast %mul3A_239 : i32 to index
      %swap3A_241 = tpu.vector_load %arg20[%swap3A_240] {strides = array<i32>} : memref<128xi32, #tpu.memory_space<vmem>>, vector<16xi32>,
      tpu.vector_store %arg20[%swap3A_240], %min3A_237 {strides = array<i32>} : memref<128xi32, #tpu.memory_space<vmem>>, vector<16xi32>,
      %add3A_242 = arith.constant 4 : i32
      %add3A_243 = vector.broadcast %add3A_242 : i32 to vector<16xi32>
      %add3A_244 = arith.addi %add3A_177, %add3A_243 : vector<16xi32>
      %gather3A_245 = tpu.vector_load_idx %arg12[%add3A_244] : memref<4096xf32, #tpu.memory_space<vmem>>[vector<16xi32>], vector<16xf32>,
      %add3A_246 = arith.addf %gather3A_245, %get3A_15 : vector<16xf32>
      %convert_element_type3A_247 = arith.fptosi %add3A_246 : vector<16xf32> to vector<16xi32>
      %jit3A_248 = arith.constant 0 : i32
      %jit3A_249 = arith.constant 1023 : i32
      %max3A_250 = vector.broadcast %jit3A_248 : i32 to vector<16xi32>
      %max3A_251 = arith.maxsi %max3A_250, %convert_element_type3A_247 : vector<16xi32>
      %min3A_252 = vector.broadcast %jit3A_249 : i32 to vector<16xi32>
      %min3A_253 = arith.minsi %min3A_252, %max3A_251 : vector<16xi32>
      %mul3A_254 = arith.constant 16 : i32
      %mul3A_255 = arith.muli %scan3A_170, %mul3A_254 : i32
      %swap3A_256 = arith.index_cast %mul3A_255 : i32 to index
      %swap3A_257 = tpu.vector_load %arg21[%swap3A_256] {strides = array<i32>} : memref<128xi32, #tpu.memory_space<vmem>>, vector<16xi32>,
      tpu.vector_store %arg21[%swap3A_256], %min3A_253 {strides = array<i32>} : memref<128xi32, #tpu.memory_space<vmem>>, vector<16xi32>,
      %add3A_258 = arith.constant 5 : i32
      %add3A_259 = vector.broadcast %add3A_258 : i32 to vector<16xi32>
      %add3A_260 = arith.addi %add3A_177, %add3A_259 : vector<16xi32>
      %gather3A_261 = tpu.vector_load_idx %arg12[%add3A_260] : memref<4096xf32, #tpu.memory_space<vmem>>[vector<16xi32>], vector<16xf32>,
      %add3A_262 = arith.addf %gather3A_261, %get3A_15 : vector<16xf32>
      %convert_element_type3A_263 = arith.fptosi %add3A_262 : vector<16xf32> to vector<16xi32>
      %jit3A_264 = arith.constant 0 : i32
      %jit3A_265 = arith.constant 1023 : i32
      %max3A_266 = vector.broadcast %jit3A_264 : i32 to vector<16xi32>
      %max3A_267 = arith.maxsi %max3A_266, %convert_element_type3A_263 : vector<16xi32>
      %min3A_268 = vector.broadcast %jit3A_265 : i32 to vector<16xi32>
      %min3A_269 = arith.minsi %min3A_268, %max3A_267 : vector<16xi32>
      %mul3A_270 = arith.constant 16 : i32
      %mul3A_271 = arith.muli %scan3A_170, %mul3A_270 : i32
      %swap3A_272 = arith.index_cast %mul3A_271 : i32 to index
      %swap3A_273 = tpu.vector_load %arg22[%swap3A_272] {strides = array<i32>} : memref<128xi32, #tpu.memory_space<vmem>>, vector<16xi32>,
      tpu.vector_store %arg22[%swap3A_272], %min3A_269 {strides = array<i32>} : memref<128xi32, #tpu.memory_space<vmem>>, vector<16xi32>,
      %add3A_274 = arith.constant 6 : i32
      %add3A_275 = vector.broadcast %add3A_274 : i32 to vector<16xi32>
      %add3A_276 = arith.addi %add3A_177, %add3A_275 : vector<16xi32>
      %gather3A_277 = tpu.vector_load_idx %arg12[%add3A_276] : memref<4096xf32, #tpu.memory_space<vmem>>[vector<16xi32>], vector<16xf32>,
      %add3A_278 = arith.addf %gather3A_277, %get3A_15 : vector<16xf32>
      %convert_element_type3A_279 = arith.fptosi %add3A_278 : vector<16xf32> to vector<16xi32>
      %jit3A_280 = arith.constant 0 : i32
      %jit3A_281 = arith.constant 1023 : i32
      %max3A_282 = vector.broadcast %jit3A_280 : i32 to vector<16xi32>
      %max3A_283 = arith.maxsi %max3A_282, %convert_element_type3A_279 : vector<16xi32>
      %min3A_284 = vector.broadcast %jit3A_281 : i32 to vector<16xi32>
      %min3A_285 = arith.minsi %min3A_284, %max3A_283 : vector<16xi32>
      %mul3A_286 = arith.constant 16 : i32
      %mul3A_287 = arith.muli %scan3A_170, %mul3A_286 : i32
      %swap3A_288 = arith.index_cast %mul3A_287 : i32 to index
      %swap3A_289 = tpu.vector_load %arg23[%swap3A_288] {strides = array<i32>} : memref<128xi32, #tpu.memory_space<vmem>>, vector<16xi32>,
      tpu.vector_store %arg23[%swap3A_288], %min3A_285 {strides = array<i32>} : memref<128xi32, #tpu.memory_space<vmem>>, vector<16xi32>,
      %scan3A_290 = arith.constant 2 : i32
      %mul3A_291 = arith.constant 32 : i32
      %mul3A_292 = vector.broadcast %mul3A_291 : i32 to vector<16xi32>
      %mul3A_293 = arith.muli %iota3A, %mul3A_292 : vector<16xi32>
      %mul3A_294 = arith.constant 512 : i32
      %mul3A_295 = arith.muli %scan3A_290, %mul3A_294 : i32
      %add3A_296 = vector.broadcast %mul3A_295 : i32 to vector<16xi32>
      %add3A_297 = arith.addi %mul3A_293, %add3A_296 : vector<16xi32>
      %add3A_298 = arith.constant 0 : i32
      %add3A_299 = vector.broadcast %add3A_298 : i32 to vector<16xi32>
      %add3A_300 = arith.addi %add3A_297, %add3A_299 : vector<16xi32>
      %gather3A_301 = tpu.vector_load_idx %arg12[%add3A_300] : memref<4096xf32, #tpu.memory_space<vmem>>[vector<16xi32>], vector<16xf32>,
      %add3A_302 = arith.addf %gather3A_301, %get3A_15 : vector<16xf32>
      %convert_element_type3A_303 = arith.fptosi %add3A_302 : vector<16xf32> to vector<16xi32>
      %jit3A_304 = arith.constant 0 : i32
      %jit3A_305 = arith.constant 2047 : i32
      %max3A_306 = vector.broadcast %jit3A_304 : i32 to vector<16xi32>
      %max3A_307 = arith.maxsi %max3A_306, %convert_element_type3A_303 : vector<16xi32>
      %min3A_308 = vector.broadcast %jit3A_305 : i32 to vector<16xi32>
      %min3A_309 = arith.minsi %min3A_308, %max3A_307 : vector<16xi32>
      %mul3A_310 = arith.constant 16 : i32
      %mul3A_311 = arith.muli %scan3A_290, %mul3A_310 : i32
      %swap3A_312 = arith.index_cast %mul3A_311 : i32 to index
      %swap3A_313 = tpu.vector_load %arg17[%swap3A_312] {strides = array<i32>} : memref<128xi32, #tpu.memory_space<vmem>>, vector<16xi32>,
      tpu.vector_store %arg17[%swap3A_312], %min3A_309 {strides = array<i32>} : memref<128xi32, #tpu.memory_space<vmem>>, vector<16xi32>,
      %add3A_314 = arith.constant 1 : i32
      %add3A_315 = vector.broadcast %add3A_314 : i32 to vector<16xi32>
      %add3A_316 = arith.addi %add3A_297, %add3A_315 : vector<16xi32>
      %gather3A_317 = tpu.vector_load_idx %arg12[%add3A_316] : memref<4096xf32, #tpu.memory_space<vmem>>[vector<16xi32>], vector<16xf32>,
      %add3A_318 = arith.addf %gather3A_317, %get3A_15 : vector<16xf32>
      %convert_element_type3A_319 = arith.fptosi %add3A_318 : vector<16xf32> to vector<16xi32>
      %jit3A_320 = arith.constant 0 : i32
      %jit3A_321 = arith.constant 511 : i32
      %max3A_322 = vector.broadcast %jit3A_320 : i32 to vector<16xi32>
      %max3A_323 = arith.maxsi %max3A_322, %convert_element_type3A_319 : vector<16xi32>
      %min3A_324 = vector.broadcast %jit3A_321 : i32 to vector<16xi32>
      %min3A_325 = arith.minsi %min3A_324, %max3A_323 : vector<16xi32>
      %mul3A_326 = arith.constant 16 : i32
      %mul3A_327 = arith.muli %scan3A_290, %mul3A_326 : i32
      %swap3A_328 = arith.index_cast %mul3A_327 : i32 to index
      %swap3A_329 = tpu.vector_load %arg18[%swap3A_328] {strides = array<i32>} : memref<128xi32, #tpu.memory_space<vmem>>, vector<16xi32>,
      tpu.vector_store %arg18[%swap3A_328], %min3A_325 {strides = array<i32>} : memref<128xi32, #tpu.memory_space<vmem>>, vector<16xi32>,
      %add3A_330 = arith.constant 2 : i32
      %add3A_331 = vector.broadcast %add3A_330 : i32 to vector<16xi32>
      %add3A_332 = arith.addi %add3A_297, %add3A_331 : vector<16xi32>
      %gather3A_333 = tpu.vector_load_idx %arg12[%add3A_332] : memref<4096xf32, #tpu.memory_space<vmem>>[vector<16xi32>], vector<16xf32>,
      %add3A_334 = arith.addf %gather3A_333, %get3A_15 : vector<16xf32>
      %convert_element_type3A_335 = arith.fptosi %add3A_334 : vector<16xf32> to vector<16xi32>
      %jit3A_336 = arith.constant 0 : i32
      %jit3A_337 = arith.constant 2047 : i32
      %max3A_338 = vector.broadcast %jit3A_336 : i32 to vector<16xi32>
      %max3A_339 = arith.maxsi %max3A_338, %convert_element_type3A_335 : vector<16xi32>
      %min3A_340 = vector.broadcast %jit3A_337 : i32 to vector<16xi32>
      %min3A_341 = arith.minsi %min3A_340, %max3A_339 : vector<16xi32>
      %mul3A_342 = arith.constant 16 : i32
      %mul3A_343 = arith.muli %scan3A_290, %mul3A_342 : i32
      %swap3A_344 = arith.index_cast %mul3A_343 : i32 to index
      %swap3A_345 = tpu.vector_load %arg19[%swap3A_344] {strides = array<i32>} : memref<128xi32, #tpu.memory_space<vmem>>, vector<16xi32>,
      tpu.vector_store %arg19[%swap3A_344], %min3A_341 {strides = array<i32>} : memref<128xi32, #tpu.memory_space<vmem>>, vector<16xi32>,
      %add3A_346 = arith.constant 3 : i32
      %add3A_347 = vector.broadcast %add3A_346 : i32 to vector<16xi32>
      %add3A_348 = arith.addi %add3A_297, %add3A_347 : vector<16xi32>
      %gather3A_349 = tpu.vector_load_idx %arg12[%add3A_348] : memref<4096xf32, #tpu.memory_space<vmem>>[vector<16xi32>], vector<16xf32>,
      %add3A_350 = arith.addf %gather3A_349, %get3A_15 : vector<16xf32>
      %convert_element_type3A_351 = arith.fptosi %add3A_350 : vector<16xf32> to vector<16xi32>
      %jit3A_352 = arith.constant 0 : i32
      %jit3A_353 = arith.constant 1023 : i32
      %max3A_354 = vector.broadcast %jit3A_352 : i32 to vector<16xi32>
      %max3A_355 = arith.maxsi %max3A_354, %convert_element_type3A_351 : vector<16xi32>
      %min3A_356 = vector.broadcast %jit3A_353 : i32 to vector<16xi32>
      %min3A_357 = arith.minsi %min3A_356, %max3A_355 : vector<16xi32>
      %mul3A_358 = arith.constant 16 : i32
      %mul3A_359 = arith.muli %scan3A_290, %mul3A_358 : i32
      %swap3A_360 = arith.index_cast %mul3A_359 : i32 to index
      %swap3A_361 = tpu.vector_load %arg20[%swap3A_360] {strides = array<i32>} : memref<128xi32, #tpu.memory_space<vmem>>, vector<16xi32>,
      tpu.vector_store %arg20[%swap3A_360], %min3A_357 {strides = array<i32>} : memref<128xi32, #tpu.memory_space<vmem>>, vector<16xi32>,
      %add3A_362 = arith.constant 4 : i32
      %add3A_363 = vector.broadcast %add3A_362 : i32 to vector<16xi32>
      %add3A_364 = arith.addi %add3A_297, %add3A_363 : vector<16xi32>
      %gather3A_365 = tpu.vector_load_idx %arg12[%add3A_364] : memref<4096xf32, #tpu.memory_space<vmem>>[vector<16xi32>], vector<16xf32>,
      %add3A_366 = arith.addf %gather3A_365, %get3A_15 : vector<16xf32>
      %convert_element_type3A_367 = arith.fptosi %add3A_366 : vector<16xf32> to vector<16xi32>
      %jit3A_368 = arith.constant 0 : i32
      %jit3A_369 = arith.constant 1023 : i32
      %max3A_370 = vector.broadcast %jit3A_368 : i32 to vector<16xi32>
      %max3A_371 = arith.maxsi %max3A_370, %convert_element_type3A_367 : vector<16xi32>
      %min3A_372 = vector.broadcast %jit3A_369 : i32 to vector<16xi32>
      %min3A_373 = arith.minsi %min3A_372, %max3A_371 : vector<16xi32>
      %mul3A_374 = arith.constant 16 : i32
      %mul3A_375 = arith.muli %scan3A_290, %mul3A_374 : i32
      %swap3A_376 = arith.index_cast %mul3A_375 : i32 to index
      %swap3A_377 = tpu.vector_load %arg21[%swap3A_376] {strides = array<i32>} : memref<128xi32, #tpu.memory_space<vmem>>, vector<16xi32>,
      tpu.vector_store %arg21[%swap3A_376], %min3A_373 {strides = array<i32>} : memref<128xi32, #tpu.memory_space<vmem>>, vector<16xi32>,
      %add3A_378 = arith.constant 5 : i32
      %add3A_379 = vector.broadcast %add3A_378 : i32 to vector<16xi32>
      %add3A_380 = arith.addi %add3A_297, %add3A_379 : vector<16xi32>
      %gather3A_381 = tpu.vector_load_idx %arg12[%add3A_380] : memref<4096xf32, #tpu.memory_space<vmem>>[vector<16xi32>], vector<16xf32>,
      %add3A_382 = arith.addf %gather3A_381, %get3A_15 : vector<16xf32>
      %convert_element_type3A_383 = arith.fptosi %add3A_382 : vector<16xf32> to vector<16xi32>
      %jit3A_384 = arith.constant 0 : i32
      %jit3A_385 = arith.constant 1023 : i32
      %max3A_386 = vector.broadcast %jit3A_384 : i32 to vector<16xi32>
      %max3A_387 = arith.maxsi %max3A_386, %convert_element_type3A_383 : vector<16xi32>
      %min3A_388 = vector.broadcast %jit3A_385 : i32 to vector<16xi32>
      %min3A_389 = arith.minsi %min3A_388, %max3A_387 : vector<16xi32>
      %mul3A_390 = arith.constant 16 : i32
      %mul3A_391 = arith.muli %scan3A_290, %mul3A_390 : i32
      %swap3A_392 = arith.index_cast %mul3A_391 : i32 to index
      %swap3A_393 = tpu.vector_load %arg22[%swap3A_392] {strides = array<i32>} : memref<128xi32, #tpu.memory_space<vmem>>, vector<16xi32>,
      tpu.vector_store %arg22[%swap3A_392], %min3A_389 {strides = array<i32>} : memref<128xi32, #tpu.memory_space<vmem>>, vector<16xi32>,
      %add3A_394 = arith.constant 6 : i32
      %add3A_395 = vector.broadcast %add3A_394 : i32 to vector<16xi32>
      %add3A_396 = arith.addi %add3A_297, %add3A_395 : vector<16xi32>
      %gather3A_397 = tpu.vector_load_idx %arg12[%add3A_396] : memref<4096xf32, #tpu.memory_space<vmem>>[vector<16xi32>], vector<16xf32>,
      %add3A_398 = arith.addf %gather3A_397, %get3A_15 : vector<16xf32>
      %convert_element_type3A_399 = arith.fptosi %add3A_398 : vector<16xf32> to vector<16xi32>
      %jit3A_400 = arith.constant 0 : i32
      %jit3A_401 = arith.constant 1023 : i32
      %max3A_402 = vector.broadcast %jit3A_400 : i32 to vector<16xi32>
      %max3A_403 = arith.maxsi %max3A_402, %convert_element_type3A_399 : vector<16xi32>
      %min3A_404 = vector.broadcast %jit3A_401 : i32 to vector<16xi32>
      %min3A_405 = arith.minsi %min3A_404, %max3A_403 : vector<16xi32>
      %mul3A_406 = arith.constant 16 : i32
      %mul3A_407 = arith.muli %scan3A_290, %mul3A_406 : i32
      %swap3A_408 = arith.index_cast %mul3A_407 : i32 to index
      %swap3A_409 = tpu.vector_load %arg23[%swap3A_408] {strides = array<i32>} : memref<128xi32, #tpu.memory_space<vmem>>, vector<16xi32>,
      tpu.vector_store %arg23[%swap3A_408], %min3A_405 {strides = array<i32>} : memref<128xi32, #tpu.memory_space<vmem>>, vector<16xi32>,
      %scan3A_410 = arith.constant 3 : i32
      %mul3A_411 = arith.constant 32 : i32
      %mul3A_412 = vector.broadcast %mul3A_411 : i32 to vector<16xi32>
      %mul3A_413 = arith.muli %iota3A, %mul3A_412 : vector<16xi32>
      %mul3A_414 = arith.constant 512 : i32
      %mul3A_415 = arith.muli %scan3A_410, %mul3A_414 : i32
      %add3A_416 = vector.broadcast %mul3A_415 : i32 to vector<16xi32>
      %add3A_417 = arith.addi %mul3A_413, %add3A_416 : vector<16xi32>
      %add3A_418 = arith.constant 0 : i32
      %add3A_419 = vector.broadcast %add3A_418 : i32 to vector<16xi32>
      %add3A_420 = arith.addi %add3A_417, %add3A_419 : vector<16xi32>
      %gather3A_421 = tpu.vector_load_idx %arg12[%add3A_420] : memref<4096xf32, #tpu.memory_space<vmem>>[vector<16xi32>], vector<16xf32>,
      %add3A_422 = arith.addf %gather3A_421, %get3A_15 : vector<16xf32>
      %convert_element_type3A_423 = arith.fptosi %add3A_422 : vector<16xf32> to vector<16xi32>
      %jit3A_424 = arith.constant 0 : i32
      %jit3A_425 = arith.constant 2047 : i32
      %max3A_426 = vector.broadcast %jit3A_424 : i32 to vector<16xi32>
      %max3A_427 = arith.maxsi %max3A_426, %convert_element_type3A_423 : vector<16xi32>
      %min3A_428 = vector.broadcast %jit3A_425 : i32 to vector<16xi32>
      %min3A_429 = arith.minsi %min3A_428, %max3A_427 : vector<16xi32>
      %mul3A_430 = arith.constant 16 : i32
      %mul3A_431 = arith.muli %scan3A_410, %mul3A_430 : i32
      %swap3A_432 = arith.index_cast %mul3A_431 : i32 to index
      %swap3A_433 = tpu.vector_load %arg17[%swap3A_432] {strides = array<i32>} : memref<128xi32, #tpu.memory_space<vmem>>, vector<16xi32>,
      tpu.vector_store %arg17[%swap3A_432], %min3A_429 {strides = array<i32>} : memref<128xi32, #tpu.memory_space<vmem>>, vector<16xi32>,
      %add3A_434 = arith.constant 1 : i32
      %add3A_435 = vector.broadcast %add3A_434 : i32 to vector<16xi32>
      %add3A_436 = arith.addi %add3A_417, %add3A_435 : vector<16xi32>
      %gather3A_437 = tpu.vector_load_idx %arg12[%add3A_436] : memref<4096xf32, #tpu.memory_space<vmem>>[vector<16xi32>], vector<16xf32>,
      %add3A_438 = arith.addf %gather3A_437, %get3A_15 : vector<16xf32>
      %convert_element_type3A_439 = arith.fptosi %add3A_438 : vector<16xf32> to vector<16xi32>
      %jit3A_440 = arith.constant 0 : i32
      %jit3A_441 = arith.constant 511 : i32
      %max3A_442 = vector.broadcast %jit3A_440 : i32 to vector<16xi32>
      %max3A_443 = arith.maxsi %max3A_442, %convert_element_type3A_439 : vector<16xi32>
      %min3A_444 = vector.broadcast %jit3A_441 : i32 to vector<16xi32>
      %min3A_445 = arith.minsi %min3A_444, %max3A_443 : vector<16xi32>
      %mul3A_446 = arith.constant 16 : i32
      %mul3A_447 = arith.muli %scan3A_410, %mul3A_446 : i32
      %swap3A_448 = arith.index_cast %mul3A_447 : i32 to index
      %swap3A_449 = tpu.vector_load %arg18[%swap3A_448] {strides = array<i32>} : memref<128xi32, #tpu.memory_space<vmem>>, vector<16xi32>,
      tpu.vector_store %arg18[%swap3A_448], %min3A_445 {strides = array<i32>} : memref<128xi32, #tpu.memory_space<vmem>>, vector<16xi32>,
      %add3A_450 = arith.constant 2 : i32
      %add3A_451 = vector.broadcast %add3A_450 : i32 to vector<16xi32>
      %add3A_452 = arith.addi %add3A_417, %add3A_451 : vector<16xi32>
      %gather3A_453 = tpu.vector_load_idx %arg12[%add3A_452] : memref<4096xf32, #tpu.memory_space<vmem>>[vector<16xi32>], vector<16xf32>,
      %add3A_454 = arith.addf %gather3A_453, %get3A_15 : vector<16xf32>
      %convert_element_type3A_455 = arith.fptosi %add3A_454 : vector<16xf32> to vector<16xi32>
      %jit3A_456 = arith.constant 0 : i32
      %jit3A_457 = arith.constant 2047 : i32
      %max3A_458 = vector.broadcast %jit3A_456 : i32 to vector<16xi32>
      %max3A_459 = arith.maxsi %max3A_458, %convert_element_type3A_455 : vector<16xi32>
      %min3A_460 = vector.broadcast %jit3A_457 : i32 to vector<16xi32>
      %min3A_461 = arith.minsi %min3A_460, %max3A_459 : vector<16xi32>
      %mul3A_462 = arith.constant 16 : i32
      %mul3A_463 = arith.muli %scan3A_410, %mul3A_462 : i32
      %swap3A_464 = arith.index_cast %mul3A_463 : i32 to index
      %swap3A_465 = tpu.vector_load %arg19[%swap3A_464] {strides = array<i32>} : memref<128xi32, #tpu.memory_space<vmem>>, vector<16xi32>,
      tpu.vector_store %arg19[%swap3A_464], %min3A_461 {strides = array<i32>} : memref<128xi32, #tpu.memory_space<vmem>>, vector<16xi32>,
      %add3A_466 = arith.constant 3 : i32
      %add3A_467 = vector.broadcast %add3A_466 : i32 to vector<16xi32>
      %add3A_468 = arith.addi %add3A_417, %add3A_467 : vector<16xi32>
      %gather3A_469 = tpu.vector_load_idx %arg12[%add3A_468] : memref<4096xf32, #tpu.memory_space<vmem>>[vector<16xi32>], vector<16xf32>,
      %add3A_470 = arith.addf %gather3A_469, %get3A_15 : vector<16xf32>
      %convert_element_type3A_471 = arith.fptosi %add3A_470 : vector<16xf32> to vector<16xi32>
      %jit3A_472 = arith.constant 0 : i32
      %jit3A_473 = arith.constant 1023 : i32
      %max3A_474 = vector.broadcast %jit3A_472 : i32 to vector<16xi32>
      %max3A_475 = arith.maxsi %max3A_474, %convert_element_type3A_471 : vector<16xi32>
      %min3A_476 = vector.broadcast %jit3A_473 : i32 to vector<16xi32>
      %min3A_477 = arith.minsi %min3A_476, %max3A_475 : vector<16xi32>
      %mul3A_478 = arith.constant 16 : i32
      %mul3A_479 = arith.muli %scan3A_410, %mul3A_478 : i32
      %swap3A_480 = arith.index_cast %mul3A_479 : i32 to index
      %swap3A_481 = tpu.vector_load %arg20[%swap3A_480] {strides = array<i32>} : memref<128xi32, #tpu.memory_space<vmem>>, vector<16xi32>,
      tpu.vector_store %arg20[%swap3A_480], %min3A_477 {strides = array<i32>} : memref<128xi32, #tpu.memory_space<vmem>>, vector<16xi32>,
      %add3A_482 = arith.constant 4 : i32
      %add3A_483 = vector.broadcast %add3A_482 : i32 to vector<16xi32>
      %add3A_484 = arith.addi %add3A_417, %add3A_483 : vector<16xi32>
      %gather3A_485 = tpu.vector_load_idx %arg12[%add3A_484] : memref<4096xf32, #tpu.memory_space<vmem>>[vector<16xi32>], vector<16xf32>,
      %add3A_486 = arith.addf %gather3A_485, %get3A_15 : vector<16xf32>
      %convert_element_type3A_487 = arith.fptosi %add3A_486 : vector<16xf32> to vector<16xi32>
      %jit3A_488 = arith.constant 0 : i32
      %jit3A_489 = arith.constant 1023 : i32
      %max3A_490 = vector.broadcast %jit3A_488 : i32 to vector<16xi32>
      %max3A_491 = arith.maxsi %max3A_490, %convert_element_type3A_487 : vector<16xi32>
      %min3A_492 = vector.broadcast %jit3A_489 : i32 to vector<16xi32>
      %min3A_493 = arith.minsi %min3A_492, %max3A_491 : vector<16xi32>
      %mul3A_494 = arith.constant 16 : i32
      %mul3A_495 = arith.muli %scan3A_410, %mul3A_494 : i32
      %swap3A_496 = arith.index_cast %mul3A_495 : i32 to index
      %swap3A_497 = tpu.vector_load %arg21[%swap3A_496] {strides = array<i32>} : memref<128xi32, #tpu.memory_space<vmem>>, vector<16xi32>,
      tpu.vector_store %arg21[%swap3A_496], %min3A_493 {strides = array<i32>} : memref<128xi32, #tpu.memory_space<vmem>>, vector<16xi32>,
      %add3A_498 = arith.constant 5 : i32
      %add3A_499 = vector.broadcast %add3A_498 : i32 to vector<16xi32>
      %add3A_500 = arith.addi %add3A_417, %add3A_499 : vector<16xi32>
      %gather3A_501 = tpu.vector_load_idx %arg12[%add3A_500] : memref<4096xf32, #tpu.memory_space<vmem>>[vector<16xi32>], vector<16xf32>,
      %add3A_502 = arith.addf %gather3A_501, %get3A_15 : vector<16xf32>
      %convert_element_type3A_503 = arith.fptosi %add3A_502 : vector<16xf32> to vector<16xi32>
      %jit3A_504 = arith.constant 0 : i32
      %jit3A_505 = arith.constant 1023 : i32
      %max3A_506 = vector.broadcast %jit3A_504 : i32 to vector<16xi32>
      %max3A_507 = arith.maxsi %max3A_506, %convert_element_type3A_503 : vector<16xi32>
      %min3A_508 = vector.broadcast %jit3A_505 : i32 to vector<16xi32>
      %min3A_509 = arith.minsi %min3A_508, %max3A_507 : vector<16xi32>
      %mul3A_510 = arith.constant 16 : i32
      %mul3A_511 = arith.muli %scan3A_410, %mul3A_510 : i32
      %swap3A_512 = arith.index_cast %mul3A_511 : i32 to index
      %swap3A_513 = tpu.vector_load %arg22[%swap3A_512] {strides = array<i32>} : memref<128xi32, #tpu.memory_space<vmem>>, vector<16xi32>,
      tpu.vector_store %arg22[%swap3A_512], %min3A_509 {strides = array<i32>} : memref<128xi32, #tpu.memory_space<vmem>>, vector<16xi32>,
      %add3A_514 = arith.constant 6 : i32
      %add3A_515 = vector.broadcast %add3A_514 : i32 to vector<16xi32>
      %add3A_516 = arith.addi %add3A_417, %add3A_515 : vector<16xi32>
      %gather3A_517 = tpu.vector_load_idx %arg12[%add3A_516] : memref<4096xf32, #tpu.memory_space<vmem>>[vector<16xi32>], vector<16xf32>,
      %add3A_518 = arith.addf %gather3A_517, %get3A_15 : vector<16xf32>
      %convert_element_type3A_519 = arith.fptosi %add3A_518 : vector<16xf32> to vector<16xi32>
      %jit3A_520 = arith.constant 0 : i32
      %jit3A_521 = arith.constant 1023 : i32
      %max3A_522 = vector.broadcast %jit3A_520 : i32 to vector<16xi32>
      %max3A_523 = arith.maxsi %max3A_522, %convert_element_type3A_519 : vector<16xi32>
      %min3A_524 = vector.broadcast %jit3A_521 : i32 to vector<16xi32>
      %min3A_525 = arith.minsi %min3A_524, %max3A_523 : vector<16xi32>
      %mul3A_526 = arith.constant 16 : i32
      %mul3A_527 = arith.muli %scan3A_410, %mul3A_526 : i32
      %swap3A_528 = arith.index_cast %mul3A_527 : i32 to index
      %swap3A_529 = tpu.vector_load %arg23[%swap3A_528] {strides = array<i32>} : memref<128xi32, #tpu.memory_space<vmem>>, vector<16xi32>,
      tpu.vector_store %arg23[%swap3A_528], %min3A_525 {strides = array<i32>} : memref<128xi32, #tpu.memory_space<vmem>>, vector<16xi32>,
      %scan3A_530 = arith.constant 4 : i32
      %mul3A_531 = arith.constant 32 : i32
      %mul3A_532 = vector.broadcast %mul3A_531 : i32 to vector<16xi32>
      %mul3A_533 = arith.muli %iota3A, %mul3A_532 : vector<16xi32>
      %mul3A_534 = arith.constant 512 : i32
      %mul3A_535 = arith.muli %scan3A_530, %mul3A_534 : i32
      %add3A_536 = vector.broadcast %mul3A_535 : i32 to vector<16xi32>
      %add3A_537 = arith.addi %mul3A_533, %add3A_536 : vector<16xi32>
      %add3A_538 = arith.constant 0 : i32
      %add3A_539 = vector.broadcast %add3A_538 : i32 to vector<16xi32>
      %add3A_540 = arith.addi %add3A_537, %add3A_539 : vector<16xi32>
      %gather3A_541 = tpu.vector_load_idx %arg12[%add3A_540] : memref<4096xf32, #tpu.memory_space<vmem>>[vector<16xi32>], vector<16xf32>,
      %add3A_542 = arith.addf %gather3A_541, %get3A_15 : vector<16xf32>
      %convert_element_type3A_543 = arith.fptosi %add3A_542 : vector<16xf32> to vector<16xi32>
      %jit3A_544 = arith.constant 0 : i32
      %jit3A_545 = arith.constant 2047 : i32
      %max3A_546 = vector.broadcast %jit3A_544 : i32 to vector<16xi32>
      %max3A_547 = arith.maxsi %max3A_546, %convert_element_type3A_543 : vector<16xi32>
      %min3A_548 = vector.broadcast %jit3A_545 : i32 to vector<16xi32>
      %min3A_549 = arith.minsi %min3A_548, %max3A_547 : vector<16xi32>
      %mul3A_550 = arith.constant 16 : i32
      %mul3A_551 = arith.muli %scan3A_530, %mul3A_550 : i32
      %swap3A_552 = arith.index_cast %mul3A_551 : i32 to index
      %swap3A_553 = tpu.vector_load %arg17[%swap3A_552] {strides = array<i32>} : memref<128xi32, #tpu.memory_space<vmem>>, vector<16xi32>,
      tpu.vector_store %arg17[%swap3A_552], %min3A_549 {strides = array<i32>} : memref<128xi32, #tpu.memory_space<vmem>>, vector<16xi32>,
      %add3A_554 = arith.constant 1 : i32
      %add3A_555 = vector.broadcast %add3A_554 : i32 to vector<16xi32>
      %add3A_556 = arith.addi %add3A_537, %add3A_555 : vector<16xi32>
      %gather3A_557 = tpu.vector_load_idx %arg12[%add3A_556] : memref<4096xf32, #tpu.memory_space<vmem>>[vector<16xi32>], vector<16xf32>,
      %add3A_558 = arith.addf %gather3A_557, %get3A_15 : vector<16xf32>
      %convert_element_type3A_559 = arith.fptosi %add3A_558 : vector<16xf32> to vector<16xi32>
      %jit3A_560 = arith.constant 0 : i32
      %jit3A_561 = arith.constant 511 : i32
      %max3A_562 = vector.broadcast %jit3A_560 : i32 to vector<16xi32>
      %max3A_563 = arith.maxsi %max3A_562, %convert_element_type3A_559 : vector<16xi32>
      %min3A_564 = vector.broadcast %jit3A_561 : i32 to vector<16xi32>
      %min3A_565 = arith.minsi %min3A_564, %max3A_563 : vector<16xi32>
      %mul3A_566 = arith.constant 16 : i32
      %mul3A_567 = arith.muli %scan3A_530, %mul3A_566 : i32
      %swap3A_568 = arith.index_cast %mul3A_567 : i32 to index
      %swap3A_569 = tpu.vector_load %arg18[%swap3A_568] {strides = array<i32>} : memref<128xi32, #tpu.memory_space<vmem>>, vector<16xi32>,
      tpu.vector_store %arg18[%swap3A_568], %min3A_565 {strides = array<i32>} : memref<128xi32, #tpu.memory_space<vmem>>, vector<16xi32>,
      %add3A_570 = arith.constant 2 : i32
      %add3A_571 = vector.broadcast %add3A_570 : i32 to vector<16xi32>
      %add3A_572 = arith.addi %add3A_537, %add3A_571 : vector<16xi32>
      %gather3A_573 = tpu.vector_load_idx %arg12[%add3A_572] : memref<4096xf32, #tpu.memory_space<vmem>>[vector<16xi32>], vector<16xf32>,
      %add3A_574 = arith.addf %gather3A_573, %get3A_15 : vector<16xf32>
      %convert_element_type3A_575 = arith.fptosi %add3A_574 : vector<16xf32> to vector<16xi32>
      %jit3A_576 = arith.constant 0 : i32
      %jit3A_577 = arith.constant 2047 : i32
      %max3A_578 = vector.broadcast %jit3A_576 : i32 to vector<16xi32>
      %max3A_579 = arith.maxsi %max3A_578, %convert_element_type3A_575 : vector<16xi32>
      %min3A_580 = vector.broadcast %jit3A_577 : i32 to vector<16xi32>
      %min3A_581 = arith.minsi %min3A_580, %max3A_579 : vector<16xi32>
      %mul3A_582 = arith.constant 16 : i32
      %mul3A_583 = arith.muli %scan3A_530, %mul3A_582 : i32
      %swap3A_584 = arith.index_cast %mul3A_583 : i32 to index
      %swap3A_585 = tpu.vector_load %arg19[%swap3A_584] {strides = array<i32>} : memref<128xi32, #tpu.memory_space<vmem>>, vector<16xi32>,
      tpu.vector_store %arg19[%swap3A_584], %min3A_581 {strides = array<i32>} : memref<128xi32, #tpu.memory_space<vmem>>, vector<16xi32>,
      %add3A_586 = arith.constant 3 : i32
      %add3A_587 = vector.broadcast %add3A_586 : i32 to vector<16xi32>
      %add3A_588 = arith.addi %add3A_537, %add3A_587 : vector<16xi32>
      %gather3A_589 = tpu.vector_load_idx %arg12[%add3A_588] : memref<4096xf32, #tpu.memory_space<vmem>>[vector<16xi32>], vector<16xf32>,
      %add3A_590 = arith.addf %gather3A_589, %get3A_15 : vector<16xf32>
      %convert_element_type3A_591 = arith.fptosi %add3A_590 : vector<16xf32> to vector<16xi32>
      %jit3A_592 = arith.constant 0 : i32
      %jit3A_593 = arith.constant 1023 : i32
      %max3A_594 = vector.broadcast %jit3A_592 : i32 to vector<16xi32>
      %max3A_595 = arith.maxsi %max3A_594, %convert_element_type3A_591 : vector<16xi32>
      %min3A_596 = vector.broadcast %jit3A_593 : i32 to vector<16xi32>
      %min3A_597 = arith.minsi %min3A_596, %max3A_595 : vector<16xi32>
      %mul3A_598 = arith.constant 16 : i32
      %mul3A_599 = arith.muli %scan3A_530, %mul3A_598 : i32
      %swap3A_600 = arith.index_cast %mul3A_599 : i32 to index
      %swap3A_601 = tpu.vector_load %arg20[%swap3A_600] {strides = array<i32>} : memref<128xi32, #tpu.memory_space<vmem>>, vector<16xi32>,
      tpu.vector_store %arg20[%swap3A_600], %min3A_597 {strides = array<i32>} : memref<128xi32, #tpu.memory_space<vmem>>, vector<16xi32>,
      %add3A_602 = arith.constant 4 : i32
      %add3A_603 = vector.broadcast %add3A_602 : i32 to vector<16xi32>
      %add3A_604 = arith.addi %add3A_537, %add3A_603 : vector<16xi32>
      %gather3A_605 = tpu.vector_load_idx %arg12[%add3A_604] : memref<4096xf32, #tpu.memory_space<vmem>>[vector<16xi32>], vector<16xf32>,
      %add3A_606 = arith.addf %gather3A_605, %get3A_15 : vector<16xf32>
      %convert_element_type3A_607 = arith.fptosi %add3A_606 : vector<16xf32> to vector<16xi32>
      %jit3A_608 = arith.constant 0 : i32
      %jit3A_609 = arith.constant 1023 : i32
      %max3A_610 = vector.broadcast %jit3A_608 : i32 to vector<16xi32>
      %max3A_611 = arith.maxsi %max3A_610, %convert_element_type3A_607 : vector<16xi32>
      %min3A_612 = vector.broadcast %jit3A_609 : i32 to vector<16xi32>
      %min3A_613 = arith.minsi %min3A_612, %max3A_611 : vector<16xi32>
      %mul3A_614 = arith.constant 16 : i32
      %mul3A_615 = arith.muli %scan3A_530, %mul3A_614 : i32
      %swap3A_616 = arith.index_cast %mul3A_615 : i32 to index
      %swap3A_617 = tpu.vector_load %arg21[%swap3A_616] {strides = array<i32>} : memref<128xi32, #tpu.memory_space<vmem>>, vector<16xi32>,
      tpu.vector_store %arg21[%swap3A_616], %min3A_613 {strides = array<i32>} : memref<128xi32, #tpu.memory_space<vmem>>, vector<16xi32>,
      %add3A_618 = arith.constant 5 : i32
      %add3A_619 = vector.broadcast %add3A_618 : i32 to vector<16xi32>
      %add3A_620 = arith.addi %add3A_537, %add3A_619 : vector<16xi32>
      %gather3A_621 = tpu.vector_load_idx %arg12[%add3A_620] : memref<4096xf32, #tpu.memory_space<vmem>>[vector<16xi32>], vector<16xf32>,
      %add3A_622 = arith.addf %gather3A_621, %get3A_15 : vector<16xf32>
      %convert_element_type3A_623 = arith.fptosi %add3A_622 : vector<16xf32> to vector<16xi32>
      %jit3A_624 = arith.constant 0 : i32
      %jit3A_625 = arith.constant 1023 : i32
      %max3A_626 = vector.broadcast %jit3A_624 : i32 to vector<16xi32>
      %max3A_627 = arith.maxsi %max3A_626, %convert_element_type3A_623 : vector<16xi32>
      %min3A_628 = vector.broadcast %jit3A_625 : i32 to vector<16xi32>
      %min3A_629 = arith.minsi %min3A_628, %max3A_627 : vector<16xi32>
      %mul3A_630 = arith.constant 16 : i32
      %mul3A_631 = arith.muli %scan3A_530, %mul3A_630 : i32
      %swap3A_632 = arith.index_cast %mul3A_631 : i32 to index
      %swap3A_633 = tpu.vector_load %arg22[%swap3A_632] {strides = array<i32>} : memref<128xi32, #tpu.memory_space<vmem>>, vector<16xi32>,
      tpu.vector_store %arg22[%swap3A_632], %min3A_629 {strides = array<i32>} : memref<128xi32, #tpu.memory_space<vmem>>, vector<16xi32>,
      %add3A_634 = arith.constant 6 : i32
      %add3A_635 = vector.broadcast %add3A_634 : i32 to vector<16xi32>
      %add3A_636 = arith.addi %add3A_537, %add3A_635 : vector<16xi32>
      %gather3A_637 = tpu.vector_load_idx %arg12[%add3A_636] : memref<4096xf32, #tpu.memory_space<vmem>>[vector<16xi32>], vector<16xf32>,
      %add3A_638 = arith.addf %gather3A_637, %get3A_15 : vector<16xf32>
      %convert_element_type3A_639 = arith.fptosi %add3A_638 : vector<16xf32> to vector<16xi32>
      %jit3A_640 = arith.constant 0 : i32
      %jit3A_641 = arith.constant 1023 : i32
      %max3A_642 = vector.broadcast %jit3A_640 : i32 to vector<16xi32>
      %max3A_643 = arith.maxsi %max3A_642, %convert_element_type3A_639 : vector<16xi32>
      %min3A_644 = vector.broadcast %jit3A_641 : i32 to vector<16xi32>
      %min3A_645 = arith.minsi %min3A_644, %max3A_643 : vector<16xi32>
      %mul3A_646 = arith.constant 16 : i32
      %mul3A_647 = arith.muli %scan3A_530, %mul3A_646 : i32
      %swap3A_648 = arith.index_cast %mul3A_647 : i32 to index
      %swap3A_649 = tpu.vector_load %arg23[%swap3A_648] {strides = array<i32>} : memref<128xi32, #tpu.memory_space<vmem>>, vector<16xi32>,
      tpu.vector_store %arg23[%swap3A_648], %min3A_645 {strides = array<i32>} : memref<128xi32, #tpu.memory_space<vmem>>, vector<16xi32>,
      %scan3A_650 = arith.constant 5 : i32
      %mul3A_651 = arith.constant 32 : i32
      %mul3A_652 = vector.broadcast %mul3A_651 : i32 to vector<16xi32>
      %mul3A_653 = arith.muli %iota3A, %mul3A_652 : vector<16xi32>
      %mul3A_654 = arith.constant 512 : i32
      %mul3A_655 = arith.muli %scan3A_650, %mul3A_654 : i32
      %add3A_656 = vector.broadcast %mul3A_655 : i32 to vector<16xi32>
      %add3A_657 = arith.addi %mul3A_653, %add3A_656 : vector<16xi32>
      %add3A_658 = arith.constant 0 : i32
      %add3A_659 = vector.broadcast %add3A_658 : i32 to vector<16xi32>
      %add3A_660 = arith.addi %add3A_657, %add3A_659 : vector<16xi32>
      %gather3A_661 = tpu.vector_load_idx %arg12[%add3A_660] : memref<4096xf32, #tpu.memory_space<vmem>>[vector<16xi32>], vector<16xf32>,
      %add3A_662 = arith.addf %gather3A_661, %get3A_15 : vector<16xf32>
      %convert_element_type3A_663 = arith.fptosi %add3A_662 : vector<16xf32> to vector<16xi32>
      %jit3A_664 = arith.constant 0 : i32
      %jit3A_665 = arith.constant 2047 : i32
      %max3A_666 = vector.broadcast %jit3A_664 : i32 to vector<16xi32>
      %max3A_667 = arith.maxsi %max3A_666, %convert_element_type3A_663 : vector<16xi32>
      %min3A_668 = vector.broadcast %jit3A_665 : i32 to vector<16xi32>
      %min3A_669 = arith.minsi %min3A_668, %max3A_667 : vector<16xi32>
      %mul3A_670 = arith.constant 16 : i32
      %mul3A_671 = arith.muli %scan3A_650, %mul3A_670 : i32
      %swap3A_672 = arith.index_cast %mul3A_671 : i32 to index
      %swap3A_673 = tpu.vector_load %arg17[%swap3A_672] {strides = array<i32>} : memref<128xi32, #tpu.memory_space<vmem>>, vector<16xi32>,
      tpu.vector_store %arg17[%swap3A_672], %min3A_669 {strides = array<i32>} : memref<128xi32, #tpu.memory_space<vmem>>, vector<16xi32>,
      %add3A_674 = arith.constant 1 : i32
      %add3A_675 = vector.broadcast %add3A_674 : i32 to vector<16xi32>
      %add3A_676 = arith.addi %add3A_657, %add3A_675 : vector<16xi32>
      %gather3A_677 = tpu.vector_load_idx %arg12[%add3A_676] : memref<4096xf32, #tpu.memory_space<vmem>>[vector<16xi32>], vector<16xf32>,
      %add3A_678 = arith.addf %gather3A_677, %get3A_15 : vector<16xf32>
      %convert_element_type3A_679 = arith.fptosi %add3A_678 : vector<16xf32> to vector<16xi32>
      %jit3A_680 = arith.constant 0 : i32
      %jit3A_681 = arith.constant 511 : i32
      %max3A_682 = vector.broadcast %jit3A_680 : i32 to vector<16xi32>
      %max3A_683 = arith.maxsi %max3A_682, %convert_element_type3A_679 : vector<16xi32>
      %min3A_684 = vector.broadcast %jit3A_681 : i32 to vector<16xi32>
      %min3A_685 = arith.minsi %min3A_684, %max3A_683 : vector<16xi32>
      %mul3A_686 = arith.constant 16 : i32
      %mul3A_687 = arith.muli %scan3A_650, %mul3A_686 : i32
      %swap3A_688 = arith.index_cast %mul3A_687 : i32 to index
      %swap3A_689 = tpu.vector_load %arg18[%swap3A_688] {strides = array<i32>} : memref<128xi32, #tpu.memory_space<vmem>>, vector<16xi32>,
      tpu.vector_store %arg18[%swap3A_688], %min3A_685 {strides = array<i32>} : memref<128xi32, #tpu.memory_space<vmem>>, vector<16xi32>,
      %add3A_690 = arith.constant 2 : i32
      %add3A_691 = vector.broadcast %add3A_690 : i32 to vector<16xi32>
      %add3A_692 = arith.addi %add3A_657, %add3A_691 : vector<16xi32>
      %gather3A_693 = tpu.vector_load_idx %arg12[%add3A_692] : memref<4096xf32, #tpu.memory_space<vmem>>[vector<16xi32>], vector<16xf32>,
      %add3A_694 = arith.addf %gather3A_693, %get3A_15 : vector<16xf32>
      %convert_element_type3A_695 = arith.fptosi %add3A_694 : vector<16xf32> to vector<16xi32>
      %jit3A_696 = arith.constant 0 : i32
      %jit3A_697 = arith.constant 2047 : i32
      %max3A_698 = vector.broadcast %jit3A_696 : i32 to vector<16xi32>
      %max3A_699 = arith.maxsi %max3A_698, %convert_element_type3A_695 : vector<16xi32>
      %min3A_700 = vector.broadcast %jit3A_697 : i32 to vector<16xi32>
      %min3A_701 = arith.minsi %min3A_700, %max3A_699 : vector<16xi32>
      %mul3A_702 = arith.constant 16 : i32
      %mul3A_703 = arith.muli %scan3A_650, %mul3A_702 : i32
      %swap3A_704 = arith.index_cast %mul3A_703 : i32 to index
      %swap3A_705 = tpu.vector_load %arg19[%swap3A_704] {strides = array<i32>} : memref<128xi32, #tpu.memory_space<vmem>>, vector<16xi32>,
      tpu.vector_store %arg19[%swap3A_704], %min3A_701 {strides = array<i32>} : memref<128xi32, #tpu.memory_space<vmem>>, vector<16xi32>,
      %add3A_706 = arith.constant 3 : i32
      %add3A_707 = vector.broadcast %add3A_706 : i32 to vector<16xi32>
      %add3A_708 = arith.addi %add3A_657, %add3A_707 : vector<16xi32>
      %gather3A_709 = tpu.vector_load_idx %arg12[%add3A_708] : memref<4096xf32, #tpu.memory_space<vmem>>[vector<16xi32>], vector<16xf32>,
      %add3A_710 = arith.addf %gather3A_709, %get3A_15 : vector<16xf32>
      %convert_element_type3A_711 = arith.fptosi %add3A_710 : vector<16xf32> to vector<16xi32>
      %jit3A_712 = arith.constant 0 : i32
      %jit3A_713 = arith.constant 1023 : i32
      %max3A_714 = vector.broadcast %jit3A_712 : i32 to vector<16xi32>
      %max3A_715 = arith.maxsi %max3A_714, %convert_element_type3A_711 : vector<16xi32>
      %min3A_716 = vector.broadcast %jit3A_713 : i32 to vector<16xi32>
      %min3A_717 = arith.minsi %min3A_716, %max3A_715 : vector<16xi32>
      %mul3A_718 = arith.constant 16 : i32
      %mul3A_719 = arith.muli %scan3A_650, %mul3A_718 : i32
      %swap3A_720 = arith.index_cast %mul3A_719 : i32 to index
      %swap3A_721 = tpu.vector_load %arg20[%swap3A_720] {strides = array<i32>} : memref<128xi32, #tpu.memory_space<vmem>>, vector<16xi32>,
      tpu.vector_store %arg20[%swap3A_720], %min3A_717 {strides = array<i32>} : memref<128xi32, #tpu.memory_space<vmem>>, vector<16xi32>,
      %add3A_722 = arith.constant 4 : i32
      %add3A_723 = vector.broadcast %add3A_722 : i32 to vector<16xi32>
      %add3A_724 = arith.addi %add3A_657, %add3A_723 : vector<16xi32>
      %gather3A_725 = tpu.vector_load_idx %arg12[%add3A_724] : memref<4096xf32, #tpu.memory_space<vmem>>[vector<16xi32>], vector<16xf32>,
      %add3A_726 = arith.addf %gather3A_725, %get3A_15 : vector<16xf32>
      %convert_element_type3A_727 = arith.fptosi %add3A_726 : vector<16xf32> to vector<16xi32>
      %jit3A_728 = arith.constant 0 : i32
      %jit3A_729 = arith.constant 1023 : i32
      %max3A_730 = vector.broadcast %jit3A_728 : i32 to vector<16xi32>
      %max3A_731 = arith.maxsi %max3A_730, %convert_element_type3A_727 : vector<16xi32>
      %min3A_732 = vector.broadcast %jit3A_729 : i32 to vector<16xi32>
      %min3A_733 = arith.minsi %min3A_732, %max3A_731 : vector<16xi32>
      %mul3A_734 = arith.constant 16 : i32
      %mul3A_735 = arith.muli %scan3A_650, %mul3A_734 : i32
      %swap3A_736 = arith.index_cast %mul3A_735 : i32 to index
      %swap3A_737 = tpu.vector_load %arg21[%swap3A_736] {strides = array<i32>} : memref<128xi32, #tpu.memory_space<vmem>>, vector<16xi32>,
      tpu.vector_store %arg21[%swap3A_736], %min3A_733 {strides = array<i32>} : memref<128xi32, #tpu.memory_space<vmem>>, vector<16xi32>,
      %add3A_738 = arith.constant 5 : i32
      %add3A_739 = vector.broadcast %add3A_738 : i32 to vector<16xi32>
      %add3A_740 = arith.addi %add3A_657, %add3A_739 : vector<16xi32>
      %gather3A_741 = tpu.vector_load_idx %arg12[%add3A_740] : memref<4096xf32, #tpu.memory_space<vmem>>[vector<16xi32>], vector<16xf32>,
      %add3A_742 = arith.addf %gather3A_741, %get3A_15 : vector<16xf32>
      %convert_element_type3A_743 = arith.fptosi %add3A_742 : vector<16xf32> to vector<16xi32>
      %jit3A_744 = arith.constant 0 : i32
      %jit3A_745 = arith.constant 1023 : i32
      %max3A_746 = vector.broadcast %jit3A_744 : i32 to vector<16xi32>
      %max3A_747 = arith.maxsi %max3A_746, %convert_element_type3A_743 : vector<16xi32>
      %min3A_748 = vector.broadcast %jit3A_745 : i32 to vector<16xi32>
      %min3A_749 = arith.minsi %min3A_748, %max3A_747 : vector<16xi32>
      %mul3A_750 = arith.constant 16 : i32
      %mul3A_751 = arith.muli %scan3A_650, %mul3A_750 : i32
      %swap3A_752 = arith.index_cast %mul3A_751 : i32 to index
      %swap3A_753 = tpu.vector_load %arg22[%swap3A_752] {strides = array<i32>} : memref<128xi32, #tpu.memory_space<vmem>>, vector<16xi32>,
      tpu.vector_store %arg22[%swap3A_752], %min3A_749 {strides = array<i32>} : memref<128xi32, #tpu.memory_space<vmem>>, vector<16xi32>,
      %add3A_754 = arith.constant 6 : i32
      %add3A_755 = vector.broadcast %add3A_754 : i32 to vector<16xi32>
      %add3A_756 = arith.addi %add3A_657, %add3A_755 : vector<16xi32>
      %gather3A_757 = tpu.vector_load_idx %arg12[%add3A_756] : memref<4096xf32, #tpu.memory_space<vmem>>[vector<16xi32>], vector<16xf32>,
      %add3A_758 = arith.addf %gather3A_757, %get3A_15 : vector<16xf32>
      %convert_element_type3A_759 = arith.fptosi %add3A_758 : vector<16xf32> to vector<16xi32>
      %jit3A_760 = arith.constant 0 : i32
      %jit3A_761 = arith.constant 1023 : i32
      %max3A_762 = vector.broadcast %jit3A_760 : i32 to vector<16xi32>
      %max3A_763 = arith.maxsi %max3A_762, %convert_element_type3A_759 : vector<16xi32>
      %min3A_764 = vector.broadcast %jit3A_761 : i32 to vector<16xi32>
      %min3A_765 = arith.minsi %min3A_764, %max3A_763 : vector<16xi32>
      %mul3A_766 = arith.constant 16 : i32
      %mul3A_767 = arith.muli %scan3A_650, %mul3A_766 : i32
      %swap3A_768 = arith.index_cast %mul3A_767 : i32 to index
      %swap3A_769 = tpu.vector_load %arg23[%swap3A_768] {strides = array<i32>} : memref<128xi32, #tpu.memory_space<vmem>>, vector<16xi32>,
      tpu.vector_store %arg23[%swap3A_768], %min3A_765 {strides = array<i32>} : memref<128xi32, #tpu.memory_space<vmem>>, vector<16xi32>,
      %scan3A_770 = arith.constant 6 : i32
      %mul3A_771 = arith.constant 32 : i32
      %mul3A_772 = vector.broadcast %mul3A_771 : i32 to vector<16xi32>
      %mul3A_773 = arith.muli %iota3A, %mul3A_772 : vector<16xi32>
      %mul3A_774 = arith.constant 512 : i32
      %mul3A_775 = arith.muli %scan3A_770, %mul3A_774 : i32
      %add3A_776 = vector.broadcast %mul3A_775 : i32 to vector<16xi32>
      %add3A_777 = arith.addi %mul3A_773, %add3A_776 : vector<16xi32>
      %add3A_778 = arith.constant 0 : i32
      %add3A_779 = vector.broadcast %add3A_778 : i32 to vector<16xi32>
      %add3A_780 = arith.addi %add3A_777, %add3A_779 : vector<16xi32>
      %gather3A_781 = tpu.vector_load_idx %arg12[%add3A_780] : memref<4096xf32, #tpu.memory_space<vmem>>[vector<16xi32>], vector<16xf32>,
      %add3A_782 = arith.addf %gather3A_781, %get3A_15 : vector<16xf32>
      %convert_element_type3A_783 = arith.fptosi %add3A_782 : vector<16xf32> to vector<16xi32>
      %jit3A_784 = arith.constant 0 : i32
      %jit3A_785 = arith.constant 2047 : i32
      %max3A_786 = vector.broadcast %jit3A_784 : i32 to vector<16xi32>
      %max3A_787 = arith.maxsi %max3A_786, %convert_element_type3A_783 : vector<16xi32>
      %min3A_788 = vector.broadcast %jit3A_785 : i32 to vector<16xi32>
      %min3A_789 = arith.minsi %min3A_788, %max3A_787 : vector<16xi32>
      %mul3A_790 = arith.constant 16 : i32
      %mul3A_791 = arith.muli %scan3A_770, %mul3A_790 : i32
      %swap3A_792 = arith.index_cast %mul3A_791 : i32 to index
      %swap3A_793 = tpu.vector_load %arg17[%swap3A_792] {strides = array<i32>} : memref<128xi32, #tpu.memory_space<vmem>>, vector<16xi32>,
      tpu.vector_store %arg17[%swap3A_792], %min3A_789 {strides = array<i32>} : memref<128xi32, #tpu.memory_space<vmem>>, vector<16xi32>,
      %add3A_794 = arith.constant 1 : i32
      %add3A_795 = vector.broadcast %add3A_794 : i32 to vector<16xi32>
      %add3A_796 = arith.addi %add3A_777, %add3A_795 : vector<16xi32>
      %gather3A_797 = tpu.vector_load_idx %arg12[%add3A_796] : memref<4096xf32, #tpu.memory_space<vmem>>[vector<16xi32>], vector<16xf32>,
      %add3A_798 = arith.addf %gather3A_797, %get3A_15 : vector<16xf32>
      %convert_element_type3A_799 = arith.fptosi %add3A_798 : vector<16xf32> to vector<16xi32>
      %jit3A_800 = arith.constant 0 : i32
      %jit3A_801 = arith.constant 511 : i32
      %max3A_802 = vector.broadcast %jit3A_800 : i32 to vector<16xi32>
      %max3A_803 = arith.maxsi %max3A_802, %convert_element_type3A_799 : vector<16xi32>
      %min3A_804 = vector.broadcast %jit3A_801 : i32 to vector<16xi32>
      %min3A_805 = arith.minsi %min3A_804, %max3A_803 : vector<16xi32>
      %mul3A_806 = arith.constant 16 : i32
      %mul3A_807 = arith.muli %scan3A_770, %mul3A_806 : i32
      %swap3A_808 = arith.index_cast %mul3A_807 : i32 to index
      %swap3A_809 = tpu.vector_load %arg18[%swap3A_808] {strides = array<i32>} : memref<128xi32, #tpu.memory_space<vmem>>, vector<16xi32>,
      tpu.vector_store %arg18[%swap3A_808], %min3A_805 {strides = array<i32>} : memref<128xi32, #tpu.memory_space<vmem>>, vector<16xi32>,
      %add3A_810 = arith.constant 2 : i32
      %add3A_811 = vector.broadcast %add3A_810 : i32 to vector<16xi32>
      %add3A_812 = arith.addi %add3A_777, %add3A_811 : vector<16xi32>
      %gather3A_813 = tpu.vector_load_idx %arg12[%add3A_812] : memref<4096xf32, #tpu.memory_space<vmem>>[vector<16xi32>], vector<16xf32>,
      %add3A_814 = arith.addf %gather3A_813, %get3A_15 : vector<16xf32>
      %convert_element_type3A_815 = arith.fptosi %add3A_814 : vector<16xf32> to vector<16xi32>
      %jit3A_816 = arith.constant 0 : i32
      %jit3A_817 = arith.constant 2047 : i32
      %max3A_818 = vector.broadcast %jit3A_816 : i32 to vector<16xi32>
      %max3A_819 = arith.maxsi %max3A_818, %convert_element_type3A_815 : vector<16xi32>
      %min3A_820 = vector.broadcast %jit3A_817 : i32 to vector<16xi32>
      %min3A_821 = arith.minsi %min3A_820, %max3A_819 : vector<16xi32>
      %mul3A_822 = arith.constant 16 : i32
      %mul3A_823 = arith.muli %scan3A_770, %mul3A_822 : i32
      %swap3A_824 = arith.index_cast %mul3A_823 : i32 to index
      %swap3A_825 = tpu.vector_load %arg19[%swap3A_824] {strides = array<i32>} : memref<128xi32, #tpu.memory_space<vmem>>, vector<16xi32>,
      tpu.vector_store %arg19[%swap3A_824], %min3A_821 {strides = array<i32>} : memref<128xi32, #tpu.memory_space<vmem>>, vector<16xi32>,
      %add3A_826 = arith.constant 3 : i32
      %add3A_827 = vector.broadcast %add3A_826 : i32 to vector<16xi32>
      %add3A_828 = arith.addi %add3A_777, %add3A_827 : vector<16xi32>
      %gather3A_829 = tpu.vector_load_idx %arg12[%add3A_828] : memref<4096xf32, #tpu.memory_space<vmem>>[vector<16xi32>], vector<16xf32>,
      %add3A_830 = arith.addf %gather3A_829, %get3A_15 : vector<16xf32>
      %convert_element_type3A_831 = arith.fptosi %add3A_830 : vector<16xf32> to vector<16xi32>
      %jit3A_832 = arith.constant 0 : i32
      %jit3A_833 = arith.constant 1023 : i32
      %max3A_834 = vector.broadcast %jit3A_832 : i32 to vector<16xi32>
      %max3A_835 = arith.maxsi %max3A_834, %convert_element_type3A_831 : vector<16xi32>
      %min3A_836 = vector.broadcast %jit3A_833 : i32 to vector<16xi32>
      %min3A_837 = arith.minsi %min3A_836, %max3A_835 : vector<16xi32>
      %mul3A_838 = arith.constant 16 : i32
      %mul3A_839 = arith.muli %scan3A_770, %mul3A_838 : i32
      %swap3A_840 = arith.index_cast %mul3A_839 : i32 to index
      %swap3A_841 = tpu.vector_load %arg20[%swap3A_840] {strides = array<i32>} : memref<128xi32, #tpu.memory_space<vmem>>, vector<16xi32>,
      tpu.vector_store %arg20[%swap3A_840], %min3A_837 {strides = array<i32>} : memref<128xi32, #tpu.memory_space<vmem>>, vector<16xi32>,
      %add3A_842 = arith.constant 4 : i32
      %add3A_843 = vector.broadcast %add3A_842 : i32 to vector<16xi32>
      %add3A_844 = arith.addi %add3A_777, %add3A_843 : vector<16xi32>
      %gather3A_845 = tpu.vector_load_idx %arg12[%add3A_844] : memref<4096xf32, #tpu.memory_space<vmem>>[vector<16xi32>], vector<16xf32>,
      %add3A_846 = arith.addf %gather3A_845, %get3A_15 : vector<16xf32>
      %convert_element_type3A_847 = arith.fptosi %add3A_846 : vector<16xf32> to vector<16xi32>
      %jit3A_848 = arith.constant 0 : i32
      %jit3A_849 = arith.constant 1023 : i32
      %max3A_850 = vector.broadcast %jit3A_848 : i32 to vector<16xi32>
      %max3A_851 = arith.maxsi %max3A_850, %convert_element_type3A_847 : vector<16xi32>
      %min3A_852 = vector.broadcast %jit3A_849 : i32 to vector<16xi32>
      %min3A_853 = arith.minsi %min3A_852, %max3A_851 : vector<16xi32>
      %mul3A_854 = arith.constant 16 : i32
      %mul3A_855 = arith.muli %scan3A_770, %mul3A_854 : i32
      %swap3A_856 = arith.index_cast %mul3A_855 : i32 to index
      %swap3A_857 = tpu.vector_load %arg21[%swap3A_856] {strides = array<i32>} : memref<128xi32, #tpu.memory_space<vmem>>, vector<16xi32>,
      tpu.vector_store %arg21[%swap3A_856], %min3A_853 {strides = array<i32>} : memref<128xi32, #tpu.memory_space<vmem>>, vector<16xi32>,
      %add3A_858 = arith.constant 5 : i32
      %add3A_859 = vector.broadcast %add3A_858 : i32 to vector<16xi32>
      %add3A_860 = arith.addi %add3A_777, %add3A_859 : vector<16xi32>
      %gather3A_861 = tpu.vector_load_idx %arg12[%add3A_860] : memref<4096xf32, #tpu.memory_space<vmem>>[vector<16xi32>], vector<16xf32>,
      %add3A_862 = arith.addf %gather3A_861, %get3A_15 : vector<16xf32>
      %convert_element_type3A_863 = arith.fptosi %add3A_862 : vector<16xf32> to vector<16xi32>
      %jit3A_864 = arith.constant 0 : i32
      %jit3A_865 = arith.constant 1023 : i32
      %max3A_866 = vector.broadcast %jit3A_864 : i32 to vector<16xi32>
      %max3A_867 = arith.maxsi %max3A_866, %convert_element_type3A_863 : vector<16xi32>
      %min3A_868 = vector.broadcast %jit3A_865 : i32 to vector<16xi32>
      %min3A_869 = arith.minsi %min3A_868, %max3A_867 : vector<16xi32>
      %mul3A_870 = arith.constant 16 : i32
      %mul3A_871 = arith.muli %scan3A_770, %mul3A_870 : i32
      %swap3A_872 = arith.index_cast %mul3A_871 : i32 to index
      %swap3A_873 = tpu.vector_load %arg22[%swap3A_872] {strides = array<i32>} : memref<128xi32, #tpu.memory_space<vmem>>, vector<16xi32>,
      tpu.vector_store %arg22[%swap3A_872], %min3A_869 {strides = array<i32>} : memref<128xi32, #tpu.memory_space<vmem>>, vector<16xi32>,
      %add3A_874 = arith.constant 6 : i32
      %add3A_875 = vector.broadcast %add3A_874 : i32 to vector<16xi32>
      %add3A_876 = arith.addi %add3A_777, %add3A_875 : vector<16xi32>
      %gather3A_877 = tpu.vector_load_idx %arg12[%add3A_876] : memref<4096xf32, #tpu.memory_space<vmem>>[vector<16xi32>], vector<16xf32>,
      %add3A_878 = arith.addf %gather3A_877, %get3A_15 : vector<16xf32>
      %convert_element_type3A_879 = arith.fptosi %add3A_878 : vector<16xf32> to vector<16xi32>
      %jit3A_880 = arith.constant 0 : i32
      %jit3A_881 = arith.constant 1023 : i32
      %max3A_882 = vector.broadcast %jit3A_880 : i32 to vector<16xi32>
      %max3A_883 = arith.maxsi %max3A_882, %convert_element_type3A_879 : vector<16xi32>
      %min3A_884 = vector.broadcast %jit3A_881 : i32 to vector<16xi32>
      %min3A_885 = arith.minsi %min3A_884, %max3A_883 : vector<16xi32>
      %mul3A_886 = arith.constant 16 : i32
      %mul3A_887 = arith.muli %scan3A_770, %mul3A_886 : i32
      %swap3A_888 = arith.index_cast %mul3A_887 : i32 to index
      %swap3A_889 = tpu.vector_load %arg23[%swap3A_888] {strides = array<i32>} : memref<128xi32, #tpu.memory_space<vmem>>, vector<16xi32>,
      tpu.vector_store %arg23[%swap3A_888], %min3A_885 {strides = array<i32>} : memref<128xi32, #tpu.memory_space<vmem>>, vector<16xi32>,
      %scan3A_890 = arith.constant 7 : i32
      %mul3A_891 = arith.constant 32 : i32
      %mul3A_892 = vector.broadcast %mul3A_891 : i32 to vector<16xi32>
      %mul3A_893 = arith.muli %iota3A, %mul3A_892 : vector<16xi32>
      %mul3A_894 = arith.constant 512 : i32
      %mul3A_895 = arith.muli %scan3A_890, %mul3A_894 : i32
      %add3A_896 = vector.broadcast %mul3A_895 : i32 to vector<16xi32>
      %add3A_897 = arith.addi %mul3A_893, %add3A_896 : vector<16xi32>
      %add3A_898 = arith.constant 0 : i32
      %add3A_899 = vector.broadcast %add3A_898 : i32 to vector<16xi32>
      %add3A_900 = arith.addi %add3A_897, %add3A_899 : vector<16xi32>
      %gather3A_901 = tpu.vector_load_idx %arg12[%add3A_900] : memref<4096xf32, #tpu.memory_space<vmem>>[vector<16xi32>], vector<16xf32>,
      %add3A_902 = arith.addf %gather3A_901, %get3A_15 : vector<16xf32>
      %convert_element_type3A_903 = arith.fptosi %add3A_902 : vector<16xf32> to vector<16xi32>
      %jit3A_904 = arith.constant 0 : i32
      %jit3A_905 = arith.constant 2047 : i32
      %max3A_906 = vector.broadcast %jit3A_904 : i32 to vector<16xi32>
      %max3A_907 = arith.maxsi %max3A_906, %convert_element_type3A_903 : vector<16xi32>
      %min3A_908 = vector.broadcast %jit3A_905 : i32 to vector<16xi32>
      %min3A_909 = arith.minsi %min3A_908, %max3A_907 : vector<16xi32>
      %mul3A_910 = arith.constant 16 : i32
      %mul3A_911 = arith.muli %scan3A_890, %mul3A_910 : i32
      %swap3A_912 = arith.index_cast %mul3A_911 : i32 to index
      %swap3A_913 = tpu.vector_load %arg17[%swap3A_912] {strides = array<i32>} : memref<128xi32, #tpu.memory_space<vmem>>, vector<16xi32>,
      tpu.vector_store %arg17[%swap3A_912], %min3A_909 {strides = array<i32>} : memref<128xi32, #tpu.memory_space<vmem>>, vector<16xi32>,
      %add3A_914 = arith.constant 1 : i32
      %add3A_915 = vector.broadcast %add3A_914 : i32 to vector<16xi32>
      %add3A_916 = arith.addi %add3A_897, %add3A_915 : vector<16xi32>
      %gather3A_917 = tpu.vector_load_idx %arg12[%add3A_916] : memref<4096xf32, #tpu.memory_space<vmem>>[vector<16xi32>], vector<16xf32>,
      %add3A_918 = arith.addf %gather3A_917, %get3A_15 : vector<16xf32>
      %convert_element_type3A_919 = arith.fptosi %add3A_918 : vector<16xf32> to vector<16xi32>
      %jit3A_920 = arith.constant 0 : i32
      %jit3A_921 = arith.constant 511 : i32
      %max3A_922 = vector.broadcast %jit3A_920 : i32 to vector<16xi32>
      %max3A_923 = arith.maxsi %max3A_922, %convert_element_type3A_919 : vector<16xi32>
      %min3A_924 = vector.broadcast %jit3A_921 : i32 to vector<16xi32>
      %min3A_925 = arith.minsi %min3A_924, %max3A_923 : vector<16xi32>
      %mul3A_926 = arith.constant 16 : i32
      %mul3A_927 = arith.muli %scan3A_890, %mul3A_926 : i32
      %swap3A_928 = arith.index_cast %mul3A_927 : i32 to index
      %swap3A_929 = tpu.vector_load %arg18[%swap3A_928] {strides = array<i32>} : memref<128xi32, #tpu.memory_space<vmem>>, vector<16xi32>,
      tpu.vector_store %arg18[%swap3A_928], %min3A_925 {strides = array<i32>} : memref<128xi32, #tpu.memory_space<vmem>>, vector<16xi32>,
      %add3A_930 = arith.constant 2 : i32
      %add3A_931 = vector.broadcast %add3A_930 : i32 to vector<16xi32>
      %add3A_932 = arith.addi %add3A_897, %add3A_931 : vector<16xi32>
      %gather3A_933 = tpu.vector_load_idx %arg12[%add3A_932] : memref<4096xf32, #tpu.memory_space<vmem>>[vector<16xi32>], vector<16xf32>,
      %add3A_934 = arith.addf %gather3A_933, %get3A_15 : vector<16xf32>
      %convert_element_type3A_935 = arith.fptosi %add3A_934 : vector<16xf32> to vector<16xi32>
      %jit3A_936 = arith.constant 0 : i32
      %jit3A_937 = arith.constant 2047 : i32
      %max3A_938 = vector.broadcast %jit3A_936 : i32 to vector<16xi32>
      %max3A_939 = arith.maxsi %max3A_938, %convert_element_type3A_935 : vector<16xi32>
      %min3A_940 = vector.broadcast %jit3A_937 : i32 to vector<16xi32>
      %min3A_941 = arith.minsi %min3A_940, %max3A_939 : vector<16xi32>
      %mul3A_942 = arith.constant 16 : i32
      %mul3A_943 = arith.muli %scan3A_890, %mul3A_942 : i32
      %swap3A_944 = arith.index_cast %mul3A_943 : i32 to index
      %swap3A_945 = tpu.vector_load %arg19[%swap3A_944] {strides = array<i32>} : memref<128xi32, #tpu.memory_space<vmem>>, vector<16xi32>,
      tpu.vector_store %arg19[%swap3A_944], %min3A_941 {strides = array<i32>} : memref<128xi32, #tpu.memory_space<vmem>>, vector<16xi32>,
      %add3A_946 = arith.constant 3 : i32
      %add3A_947 = vector.broadcast %add3A_946 : i32 to vector<16xi32>
      %add3A_948 = arith.addi %add3A_897, %add3A_947 : vector<16xi32>
      %gather3A_949 = tpu.vector_load_idx %arg12[%add3A_948] : memref<4096xf32, #tpu.memory_space<vmem>>[vector<16xi32>], vector<16xf32>,
      %add3A_950 = arith.addf %gather3A_949, %get3A_15 : vector<16xf32>
      %convert_element_type3A_951 = arith.fptosi %add3A_950 : vector<16xf32> to vector<16xi32>
      %jit3A_952 = arith.constant 0 : i32
      %jit3A_953 = arith.constant 1023 : i32
      %max3A_954 = vector.broadcast %jit3A_952 : i32 to vector<16xi32>
      %max3A_955 = arith.maxsi %max3A_954, %convert_element_type3A_951 : vector<16xi32>
      %min3A_956 = vector.broadcast %jit3A_953 : i32 to vector<16xi32>
      %min3A_957 = arith.minsi %min3A_956, %max3A_955 : vector<16xi32>
      %mul3A_958 = arith.constant 16 : i32
      %mul3A_959 = arith.muli %scan3A_890, %mul3A_958 : i32
      %swap3A_960 = arith.index_cast %mul3A_959 : i32 to index
      %swap3A_961 = tpu.vector_load %arg20[%swap3A_960] {strides = array<i32>} : memref<128xi32, #tpu.memory_space<vmem>>, vector<16xi32>,
      tpu.vector_store %arg20[%swap3A_960], %min3A_957 {strides = array<i32>} : memref<128xi32, #tpu.memory_space<vmem>>, vector<16xi32>,
      %add3A_962 = arith.constant 4 : i32
      %add3A_963 = vector.broadcast %add3A_962 : i32 to vector<16xi32>
      %add3A_964 = arith.addi %add3A_897, %add3A_963 : vector<16xi32>
      %gather3A_965 = tpu.vector_load_idx %arg12[%add3A_964] : memref<4096xf32, #tpu.memory_space<vmem>>[vector<16xi32>], vector<16xf32>,
      %add3A_966 = arith.addf %gather3A_965, %get3A_15 : vector<16xf32>
      %convert_element_type3A_967 = arith.fptosi %add3A_966 : vector<16xf32> to vector<16xi32>
      %jit3A_968 = arith.constant 0 : i32
      %jit3A_969 = arith.constant 1023 : i32
      %max3A_970 = vector.broadcast %jit3A_968 : i32 to vector<16xi32>
      %max3A_971 = arith.maxsi %max3A_970, %convert_element_type3A_967 : vector<16xi32>
      %min3A_972 = vector.broadcast %jit3A_969 : i32 to vector<16xi32>
      %min3A_973 = arith.minsi %min3A_972, %max3A_971 : vector<16xi32>
      %mul3A_974 = arith.constant 16 : i32
      %mul3A_975 = arith.muli %scan3A_890, %mul3A_974 : i32
      %swap3A_976 = arith.index_cast %mul3A_975 : i32 to index
      %swap3A_977 = tpu.vector_load %arg21[%swap3A_976] {strides = array<i32>} : memref<128xi32, #tpu.memory_space<vmem>>, vector<16xi32>,
      tpu.vector_store %arg21[%swap3A_976], %min3A_973 {strides = array<i32>} : memref<128xi32, #tpu.memory_space<vmem>>, vector<16xi32>,
      %add3A_978 = arith.constant 5 : i32
      %add3A_979 = vector.broadcast %add3A_978 : i32 to vector<16xi32>
      %add3A_980 = arith.addi %add3A_897, %add3A_979 : vector<16xi32>
      %gather3A_981 = tpu.vector_load_idx %arg12[%add3A_980] : memref<4096xf32, #tpu.memory_space<vmem>>[vector<16xi32>], vector<16xf32>,
      %add3A_982 = arith.addf %gather3A_981, %get3A_15 : vector<16xf32>
      %convert_element_type3A_983 = arith.fptosi %add3A_982 : vector<16xf32> to vector<16xi32>
      %jit3A_984 = arith.constant 0 : i32
      %jit3A_985 = arith.constant 1023 : i32
      %max3A_986 = vector.broadcast %jit3A_984 : i32 to vector<16xi32>
      %max3A_987 = arith.maxsi %max3A_986, %convert_element_type3A_983 : vector<16xi32>
      %min3A_988 = vector.broadcast %jit3A_985 : i32 to vector<16xi32>
      %min3A_989 = arith.minsi %min3A_988, %max3A_987 : vector<16xi32>
      %mul3A_990 = arith.constant 16 : i32
      %mul3A_991 = arith.muli %scan3A_890, %mul3A_990 : i32
      %swap3A_992 = arith.index_cast %mul3A_991 : i32 to index
      %swap3A_993 = tpu.vector_load %arg22[%swap3A_992] {strides = array<i32>} : memref<128xi32, #tpu.memory_space<vmem>>, vector<16xi32>,
      tpu.vector_store %arg22[%swap3A_992], %min3A_989 {strides = array<i32>} : memref<128xi32, #tpu.memory_space<vmem>>, vector<16xi32>,
      %add3A_994 = arith.constant 6 : i32
      %add3A_995 = vector.broadcast %add3A_994 : i32 to vector<16xi32>
      %add3A_996 = arith.addi %add3A_897, %add3A_995 : vector<16xi32>
      %gather3A_997 = tpu.vector_load_idx %arg12[%add3A_996] : memref<4096xf32, #tpu.memory_space<vmem>>[vector<16xi32>], vector<16xf32>,
      %add3A_998 = arith.addf %gather3A_997, %get3A_15 : vector<16xf32>
      %convert_element_type3A_999 = arith.fptosi %add3A_998 : vector<16xf32> to vector<16xi32>
      %jit3A_1000 = arith.constant 0 : i32
      %jit3A_1001 = arith.constant 1023 : i32
      %max3A_1002 = vector.broadcast %jit3A_1000 : i32 to vector<16xi32>
      %max3A_1003 = arith.maxsi %max3A_1002, %convert_element_type3A_999 : vector<16xi32>
      %min3A_1004 = vector.broadcast %jit3A_1001 : i32 to vector<16xi32>
      %min3A_1005 = arith.minsi %min3A_1004, %max3A_1003 : vector<16xi32>
      %mul3A_1006 = arith.constant 16 : i32
      %mul3A_1007 = arith.muli %scan3A_890, %mul3A_1006 : i32
      %swap3A_1008 = arith.index_cast %mul3A_1007 : i32 to index
      %swap3A_1009 = tpu.vector_load %arg23[%swap3A_1008] {strides = array<i32>} : memref<128xi32, #tpu.memory_space<vmem>>, vector<16xi32>,
      tpu.vector_store %arg23[%swap3A_1008], %min3A_1005 {strides = array<i32>} : memref<128xi32, #tpu.memory_space<vmem>>, vector<16xi32>,
      %scan3A_1010 = arith.constant 8 : i32
      %dma_start3A_1011 = arith.constant 0 : i32
      %dma_start3A_1012 = arith.constant 0 : i32
      %dma_start3A_1013 = tpu.memref_slice %arg25[%dma_start3A_1011, %dma_start3A_1012] : memref<2048x32xf32, #tpu.memory_space<vmem_shared>> -> memref<2048x32xf32, #tpu.memory_space<vmem_shared>>
      tpu.enqueue_indirect_dma source(%dma_start3A_1013 : memref<2048x32xf32, #tpu.memory_space<vmem_shared>>) target(%arg14 : memref<128x32xf32, #tpu.memory_space<vmem>>) offsets(%arg17 : memref<128xi32, #tpu.memory_space<vmem>>) semaphore(%arg30 : memref<!tpu.dma_semaphore, #tpu.memory_space<semaphore_mem>>)
      %ge3A = arith.constant 2 : i32
      %ge3A_1014 = arith.cmpi sge, %mul3A_41, %ge3A : i32
      %convert_element_type3A_1015 = arith.extui %ge3A_1014 : i1 to i32
      %cond3A_1016 = arith.constant 0 : i32
      %cond3A_1017 = arith.cmpi ne, %convert_element_type3A_1015, %cond3A_1016 : i32
      scf.if %cond3A_1017 {
        %sub3A = arith.constant 256 : i32
        %sub3A_2042 = arith.subi %add3A_44, %sub3A : i32
        %mul3A_2043 = arith.constant 153 : i32
        %mul3A_2044 = arith.muli %sub3A_2042, %mul3A_2043 : i32
        %dma_wait3A_2045 = tpu.memref_slice %arg8[%mul3A_2044] : memref<31334400xf32, #tpu.memory_space<hbm>> -> memref<19584xf32, #tpu.memory_space<hbm>>
        %dma_wait3A_2046 = tpu.memref_slice %arg8[%mul3A_2044] : memref<31334400xf32, #tpu.memory_space<hbm>> -> memref<19584xf32, #tpu.memory_space<hbm>>
        tpu.wait_dma2 semaphore(%arg28 : memref<!tpu.dma_semaphore, #tpu.memory_space<semaphore_mem>>) src(%arg15 : memref<19584xf32, #tpu.memory_space<vmem>>) dst(%dma_wait3A_2046 : memref<19584xf32, #tpu.memory_space<hbm>>)
      } else {
      }
      %scan3A_1018 = arith.constant 0 : i32
      %scan3A_1019 = arith.constant 0 : i32
      %scan3A_1020 = arith.constant 8 : i32
      %scan3A_1021 = arith.addi %scan3A_1019, %scan3A_1020 : i32
      %scan3A_1022 = arith.constant 1 : i32
      scf.for %scan3A_2042 = %scan3A_1019 to %scan3A_1021 step %scan3A_1022  : i32 {
        %mul3A_2043 = arith.constant 16 : i32
        %mul3A_2044 = arith.muli %scan3A_2042, %mul3A_2043 : i32
        %add3A_2045 = vector.broadcast %mul3A_2044 : i32 to vector<16xi32>
        %add3A_2046 = arith.addi %iota3A, %add3A_2045 : vector<16xi32>
        %mul3A_2047 = arith.constant 153 : i32
        %mul3A_2048 = vector.broadcast %mul3A_2047 : i32 to vector<16xi32>
        %mul3A_2049 = arith.muli %add3A_2046, %mul3A_2048 : vector<16xi32>
        %mul3A_2050 = arith.constant 16 : i32
        %mul3A_2051 = arith.muli %scan3A_2042, %mul3A_2050 : i32
        %get3A_2052 = arith.index_cast %mul3A_2051 : i32 to index
        %get3A_2053 = tpu.vector_load %arg18[%get3A_2052] {strides = array<i32>} : memref<128xi32, #tpu.memory_space<vmem>>, vector<16xi32>,
        %broadcast_in_dim3A_2054 = arith.constant 0 : i32
        %broadcast_in_dim3A_2055 = vector.broadcast %broadcast_in_dim3A_2054 : i32 to vector<16xi32>
        %gather3A_2056 = tpu.vector_load_idx %arg9[%get3A_2053, %broadcast_in_dim3A_2055] : memref<512x16xf32, #tpu.memory_space<vmem>>[vector<16xi32>, vector<16xi32>], vector<16xf32>,
        %add3A_2057 = arith.constant 32 : i32
        %add3A_2058 = vector.broadcast %add3A_2057 : i32 to vector<16xi32>
        %add3A_2059 = arith.addi %mul3A_2049, %add3A_2058 : vector<16xi32>
        tpu.vector_store_idx %arg15[%add3A_2059], %gather3A_2056 : memref<19584xf32, #tpu.memory_space<vmem>>[vector<16xi32>], vector<16xf32>,
        %broadcast_in_dim3A_2060 = arith.constant 1 : i32
        %broadcast_in_dim3A_2061 = vector.broadcast %broadcast_in_dim3A_2060 : i32 to vector<16xi32>
        %gather3A_2062 = tpu.vector_load_idx %arg9[%get3A_2053, %broadcast_in_dim3A_2061] : memref<512x16xf32, #tpu.memory_space<vmem>>[vector<16xi32>, vector<16xi32>], vector<16xf32>,
        %add3A_2063 = arith.constant 33 : i32
        %add3A_2064 = vector.broadcast %add3A_2063 : i32 to vector<16xi32>
        %add3A_2065 = arith.addi %mul3A_2049, %add3A_2064 : vector<16xi32>
        tpu.vector_store_idx %arg15[%add3A_2065], %gather3A_2062 : memref<19584xf32, #tpu.memory_space<vmem>>[vector<16xi32>], vector<16xf32>,
        %broadcast_in_dim3A_2066 = arith.constant 2 : i32
        %broadcast_in_dim3A_2067 = vector.broadcast %broadcast_in_dim3A_2066 : i32 to vector<16xi32>
        %gather3A_2068 = tpu.vector_load_idx %arg9[%get3A_2053, %broadcast_in_dim3A_2067] : memref<512x16xf32, #tpu.memory_space<vmem>>[vector<16xi32>, vector<16xi32>], vector<16xf32>,
        %add3A_2069 = arith.constant 34 : i32
        %add3A_2070 = vector.broadcast %add3A_2069 : i32 to vector<16xi32>
        %add3A_2071 = arith.addi %mul3A_2049, %add3A_2070 : vector<16xi32>
        tpu.vector_store_idx %arg15[%add3A_2071], %gather3A_2068 : memref<19584xf32, #tpu.memory_space<vmem>>[vector<16xi32>], vector<16xf32>,
        %broadcast_in_dim3A_2072 = arith.constant 3 : i32
        %broadcast_in_dim3A_2073 = vector.broadcast %broadcast_in_dim3A_2072 : i32 to vector<16xi32>
        %gather3A_2074 = tpu.vector_load_idx %arg9[%get3A_2053, %broadcast_in_dim3A_2073] : memref<512x16xf32, #tpu.memory_space<vmem>>[vector<16xi32>, vector<16xi32>], vector<16xf32>,
        %add3A_2075 = arith.constant 35 : i32
        %add3A_2076 = vector.broadcast %add3A_2075 : i32 to vector<16xi32>
        %add3A_2077 = arith.addi %mul3A_2049, %add3A_2076 : vector<16xi32>
        tpu.vector_store_idx %arg15[%add3A_2077], %gather3A_2074 : memref<19584xf32, #tpu.memory_space<vmem>>[vector<16xi32>], vector<16xf32>,
        %broadcast_in_dim3A_2078 = arith.constant 4 : i32
        %broadcast_in_dim3A_2079 = vector.broadcast %broadcast_in_dim3A_2078 : i32 to vector<16xi32>
        %gather3A_2080 = tpu.vector_load_idx %arg9[%get3A_2053, %broadcast_in_dim3A_2079] : memref<512x16xf32, #tpu.memory_space<vmem>>[vector<16xi32>, vector<16xi32>], vector<16xf32>,
        %add3A_2081 = arith.constant 36 : i32
        %add3A_2082 = vector.broadcast %add3A_2081 : i32 to vector<16xi32>
        %add3A_2083 = arith.addi %mul3A_2049, %add3A_2082 : vector<16xi32>
        tpu.vector_store_idx %arg15[%add3A_2083], %gather3A_2080 : memref<19584xf32, #tpu.memory_space<vmem>>[vector<16xi32>], vector<16xf32>,
        %broadcast_in_dim3A_2084 = arith.constant 5 : i32
        %broadcast_in_dim3A_2085 = vector.broadcast %broadcast_in_dim3A_2084 : i32 to vector<16xi32>
        %gather3A_2086 = tpu.vector_load_idx %arg9[%get3A_2053, %broadcast_in_dim3A_2085] : memref<512x16xf32, #tpu.memory_space<vmem>>[vector<16xi32>, vector<16xi32>], vector<16xf32>,
        %add3A_2087 = arith.constant 37 : i32
        %add3A_2088 = vector.broadcast %add3A_2087 : i32 to vector<16xi32>
        %add3A_2089 = arith.addi %mul3A_2049, %add3A_2088 : vector<16xi32>
        tpu.vector_store_idx %arg15[%add3A_2089], %gather3A_2086 : memref<19584xf32, #tpu.memory_space<vmem>>[vector<16xi32>], vector<16xf32>,
        %broadcast_in_dim3A_2090 = arith.constant 6 : i32
        %broadcast_in_dim3A_2091 = vector.broadcast %broadcast_in_dim3A_2090 : i32 to vector<16xi32>
        %gather3A_2092 = tpu.vector_load_idx %arg9[%get3A_2053, %broadcast_in_dim3A_2091] : memref<512x16xf32, #tpu.memory_space<vmem>>[vector<16xi32>, vector<16xi32>], vector<16xf32>,
        %add3A_2093 = arith.constant 38 : i32
        %add3A_2094 = vector.broadcast %add3A_2093 : i32 to vector<16xi32>
        %add3A_2095 = arith.addi %mul3A_2049, %add3A_2094 : vector<16xi32>
        tpu.vector_store_idx %arg15[%add3A_2095], %gather3A_2092 : memref<19584xf32, #tpu.memory_space<vmem>>[vector<16xi32>], vector<16xf32>,
        %broadcast_in_dim3A_2096 = arith.constant 7 : i32
        %broadcast_in_dim3A_2097 = vector.broadcast %broadcast_in_dim3A_2096 : i32 to vector<16xi32>
        %gather3A_2098 = tpu.vector_load_idx %arg9[%get3A_2053, %broadcast_in_dim3A_2097] : memref<512x16xf32, #tpu.memory_space<vmem>>[vector<16xi32>, vector<16xi32>], vector<16xf32>,
        %add3A_2099 = arith.constant 39 : i32
        %add3A_2100 = vector.broadcast %add3A_2099 : i32 to vector<16xi32>
        %add3A_2101 = arith.addi %mul3A_2049, %add3A_2100 : vector<16xi32>
        tpu.vector_store_idx %arg15[%add3A_2101], %gather3A_2098 : memref<19584xf32, #tpu.memory_space<vmem>>[vector<16xi32>], vector<16xf32>,
        %broadcast_in_dim3A_2102 = arith.constant 8 : i32
        %broadcast_in_dim3A_2103 = vector.broadcast %broadcast_in_dim3A_2102 : i32 to vector<16xi32>
        %gather3A_2104 = tpu.vector_load_idx %arg9[%get3A_2053, %broadcast_in_dim3A_2103] : memref<512x16xf32, #tpu.memory_space<vmem>>[vector<16xi32>, vector<16xi32>], vector<16xf32>,
        %add3A_2105 = arith.constant 40 : i32
        %add3A_2106 = vector.broadcast %add3A_2105 : i32 to vector<16xi32>
        %add3A_2107 = arith.addi %mul3A_2049, %add3A_2106 : vector<16xi32>
        tpu.vector_store_idx %arg15[%add3A_2107], %gather3A_2104 : memref<19584xf32, #tpu.memory_space<vmem>>[vector<16xi32>], vector<16xf32>,
        %broadcast_in_dim3A_2108 = arith.constant 9 : i32
        %broadcast_in_dim3A_2109 = vector.broadcast %broadcast_in_dim3A_2108 : i32 to vector<16xi32>
        %gather3A_2110 = tpu.vector_load_idx %arg9[%get3A_2053, %broadcast_in_dim3A_2109] : memref<512x16xf32, #tpu.memory_space<vmem>>[vector<16xi32>, vector<16xi32>], vector<16xf32>,
        %add3A_2111 = arith.constant 41 : i32
        %add3A_2112 = vector.broadcast %add3A_2111 : i32 to vector<16xi32>
        %add3A_2113 = arith.addi %mul3A_2049, %add3A_2112 : vector<16xi32>
        tpu.vector_store_idx %arg15[%add3A_2113], %gather3A_2110 : memref<19584xf32, #tpu.memory_space<vmem>>[vector<16xi32>], vector<16xf32>,
        %broadcast_in_dim3A_2114 = arith.constant 10 : i32
        %broadcast_in_dim3A_2115 = vector.broadcast %broadcast_in_dim3A_2114 : i32 to vector<16xi32>
        %gather3A_2116 = tpu.vector_load_idx %arg9[%get3A_2053, %broadcast_in_dim3A_2115] : memref<512x16xf32, #tpu.memory_space<vmem>>[vector<16xi32>, vector<16xi32>], vector<16xf32>,
        %add3A_2117 = arith.constant 42 : i32
        %add3A_2118 = vector.broadcast %add3A_2117 : i32 to vector<16xi32>
        %add3A_2119 = arith.addi %mul3A_2049, %add3A_2118 : vector<16xi32>
        tpu.vector_store_idx %arg15[%add3A_2119], %gather3A_2116 : memref<19584xf32, #tpu.memory_space<vmem>>[vector<16xi32>], vector<16xf32>,
        %broadcast_in_dim3A_2120 = arith.constant 11 : i32
        %broadcast_in_dim3A_2121 = vector.broadcast %broadcast_in_dim3A_2120 : i32 to vector<16xi32>
        %gather3A_2122 = tpu.vector_load_idx %arg9[%get3A_2053, %broadcast_in_dim3A_2121] : memref<512x16xf32, #tpu.memory_space<vmem>>[vector<16xi32>, vector<16xi32>], vector<16xf32>,
        %add3A_2123 = arith.constant 43 : i32
        %add3A_2124 = vector.broadcast %add3A_2123 : i32 to vector<16xi32>
        %add3A_2125 = arith.addi %mul3A_2049, %add3A_2124 : vector<16xi32>
        tpu.vector_store_idx %arg15[%add3A_2125], %gather3A_2122 : memref<19584xf32, #tpu.memory_space<vmem>>[vector<16xi32>], vector<16xf32>,
        %broadcast_in_dim3A_2126 = arith.constant 12 : i32
        %broadcast_in_dim3A_2127 = vector.broadcast %broadcast_in_dim3A_2126 : i32 to vector<16xi32>
        %gather3A_2128 = tpu.vector_load_idx %arg9[%get3A_2053, %broadcast_in_dim3A_2127] : memref<512x16xf32, #tpu.memory_space<vmem>>[vector<16xi32>, vector<16xi32>], vector<16xf32>,
        %add3A_2129 = arith.constant 44 : i32
        %add3A_2130 = vector.broadcast %add3A_2129 : i32 to vector<16xi32>
        %add3A_2131 = arith.addi %mul3A_2049, %add3A_2130 : vector<16xi32>
        tpu.vector_store_idx %arg15[%add3A_2131], %gather3A_2128 : memref<19584xf32, #tpu.memory_space<vmem>>[vector<16xi32>], vector<16xf32>,
        %broadcast_in_dim3A_2132 = arith.constant 13 : i32
        %broadcast_in_dim3A_2133 = vector.broadcast %broadcast_in_dim3A_2132 : i32 to vector<16xi32>
        %gather3A_2134 = tpu.vector_load_idx %arg9[%get3A_2053, %broadcast_in_dim3A_2133] : memref<512x16xf32, #tpu.memory_space<vmem>>[vector<16xi32>, vector<16xi32>], vector<16xf32>,
        %add3A_2135 = arith.constant 45 : i32
        %add3A_2136 = vector.broadcast %add3A_2135 : i32 to vector<16xi32>
        %add3A_2137 = arith.addi %mul3A_2049, %add3A_2136 : vector<16xi32>
        tpu.vector_store_idx %arg15[%add3A_2137], %gather3A_2134 : memref<19584xf32, #tpu.memory_space<vmem>>[vector<16xi32>], vector<16xf32>,
        %broadcast_in_dim3A_2138 = arith.constant 14 : i32
        %broadcast_in_dim3A_2139 = vector.broadcast %broadcast_in_dim3A_2138 : i32 to vector<16xi32>
        %gather3A_2140 = tpu.vector_load_idx %arg9[%get3A_2053, %broadcast_in_dim3A_2139] : memref<512x16xf32, #tpu.memory_space<vmem>>[vector<16xi32>, vector<16xi32>], vector<16xf32>,
        %add3A_2141 = arith.constant 46 : i32
        %add3A_2142 = vector.broadcast %add3A_2141 : i32 to vector<16xi32>
        %add3A_2143 = arith.addi %mul3A_2049, %add3A_2142 : vector<16xi32>
        tpu.vector_store_idx %arg15[%add3A_2143], %gather3A_2140 : memref<19584xf32, #tpu.memory_space<vmem>>[vector<16xi32>], vector<16xf32>,
        %broadcast_in_dim3A_2144 = arith.constant 15 : i32
        %broadcast_in_dim3A_2145 = vector.broadcast %broadcast_in_dim3A_2144 : i32 to vector<16xi32>
        %gather3A_2146 = tpu.vector_load_idx %arg9[%get3A_2053, %broadcast_in_dim3A_2145] : memref<512x16xf32, #tpu.memory_space<vmem>>[vector<16xi32>, vector<16xi32>], vector<16xf32>,
        %add3A_2147 = arith.constant 47 : i32
        %add3A_2148 = vector.broadcast %add3A_2147 : i32 to vector<16xi32>
        %add3A_2149 = arith.addi %mul3A_2049, %add3A_2148 : vector<16xi32>
        tpu.vector_store_idx %arg15[%add3A_2149], %gather3A_2146 : memref<19584xf32, #tpu.memory_space<vmem>>[vector<16xi32>], vector<16xf32>,
        %mul3A_2150 = arith.constant 16 : i32
        %mul3A_2151 = arith.muli %scan3A_2042, %mul3A_2150 : i32
        %get3A_2152 = arith.index_cast %mul3A_2151 : i32 to index
        %get3A_2153 = tpu.vector_load %arg19[%get3A_2152] {strides = array<i32>} : memref<128xi32, #tpu.memory_space<vmem>>, vector<16xi32>,
        %broadcast_in_dim3A_2154 = arith.constant 0 : i32
        %broadcast_in_dim3A_2155 = vector.broadcast %broadcast_in_dim3A_2154 : i32 to vector<16xi32>
        %gather3A_2156 = tpu.vector_load_idx %arg10[%get3A_2153, %broadcast_in_dim3A_2155] : memref<2048x16xf32, #tpu.memory_space<vmem>>[vector<16xi32>, vector<16xi32>], vector<16xf32>,
        %add3A_2157 = arith.constant 48 : i32
        %add3A_2158 = vector.broadcast %add3A_2157 : i32 to vector<16xi32>
        %add3A_2159 = arith.addi %mul3A_2049, %add3A_2158 : vector<16xi32>
        tpu.vector_store_idx %arg15[%add3A_2159], %gather3A_2156 : memref<19584xf32, #tpu.memory_space<vmem>>[vector<16xi32>], vector<16xf32>,
        %broadcast_in_dim3A_2160 = arith.constant 1 : i32
        %broadcast_in_dim3A_2161 = vector.broadcast %broadcast_in_dim3A_2160 : i32 to vector<16xi32>
        %gather3A_2162 = tpu.vector_load_idx %arg10[%get3A_2153, %broadcast_in_dim3A_2161] : memref<2048x16xf32, #tpu.memory_space<vmem>>[vector<16xi32>, vector<16xi32>], vector<16xf32>,
        %add3A_2163 = arith.constant 49 : i32
        %add3A_2164 = vector.broadcast %add3A_2163 : i32 to vector<16xi32>
        %add3A_2165 = arith.addi %mul3A_2049, %add3A_2164 : vector<16xi32>
        tpu.vector_store_idx %arg15[%add3A_2165], %gather3A_2162 : memref<19584xf32, #tpu.memory_space<vmem>>[vector<16xi32>], vector<16xf32>,
        %broadcast_in_dim3A_2166 = arith.constant 2 : i32
        %broadcast_in_dim3A_2167 = vector.broadcast %broadcast_in_dim3A_2166 : i32 to vector<16xi32>
        %gather3A_2168 = tpu.vector_load_idx %arg10[%get3A_2153, %broadcast_in_dim3A_2167] : memref<2048x16xf32, #tpu.memory_space<vmem>>[vector<16xi32>, vector<16xi32>], vector<16xf32>,
        %add3A_2169 = arith.constant 50 : i32
        %add3A_2170 = vector.broadcast %add3A_2169 : i32 to vector<16xi32>
        %add3A_2171 = arith.addi %mul3A_2049, %add3A_2170 : vector<16xi32>
        tpu.vector_store_idx %arg15[%add3A_2171], %gather3A_2168 : memref<19584xf32, #tpu.memory_space<vmem>>[vector<16xi32>], vector<16xf32>,
        %broadcast_in_dim3A_2172 = arith.constant 3 : i32
        %broadcast_in_dim3A_2173 = vector.broadcast %broadcast_in_dim3A_2172 : i32 to vector<16xi32>
        %gather3A_2174 = tpu.vector_load_idx %arg10[%get3A_2153, %broadcast_in_dim3A_2173] : memref<2048x16xf32, #tpu.memory_space<vmem>>[vector<16xi32>, vector<16xi32>], vector<16xf32>,
        %add3A_2175 = arith.constant 51 : i32
        %add3A_2176 = vector.broadcast %add3A_2175 : i32 to vector<16xi32>
        %add3A_2177 = arith.addi %mul3A_2049, %add3A_2176 : vector<16xi32>
        tpu.vector_store_idx %arg15[%add3A_2177], %gather3A_2174 : memref<19584xf32, #tpu.memory_space<vmem>>[vector<16xi32>], vector<16xf32>,
        %broadcast_in_dim3A_2178 = arith.constant 4 : i32
        %broadcast_in_dim3A_2179 = vector.broadcast %broadcast_in_dim3A_2178 : i32 to vector<16xi32>
        %gather3A_2180 = tpu.vector_load_idx %arg10[%get3A_2153, %broadcast_in_dim3A_2179] : memref<2048x16xf32, #tpu.memory_space<vmem>>[vector<16xi32>, vector<16xi32>], vector<16xf32>,
        %add3A_2181 = arith.constant 52 : i32
        %add3A_2182 = vector.broadcast %add3A_2181 : i32 to vector<16xi32>
        %add3A_2183 = arith.addi %mul3A_2049, %add3A_2182 : vector<16xi32>
        tpu.vector_store_idx %arg15[%add3A_2183], %gather3A_2180 : memref<19584xf32, #tpu.memory_space<vmem>>[vector<16xi32>], vector<16xf32>,
        %broadcast_in_dim3A_2184 = arith.constant 5 : i32
        %broadcast_in_dim3A_2185 = vector.broadcast %broadcast_in_dim3A_2184 : i32 to vector<16xi32>
        %gather3A_2186 = tpu.vector_load_idx %arg10[%get3A_2153, %broadcast_in_dim3A_2185] : memref<2048x16xf32, #tpu.memory_space<vmem>>[vector<16xi32>, vector<16xi32>], vector<16xf32>,
        %add3A_2187 = arith.constant 53 : i32
        %add3A_2188 = vector.broadcast %add3A_2187 : i32 to vector<16xi32>
        %add3A_2189 = arith.addi %mul3A_2049, %add3A_2188 : vector<16xi32>
        tpu.vector_store_idx %arg15[%add3A_2189], %gather3A_2186 : memref<19584xf32, #tpu.memory_space<vmem>>[vector<16xi32>], vector<16xf32>,
        %broadcast_in_dim3A_2190 = arith.constant 6 : i32
        %broadcast_in_dim3A_2191 = vector.broadcast %broadcast_in_dim3A_2190 : i32 to vector<16xi32>
        %gather3A_2192 = tpu.vector_load_idx %arg10[%get3A_2153, %broadcast_in_dim3A_2191] : memref<2048x16xf32, #tpu.memory_space<vmem>>[vector<16xi32>, vector<16xi32>], vector<16xf32>,
        %add3A_2193 = arith.constant 54 : i32
        %add3A_2194 = vector.broadcast %add3A_2193 : i32 to vector<16xi32>
        %add3A_2195 = arith.addi %mul3A_2049, %add3A_2194 : vector<16xi32>
        tpu.vector_store_idx %arg15[%add3A_2195], %gather3A_2192 : memref<19584xf32, #tpu.memory_space<vmem>>[vector<16xi32>], vector<16xf32>,
        %broadcast_in_dim3A_2196 = arith.constant 7 : i32
        %broadcast_in_dim3A_2197 = vector.broadcast %broadcast_in_dim3A_2196 : i32 to vector<16xi32>
        %gather3A_2198 = tpu.vector_load_idx %arg10[%get3A_2153, %broadcast_in_dim3A_2197] : memref<2048x16xf32, #tpu.memory_space<vmem>>[vector<16xi32>, vector<16xi32>], vector<16xf32>,
        %add3A_2199 = arith.constant 55 : i32
        %add3A_2200 = vector.broadcast %add3A_2199 : i32 to vector<16xi32>
        %add3A_2201 = arith.addi %mul3A_2049, %add3A_2200 : vector<16xi32>
        tpu.vector_store_idx %arg15[%add3A_2201], %gather3A_2198 : memref<19584xf32, #tpu.memory_space<vmem>>[vector<16xi32>], vector<16xf32>,
        %broadcast_in_dim3A_2202 = arith.constant 8 : i32
        %broadcast_in_dim3A_2203 = vector.broadcast %broadcast_in_dim3A_2202 : i32 to vector<16xi32>
        %gather3A_2204 = tpu.vector_load_idx %arg10[%get3A_2153, %broadcast_in_dim3A_2203] : memref<2048x16xf32, #tpu.memory_space<vmem>>[vector<16xi32>, vector<16xi32>], vector<16xf32>,
        %add3A_2205 = arith.constant 56 : i32
        %add3A_2206 = vector.broadcast %add3A_2205 : i32 to vector<16xi32>
        %add3A_2207 = arith.addi %mul3A_2049, %add3A_2206 : vector<16xi32>
        tpu.vector_store_idx %arg15[%add3A_2207], %gather3A_2204 : memref<19584xf32, #tpu.memory_space<vmem>>[vector<16xi32>], vector<16xf32>,
        %broadcast_in_dim3A_2208 = arith.constant 9 : i32
        %broadcast_in_dim3A_2209 = vector.broadcast %broadcast_in_dim3A_2208 : i32 to vector<16xi32>
        %gather3A_2210 = tpu.vector_load_idx %arg10[%get3A_2153, %broadcast_in_dim3A_2209] : memref<2048x16xf32, #tpu.memory_space<vmem>>[vector<16xi32>, vector<16xi32>], vector<16xf32>,
        %add3A_2211 = arith.constant 57 : i32
        %add3A_2212 = vector.broadcast %add3A_2211 : i32 to vector<16xi32>
        %add3A_2213 = arith.addi %mul3A_2049, %add3A_2212 : vector<16xi32>
        tpu.vector_store_idx %arg15[%add3A_2213], %gather3A_2210 : memref<19584xf32, #tpu.memory_space<vmem>>[vector<16xi32>], vector<16xf32>,
        %broadcast_in_dim3A_2214 = arith.constant 10 : i32
        %broadcast_in_dim3A_2215 = vector.broadcast %broadcast_in_dim3A_2214 : i32 to vector<16xi32>
        %gather3A_2216 = tpu.vector_load_idx %arg10[%get3A_2153, %broadcast_in_dim3A_2215] : memref<2048x16xf32, #tpu.memory_space<vmem>>[vector<16xi32>, vector<16xi32>], vector<16xf32>,
        %add3A_2217 = arith.constant 58 : i32
        %add3A_2218 = vector.broadcast %add3A_2217 : i32 to vector<16xi32>
        %add3A_2219 = arith.addi %mul3A_2049, %add3A_2218 : vector<16xi32>
        tpu.vector_store_idx %arg15[%add3A_2219], %gather3A_2216 : memref<19584xf32, #tpu.memory_space<vmem>>[vector<16xi32>], vector<16xf32>,
        %broadcast_in_dim3A_2220 = arith.constant 11 : i32
        %broadcast_in_dim3A_2221 = vector.broadcast %broadcast_in_dim3A_2220 : i32 to vector<16xi32>
        %gather3A_2222 = tpu.vector_load_idx %arg10[%get3A_2153, %broadcast_in_dim3A_2221] : memref<2048x16xf32, #tpu.memory_space<vmem>>[vector<16xi32>, vector<16xi32>], vector<16xf32>,
        %add3A_2223 = arith.constant 59 : i32
        %add3A_2224 = vector.broadcast %add3A_2223 : i32 to vector<16xi32>
        %add3A_2225 = arith.addi %mul3A_2049, %add3A_2224 : vector<16xi32>
        tpu.vector_store_idx %arg15[%add3A_2225], %gather3A_2222 : memref<19584xf32, #tpu.memory_space<vmem>>[vector<16xi32>], vector<16xf32>,
        %broadcast_in_dim3A_2226 = arith.constant 12 : i32
        %broadcast_in_dim3A_2227 = vector.broadcast %broadcast_in_dim3A_2226 : i32 to vector<16xi32>
        %gather3A_2228 = tpu.vector_load_idx %arg10[%get3A_2153, %broadcast_in_dim3A_2227] : memref<2048x16xf32, #tpu.memory_space<vmem>>[vector<16xi32>, vector<16xi32>], vector<16xf32>,
        %add3A_2229 = arith.constant 60 : i32
        %add3A_2230 = vector.broadcast %add3A_2229 : i32 to vector<16xi32>
        %add3A_2231 = arith.addi %mul3A_2049, %add3A_2230 : vector<16xi32>
        tpu.vector_store_idx %arg15[%add3A_2231], %gather3A_2228 : memref<19584xf32, #tpu.memory_space<vmem>>[vector<16xi32>], vector<16xf32>,
        %broadcast_in_dim3A_2232 = arith.constant 13 : i32
        %broadcast_in_dim3A_2233 = vector.broadcast %broadcast_in_dim3A_2232 : i32 to vector<16xi32>
        %gather3A_2234 = tpu.vector_load_idx %arg10[%get3A_2153, %broadcast_in_dim3A_2233] : memref<2048x16xf32, #tpu.memory_space<vmem>>[vector<16xi32>, vector<16xi32>], vector<16xf32>,
        %add3A_2235 = arith.constant 61 : i32
        %add3A_2236 = vector.broadcast %add3A_2235 : i32 to vector<16xi32>
        %add3A_2237 = arith.addi %mul3A_2049, %add3A_2236 : vector<16xi32>
        tpu.vector_store_idx %arg15[%add3A_2237], %gather3A_2234 : memref<19584xf32, #tpu.memory_space<vmem>>[vector<16xi32>], vector<16xf32>,
        %broadcast_in_dim3A_2238 = arith.constant 14 : i32
        %broadcast_in_dim3A_2239 = vector.broadcast %broadcast_in_dim3A_2238 : i32 to vector<16xi32>
        %gather3A_2240 = tpu.vector_load_idx %arg10[%get3A_2153, %broadcast_in_dim3A_2239] : memref<2048x16xf32, #tpu.memory_space<vmem>>[vector<16xi32>, vector<16xi32>], vector<16xf32>,
        %add3A_2241 = arith.constant 62 : i32
        %add3A_2242 = vector.broadcast %add3A_2241 : i32 to vector<16xi32>
        %add3A_2243 = arith.addi %mul3A_2049, %add3A_2242 : vector<16xi32>
        tpu.vector_store_idx %arg15[%add3A_2243], %gather3A_2240 : memref<19584xf32, #tpu.memory_space<vmem>>[vector<16xi32>], vector<16xf32>,
        %broadcast_in_dim3A_2244 = arith.constant 15 : i32
        %broadcast_in_dim3A_2245 = vector.broadcast %broadcast_in_dim3A_2244 : i32 to vector<16xi32>
        %gather3A_2246 = tpu.vector_load_idx %arg10[%get3A_2153, %broadcast_in_dim3A_2245] : memref<2048x16xf32, #tpu.memory_space<vmem>>[vector<16xi32>, vector<16xi32>], vector<16xf32>,
        %add3A_2247 = arith.constant 63 : i32
        %add3A_2248 = vector.broadcast %add3A_2247 : i32 to vector<16xi32>
        %add3A_2249 = arith.addi %mul3A_2049, %add3A_2248 : vector<16xi32>
        tpu.vector_store_idx %arg15[%add3A_2249], %gather3A_2246 : memref<19584xf32, #tpu.memory_space<vmem>>[vector<16xi32>], vector<16xf32>,
        %mul3A_2250 = arith.constant 16 : i32
        %mul3A_2251 = arith.muli %scan3A_2042, %mul3A_2250 : i32
        %get3A_2252 = arith.index_cast %mul3A_2251 : i32 to index
        %get3A_2253 = tpu.vector_load %arg20[%get3A_2252] {strides = array<i32>} : memref<128xi32, #tpu.memory_space<vmem>>, vector<16xi32>,
        %broadcast_in_dim3A_2254 = arith.constant 0 : i32
        %broadcast_in_dim3A_2255 = vector.broadcast %broadcast_in_dim3A_2254 : i32 to vector<16xi32>
        %gather3A_2256 = tpu.vector_load_idx %arg11[%get3A_2253, %broadcast_in_dim3A_2255] : memref<1024x16xf32, #tpu.memory_space<vmem>>[vector<16xi32>, vector<16xi32>], vector<16xf32>,
        %add3A_2257 = arith.constant 64 : i32
        %add3A_2258 = vector.broadcast %add3A_2257 : i32 to vector<16xi32>
        %add3A_2259 = arith.addi %mul3A_2049, %add3A_2258 : vector<16xi32>
        tpu.vector_store_idx %arg15[%add3A_2259], %gather3A_2256 : memref<19584xf32, #tpu.memory_space<vmem>>[vector<16xi32>], vector<16xf32>,
        %broadcast_in_dim3A_2260 = arith.constant 1 : i32
        %broadcast_in_dim3A_2261 = vector.broadcast %broadcast_in_dim3A_2260 : i32 to vector<16xi32>
        %gather3A_2262 = tpu.vector_load_idx %arg11[%get3A_2253, %broadcast_in_dim3A_2261] : memref<1024x16xf32, #tpu.memory_space<vmem>>[vector<16xi32>, vector<16xi32>], vector<16xf32>,
        %add3A_2263 = arith.constant 65 : i32
        %add3A_2264 = vector.broadcast %add3A_2263 : i32 to vector<16xi32>
        %add3A_2265 = arith.addi %mul3A_2049, %add3A_2264 : vector<16xi32>
        tpu.vector_store_idx %arg15[%add3A_2265], %gather3A_2262 : memref<19584xf32, #tpu.memory_space<vmem>>[vector<16xi32>], vector<16xf32>,
        %broadcast_in_dim3A_2266 = arith.constant 2 : i32
        %broadcast_in_dim3A_2267 = vector.broadcast %broadcast_in_dim3A_2266 : i32 to vector<16xi32>
        %gather3A_2268 = tpu.vector_load_idx %arg11[%get3A_2253, %broadcast_in_dim3A_2267] : memref<1024x16xf32, #tpu.memory_space<vmem>>[vector<16xi32>, vector<16xi32>], vector<16xf32>,
        %add3A_2269 = arith.constant 66 : i32
        %add3A_2270 = vector.broadcast %add3A_2269 : i32 to vector<16xi32>
        %add3A_2271 = arith.addi %mul3A_2049, %add3A_2270 : vector<16xi32>
        tpu.vector_store_idx %arg15[%add3A_2271], %gather3A_2268 : memref<19584xf32, #tpu.memory_space<vmem>>[vector<16xi32>], vector<16xf32>,
        %broadcast_in_dim3A_2272 = arith.constant 3 : i32
        %broadcast_in_dim3A_2273 = vector.broadcast %broadcast_in_dim3A_2272 : i32 to vector<16xi32>
        %gather3A_2274 = tpu.vector_load_idx %arg11[%get3A_2253, %broadcast_in_dim3A_2273] : memref<1024x16xf32, #tpu.memory_space<vmem>>[vector<16xi32>, vector<16xi32>], vector<16xf32>,
        %add3A_2275 = arith.constant 67 : i32
        %add3A_2276 = vector.broadcast %add3A_2275 : i32 to vector<16xi32>
        %add3A_2277 = arith.addi %mul3A_2049, %add3A_2276 : vector<16xi32>
        tpu.vector_store_idx %arg15[%add3A_2277], %gather3A_2274 : memref<19584xf32, #tpu.memory_space<vmem>>[vector<16xi32>], vector<16xf32>,
        %broadcast_in_dim3A_2278 = arith.constant 4 : i32
        %broadcast_in_dim3A_2279 = vector.broadcast %broadcast_in_dim3A_2278 : i32 to vector<16xi32>
        %gather3A_2280 = tpu.vector_load_idx %arg11[%get3A_2253, %broadcast_in_dim3A_2279] : memref<1024x16xf32, #tpu.memory_space<vmem>>[vector<16xi32>, vector<16xi32>], vector<16xf32>,
        %add3A_2281 = arith.constant 68 : i32
        %add3A_2282 = vector.broadcast %add3A_2281 : i32 to vector<16xi32>
        %add3A_2283 = arith.addi %mul3A_2049, %add3A_2282 : vector<16xi32>
        tpu.vector_store_idx %arg15[%add3A_2283], %gather3A_2280 : memref<19584xf32, #tpu.memory_space<vmem>>[vector<16xi32>], vector<16xf32>,
        %broadcast_in_dim3A_2284 = arith.constant 5 : i32
        %broadcast_in_dim3A_2285 = vector.broadcast %broadcast_in_dim3A_2284 : i32 to vector<16xi32>
        %gather3A_2286 = tpu.vector_load_idx %arg11[%get3A_2253, %broadcast_in_dim3A_2285] : memref<1024x16xf32, #tpu.memory_space<vmem>>[vector<16xi32>, vector<16xi32>], vector<16xf32>,
        %add3A_2287 = arith.constant 69 : i32
        %add3A_2288 = vector.broadcast %add3A_2287 : i32 to vector<16xi32>
        %add3A_2289 = arith.addi %mul3A_2049, %add3A_2288 : vector<16xi32>
        tpu.vector_store_idx %arg15[%add3A_2289], %gather3A_2286 : memref<19584xf32, #tpu.memory_space<vmem>>[vector<16xi32>], vector<16xf32>,
        %broadcast_in_dim3A_2290 = arith.constant 6 : i32
        %broadcast_in_dim3A_2291 = vector.broadcast %broadcast_in_dim3A_2290 : i32 to vector<16xi32>
        %gather3A_2292 = tpu.vector_load_idx %arg11[%get3A_2253, %broadcast_in_dim3A_2291] : memref<1024x16xf32, #tpu.memory_space<vmem>>[vector<16xi32>, vector<16xi32>], vector<16xf32>,
        %add3A_2293 = arith.constant 70 : i32
        %add3A_2294 = vector.broadcast %add3A_2293 : i32 to vector<16xi32>
        %add3A_2295 = arith.addi %mul3A_2049, %add3A_2294 : vector<16xi32>
        tpu.vector_store_idx %arg15[%add3A_2295], %gather3A_2292 : memref<19584xf32, #tpu.memory_space<vmem>>[vector<16xi32>], vector<16xf32>,
        %broadcast_in_dim3A_2296 = arith.constant 7 : i32
        %broadcast_in_dim3A_2297 = vector.broadcast %broadcast_in_dim3A_2296 : i32 to vector<16xi32>
        %gather3A_2298 = tpu.vector_load_idx %arg11[%get3A_2253, %broadcast_in_dim3A_2297] : memref<1024x16xf32, #tpu.memory_space<vmem>>[vector<16xi32>, vector<16xi32>], vector<16xf32>,
        %add3A_2299 = arith.constant 71 : i32
        %add3A_2300 = vector.broadcast %add3A_2299 : i32 to vector<16xi32>
        %add3A_2301 = arith.addi %mul3A_2049, %add3A_2300 : vector<16xi32>
        tpu.vector_store_idx %arg15[%add3A_2301], %gather3A_2298 : memref<19584xf32, #tpu.memory_space<vmem>>[vector<16xi32>], vector<16xf32>,
        %broadcast_in_dim3A_2302 = arith.constant 8 : i32
        %broadcast_in_dim3A_2303 = vector.broadcast %broadcast_in_dim3A_2302 : i32 to vector<16xi32>
        %gather3A_2304 = tpu.vector_load_idx %arg11[%get3A_2253, %broadcast_in_dim3A_2303] : memref<1024x16xf32, #tpu.memory_space<vmem>>[vector<16xi32>, vector<16xi32>], vector<16xf32>,
        %add3A_2305 = arith.constant 72 : i32
        %add3A_2306 = vector.broadcast %add3A_2305 : i32 to vector<16xi32>
        %add3A_2307 = arith.addi %mul3A_2049, %add3A_2306 : vector<16xi32>
        tpu.vector_store_idx %arg15[%add3A_2307], %gather3A_2304 : memref<19584xf32, #tpu.memory_space<vmem>>[vector<16xi32>], vector<16xf32>,
        %broadcast_in_dim3A_2308 = arith.constant 9 : i32
        %broadcast_in_dim3A_2309 = vector.broadcast %broadcast_in_dim3A_2308 : i32 to vector<16xi32>
        %gather3A_2310 = tpu.vector_load_idx %arg11[%get3A_2253, %broadcast_in_dim3A_2309] : memref<1024x16xf32, #tpu.memory_space<vmem>>[vector<16xi32>, vector<16xi32>], vector<16xf32>,
        %add3A_2311 = arith.constant 73 : i32
        %add3A_2312 = vector.broadcast %add3A_2311 : i32 to vector<16xi32>
        %add3A_2313 = arith.addi %mul3A_2049, %add3A_2312 : vector<16xi32>
        tpu.vector_store_idx %arg15[%add3A_2313], %gather3A_2310 : memref<19584xf32, #tpu.memory_space<vmem>>[vector<16xi32>], vector<16xf32>,
        %broadcast_in_dim3A_2314 = arith.constant 10 : i32
        %broadcast_in_dim3A_2315 = vector.broadcast %broadcast_in_dim3A_2314 : i32 to vector<16xi32>
        %gather3A_2316 = tpu.vector_load_idx %arg11[%get3A_2253, %broadcast_in_dim3A_2315] : memref<1024x16xf32, #tpu.memory_space<vmem>>[vector<16xi32>, vector<16xi32>], vector<16xf32>,
        %add3A_2317 = arith.constant 74 : i32
        %add3A_2318 = vector.broadcast %add3A_2317 : i32 to vector<16xi32>
        %add3A_2319 = arith.addi %mul3A_2049, %add3A_2318 : vector<16xi32>
        tpu.vector_store_idx %arg15[%add3A_2319], %gather3A_2316 : memref<19584xf32, #tpu.memory_space<vmem>>[vector<16xi32>], vector<16xf32>,
        %broadcast_in_dim3A_2320 = arith.constant 11 : i32
        %broadcast_in_dim3A_2321 = vector.broadcast %broadcast_in_dim3A_2320 : i32 to vector<16xi32>
        %gather3A_2322 = tpu.vector_load_idx %arg11[%get3A_2253, %broadcast_in_dim3A_2321] : memref<1024x16xf32, #tpu.memory_space<vmem>>[vector<16xi32>, vector<16xi32>], vector<16xf32>,
        %add3A_2323 = arith.constant 75 : i32
        %add3A_2324 = vector.broadcast %add3A_2323 : i32 to vector<16xi32>
        %add3A_2325 = arith.addi %mul3A_2049, %add3A_2324 : vector<16xi32>
        tpu.vector_store_idx %arg15[%add3A_2325], %gather3A_2322 : memref<19584xf32, #tpu.memory_space<vmem>>[vector<16xi32>], vector<16xf32>,
        %broadcast_in_dim3A_2326 = arith.constant 12 : i32
        %broadcast_in_dim3A_2327 = vector.broadcast %broadcast_in_dim3A_2326 : i32 to vector<16xi32>
        %gather3A_2328 = tpu.vector_load_idx %arg11[%get3A_2253, %broadcast_in_dim3A_2327] : memref<1024x16xf32, #tpu.memory_space<vmem>>[vector<16xi32>, vector<16xi32>], vector<16xf32>,
        %add3A_2329 = arith.constant 76 : i32
        %add3A_2330 = vector.broadcast %add3A_2329 : i32 to vector<16xi32>
        %add3A_2331 = arith.addi %mul3A_2049, %add3A_2330 : vector<16xi32>
        tpu.vector_store_idx %arg15[%add3A_2331], %gather3A_2328 : memref<19584xf32, #tpu.memory_space<vmem>>[vector<16xi32>], vector<16xf32>,
        %broadcast_in_dim3A_2332 = arith.constant 13 : i32
        %broadcast_in_dim3A_2333 = vector.broadcast %broadcast_in_dim3A_2332 : i32 to vector<16xi32>
        %gather3A_2334 = tpu.vector_load_idx %arg11[%get3A_2253, %broadcast_in_dim3A_2333] : memref<1024x16xf32, #tpu.memory_space<vmem>>[vector<16xi32>, vector<16xi32>], vector<16xf32>,
        %add3A_2335 = arith.constant 77 : i32
        %add3A_2336 = vector.broadcast %add3A_2335 : i32 to vector<16xi32>
        %add3A_2337 = arith.addi %mul3A_2049, %add3A_2336 : vector<16xi32>
        tpu.vector_store_idx %arg15[%add3A_2337], %gather3A_2334 : memref<19584xf32, #tpu.memory_space<vmem>>[vector<16xi32>], vector<16xf32>,
        %broadcast_in_dim3A_2338 = arith.constant 14 : i32
        %broadcast_in_dim3A_2339 = vector.broadcast %broadcast_in_dim3A_2338 : i32 to vector<16xi32>
        %gather3A_2340 = tpu.vector_load_idx %arg11[%get3A_2253, %broadcast_in_dim3A_2339] : memref<1024x16xf32, #tpu.memory_space<vmem>>[vector<16xi32>, vector<16xi32>], vector<16xf32>,
        %add3A_2341 = arith.constant 78 : i32
        %add3A_2342 = vector.broadcast %add3A_2341 : i32 to vector<16xi32>
        %add3A_2343 = arith.addi %mul3A_2049, %add3A_2342 : vector<16xi32>
        tpu.vector_store_idx %arg15[%add3A_2343], %gather3A_2340 : memref<19584xf32, #tpu.memory_space<vmem>>[vector<16xi32>], vector<16xf32>,
        %broadcast_in_dim3A_2344 = arith.constant 15 : i32
        %broadcast_in_dim3A_2345 = vector.broadcast %broadcast_in_dim3A_2344 : i32 to vector<16xi32>
        %gather3A_2346 = tpu.vector_load_idx %arg11[%get3A_2253, %broadcast_in_dim3A_2345] : memref<1024x16xf32, #tpu.memory_space<vmem>>[vector<16xi32>, vector<16xi32>], vector<16xf32>,
        %add3A_2347 = arith.constant 79 : i32
        %add3A_2348 = vector.broadcast %add3A_2347 : i32 to vector<16xi32>
        %add3A_2349 = arith.addi %mul3A_2049, %add3A_2348 : vector<16xi32>
        tpu.vector_store_idx %arg15[%add3A_2349], %gather3A_2346 : memref<19584xf32, #tpu.memory_space<vmem>>[vector<16xi32>], vector<16xf32>,
        %mul3A_2350 = arith.constant 16 : i32
        %mul3A_2351 = arith.muli %scan3A_2042, %mul3A_2350 : i32
        %get3A_2352 = arith.index_cast %mul3A_2351 : i32 to index
        %get3A_2353 = tpu.vector_load %arg21[%get3A_2352] {strides = array<i32>} : memref<128xi32, #tpu.memory_space<vmem>>, vector<16xi32>,
        %broadcast_in_dim3A_2354 = arith.constant 0 : i32
        %broadcast_in_dim3A_2355 = vector.broadcast %broadcast_in_dim3A_2354 : i32 to vector<16xi32>
        %gather3A_2356 = tpu.vector_load_idx %arg11[%get3A_2353, %broadcast_in_dim3A_2355] : memref<1024x16xf32, #tpu.memory_space<vmem>>[vector<16xi32>, vector<16xi32>], vector<16xf32>,
        %add3A_2357 = arith.constant 80 : i32
        %add3A_2358 = vector.broadcast %add3A_2357 : i32 to vector<16xi32>
        %add3A_2359 = arith.addi %mul3A_2049, %add3A_2358 : vector<16xi32>
        tpu.vector_store_idx %arg15[%add3A_2359], %gather3A_2356 : memref<19584xf32, #tpu.memory_space<vmem>>[vector<16xi32>], vector<16xf32>,
        %broadcast_in_dim3A_2360 = arith.constant 1 : i32
        %broadcast_in_dim3A_2361 = vector.broadcast %broadcast_in_dim3A_2360 : i32 to vector<16xi32>
        %gather3A_2362 = tpu.vector_load_idx %arg11[%get3A_2353, %broadcast_in_dim3A_2361] : memref<1024x16xf32, #tpu.memory_space<vmem>>[vector<16xi32>, vector<16xi32>], vector<16xf32>,
        %add3A_2363 = arith.constant 81 : i32
        %add3A_2364 = vector.broadcast %add3A_2363 : i32 to vector<16xi32>
        %add3A_2365 = arith.addi %mul3A_2049, %add3A_2364 : vector<16xi32>
        tpu.vector_store_idx %arg15[%add3A_2365], %gather3A_2362 : memref<19584xf32, #tpu.memory_space<vmem>>[vector<16xi32>], vector<16xf32>,
        %broadcast_in_dim3A_2366 = arith.constant 2 : i32
        %broadcast_in_dim3A_2367 = vector.broadcast %broadcast_in_dim3A_2366 : i32 to vector<16xi32>
        %gather3A_2368 = tpu.vector_load_idx %arg11[%get3A_2353, %broadcast_in_dim3A_2367] : memref<1024x16xf32, #tpu.memory_space<vmem>>[vector<16xi32>, vector<16xi32>], vector<16xf32>,
        %add3A_2369 = arith.constant 82 : i32
        %add3A_2370 = vector.broadcast %add3A_2369 : i32 to vector<16xi32>
        %add3A_2371 = arith.addi %mul3A_2049, %add3A_2370 : vector<16xi32>
        tpu.vector_store_idx %arg15[%add3A_2371], %gather3A_2368 : memref<19584xf32, #tpu.memory_space<vmem>>[vector<16xi32>], vector<16xf32>,
        %broadcast_in_dim3A_2372 = arith.constant 3 : i32
        %broadcast_in_dim3A_2373 = vector.broadcast %broadcast_in_dim3A_2372 : i32 to vector<16xi32>
        %gather3A_2374 = tpu.vector_load_idx %arg11[%get3A_2353, %broadcast_in_dim3A_2373] : memref<1024x16xf32, #tpu.memory_space<vmem>>[vector<16xi32>, vector<16xi32>], vector<16xf32>,
        %add3A_2375 = arith.constant 83 : i32
        %add3A_2376 = vector.broadcast %add3A_2375 : i32 to vector<16xi32>
        %add3A_2377 = arith.addi %mul3A_2049, %add3A_2376 : vector<16xi32>
        tpu.vector_store_idx %arg15[%add3A_2377], %gather3A_2374 : memref<19584xf32, #tpu.memory_space<vmem>>[vector<16xi32>], vector<16xf32>,
        %broadcast_in_dim3A_2378 = arith.constant 4 : i32
        %broadcast_in_dim3A_2379 = vector.broadcast %broadcast_in_dim3A_2378 : i32 to vector<16xi32>
        %gather3A_2380 = tpu.vector_load_idx %arg11[%get3A_2353, %broadcast_in_dim3A_2379] : memref<1024x16xf32, #tpu.memory_space<vmem>>[vector<16xi32>, vector<16xi32>], vector<16xf32>,
        %add3A_2381 = arith.constant 84 : i32
        %add3A_2382 = vector.broadcast %add3A_2381 : i32 to vector<16xi32>
        %add3A_2383 = arith.addi %mul3A_2049, %add3A_2382 : vector<16xi32>
        tpu.vector_store_idx %arg15[%add3A_2383], %gather3A_2380 : memref<19584xf32, #tpu.memory_space<vmem>>[vector<16xi32>], vector<16xf32>,
        %broadcast_in_dim3A_2384 = arith.constant 5 : i32
        %broadcast_in_dim3A_2385 = vector.broadcast %broadcast_in_dim3A_2384 : i32 to vector<16xi32>
        %gather3A_2386 = tpu.vector_load_idx %arg11[%get3A_2353, %broadcast_in_dim3A_2385] : memref<1024x16xf32, #tpu.memory_space<vmem>>[vector<16xi32>, vector<16xi32>], vector<16xf32>,
        %add3A_2387 = arith.constant 85 : i32
        %add3A_2388 = vector.broadcast %add3A_2387 : i32 to vector<16xi32>
        %add3A_2389 = arith.addi %mul3A_2049, %add3A_2388 : vector<16xi32>
        tpu.vector_store_idx %arg15[%add3A_2389], %gather3A_2386 : memref<19584xf32, #tpu.memory_space<vmem>>[vector<16xi32>], vector<16xf32>,
        %broadcast_in_dim3A_2390 = arith.constant 6 : i32
        %broadcast_in_dim3A_2391 = vector.broadcast %broadcast_in_dim3A_2390 : i32 to vector<16xi32>
        %gather3A_2392 = tpu.vector_load_idx %arg11[%get3A_2353, %broadcast_in_dim3A_2391] : memref<1024x16xf32, #tpu.memory_space<vmem>>[vector<16xi32>, vector<16xi32>], vector<16xf32>,
        %add3A_2393 = arith.constant 86 : i32
        %add3A_2394 = vector.broadcast %add3A_2393 : i32 to vector<16xi32>
        %add3A_2395 = arith.addi %mul3A_2049, %add3A_2394 : vector<16xi32>
        tpu.vector_store_idx %arg15[%add3A_2395], %gather3A_2392 : memref<19584xf32, #tpu.memory_space<vmem>>[vector<16xi32>], vector<16xf32>,
        %broadcast_in_dim3A_2396 = arith.constant 7 : i32
        %broadcast_in_dim3A_2397 = vector.broadcast %broadcast_in_dim3A_2396 : i32 to vector<16xi32>
        %gather3A_2398 = tpu.vector_load_idx %arg11[%get3A_2353, %broadcast_in_dim3A_2397] : memref<1024x16xf32, #tpu.memory_space<vmem>>[vector<16xi32>, vector<16xi32>], vector<16xf32>,
        %add3A_2399 = arith.constant 87 : i32
        %add3A_2400 = vector.broadcast %add3A_2399 : i32 to vector<16xi32>
        %add3A_2401 = arith.addi %mul3A_2049, %add3A_2400 : vector<16xi32>
        tpu.vector_store_idx %arg15[%add3A_2401], %gather3A_2398 : memref<19584xf32, #tpu.memory_space<vmem>>[vector<16xi32>], vector<16xf32>,
        %broadcast_in_dim3A_2402 = arith.constant 8 : i32
        %broadcast_in_dim3A_2403 = vector.broadcast %broadcast_in_dim3A_2402 : i32 to vector<16xi32>
        %gather3A_2404 = tpu.vector_load_idx %arg11[%get3A_2353, %broadcast_in_dim3A_2403] : memref<1024x16xf32, #tpu.memory_space<vmem>>[vector<16xi32>, vector<16xi32>], vector<16xf32>,
        %add3A_2405 = arith.constant 88 : i32
        %add3A_2406 = vector.broadcast %add3A_2405 : i32 to vector<16xi32>
        %add3A_2407 = arith.addi %mul3A_2049, %add3A_2406 : vector<16xi32>
        tpu.vector_store_idx %arg15[%add3A_2407], %gather3A_2404 : memref<19584xf32, #tpu.memory_space<vmem>>[vector<16xi32>], vector<16xf32>,
        %broadcast_in_dim3A_2408 = arith.constant 9 : i32
        %broadcast_in_dim3A_2409 = vector.broadcast %broadcast_in_dim3A_2408 : i32 to vector<16xi32>
        %gather3A_2410 = tpu.vector_load_idx %arg11[%get3A_2353, %broadcast_in_dim3A_2409] : memref<1024x16xf32, #tpu.memory_space<vmem>>[vector<16xi32>, vector<16xi32>], vector<16xf32>,
        %add3A_2411 = arith.constant 89 : i32
        %add3A_2412 = vector.broadcast %add3A_2411 : i32 to vector<16xi32>
        %add3A_2413 = arith.addi %mul3A_2049, %add3A_2412 : vector<16xi32>
        tpu.vector_store_idx %arg15[%add3A_2413], %gather3A_2410 : memref<19584xf32, #tpu.memory_space<vmem>>[vector<16xi32>], vector<16xf32>,
        %broadcast_in_dim3A_2414 = arith.constant 10 : i32
        %broadcast_in_dim3A_2415 = vector.broadcast %broadcast_in_dim3A_2414 : i32 to vector<16xi32>
        %gather3A_2416 = tpu.vector_load_idx %arg11[%get3A_2353, %broadcast_in_dim3A_2415] : memref<1024x16xf32, #tpu.memory_space<vmem>>[vector<16xi32>, vector<16xi32>], vector<16xf32>,
        %add3A_2417 = arith.constant 90 : i32
        %add3A_2418 = vector.broadcast %add3A_2417 : i32 to vector<16xi32>
        %add3A_2419 = arith.addi %mul3A_2049, %add3A_2418 : vector<16xi32>
        tpu.vector_store_idx %arg15[%add3A_2419], %gather3A_2416 : memref<19584xf32, #tpu.memory_space<vmem>>[vector<16xi32>], vector<16xf32>,
        %broadcast_in_dim3A_2420 = arith.constant 11 : i32
        %broadcast_in_dim3A_2421 = vector.broadcast %broadcast_in_dim3A_2420 : i32 to vector<16xi32>
        %gather3A_2422 = tpu.vector_load_idx %arg11[%get3A_2353, %broadcast_in_dim3A_2421] : memref<1024x16xf32, #tpu.memory_space<vmem>>[vector<16xi32>, vector<16xi32>], vector<16xf32>,
        %add3A_2423 = arith.constant 91 : i32
        %add3A_2424 = vector.broadcast %add3A_2423 : i32 to vector<16xi32>
        %add3A_2425 = arith.addi %mul3A_2049, %add3A_2424 : vector<16xi32>
        tpu.vector_store_idx %arg15[%add3A_2425], %gather3A_2422 : memref<19584xf32, #tpu.memory_space<vmem>>[vector<16xi32>], vector<16xf32>,
        %broadcast_in_dim3A_2426 = arith.constant 12 : i32
        %broadcast_in_dim3A_2427 = vector.broadcast %broadcast_in_dim3A_2426 : i32 to vector<16xi32>
        %gather3A_2428 = tpu.vector_load_idx %arg11[%get3A_2353, %broadcast_in_dim3A_2427] : memref<1024x16xf32, #tpu.memory_space<vmem>>[vector<16xi32>, vector<16xi32>], vector<16xf32>,
        %add3A_2429 = arith.constant 92 : i32
        %add3A_2430 = vector.broadcast %add3A_2429 : i32 to vector<16xi32>
        %add3A_2431 = arith.addi %mul3A_2049, %add3A_2430 : vector<16xi32>
        tpu.vector_store_idx %arg15[%add3A_2431], %gather3A_2428 : memref<19584xf32, #tpu.memory_space<vmem>>[vector<16xi32>], vector<16xf32>,
        %broadcast_in_dim3A_2432 = arith.constant 13 : i32
        %broadcast_in_dim3A_2433 = vector.broadcast %broadcast_in_dim3A_2432 : i32 to vector<16xi32>
        %gather3A_2434 = tpu.vector_load_idx %arg11[%get3A_2353, %broadcast_in_dim3A_2433] : memref<1024x16xf32, #tpu.memory_space<vmem>>[vector<16xi32>, vector<16xi32>], vector<16xf32>,
        %add3A_2435 = arith.constant 93 : i32
        %add3A_2436 = vector.broadcast %add3A_2435 : i32 to vector<16xi32>
        %add3A_2437 = arith.addi %mul3A_2049, %add3A_2436 : vector<16xi32>
        tpu.vector_store_idx %arg15[%add3A_2437], %gather3A_2434 : memref<19584xf32, #tpu.memory_space<vmem>>[vector<16xi32>], vector<16xf32>,
        %broadcast_in_dim3A_2438 = arith.constant 14 : i32
        %broadcast_in_dim3A_2439 = vector.broadcast %broadcast_in_dim3A_2438 : i32 to vector<16xi32>
        %gather3A_2440 = tpu.vector_load_idx %arg11[%get3A_2353, %broadcast_in_dim3A_2439] : memref<1024x16xf32, #tpu.memory_space<vmem>>[vector<16xi32>, vector<16xi32>], vector<16xf32>,
        %add3A_2441 = arith.constant 94 : i32
        %add3A_2442 = vector.broadcast %add3A_2441 : i32 to vector<16xi32>
        %add3A_2443 = arith.addi %mul3A_2049, %add3A_2442 : vector<16xi32>
        tpu.vector_store_idx %arg15[%add3A_2443], %gather3A_2440 : memref<19584xf32, #tpu.memory_space<vmem>>[vector<16xi32>], vector<16xf32>,
        %broadcast_in_dim3A_2444 = arith.constant 15 : i32
        %broadcast_in_dim3A_2445 = vector.broadcast %broadcast_in_dim3A_2444 : i32 to vector<16xi32>
        %gather3A_2446 = tpu.vector_load_idx %arg11[%get3A_2353, %broadcast_in_dim3A_2445] : memref<1024x16xf32, #tpu.memory_space<vmem>>[vector<16xi32>, vector<16xi32>], vector<16xf32>,
        %add3A_2447 = arith.constant 95 : i32
        %add3A_2448 = vector.broadcast %add3A_2447 : i32 to vector<16xi32>
        %add3A_2449 = arith.addi %mul3A_2049, %add3A_2448 : vector<16xi32>
        tpu.vector_store_idx %arg15[%add3A_2449], %gather3A_2446 : memref<19584xf32, #tpu.memory_space<vmem>>[vector<16xi32>], vector<16xf32>,
        %mul3A_2450 = arith.constant 16 : i32
        %mul3A_2451 = arith.muli %scan3A_2042, %mul3A_2450 : i32
        %get3A_2452 = arith.index_cast %mul3A_2451 : i32 to index
        %get3A_2453 = tpu.vector_load %arg22[%get3A_2452] {strides = array<i32>} : memref<128xi32, #tpu.memory_space<vmem>>, vector<16xi32>,
        %broadcast_in_dim3A_2454 = arith.constant 0 : i32
        %broadcast_in_dim3A_2455 = vector.broadcast %broadcast_in_dim3A_2454 : i32 to vector<16xi32>
        %gather3A_2456 = tpu.vector_load_idx %arg11[%get3A_2453, %broadcast_in_dim3A_2455] : memref<1024x16xf32, #tpu.memory_space<vmem>>[vector<16xi32>, vector<16xi32>], vector<16xf32>,
        %add3A_2457 = arith.constant 96 : i32
        %add3A_2458 = vector.broadcast %add3A_2457 : i32 to vector<16xi32>
        %add3A_2459 = arith.addi %mul3A_2049, %add3A_2458 : vector<16xi32>
        tpu.vector_store_idx %arg15[%add3A_2459], %gather3A_2456 : memref<19584xf32, #tpu.memory_space<vmem>>[vector<16xi32>], vector<16xf32>,
        %broadcast_in_dim3A_2460 = arith.constant 1 : i32
        %broadcast_in_dim3A_2461 = vector.broadcast %broadcast_in_dim3A_2460 : i32 to vector<16xi32>
        %gather3A_2462 = tpu.vector_load_idx %arg11[%get3A_2453, %broadcast_in_dim3A_2461] : memref<1024x16xf32, #tpu.memory_space<vmem>>[vector<16xi32>, vector<16xi32>], vector<16xf32>,
        %add3A_2463 = arith.constant 97 : i32
        %add3A_2464 = vector.broadcast %add3A_2463 : i32 to vector<16xi32>
        %add3A_2465 = arith.addi %mul3A_2049, %add3A_2464 : vector<16xi32>
        tpu.vector_store_idx %arg15[%add3A_2465], %gather3A_2462 : memref<19584xf32, #tpu.memory_space<vmem>>[vector<16xi32>], vector<16xf32>,
        %broadcast_in_dim3A_2466 = arith.constant 2 : i32
        %broadcast_in_dim3A_2467 = vector.broadcast %broadcast_in_dim3A_2466 : i32 to vector<16xi32>
        %gather3A_2468 = tpu.vector_load_idx %arg11[%get3A_2453, %broadcast_in_dim3A_2467] : memref<1024x16xf32, #tpu.memory_space<vmem>>[vector<16xi32>, vector<16xi32>], vector<16xf32>,
        %add3A_2469 = arith.constant 98 : i32
        %add3A_2470 = vector.broadcast %add3A_2469 : i32 to vector<16xi32>
        %add3A_2471 = arith.addi %mul3A_2049, %add3A_2470 : vector<16xi32>
        tpu.vector_store_idx %arg15[%add3A_2471], %gather3A_2468 : memref<19584xf32, #tpu.memory_space<vmem>>[vector<16xi32>], vector<16xf32>,
        %broadcast_in_dim3A_2472 = arith.constant 3 : i32
        %broadcast_in_dim3A_2473 = vector.broadcast %broadcast_in_dim3A_2472 : i32 to vector<16xi32>
        %gather3A_2474 = tpu.vector_load_idx %arg11[%get3A_2453, %broadcast_in_dim3A_2473] : memref<1024x16xf32, #tpu.memory_space<vmem>>[vector<16xi32>, vector<16xi32>], vector<16xf32>,
        %add3A_2475 = arith.constant 99 : i32
        %add3A_2476 = vector.broadcast %add3A_2475 : i32 to vector<16xi32>
        %add3A_2477 = arith.addi %mul3A_2049, %add3A_2476 : vector<16xi32>
        tpu.vector_store_idx %arg15[%add3A_2477], %gather3A_2474 : memref<19584xf32, #tpu.memory_space<vmem>>[vector<16xi32>], vector<16xf32>,
        %broadcast_in_dim3A_2478 = arith.constant 4 : i32
        %broadcast_in_dim3A_2479 = vector.broadcast %broadcast_in_dim3A_2478 : i32 to vector<16xi32>
        %gather3A_2480 = tpu.vector_load_idx %arg11[%get3A_2453, %broadcast_in_dim3A_2479] : memref<1024x16xf32, #tpu.memory_space<vmem>>[vector<16xi32>, vector<16xi32>], vector<16xf32>,
        %add3A_2481 = arith.constant 100 : i32
        %add3A_2482 = vector.broadcast %add3A_2481 : i32 to vector<16xi32>
        %add3A_2483 = arith.addi %mul3A_2049, %add3A_2482 : vector<16xi32>
        tpu.vector_store_idx %arg15[%add3A_2483], %gather3A_2480 : memref<19584xf32, #tpu.memory_space<vmem>>[vector<16xi32>], vector<16xf32>,
        %broadcast_in_dim3A_2484 = arith.constant 5 : i32
        %broadcast_in_dim3A_2485 = vector.broadcast %broadcast_in_dim3A_2484 : i32 to vector<16xi32>
        %gather3A_2486 = tpu.vector_load_idx %arg11[%get3A_2453, %broadcast_in_dim3A_2485] : memref<1024x16xf32, #tpu.memory_space<vmem>>[vector<16xi32>, vector<16xi32>], vector<16xf32>,
        %add3A_2487 = arith.constant 101 : i32
        %add3A_2488 = vector.broadcast %add3A_2487 : i32 to vector<16xi32>
        %add3A_2489 = arith.addi %mul3A_2049, %add3A_2488 : vector<16xi32>
        tpu.vector_store_idx %arg15[%add3A_2489], %gather3A_2486 : memref<19584xf32, #tpu.memory_space<vmem>>[vector<16xi32>], vector<16xf32>,
        %broadcast_in_dim3A_2490 = arith.constant 6 : i32
        %broadcast_in_dim3A_2491 = vector.broadcast %broadcast_in_dim3A_2490 : i32 to vector<16xi32>
        %gather3A_2492 = tpu.vector_load_idx %arg11[%get3A_2453, %broadcast_in_dim3A_2491] : memref<1024x16xf32, #tpu.memory_space<vmem>>[vector<16xi32>, vector<16xi32>], vector<16xf32>,
        %add3A_2493 = arith.constant 102 : i32
        %add3A_2494 = vector.broadcast %add3A_2493 : i32 to vector<16xi32>
        %add3A_2495 = arith.addi %mul3A_2049, %add3A_2494 : vector<16xi32>
        tpu.vector_store_idx %arg15[%add3A_2495], %gather3A_2492 : memref<19584xf32, #tpu.memory_space<vmem>>[vector<16xi32>], vector<16xf32>,
        %broadcast_in_dim3A_2496 = arith.constant 7 : i32
        %broadcast_in_dim3A_2497 = vector.broadcast %broadcast_in_dim3A_2496 : i32 to vector<16xi32>
        %gather3A_2498 = tpu.vector_load_idx %arg11[%get3A_2453, %broadcast_in_dim3A_2497] : memref<1024x16xf32, #tpu.memory_space<vmem>>[vector<16xi32>, vector<16xi32>], vector<16xf32>,
        %add3A_2499 = arith.constant 103 : i32
        %add3A_2500 = vector.broadcast %add3A_2499 : i32 to vector<16xi32>
        %add3A_2501 = arith.addi %mul3A_2049, %add3A_2500 : vector<16xi32>
        tpu.vector_store_idx %arg15[%add3A_2501], %gather3A_2498 : memref<19584xf32, #tpu.memory_space<vmem>>[vector<16xi32>], vector<16xf32>,
        %broadcast_in_dim3A_2502 = arith.constant 8 : i32
        %broadcast_in_dim3A_2503 = vector.broadcast %broadcast_in_dim3A_2502 : i32 to vector<16xi32>
        %gather3A_2504 = tpu.vector_load_idx %arg11[%get3A_2453, %broadcast_in_dim3A_2503] : memref<1024x16xf32, #tpu.memory_space<vmem>>[vector<16xi32>, vector<16xi32>], vector<16xf32>,
        %add3A_2505 = arith.constant 104 : i32
        %add3A_2506 = vector.broadcast %add3A_2505 : i32 to vector<16xi32>
        %add3A_2507 = arith.addi %mul3A_2049, %add3A_2506 : vector<16xi32>
        tpu.vector_store_idx %arg15[%add3A_2507], %gather3A_2504 : memref<19584xf32, #tpu.memory_space<vmem>>[vector<16xi32>], vector<16xf32>,
        %broadcast_in_dim3A_2508 = arith.constant 9 : i32
        %broadcast_in_dim3A_2509 = vector.broadcast %broadcast_in_dim3A_2508 : i32 to vector<16xi32>
        %gather3A_2510 = tpu.vector_load_idx %arg11[%get3A_2453, %broadcast_in_dim3A_2509] : memref<1024x16xf32, #tpu.memory_space<vmem>>[vector<16xi32>, vector<16xi32>], vector<16xf32>,
        %add3A_2511 = arith.constant 105 : i32
        %add3A_2512 = vector.broadcast %add3A_2511 : i32 to vector<16xi32>
        %add3A_2513 = arith.addi %mul3A_2049, %add3A_2512 : vector<16xi32>
        tpu.vector_store_idx %arg15[%add3A_2513], %gather3A_2510 : memref<19584xf32, #tpu.memory_space<vmem>>[vector<16xi32>], vector<16xf32>,
        %broadcast_in_dim3A_2514 = arith.constant 10 : i32
        %broadcast_in_dim3A_2515 = vector.broadcast %broadcast_in_dim3A_2514 : i32 to vector<16xi32>
        %gather3A_2516 = tpu.vector_load_idx %arg11[%get3A_2453, %broadcast_in_dim3A_2515] : memref<1024x16xf32, #tpu.memory_space<vmem>>[vector<16xi32>, vector<16xi32>], vector<16xf32>,
        %add3A_2517 = arith.constant 106 : i32
        %add3A_2518 = vector.broadcast %add3A_2517 : i32 to vector<16xi32>
        %add3A_2519 = arith.addi %mul3A_2049, %add3A_2518 : vector<16xi32>
        tpu.vector_store_idx %arg15[%add3A_2519], %gather3A_2516 : memref<19584xf32, #tpu.memory_space<vmem>>[vector<16xi32>], vector<16xf32>,
        %broadcast_in_dim3A_2520 = arith.constant 11 : i32
        %broadcast_in_dim3A_2521 = vector.broadcast %broadcast_in_dim3A_2520 : i32 to vector<16xi32>
        %gather3A_2522 = tpu.vector_load_idx %arg11[%get3A_2453, %broadcast_in_dim3A_2521] : memref<1024x16xf32, #tpu.memory_space<vmem>>[vector<16xi32>, vector<16xi32>], vector<16xf32>,
        %add3A_2523 = arith.constant 107 : i32
        %add3A_2524 = vector.broadcast %add3A_2523 : i32 to vector<16xi32>
        %add3A_2525 = arith.addi %mul3A_2049, %add3A_2524 : vector<16xi32>
        tpu.vector_store_idx %arg15[%add3A_2525], %gather3A_2522 : memref<19584xf32, #tpu.memory_space<vmem>>[vector<16xi32>], vector<16xf32>,
        %broadcast_in_dim3A_2526 = arith.constant 12 : i32
        %broadcast_in_dim3A_2527 = vector.broadcast %broadcast_in_dim3A_2526 : i32 to vector<16xi32>
        %gather3A_2528 = tpu.vector_load_idx %arg11[%get3A_2453, %broadcast_in_dim3A_2527] : memref<1024x16xf32, #tpu.memory_space<vmem>>[vector<16xi32>, vector<16xi32>], vector<16xf32>,
        %add3A_2529 = arith.constant 108 : i32
        %add3A_2530 = vector.broadcast %add3A_2529 : i32 to vector<16xi32>
        %add3A_2531 = arith.addi %mul3A_2049, %add3A_2530 : vector<16xi32>
        tpu.vector_store_idx %arg15[%add3A_2531], %gather3A_2528 : memref<19584xf32, #tpu.memory_space<vmem>>[vector<16xi32>], vector<16xf32>,
        %broadcast_in_dim3A_2532 = arith.constant 13 : i32
        %broadcast_in_dim3A_2533 = vector.broadcast %broadcast_in_dim3A_2532 : i32 to vector<16xi32>
        %gather3A_2534 = tpu.vector_load_idx %arg11[%get3A_2453, %broadcast_in_dim3A_2533] : memref<1024x16xf32, #tpu.memory_space<vmem>>[vector<16xi32>, vector<16xi32>], vector<16xf32>,
        %add3A_2535 = arith.constant 109 : i32
        %add3A_2536 = vector.broadcast %add3A_2535 : i32 to vector<16xi32>
        %add3A_2537 = arith.addi %mul3A_2049, %add3A_2536 : vector<16xi32>
        tpu.vector_store_idx %arg15[%add3A_2537], %gather3A_2534 : memref<19584xf32, #tpu.memory_space<vmem>>[vector<16xi32>], vector<16xf32>,
        %broadcast_in_dim3A_2538 = arith.constant 14 : i32
        %broadcast_in_dim3A_2539 = vector.broadcast %broadcast_in_dim3A_2538 : i32 to vector<16xi32>
        %gather3A_2540 = tpu.vector_load_idx %arg11[%get3A_2453, %broadcast_in_dim3A_2539] : memref<1024x16xf32, #tpu.memory_space<vmem>>[vector<16xi32>, vector<16xi32>], vector<16xf32>,
        %add3A_2541 = arith.constant 110 : i32
        %add3A_2542 = vector.broadcast %add3A_2541 : i32 to vector<16xi32>
        %add3A_2543 = arith.addi %mul3A_2049, %add3A_2542 : vector<16xi32>
        tpu.vector_store_idx %arg15[%add3A_2543], %gather3A_2540 : memref<19584xf32, #tpu.memory_space<vmem>>[vector<16xi32>], vector<16xf32>,
        %broadcast_in_dim3A_2544 = arith.constant 15 : i32
        %broadcast_in_dim3A_2545 = vector.broadcast %broadcast_in_dim3A_2544 : i32 to vector<16xi32>
        %gather3A_2546 = tpu.vector_load_idx %arg11[%get3A_2453, %broadcast_in_dim3A_2545] : memref<1024x16xf32, #tpu.memory_space<vmem>>[vector<16xi32>, vector<16xi32>], vector<16xf32>,
        %add3A_2547 = arith.constant 111 : i32
        %add3A_2548 = vector.broadcast %add3A_2547 : i32 to vector<16xi32>
        %add3A_2549 = arith.addi %mul3A_2049, %add3A_2548 : vector<16xi32>
        tpu.vector_store_idx %arg15[%add3A_2549], %gather3A_2546 : memref<19584xf32, #tpu.memory_space<vmem>>[vector<16xi32>], vector<16xf32>,
        %mul3A_2550 = arith.constant 16 : i32
        %mul3A_2551 = arith.muli %scan3A_2042, %mul3A_2550 : i32
        %get3A_2552 = arith.index_cast %mul3A_2551 : i32 to index
        %get3A_2553 = tpu.vector_load %arg23[%get3A_2552] {strides = array<i32>} : memref<128xi32, #tpu.memory_space<vmem>>, vector<16xi32>,
        %broadcast_in_dim3A_2554 = arith.constant 0 : i32
        %broadcast_in_dim3A_2555 = vector.broadcast %broadcast_in_dim3A_2554 : i32 to vector<16xi32>
        %gather3A_2556 = tpu.vector_load_idx %arg11[%get3A_2553, %broadcast_in_dim3A_2555] : memref<1024x16xf32, #tpu.memory_space<vmem>>[vector<16xi32>, vector<16xi32>], vector<16xf32>,
        %add3A_2557 = arith.constant 112 : i32
        %add3A_2558 = vector.broadcast %add3A_2557 : i32 to vector<16xi32>
        %add3A_2559 = arith.addi %mul3A_2049, %add3A_2558 : vector<16xi32>
        tpu.vector_store_idx %arg15[%add3A_2559], %gather3A_2556 : memref<19584xf32, #tpu.memory_space<vmem>>[vector<16xi32>], vector<16xf32>,
        %broadcast_in_dim3A_2560 = arith.constant 1 : i32
        %broadcast_in_dim3A_2561 = vector.broadcast %broadcast_in_dim3A_2560 : i32 to vector<16xi32>
        %gather3A_2562 = tpu.vector_load_idx %arg11[%get3A_2553, %broadcast_in_dim3A_2561] : memref<1024x16xf32, #tpu.memory_space<vmem>>[vector<16xi32>, vector<16xi32>], vector<16xf32>,
        %add3A_2563 = arith.constant 113 : i32
        %add3A_2564 = vector.broadcast %add3A_2563 : i32 to vector<16xi32>
        %add3A_2565 = arith.addi %mul3A_2049, %add3A_2564 : vector<16xi32>
        tpu.vector_store_idx %arg15[%add3A_2565], %gather3A_2562 : memref<19584xf32, #tpu.memory_space<vmem>>[vector<16xi32>], vector<16xf32>,
        %broadcast_in_dim3A_2566 = arith.constant 2 : i32
        %broadcast_in_dim3A_2567 = vector.broadcast %broadcast_in_dim3A_2566 : i32 to vector<16xi32>
        %gather3A_2568 = tpu.vector_load_idx %arg11[%get3A_2553, %broadcast_in_dim3A_2567] : memref<1024x16xf32, #tpu.memory_space<vmem>>[vector<16xi32>, vector<16xi32>], vector<16xf32>,
        %add3A_2569 = arith.constant 114 : i32
        %add3A_2570 = vector.broadcast %add3A_2569 : i32 to vector<16xi32>
        %add3A_2571 = arith.addi %mul3A_2049, %add3A_2570 : vector<16xi32>
        tpu.vector_store_idx %arg15[%add3A_2571], %gather3A_2568 : memref<19584xf32, #tpu.memory_space<vmem>>[vector<16xi32>], vector<16xf32>,
        %broadcast_in_dim3A_2572 = arith.constant 3 : i32
        %broadcast_in_dim3A_2573 = vector.broadcast %broadcast_in_dim3A_2572 : i32 to vector<16xi32>
        %gather3A_2574 = tpu.vector_load_idx %arg11[%get3A_2553, %broadcast_in_dim3A_2573] : memref<1024x16xf32, #tpu.memory_space<vmem>>[vector<16xi32>, vector<16xi32>], vector<16xf32>,
        %add3A_2575 = arith.constant 115 : i32
        %add3A_2576 = vector.broadcast %add3A_2575 : i32 to vector<16xi32>
        %add3A_2577 = arith.addi %mul3A_2049, %add3A_2576 : vector<16xi32>
        tpu.vector_store_idx %arg15[%add3A_2577], %gather3A_2574 : memref<19584xf32, #tpu.memory_space<vmem>>[vector<16xi32>], vector<16xf32>,
        %broadcast_in_dim3A_2578 = arith.constant 4 : i32
        %broadcast_in_dim3A_2579 = vector.broadcast %broadcast_in_dim3A_2578 : i32 to vector<16xi32>
        %gather3A_2580 = tpu.vector_load_idx %arg11[%get3A_2553, %broadcast_in_dim3A_2579] : memref<1024x16xf32, #tpu.memory_space<vmem>>[vector<16xi32>, vector<16xi32>], vector<16xf32>,
        %add3A_2581 = arith.constant 116 : i32
        %add3A_2582 = vector.broadcast %add3A_2581 : i32 to vector<16xi32>
        %add3A_2583 = arith.addi %mul3A_2049, %add3A_2582 : vector<16xi32>
        tpu.vector_store_idx %arg15[%add3A_2583], %gather3A_2580 : memref<19584xf32, #tpu.memory_space<vmem>>[vector<16xi32>], vector<16xf32>,
        %broadcast_in_dim3A_2584 = arith.constant 5 : i32
        %broadcast_in_dim3A_2585 = vector.broadcast %broadcast_in_dim3A_2584 : i32 to vector<16xi32>
        %gather3A_2586 = tpu.vector_load_idx %arg11[%get3A_2553, %broadcast_in_dim3A_2585] : memref<1024x16xf32, #tpu.memory_space<vmem>>[vector<16xi32>, vector<16xi32>], vector<16xf32>,
        %add3A_2587 = arith.constant 117 : i32
        %add3A_2588 = vector.broadcast %add3A_2587 : i32 to vector<16xi32>
        %add3A_2589 = arith.addi %mul3A_2049, %add3A_2588 : vector<16xi32>
        tpu.vector_store_idx %arg15[%add3A_2589], %gather3A_2586 : memref<19584xf32, #tpu.memory_space<vmem>>[vector<16xi32>], vector<16xf32>,
        %broadcast_in_dim3A_2590 = arith.constant 6 : i32
        %broadcast_in_dim3A_2591 = vector.broadcast %broadcast_in_dim3A_2590 : i32 to vector<16xi32>
        %gather3A_2592 = tpu.vector_load_idx %arg11[%get3A_2553, %broadcast_in_dim3A_2591] : memref<1024x16xf32, #tpu.memory_space<vmem>>[vector<16xi32>, vector<16xi32>], vector<16xf32>,
        %add3A_2593 = arith.constant 118 : i32
        %add3A_2594 = vector.broadcast %add3A_2593 : i32 to vector<16xi32>
        %add3A_2595 = arith.addi %mul3A_2049, %add3A_2594 : vector<16xi32>
        tpu.vector_store_idx %arg15[%add3A_2595], %gather3A_2592 : memref<19584xf32, #tpu.memory_space<vmem>>[vector<16xi32>], vector<16xf32>,
        %broadcast_in_dim3A_2596 = arith.constant 7 : i32
        %broadcast_in_dim3A_2597 = vector.broadcast %broadcast_in_dim3A_2596 : i32 to vector<16xi32>
        %gather3A_2598 = tpu.vector_load_idx %arg11[%get3A_2553, %broadcast_in_dim3A_2597] : memref<1024x16xf32, #tpu.memory_space<vmem>>[vector<16xi32>, vector<16xi32>], vector<16xf32>,
        %add3A_2599 = arith.constant 119 : i32
        %add3A_2600 = vector.broadcast %add3A_2599 : i32 to vector<16xi32>
        %add3A_2601 = arith.addi %mul3A_2049, %add3A_2600 : vector<16xi32>
        tpu.vector_store_idx %arg15[%add3A_2601], %gather3A_2598 : memref<19584xf32, #tpu.memory_space<vmem>>[vector<16xi32>], vector<16xf32>,
        %broadcast_in_dim3A_2602 = arith.constant 8 : i32
        %broadcast_in_dim3A_2603 = vector.broadcast %broadcast_in_dim3A_2602 : i32 to vector<16xi32>
        %gather3A_2604 = tpu.vector_load_idx %arg11[%get3A_2553, %broadcast_in_dim3A_2603] : memref<1024x16xf32, #tpu.memory_space<vmem>>[vector<16xi32>, vector<16xi32>], vector<16xf32>,
        %add3A_2605 = arith.constant 120 : i32
        %add3A_2606 = vector.broadcast %add3A_2605 : i32 to vector<16xi32>
        %add3A_2607 = arith.addi %mul3A_2049, %add3A_2606 : vector<16xi32>
        tpu.vector_store_idx %arg15[%add3A_2607], %gather3A_2604 : memref<19584xf32, #tpu.memory_space<vmem>>[vector<16xi32>], vector<16xf32>,
        %broadcast_in_dim3A_2608 = arith.constant 9 : i32
        %broadcast_in_dim3A_2609 = vector.broadcast %broadcast_in_dim3A_2608 : i32 to vector<16xi32>
        %gather3A_2610 = tpu.vector_load_idx %arg11[%get3A_2553, %broadcast_in_dim3A_2609] : memref<1024x16xf32, #tpu.memory_space<vmem>>[vector<16xi32>, vector<16xi32>], vector<16xf32>,
        %add3A_2611 = arith.constant 121 : i32
        %add3A_2612 = vector.broadcast %add3A_2611 : i32 to vector<16xi32>
        %add3A_2613 = arith.addi %mul3A_2049, %add3A_2612 : vector<16xi32>
        tpu.vector_store_idx %arg15[%add3A_2613], %gather3A_2610 : memref<19584xf32, #tpu.memory_space<vmem>>[vector<16xi32>], vector<16xf32>,
        %broadcast_in_dim3A_2614 = arith.constant 10 : i32
        %broadcast_in_dim3A_2615 = vector.broadcast %broadcast_in_dim3A_2614 : i32 to vector<16xi32>
        %gather3A_2616 = tpu.vector_load_idx %arg11[%get3A_2553, %broadcast_in_dim3A_2615] : memref<1024x16xf32, #tpu.memory_space<vmem>>[vector<16xi32>, vector<16xi32>], vector<16xf32>,
        %add3A_2617 = arith.constant 122 : i32
        %add3A_2618 = vector.broadcast %add3A_2617 : i32 to vector<16xi32>
        %add3A_2619 = arith.addi %mul3A_2049, %add3A_2618 : vector<16xi32>
        tpu.vector_store_idx %arg15[%add3A_2619], %gather3A_2616 : memref<19584xf32, #tpu.memory_space<vmem>>[vector<16xi32>], vector<16xf32>,
        %broadcast_in_dim3A_2620 = arith.constant 11 : i32
        %broadcast_in_dim3A_2621 = vector.broadcast %broadcast_in_dim3A_2620 : i32 to vector<16xi32>
        %gather3A_2622 = tpu.vector_load_idx %arg11[%get3A_2553, %broadcast_in_dim3A_2621] : memref<1024x16xf32, #tpu.memory_space<vmem>>[vector<16xi32>, vector<16xi32>], vector<16xf32>,
        %add3A_2623 = arith.constant 123 : i32
        %add3A_2624 = vector.broadcast %add3A_2623 : i32 to vector<16xi32>
        %add3A_2625 = arith.addi %mul3A_2049, %add3A_2624 : vector<16xi32>
        tpu.vector_store_idx %arg15[%add3A_2625], %gather3A_2622 : memref<19584xf32, #tpu.memory_space<vmem>>[vector<16xi32>], vector<16xf32>,
        %broadcast_in_dim3A_2626 = arith.constant 12 : i32
        %broadcast_in_dim3A_2627 = vector.broadcast %broadcast_in_dim3A_2626 : i32 to vector<16xi32>
        %gather3A_2628 = tpu.vector_load_idx %arg11[%get3A_2553, %broadcast_in_dim3A_2627] : memref<1024x16xf32, #tpu.memory_space<vmem>>[vector<16xi32>, vector<16xi32>], vector<16xf32>,
        %add3A_2629 = arith.constant 124 : i32
        %add3A_2630 = vector.broadcast %add3A_2629 : i32 to vector<16xi32>
        %add3A_2631 = arith.addi %mul3A_2049, %add3A_2630 : vector<16xi32>
        tpu.vector_store_idx %arg15[%add3A_2631], %gather3A_2628 : memref<19584xf32, #tpu.memory_space<vmem>>[vector<16xi32>], vector<16xf32>,
        %broadcast_in_dim3A_2632 = arith.constant 13 : i32
        %broadcast_in_dim3A_2633 = vector.broadcast %broadcast_in_dim3A_2632 : i32 to vector<16xi32>
        %gather3A_2634 = tpu.vector_load_idx %arg11[%get3A_2553, %broadcast_in_dim3A_2633] : memref<1024x16xf32, #tpu.memory_space<vmem>>[vector<16xi32>, vector<16xi32>], vector<16xf32>,
        %add3A_2635 = arith.constant 125 : i32
        %add3A_2636 = vector.broadcast %add3A_2635 : i32 to vector<16xi32>
        %add3A_2637 = arith.addi %mul3A_2049, %add3A_2636 : vector<16xi32>
        tpu.vector_store_idx %arg15[%add3A_2637], %gather3A_2634 : memref<19584xf32, #tpu.memory_space<vmem>>[vector<16xi32>], vector<16xf32>,
        %broadcast_in_dim3A_2638 = arith.constant 14 : i32
        %broadcast_in_dim3A_2639 = vector.broadcast %broadcast_in_dim3A_2638 : i32 to vector<16xi32>
        %gather3A_2640 = tpu.vector_load_idx %arg11[%get3A_2553, %broadcast_in_dim3A_2639] : memref<1024x16xf32, #tpu.memory_space<vmem>>[vector<16xi32>, vector<16xi32>], vector<16xf32>,
        %add3A_2641 = arith.constant 126 : i32
        %add3A_2642 = vector.broadcast %add3A_2641 : i32 to vector<16xi32>
        %add3A_2643 = arith.addi %mul3A_2049, %add3A_2642 : vector<16xi32>
        tpu.vector_store_idx %arg15[%add3A_2643], %gather3A_2640 : memref<19584xf32, #tpu.memory_space<vmem>>[vector<16xi32>], vector<16xf32>,
        %broadcast_in_dim3A_2644 = arith.constant 15 : i32
        %broadcast_in_dim3A_2645 = vector.broadcast %broadcast_in_dim3A_2644 : i32 to vector<16xi32>
        %gather3A_2646 = tpu.vector_load_idx %arg11[%get3A_2553, %broadcast_in_dim3A_2645] : memref<1024x16xf32, #tpu.memory_space<vmem>>[vector<16xi32>, vector<16xi32>], vector<16xf32>,
        %add3A_2647 = arith.constant 127 : i32
        %add3A_2648 = vector.broadcast %add3A_2647 : i32 to vector<16xi32>
        %add3A_2649 = arith.addi %mul3A_2049, %add3A_2648 : vector<16xi32>
        tpu.vector_store_idx %arg15[%add3A_2649], %gather3A_2646 : memref<19584xf32, #tpu.memory_space<vmem>>[vector<16xi32>], vector<16xf32>,
      }
      %scan3A_1023 = arith.constant 8 : i32
      %dma_wait3A_1024 = arith.constant 0 : i32
      %dma_wait3A_1025 = arith.constant 0 : i32
      %dma_wait3A_1026 = tpu.memref_slice %arg25[%dma_wait3A_1024, %dma_wait3A_1025] : memref<2048x32xf32, #tpu.memory_space<vmem_shared>> -> memref<2048x32xf32, #tpu.memory_space<vmem_shared>>
      tpu.wait_indirect_dma semaphore(%arg30 : memref<!tpu.dma_semaphore, #tpu.memory_space<semaphore_mem>>) src(%dma_wait3A_1026 : memref<2048x32xf32, #tpu.memory_space<vmem_shared>>) dst(%arg14 : memref<128x32xf32, #tpu.memory_space<vmem>>)
      %scan3A_1027 = arith.constant 0 : i32
      %scan3A_1028 = arith.constant 0 : i32
      %scan3A_1029 = arith.constant 128 : i32
      %scan3A_1030 = arith.addi %scan3A_1028, %scan3A_1029 : i32
      %scan3A_1031 = arith.constant 4 : i32
      scf.for %scan3A_2042 = %scan3A_1028 to %scan3A_1030 step %scan3A_1031  : i32 {
        %mul3A_2043 = arith.constant 153 : i32
        %mul3A_2044 = arith.muli %scan3A_2042, %mul3A_2043 : i32
        %mul3A_2045 = arith.constant 32 : i32
        %mul3A_2046 = arith.muli %scan3A_2042, %mul3A_2045 : i32
        %get3A_2047 = arith.index_cast %scan3A_2042 : i32 to index
        %get3A_2048 = arith.constant 0 : index
        %get3A_2049 = tpu.vector_load %arg14[%get3A_2047, %get3A_2048] {strides = array<i32>} : memref<128x32xf32, #tpu.memory_space<vmem>>, vector<16xf32>,
        %swap3A_2050 = arith.index_cast %mul3A_2044 : i32 to index
        %swap3A_2051 = tpu.vector_load %arg15[%swap3A_2050] {strides = array<i32>} : memref<19584xf32, #tpu.memory_space<vmem>>, vector<16xf32>,
        tpu.vector_store %arg15[%swap3A_2050], %get3A_2049 {strides = array<i32>} : memref<19584xf32, #tpu.memory_space<vmem>>, vector<16xf32>,
        %get3A_2052 = arith.index_cast %scan3A_2042 : i32 to index
        %get3A_2053 = arith.constant 16 : index
        %get3A_2054 = tpu.vector_load %arg14[%get3A_2052, %get3A_2053] {strides = array<i32>} : memref<128x32xf32, #tpu.memory_space<vmem>>, vector<16xf32>,
        %add3A_2055 = arith.constant 16 : i32
        %add3A_2056 = arith.addi %mul3A_2044, %add3A_2055 : i32
        %swap3A_2057 = arith.index_cast %add3A_2056 : i32 to index
        %swap3A_2058 = tpu.vector_load %arg15[%swap3A_2057] {strides = array<i32>} : memref<19584xf32, #tpu.memory_space<vmem>>, vector<16xf32>,
        tpu.vector_store %arg15[%swap3A_2057], %get3A_2054 {strides = array<i32>} : memref<19584xf32, #tpu.memory_space<vmem>>, vector<16xf32>,
        %add3A_2059 = arith.constant 7 : i32
        %add3A_2060 = arith.addi %mul3A_2046, %add3A_2059 : i32
        %get3A_2061 = arith.index_cast %add3A_2060 : i32 to index
        %get3A_2062 = tpu.vector_load %arg12[%get3A_2061] {strides = array<i32>} : memref<4096xf32, #tpu.memory_space<vmem>>, vector<16xf32>,
        %add3A_2063 = arith.addf %get3A_2062, %get3A_15 : vector<16xf32>
        %add3A_2064 = arith.constant 128 : i32
        %add3A_2065 = arith.addi %mul3A_2044, %add3A_2064 : i32
        %swap3A_2066 = arith.index_cast %add3A_2065 : i32 to index
        %swap3A_2067 = tpu.vector_load %arg15[%swap3A_2066] {strides = array<i32>} : memref<19584xf32, #tpu.memory_space<vmem>>, vector<16xf32>,
        tpu.vector_store %arg15[%swap3A_2066], %add3A_2063 {strides = array<i32>} : memref<19584xf32, #tpu.memory_space<vmem>>, vector<16xf32>,
        %add3A_2068 = arith.constant 16 : i32
        %add3A_2069 = arith.addi %mul3A_2046, %add3A_2068 : i32
        %get3A_2070 = arith.index_cast %add3A_2069 : i32 to index
        %get3A_2071 = tpu.vector_load %arg12[%get3A_2070] {strides = array<i32>} : memref<4096xf32, #tpu.memory_space<vmem>>, vector<16xf32>,
        %add3A_2072 = arith.addf %get3A_2071, %get3A_15 : vector<16xf32>
        %add3A_2073 = arith.constant 137 : i32
        %add3A_2074 = arith.addi %mul3A_2044, %add3A_2073 : i32
        %swap3A_2075 = arith.index_cast %add3A_2074 : i32 to index
        %swap3A_2076 = tpu.vector_load %arg15[%swap3A_2075] {strides = array<i32>} : memref<19584xf32, #tpu.memory_space<vmem>>, vector<16xf32>,
        tpu.vector_store %arg15[%swap3A_2075], %add3A_2072 {strides = array<i32>} : memref<19584xf32, #tpu.memory_space<vmem>>, vector<16xf32>,
        %scan3A_2077 = arith.constant 1 : i32
        %scan3A_2078 = arith.addi %scan3A_2042, %scan3A_2077 : i32
        %mul3A_2079 = arith.constant 153 : i32
        %mul3A_2080 = arith.muli %scan3A_2078, %mul3A_2079 : i32
        %mul3A_2081 = arith.constant 32 : i32
        %mul3A_2082 = arith.muli %scan3A_2078, %mul3A_2081 : i32
        %get3A_2083 = arith.index_cast %scan3A_2078 : i32 to index
        %get3A_2084 = arith.constant 0 : index
        %get3A_2085 = tpu.vector_load %arg14[%get3A_2083, %get3A_2084] {strides = array<i32>} : memref<128x32xf32, #tpu.memory_space<vmem>>, vector<16xf32>,
        %swap3A_2086 = arith.index_cast %mul3A_2080 : i32 to index
        %swap3A_2087 = tpu.vector_load %arg15[%swap3A_2086] {strides = array<i32>} : memref<19584xf32, #tpu.memory_space<vmem>>, vector<16xf32>,
        tpu.vector_store %arg15[%swap3A_2086], %get3A_2085 {strides = array<i32>} : memref<19584xf32, #tpu.memory_space<vmem>>, vector<16xf32>,
        %get3A_2088 = arith.index_cast %scan3A_2078 : i32 to index
        %get3A_2089 = arith.constant 16 : index
        %get3A_2090 = tpu.vector_load %arg14[%get3A_2088, %get3A_2089] {strides = array<i32>} : memref<128x32xf32, #tpu.memory_space<vmem>>, vector<16xf32>,
        %add3A_2091 = arith.constant 16 : i32
        %add3A_2092 = arith.addi %mul3A_2080, %add3A_2091 : i32
        %swap3A_2093 = arith.index_cast %add3A_2092 : i32 to index
        %swap3A_2094 = tpu.vector_load %arg15[%swap3A_2093] {strides = array<i32>} : memref<19584xf32, #tpu.memory_space<vmem>>, vector<16xf32>,
        tpu.vector_store %arg15[%swap3A_2093], %get3A_2090 {strides = array<i32>} : memref<19584xf32, #tpu.memory_space<vmem>>, vector<16xf32>,
        %add3A_2095 = arith.constant 7 : i32
        %add3A_2096 = arith.addi %mul3A_2082, %add3A_2095 : i32
        %get3A_2097 = arith.index_cast %add3A_2096 : i32 to index
        %get3A_2098 = tpu.vector_load %arg12[%get3A_2097] {strides = array<i32>} : memref<4096xf32, #tpu.memory_space<vmem>>, vector<16xf32>,
        %add3A_2099 = arith.addf %get3A_2098, %get3A_15 : vector<16xf32>
        %add3A_2100 = arith.constant 128 : i32
        %add3A_2101 = arith.addi %mul3A_2080, %add3A_2100 : i32
        %swap3A_2102 = arith.index_cast %add3A_2101 : i32 to index
        %swap3A_2103 = tpu.vector_load %arg15[%swap3A_2102] {strides = array<i32>} : memref<19584xf32, #tpu.memory_space<vmem>>, vector<16xf32>,
        tpu.vector_store %arg15[%swap3A_2102], %add3A_2099 {strides = array<i32>} : memref<19584xf32, #tpu.memory_space<vmem>>, vector<16xf32>,
        %add3A_2104 = arith.constant 16 : i32
        %add3A_2105 = arith.addi %mul3A_2082, %add3A_2104 : i32
        %get3A_2106 = arith.index_cast %add3A_2105 : i32 to index
        %get3A_2107 = tpu.vector_load %arg12[%get3A_2106] {strides = array<i32>} : memref<4096xf32, #tpu.memory_space<vmem>>, vector<16xf32>,
        %add3A_2108 = arith.addf %get3A_2107, %get3A_15 : vector<16xf32>
        %add3A_2109 = arith.constant 137 : i32
        %add3A_2110 = arith.addi %mul3A_2080, %add3A_2109 : i32
        %swap3A_2111 = arith.index_cast %add3A_2110 : i32 to index
        %swap3A_2112 = tpu.vector_load %arg15[%swap3A_2111] {strides = array<i32>} : memref<19584xf32, #tpu.memory_space<vmem>>, vector<16xf32>,
        tpu.vector_store %arg15[%swap3A_2111], %add3A_2108 {strides = array<i32>} : memref<19584xf32, #tpu.memory_space<vmem>>, vector<16xf32>,
        %scan3A_2113 = arith.constant 2 : i32
        %scan3A_2114 = arith.addi %scan3A_2042, %scan3A_2113 : i32
        %mul3A_2115 = arith.constant 153 : i32
        %mul3A_2116 = arith.muli %scan3A_2114, %mul3A_2115 : i32
        %mul3A_2117 = arith.constant 32 : i32
        %mul3A_2118 = arith.muli %scan3A_2114, %mul3A_2117 : i32
        %get3A_2119 = arith.index_cast %scan3A_2114 : i32 to index
        %get3A_2120 = arith.constant 0 : index
        %get3A_2121 = tpu.vector_load %arg14[%get3A_2119, %get3A_2120] {strides = array<i32>} : memref<128x32xf32, #tpu.memory_space<vmem>>, vector<16xf32>,
        %swap3A_2122 = arith.index_cast %mul3A_2116 : i32 to index
        %swap3A_2123 = tpu.vector_load %arg15[%swap3A_2122] {strides = array<i32>} : memref<19584xf32, #tpu.memory_space<vmem>>, vector<16xf32>,
        tpu.vector_store %arg15[%swap3A_2122], %get3A_2121 {strides = array<i32>} : memref<19584xf32, #tpu.memory_space<vmem>>, vector<16xf32>,
        %get3A_2124 = arith.index_cast %scan3A_2114 : i32 to index
        %get3A_2125 = arith.constant 16 : index
        %get3A_2126 = tpu.vector_load %arg14[%get3A_2124, %get3A_2125] {strides = array<i32>} : memref<128x32xf32, #tpu.memory_space<vmem>>, vector<16xf32>,
        %add3A_2127 = arith.constant 16 : i32
        %add3A_2128 = arith.addi %mul3A_2116, %add3A_2127 : i32
        %swap3A_2129 = arith.index_cast %add3A_2128 : i32 to index
        %swap3A_2130 = tpu.vector_load %arg15[%swap3A_2129] {strides = array<i32>} : memref<19584xf32, #tpu.memory_space<vmem>>, vector<16xf32>,
        tpu.vector_store %arg15[%swap3A_2129], %get3A_2126 {strides = array<i32>} : memref<19584xf32, #tpu.memory_space<vmem>>, vector<16xf32>,
        %add3A_2131 = arith.constant 7 : i32
        %add3A_2132 = arith.addi %mul3A_2118, %add3A_2131 : i32
        %get3A_2133 = arith.index_cast %add3A_2132 : i32 to index
        %get3A_2134 = tpu.vector_load %arg12[%get3A_2133] {strides = array<i32>} : memref<4096xf32, #tpu.memory_space<vmem>>, vector<16xf32>,
        %add3A_2135 = arith.addf %get3A_2134, %get3A_15 : vector<16xf32>
        %add3A_2136 = arith.constant 128 : i32
        %add3A_2137 = arith.addi %mul3A_2116, %add3A_2136 : i32
        %swap3A_2138 = arith.index_cast %add3A_2137 : i32 to index
        %swap3A_2139 = tpu.vector_load %arg15[%swap3A_2138] {strides = array<i32>} : memref<19584xf32, #tpu.memory_space<vmem>>, vector<16xf32>,
        tpu.vector_store %arg15[%swap3A_2138], %add3A_2135 {strides = array<i32>} : memref<19584xf32, #tpu.memory_space<vmem>>, vector<16xf32>,
        %add3A_2140 = arith.constant 16 : i32
        %add3A_2141 = arith.addi %mul3A_2118, %add3A_2140 : i32
        %get3A_2142 = arith.index_cast %add3A_2141 : i32 to index
        %get3A_2143 = tpu.vector_load %arg12[%get3A_2142] {strides = array<i32>} : memref<4096xf32, #tpu.memory_space<vmem>>, vector<16xf32>,
        %add3A_2144 = arith.addf %get3A_2143, %get3A_15 : vector<16xf32>
        %add3A_2145 = arith.constant 137 : i32
        %add3A_2146 = arith.addi %mul3A_2116, %add3A_2145 : i32
        %swap3A_2147 = arith.index_cast %add3A_2146 : i32 to index
        %swap3A_2148 = tpu.vector_load %arg15[%swap3A_2147] {strides = array<i32>} : memref<19584xf32, #tpu.memory_space<vmem>>, vector<16xf32>,
        tpu.vector_store %arg15[%swap3A_2147], %add3A_2144 {strides = array<i32>} : memref<19584xf32, #tpu.memory_space<vmem>>, vector<16xf32>,
        %scan3A_2149 = arith.constant 3 : i32
        %scan3A_2150 = arith.addi %scan3A_2042, %scan3A_2149 : i32
        %mul3A_2151 = arith.constant 153 : i32
        %mul3A_2152 = arith.muli %scan3A_2150, %mul3A_2151 : i32
        %mul3A_2153 = arith.constant 32 : i32
        %mul3A_2154 = arith.muli %scan3A_2150, %mul3A_2153 : i32
        %get3A_2155 = arith.index_cast %scan3A_2150 : i32 to index
        %get3A_2156 = arith.constant 0 : index
        %get3A_2157 = tpu.vector_load %arg14[%get3A_2155, %get3A_2156] {strides = array<i32>} : memref<128x32xf32, #tpu.memory_space<vmem>>, vector<16xf32>,
        %swap3A_2158 = arith.index_cast %mul3A_2152 : i32 to index
        %swap3A_2159 = tpu.vector_load %arg15[%swap3A_2158] {strides = array<i32>} : memref<19584xf32, #tpu.memory_space<vmem>>, vector<16xf32>,
        tpu.vector_store %arg15[%swap3A_2158], %get3A_2157 {strides = array<i32>} : memref<19584xf32, #tpu.memory_space<vmem>>, vector<16xf32>,
        %get3A_2160 = arith.index_cast %scan3A_2150 : i32 to index
        %get3A_2161 = arith.constant 16 : index
        %get3A_2162 = tpu.vector_load %arg14[%get3A_2160, %get3A_2161] {strides = array<i32>} : memref<128x32xf32, #tpu.memory_space<vmem>>, vector<16xf32>,
        %add3A_2163 = arith.constant 16 : i32
        %add3A_2164 = arith.addi %mul3A_2152, %add3A_2163 : i32
        %swap3A_2165 = arith.index_cast %add3A_2164 : i32 to index
        %swap3A_2166 = tpu.vector_load %arg15[%swap3A_2165] {strides = array<i32>} : memref<19584xf32, #tpu.memory_space<vmem>>, vector<16xf32>,
        tpu.vector_store %arg15[%swap3A_2165], %get3A_2162 {strides = array<i32>} : memref<19584xf32, #tpu.memory_space<vmem>>, vector<16xf32>,
        %add3A_2167 = arith.constant 7 : i32
        %add3A_2168 = arith.addi %mul3A_2154, %add3A_2167 : i32
        %get3A_2169 = arith.index_cast %add3A_2168 : i32 to index
        %get3A_2170 = tpu.vector_load %arg12[%get3A_2169] {strides = array<i32>} : memref<4096xf32, #tpu.memory_space<vmem>>, vector<16xf32>,
        %add3A_2171 = arith.addf %get3A_2170, %get3A_15 : vector<16xf32>
        %add3A_2172 = arith.constant 128 : i32
        %add3A_2173 = arith.addi %mul3A_2152, %add3A_2172 : i32
        %swap3A_2174 = arith.index_cast %add3A_2173 : i32 to index
        %swap3A_2175 = tpu.vector_load %arg15[%swap3A_2174] {strides = array<i32>} : memref<19584xf32, #tpu.memory_space<vmem>>, vector<16xf32>,
        tpu.vector_store %arg15[%swap3A_2174], %add3A_2171 {strides = array<i32>} : memref<19584xf32, #tpu.memory_space<vmem>>, vector<16xf32>,
        %add3A_2176 = arith.constant 16 : i32
        %add3A_2177 = arith.addi %mul3A_2154, %add3A_2176 : i32
        %get3A_2178 = arith.index_cast %add3A_2177 : i32 to index
        %get3A_2179 = tpu.vector_load %arg12[%get3A_2178] {strides = array<i32>} : memref<4096xf32, #tpu.memory_space<vmem>>, vector<16xf32>,
        %add3A_2180 = arith.addf %get3A_2179, %get3A_15 : vector<16xf32>
        %add3A_2181 = arith.constant 137 : i32
        %add3A_2182 = arith.addi %mul3A_2152, %add3A_2181 : i32
        %swap3A_2183 = arith.index_cast %add3A_2182 : i32 to index
        %swap3A_2184 = tpu.vector_load %arg15[%swap3A_2183] {strides = array<i32>} : memref<19584xf32, #tpu.memory_space<vmem>>, vector<16xf32>,
        tpu.vector_store %arg15[%swap3A_2183], %add3A_2180 {strides = array<i32>} : memref<19584xf32, #tpu.memory_space<vmem>>, vector<16xf32>,
      }
      %scan3A_1032 = arith.constant 128 : i32
      %mul3A_1033 = arith.constant 153 : i32
      %mul3A_1034 = arith.muli %add3A_44, %mul3A_1033 : i32
      %dma_start3A_1035 = tpu.memref_slice %arg8[%mul3A_1034] : memref<31334400xf32, #tpu.memory_space<hbm>> -> memref<19584xf32, #tpu.memory_space<hbm>>
      %dma_start3A_1036 = tpu.memref_slice %arg8[%mul3A_1034] : memref<31334400xf32, #tpu.memory_space<hbm>> -> memref<19584xf32, #tpu.memory_space<hbm>>
      tpu.enqueue_dma source(%arg15 : memref<19584xf32, #tpu.memory_space<vmem>>) target(%dma_start3A_1036 : memref<19584xf32, #tpu.memory_space<hbm>>) target_semaphore(%arg28 : memref<!tpu.dma_semaphore, #tpu.memory_space<semaphore_mem>>)
      %add3A_1037 = arith.constant 1 : i32
      %add3A_1038 = arith.addi %mul3A_41, %add3A_1037 : i32
      %mul3A_1039 = arith.constant 128 : i32
      %mul3A_1040 = arith.muli %add3A_1038, %mul3A_1039 : i32
      %add3A_1041 = arith.addi %mul3A_2, %mul3A_1040 : i32
      %mul3A_1042 = arith.constant 32 : i32
      %mul3A_1043 = arith.muli %add3A_1041, %mul3A_1042 : i32
      %dma_wait3A_1044 = tpu.memref_slice %arg2[%mul3A_1043] : memref<6553600xf32, #tpu.memory_space<hbm>> -> memref<4096xf32, #tpu.memory_space<hbm>>
      %dma_wait3A_1045 = tpu.memref_slice %arg2[%mul3A_1043] : memref<6553600xf32, #tpu.memory_space<hbm>> -> memref<4096xf32, #tpu.memory_space<hbm>>
      tpu.wait_dma2 semaphore(%arg27 : memref<!tpu.dma_semaphore, #tpu.memory_space<semaphore_mem>>) src(%dma_wait3A_1045 : memref<4096xf32, #tpu.memory_space<hbm>>) dst(%arg13 : memref<4096xf32, #tpu.memory_space<vmem>>)
      %add3A_1046 = arith.constant 1 : i32
      %add3A_1047 = arith.addi %add3A_1038, %add3A_1046 : i32
      %lt3A_1048 = arith.constant 50 : i32
      %lt3A_1049 = arith.cmpi slt, %add3A_1047, %lt3A_1048 : i32
      %convert_element_type3A_1050 = arith.extui %lt3A_1049 : i1 to i32
      %cond3A_1051 = arith.constant 0 : i32
      %cond3A_1052 = arith.cmpi ne, %convert_element_type3A_1050, %cond3A_1051 : i32
      scf.if %cond3A_1052 {
        %add3A_2042 = arith.constant 128 : i32
        %add3A_2043 = arith.addi %add3A_1041, %add3A_2042 : i32
        %mul3A_2044 = arith.constant 32 : i32
        %mul3A_2045 = arith.muli %add3A_2043, %mul3A_2044 : i32
        %dma_start3A_2046 = tpu.memref_slice %arg2[%mul3A_2045] : memref<6553600xf32, #tpu.memory_space<hbm>> -> memref<4096xf32, #tpu.memory_space<hbm>>
        %dma_start3A_2047 = tpu.memref_slice %arg2[%mul3A_2045] : memref<6553600xf32, #tpu.memory_space<hbm>> -> memref<4096xf32, #tpu.memory_space<hbm>>
        tpu.enqueue_dma source(%dma_start3A_2047 : memref<4096xf32, #tpu.memory_space<hbm>>) target(%arg12 : memref<4096xf32, #tpu.memory_space<vmem>>) target_semaphore(%arg26 : memref<!tpu.dma_semaphore, #tpu.memory_space<semaphore_mem>>)
      } else {
      }
      %scan3A_1053 = arith.constant 0 : i32
      %scan3A_1054 = arith.constant 0 : i32
      %mul3A_1055 = arith.constant 32 : i32
      %mul3A_1056 = vector.broadcast %mul3A_1055 : i32 to vector<16xi32>
      %mul3A_1057 = arith.muli %iota3A, %mul3A_1056 : vector<16xi32>
      %mul3A_1058 = arith.constant 512 : i32
      %mul3A_1059 = arith.muli %scan3A_1054, %mul3A_1058 : i32
      %add3A_1060 = vector.broadcast %mul3A_1059 : i32 to vector<16xi32>
      %add3A_1061 = arith.addi %mul3A_1057, %add3A_1060 : vector<16xi32>
      %add3A_1062 = arith.constant 0 : i32
      %add3A_1063 = vector.broadcast %add3A_1062 : i32 to vector<16xi32>
      %add3A_1064 = arith.addi %add3A_1061, %add3A_1063 : vector<16xi32>
      %gather3A_1065 = tpu.vector_load_idx %arg13[%add3A_1064] : memref<4096xf32, #tpu.memory_space<vmem>>[vector<16xi32>], vector<16xf32>,
      %add3A_1066 = arith.addf %gather3A_1065, %get3A_15 : vector<16xf32>
      %convert_element_type3A_1067 = arith.fptosi %add3A_1066 : vector<16xf32> to vector<16xi32>
      %jit3A_1068 = arith.constant 0 : i32
      %jit3A_1069 = arith.constant 2047 : i32
      %max3A_1070 = vector.broadcast %jit3A_1068 : i32 to vector<16xi32>
      %max3A_1071 = arith.maxsi %max3A_1070, %convert_element_type3A_1067 : vector<16xi32>
      %min3A_1072 = vector.broadcast %jit3A_1069 : i32 to vector<16xi32>
      %min3A_1073 = arith.minsi %min3A_1072, %max3A_1071 : vector<16xi32>
      %mul3A_1074 = arith.constant 16 : i32
      %mul3A_1075 = arith.muli %scan3A_1054, %mul3A_1074 : i32
      %swap3A_1076 = arith.index_cast %mul3A_1075 : i32 to index
      %swap3A_1077 = tpu.vector_load %arg17[%swap3A_1076] {strides = array<i32>} : memref<128xi32, #tpu.memory_space<vmem>>, vector<16xi32>,
      tpu.vector_store %arg17[%swap3A_1076], %min3A_1073 {strides = array<i32>} : memref<128xi32, #tpu.memory_space<vmem>>, vector<16xi32>,
      %add3A_1078 = arith.constant 1 : i32
      %add3A_1079 = vector.broadcast %add3A_1078 : i32 to vector<16xi32>
      %add3A_1080 = arith.addi %add3A_1061, %add3A_1079 : vector<16xi32>
      %gather3A_1081 = tpu.vector_load_idx %arg13[%add3A_1080] : memref<4096xf32, #tpu.memory_space<vmem>>[vector<16xi32>], vector<16xf32>,
      %add3A_1082 = arith.addf %gather3A_1081, %get3A_15 : vector<16xf32>
      %convert_element_type3A_1083 = arith.fptosi %add3A_1082 : vector<16xf32> to vector<16xi32>
      %jit3A_1084 = arith.constant 0 : i32
      %jit3A_1085 = arith.constant 511 : i32
      %max3A_1086 = vector.broadcast %jit3A_1084 : i32 to vector<16xi32>
      %max3A_1087 = arith.maxsi %max3A_1086, %convert_element_type3A_1083 : vector<16xi32>
      %min3A_1088 = vector.broadcast %jit3A_1085 : i32 to vector<16xi32>
      %min3A_1089 = arith.minsi %min3A_1088, %max3A_1087 : vector<16xi32>
      %mul3A_1090 = arith.constant 16 : i32
      %mul3A_1091 = arith.muli %scan3A_1054, %mul3A_1090 : i32
      %swap3A_1092 = arith.index_cast %mul3A_1091 : i32 to index
      %swap3A_1093 = tpu.vector_load %arg18[%swap3A_1092] {strides = array<i32>} : memref<128xi32, #tpu.memory_space<vmem>>, vector<16xi32>,
      tpu.vector_store %arg18[%swap3A_1092], %min3A_1089 {strides = array<i32>} : memref<128xi32, #tpu.memory_space<vmem>>, vector<16xi32>,
      %add3A_1094 = arith.constant 2 : i32
      %add3A_1095 = vector.broadcast %add3A_1094 : i32 to vector<16xi32>
      %add3A_1096 = arith.addi %add3A_1061, %add3A_1095 : vector<16xi32>
      %gather3A_1097 = tpu.vector_load_idx %arg13[%add3A_1096] : memref<4096xf32, #tpu.memory_space<vmem>>[vector<16xi32>], vector<16xf32>,
      %add3A_1098 = arith.addf %gather3A_1097, %get3A_15 : vector<16xf32>
      %convert_element_type3A_1099 = arith.fptosi %add3A_1098 : vector<16xf32> to vector<16xi32>
      %jit3A_1100 = arith.constant 0 : i32
      %jit3A_1101 = arith.constant 2047 : i32
      %max3A_1102 = vector.broadcast %jit3A_1100 : i32 to vector<16xi32>
      %max3A_1103 = arith.maxsi %max3A_1102, %convert_element_type3A_1099 : vector<16xi32>
      %min3A_1104 = vector.broadcast %jit3A_1101 : i32 to vector<16xi32>
      %min3A_1105 = arith.minsi %min3A_1104, %max3A_1103 : vector<16xi32>
      %mul3A_1106 = arith.constant 16 : i32
      %mul3A_1107 = arith.muli %scan3A_1054, %mul3A_1106 : i32
      %swap3A_1108 = arith.index_cast %mul3A_1107 : i32 to index
      %swap3A_1109 = tpu.vector_load %arg19[%swap3A_1108] {strides = array<i32>} : memref<128xi32, #tpu.memory_space<vmem>>, vector<16xi32>,
      tpu.vector_store %arg19[%swap3A_1108], %min3A_1105 {strides = array<i32>} : memref<128xi32, #tpu.memory_space<vmem>>, vector<16xi32>,
      %add3A_1110 = arith.constant 3 : i32
      %add3A_1111 = vector.broadcast %add3A_1110 : i32 to vector<16xi32>
      %add3A_1112 = arith.addi %add3A_1061, %add3A_1111 : vector<16xi32>
      %gather3A_1113 = tpu.vector_load_idx %arg13[%add3A_1112] : memref<4096xf32, #tpu.memory_space<vmem>>[vector<16xi32>], vector<16xf32>,
      %add3A_1114 = arith.addf %gather3A_1113, %get3A_15 : vector<16xf32>
      %convert_element_type3A_1115 = arith.fptosi %add3A_1114 : vector<16xf32> to vector<16xi32>
      %jit3A_1116 = arith.constant 0 : i32
      %jit3A_1117 = arith.constant 1023 : i32
      %max3A_1118 = vector.broadcast %jit3A_1116 : i32 to vector<16xi32>
      %max3A_1119 = arith.maxsi %max3A_1118, %convert_element_type3A_1115 : vector<16xi32>
      %min3A_1120 = vector.broadcast %jit3A_1117 : i32 to vector<16xi32>
      %min3A_1121 = arith.minsi %min3A_1120, %max3A_1119 : vector<16xi32>
      %mul3A_1122 = arith.constant 16 : i32
      %mul3A_1123 = arith.muli %scan3A_1054, %mul3A_1122 : i32
      %swap3A_1124 = arith.index_cast %mul3A_1123 : i32 to index
      %swap3A_1125 = tpu.vector_load %arg20[%swap3A_1124] {strides = array<i32>} : memref<128xi32, #tpu.memory_space<vmem>>, vector<16xi32>,
      tpu.vector_store %arg20[%swap3A_1124], %min3A_1121 {strides = array<i32>} : memref<128xi32, #tpu.memory_space<vmem>>, vector<16xi32>,
      %add3A_1126 = arith.constant 4 : i32
      %add3A_1127 = vector.broadcast %add3A_1126 : i32 to vector<16xi32>
      %add3A_1128 = arith.addi %add3A_1061, %add3A_1127 : vector<16xi32>
      %gather3A_1129 = tpu.vector_load_idx %arg13[%add3A_1128] : memref<4096xf32, #tpu.memory_space<vmem>>[vector<16xi32>], vector<16xf32>,
      %add3A_1130 = arith.addf %gather3A_1129, %get3A_15 : vector<16xf32>
      %convert_element_type3A_1131 = arith.fptosi %add3A_1130 : vector<16xf32> to vector<16xi32>
      %jit3A_1132 = arith.constant 0 : i32
      %jit3A_1133 = arith.constant 1023 : i32
      %max3A_1134 = vector.broadcast %jit3A_1132 : i32 to vector<16xi32>
      %max3A_1135 = arith.maxsi %max3A_1134, %convert_element_type3A_1131 : vector<16xi32>
      %min3A_1136 = vector.broadcast %jit3A_1133 : i32 to vector<16xi32>
      %min3A_1137 = arith.minsi %min3A_1136, %max3A_1135 : vector<16xi32>
      %mul3A_1138 = arith.constant 16 : i32
      %mul3A_1139 = arith.muli %scan3A_1054, %mul3A_1138 : i32
      %swap3A_1140 = arith.index_cast %mul3A_1139 : i32 to index
      %swap3A_1141 = tpu.vector_load %arg21[%swap3A_1140] {strides = array<i32>} : memref<128xi32, #tpu.memory_space<vmem>>, vector<16xi32>,
      tpu.vector_store %arg21[%swap3A_1140], %min3A_1137 {strides = array<i32>} : memref<128xi32, #tpu.memory_space<vmem>>, vector<16xi32>,
      %add3A_1142 = arith.constant 5 : i32
      %add3A_1143 = vector.broadcast %add3A_1142 : i32 to vector<16xi32>
      %add3A_1144 = arith.addi %add3A_1061, %add3A_1143 : vector<16xi32>
      %gather3A_1145 = tpu.vector_load_idx %arg13[%add3A_1144] : memref<4096xf32, #tpu.memory_space<vmem>>[vector<16xi32>], vector<16xf32>,
      %add3A_1146 = arith.addf %gather3A_1145, %get3A_15 : vector<16xf32>
      %convert_element_type3A_1147 = arith.fptosi %add3A_1146 : vector<16xf32> to vector<16xi32>
      %jit3A_1148 = arith.constant 0 : i32
      %jit3A_1149 = arith.constant 1023 : i32
      %max3A_1150 = vector.broadcast %jit3A_1148 : i32 to vector<16xi32>
      %max3A_1151 = arith.maxsi %max3A_1150, %convert_element_type3A_1147 : vector<16xi32>
      %min3A_1152 = vector.broadcast %jit3A_1149 : i32 to vector<16xi32>
      %min3A_1153 = arith.minsi %min3A_1152, %max3A_1151 : vector<16xi32>
      %mul3A_1154 = arith.constant 16 : i32
      %mul3A_1155 = arith.muli %scan3A_1054, %mul3A_1154 : i32
      %swap3A_1156 = arith.index_cast %mul3A_1155 : i32 to index
      %swap3A_1157 = tpu.vector_load %arg22[%swap3A_1156] {strides = array<i32>} : memref<128xi32, #tpu.memory_space<vmem>>, vector<16xi32>,
      tpu.vector_store %arg22[%swap3A_1156], %min3A_1153 {strides = array<i32>} : memref<128xi32, #tpu.memory_space<vmem>>, vector<16xi32>,
      %add3A_1158 = arith.constant 6 : i32
      %add3A_1159 = vector.broadcast %add3A_1158 : i32 to vector<16xi32>
      %add3A_1160 = arith.addi %add3A_1061, %add3A_1159 : vector<16xi32>
      %gather3A_1161 = tpu.vector_load_idx %arg13[%add3A_1160] : memref<4096xf32, #tpu.memory_space<vmem>>[vector<16xi32>], vector<16xf32>,
      %add3A_1162 = arith.addf %gather3A_1161, %get3A_15 : vector<16xf32>
      %convert_element_type3A_1163 = arith.fptosi %add3A_1162 : vector<16xf32> to vector<16xi32>
      %jit3A_1164 = arith.constant 0 : i32
      %jit3A_1165 = arith.constant 1023 : i32
      %max3A_1166 = vector.broadcast %jit3A_1164 : i32 to vector<16xi32>
      %max3A_1167 = arith.maxsi %max3A_1166, %convert_element_type3A_1163 : vector<16xi32>
      %min3A_1168 = vector.broadcast %jit3A_1165 : i32 to vector<16xi32>
      %min3A_1169 = arith.minsi %min3A_1168, %max3A_1167 : vector<16xi32>
      %mul3A_1170 = arith.constant 16 : i32
      %mul3A_1171 = arith.muli %scan3A_1054, %mul3A_1170 : i32
      %swap3A_1172 = arith.index_cast %mul3A_1171 : i32 to index
      %swap3A_1173 = tpu.vector_load %arg23[%swap3A_1172] {strides = array<i32>} : memref<128xi32, #tpu.memory_space<vmem>>, vector<16xi32>,
      tpu.vector_store %arg23[%swap3A_1172], %min3A_1169 {strides = array<i32>} : memref<128xi32, #tpu.memory_space<vmem>>, vector<16xi32>,
      %scan3A_1174 = arith.constant 1 : i32
      %mul3A_1175 = arith.constant 32 : i32
      %mul3A_1176 = vector.broadcast %mul3A_1175 : i32 to vector<16xi32>
      %mul3A_1177 = arith.muli %iota3A, %mul3A_1176 : vector<16xi32>
      %mul3A_1178 = arith.constant 512 : i32
      %mul3A_1179 = arith.muli %scan3A_1174, %mul3A_1178 : i32
      %add3A_1180 = vector.broadcast %mul3A_1179 : i32 to vector<16xi32>
      %add3A_1181 = arith.addi %mul3A_1177, %add3A_1180 : vector<16xi32>
      %add3A_1182 = arith.constant 0 : i32
      %add3A_1183 = vector.broadcast %add3A_1182 : i32 to vector<16xi32>
      %add3A_1184 = arith.addi %add3A_1181, %add3A_1183 : vector<16xi32>
      %gather3A_1185 = tpu.vector_load_idx %arg13[%add3A_1184] : memref<4096xf32, #tpu.memory_space<vmem>>[vector<16xi32>], vector<16xf32>,
      %add3A_1186 = arith.addf %gather3A_1185, %get3A_15 : vector<16xf32>
      %convert_element_type3A_1187 = arith.fptosi %add3A_1186 : vector<16xf32> to vector<16xi32>
      %jit3A_1188 = arith.constant 0 : i32
      %jit3A_1189 = arith.constant 2047 : i32
      %max3A_1190 = vector.broadcast %jit3A_1188 : i32 to vector<16xi32>
      %max3A_1191 = arith.maxsi %max3A_1190, %convert_element_type3A_1187 : vector<16xi32>
      %min3A_1192 = vector.broadcast %jit3A_1189 : i32 to vector<16xi32>
      %min3A_1193 = arith.minsi %min3A_1192, %max3A_1191 : vector<16xi32>
      %mul3A_1194 = arith.constant 16 : i32
      %mul3A_1195 = arith.muli %scan3A_1174, %mul3A_1194 : i32
      %swap3A_1196 = arith.index_cast %mul3A_1195 : i32 to index
      %swap3A_1197 = tpu.vector_load %arg17[%swap3A_1196] {strides = array<i32>} : memref<128xi32, #tpu.memory_space<vmem>>, vector<16xi32>,
      tpu.vector_store %arg17[%swap3A_1196], %min3A_1193 {strides = array<i32>} : memref<128xi32, #tpu.memory_space<vmem>>, vector<16xi32>,
      %add3A_1198 = arith.constant 1 : i32
      %add3A_1199 = vector.broadcast %add3A_1198 : i32 to vector<16xi32>
      %add3A_1200 = arith.addi %add3A_1181, %add3A_1199 : vector<16xi32>
      %gather3A_1201 = tpu.vector_load_idx %arg13[%add3A_1200] : memref<4096xf32, #tpu.memory_space<vmem>>[vector<16xi32>], vector<16xf32>,
      %add3A_1202 = arith.addf %gather3A_1201, %get3A_15 : vector<16xf32>
      %convert_element_type3A_1203 = arith.fptosi %add3A_1202 : vector<16xf32> to vector<16xi32>
      %jit3A_1204 = arith.constant 0 : i32
      %jit3A_1205 = arith.constant 511 : i32
      %max3A_1206 = vector.broadcast %jit3A_1204 : i32 to vector<16xi32>
      %max3A_1207 = arith.maxsi %max3A_1206, %convert_element_type3A_1203 : vector<16xi32>
      %min3A_1208 = vector.broadcast %jit3A_1205 : i32 to vector<16xi32>
      %min3A_1209 = arith.minsi %min3A_1208, %max3A_1207 : vector<16xi32>
      %mul3A_1210 = arith.constant 16 : i32
      %mul3A_1211 = arith.muli %scan3A_1174, %mul3A_1210 : i32
      %swap3A_1212 = arith.index_cast %mul3A_1211 : i32 to index
      %swap3A_1213 = tpu.vector_load %arg18[%swap3A_1212] {strides = array<i32>} : memref<128xi32, #tpu.memory_space<vmem>>, vector<16xi32>,
      tpu.vector_store %arg18[%swap3A_1212], %min3A_1209 {strides = array<i32>} : memref<128xi32, #tpu.memory_space<vmem>>, vector<16xi32>,
      %add3A_1214 = arith.constant 2 : i32
      %add3A_1215 = vector.broadcast %add3A_1214 : i32 to vector<16xi32>
      %add3A_1216 = arith.addi %add3A_1181, %add3A_1215 : vector<16xi32>
      %gather3A_1217 = tpu.vector_load_idx %arg13[%add3A_1216] : memref<4096xf32, #tpu.memory_space<vmem>>[vector<16xi32>], vector<16xf32>,
      %add3A_1218 = arith.addf %gather3A_1217, %get3A_15 : vector<16xf32>
      %convert_element_type3A_1219 = arith.fptosi %add3A_1218 : vector<16xf32> to vector<16xi32>
      %jit3A_1220 = arith.constant 0 : i32
      %jit3A_1221 = arith.constant 2047 : i32
      %max3A_1222 = vector.broadcast %jit3A_1220 : i32 to vector<16xi32>
      %max3A_1223 = arith.maxsi %max3A_1222, %convert_element_type3A_1219 : vector<16xi32>
      %min3A_1224 = vector.broadcast %jit3A_1221 : i32 to vector<16xi32>
      %min3A_1225 = arith.minsi %min3A_1224, %max3A_1223 : vector<16xi32>
      %mul3A_1226 = arith.constant 16 : i32
      %mul3A_1227 = arith.muli %scan3A_1174, %mul3A_1226 : i32
      %swap3A_1228 = arith.index_cast %mul3A_1227 : i32 to index
      %swap3A_1229 = tpu.vector_load %arg19[%swap3A_1228] {strides = array<i32>} : memref<128xi32, #tpu.memory_space<vmem>>, vector<16xi32>,
      tpu.vector_store %arg19[%swap3A_1228], %min3A_1225 {strides = array<i32>} : memref<128xi32, #tpu.memory_space<vmem>>, vector<16xi32>,
      %add3A_1230 = arith.constant 3 : i32
      %add3A_1231 = vector.broadcast %add3A_1230 : i32 to vector<16xi32>
      %add3A_1232 = arith.addi %add3A_1181, %add3A_1231 : vector<16xi32>
      %gather3A_1233 = tpu.vector_load_idx %arg13[%add3A_1232] : memref<4096xf32, #tpu.memory_space<vmem>>[vector<16xi32>], vector<16xf32>,
      %add3A_1234 = arith.addf %gather3A_1233, %get3A_15 : vector<16xf32>
      %convert_element_type3A_1235 = arith.fptosi %add3A_1234 : vector<16xf32> to vector<16xi32>
      %jit3A_1236 = arith.constant 0 : i32
      %jit3A_1237 = arith.constant 1023 : i32
      %max3A_1238 = vector.broadcast %jit3A_1236 : i32 to vector<16xi32>
      %max3A_1239 = arith.maxsi %max3A_1238, %convert_element_type3A_1235 : vector<16xi32>
      %min3A_1240 = vector.broadcast %jit3A_1237 : i32 to vector<16xi32>
      %min3A_1241 = arith.minsi %min3A_1240, %max3A_1239 : vector<16xi32>
      %mul3A_1242 = arith.constant 16 : i32
      %mul3A_1243 = arith.muli %scan3A_1174, %mul3A_1242 : i32
      %swap3A_1244 = arith.index_cast %mul3A_1243 : i32 to index
      %swap3A_1245 = tpu.vector_load %arg20[%swap3A_1244] {strides = array<i32>} : memref<128xi32, #tpu.memory_space<vmem>>, vector<16xi32>,
      tpu.vector_store %arg20[%swap3A_1244], %min3A_1241 {strides = array<i32>} : memref<128xi32, #tpu.memory_space<vmem>>, vector<16xi32>,
      %add3A_1246 = arith.constant 4 : i32
      %add3A_1247 = vector.broadcast %add3A_1246 : i32 to vector<16xi32>
      %add3A_1248 = arith.addi %add3A_1181, %add3A_1247 : vector<16xi32>
      %gather3A_1249 = tpu.vector_load_idx %arg13[%add3A_1248] : memref<4096xf32, #tpu.memory_space<vmem>>[vector<16xi32>], vector<16xf32>,
      %add3A_1250 = arith.addf %gather3A_1249, %get3A_15 : vector<16xf32>
      %convert_element_type3A_1251 = arith.fptosi %add3A_1250 : vector<16xf32> to vector<16xi32>
      %jit3A_1252 = arith.constant 0 : i32
      %jit3A_1253 = arith.constant 1023 : i32
      %max3A_1254 = vector.broadcast %jit3A_1252 : i32 to vector<16xi32>
      %max3A_1255 = arith.maxsi %max3A_1254, %convert_element_type3A_1251 : vector<16xi32>
      %min3A_1256 = vector.broadcast %jit3A_1253 : i32 to vector<16xi32>
      %min3A_1257 = arith.minsi %min3A_1256, %max3A_1255 : vector<16xi32>
      %mul3A_1258 = arith.constant 16 : i32
      %mul3A_1259 = arith.muli %scan3A_1174, %mul3A_1258 : i32
      %swap3A_1260 = arith.index_cast %mul3A_1259 : i32 to index
      %swap3A_1261 = tpu.vector_load %arg21[%swap3A_1260] {strides = array<i32>} : memref<128xi32, #tpu.memory_space<vmem>>, vector<16xi32>,
      tpu.vector_store %arg21[%swap3A_1260], %min3A_1257 {strides = array<i32>} : memref<128xi32, #tpu.memory_space<vmem>>, vector<16xi32>,
      %add3A_1262 = arith.constant 5 : i32
      %add3A_1263 = vector.broadcast %add3A_1262 : i32 to vector<16xi32>
      %add3A_1264 = arith.addi %add3A_1181, %add3A_1263 : vector<16xi32>
      %gather3A_1265 = tpu.vector_load_idx %arg13[%add3A_1264] : memref<4096xf32, #tpu.memory_space<vmem>>[vector<16xi32>], vector<16xf32>,
      %add3A_1266 = arith.addf %gather3A_1265, %get3A_15 : vector<16xf32>
      %convert_element_type3A_1267 = arith.fptosi %add3A_1266 : vector<16xf32> to vector<16xi32>
      %jit3A_1268 = arith.constant 0 : i32
      %jit3A_1269 = arith.constant 1023 : i32
      %max3A_1270 = vector.broadcast %jit3A_1268 : i32 to vector<16xi32>
      %max3A_1271 = arith.maxsi %max3A_1270, %convert_element_type3A_1267 : vector<16xi32>
      %min3A_1272 = vector.broadcast %jit3A_1269 : i32 to vector<16xi32>
      %min3A_1273 = arith.minsi %min3A_1272, %max3A_1271 : vector<16xi32>
      %mul3A_1274 = arith.constant 16 : i32
      %mul3A_1275 = arith.muli %scan3A_1174, %mul3A_1274 : i32
      %swap3A_1276 = arith.index_cast %mul3A_1275 : i32 to index
      %swap3A_1277 = tpu.vector_load %arg22[%swap3A_1276] {strides = array<i32>} : memref<128xi32, #tpu.memory_space<vmem>>, vector<16xi32>,
      tpu.vector_store %arg22[%swap3A_1276], %min3A_1273 {strides = array<i32>} : memref<128xi32, #tpu.memory_space<vmem>>, vector<16xi32>,
      %add3A_1278 = arith.constant 6 : i32
      %add3A_1279 = vector.broadcast %add3A_1278 : i32 to vector<16xi32>
      %add3A_1280 = arith.addi %add3A_1181, %add3A_1279 : vector<16xi32>
      %gather3A_1281 = tpu.vector_load_idx %arg13[%add3A_1280] : memref<4096xf32, #tpu.memory_space<vmem>>[vector<16xi32>], vector<16xf32>,
      %add3A_1282 = arith.addf %gather3A_1281, %get3A_15 : vector<16xf32>
      %convert_element_type3A_1283 = arith.fptosi %add3A_1282 : vector<16xf32> to vector<16xi32>
      %jit3A_1284 = arith.constant 0 : i32
      %jit3A_1285 = arith.constant 1023 : i32
      %max3A_1286 = vector.broadcast %jit3A_1284 : i32 to vector<16xi32>
      %max3A_1287 = arith.maxsi %max3A_1286, %convert_element_type3A_1283 : vector<16xi32>
      %min3A_1288 = vector.broadcast %jit3A_1285 : i32 to vector<16xi32>
      %min3A_1289 = arith.minsi %min3A_1288, %max3A_1287 : vector<16xi32>
      %mul3A_1290 = arith.constant 16 : i32
      %mul3A_1291 = arith.muli %scan3A_1174, %mul3A_1290 : i32
      %swap3A_1292 = arith.index_cast %mul3A_1291 : i32 to index
      %swap3A_1293 = tpu.vector_load %arg23[%swap3A_1292] {strides = array<i32>} : memref<128xi32, #tpu.memory_space<vmem>>, vector<16xi32>,
      tpu.vector_store %arg23[%swap3A_1292], %min3A_1289 {strides = array<i32>} : memref<128xi32, #tpu.memory_space<vmem>>, vector<16xi32>,
      %scan3A_1294 = arith.constant 2 : i32
      %mul3A_1295 = arith.constant 32 : i32
      %mul3A_1296 = vector.broadcast %mul3A_1295 : i32 to vector<16xi32>
      %mul3A_1297 = arith.muli %iota3A, %mul3A_1296 : vector<16xi32>
      %mul3A_1298 = arith.constant 512 : i32
      %mul3A_1299 = arith.muli %scan3A_1294, %mul3A_1298 : i32
      %add3A_1300 = vector.broadcast %mul3A_1299 : i32 to vector<16xi32>
      %add3A_1301 = arith.addi %mul3A_1297, %add3A_1300 : vector<16xi32>
      %add3A_1302 = arith.constant 0 : i32
      %add3A_1303 = vector.broadcast %add3A_1302 : i32 to vector<16xi32>
      %add3A_1304 = arith.addi %add3A_1301, %add3A_1303 : vector<16xi32>
      %gather3A_1305 = tpu.vector_load_idx %arg13[%add3A_1304] : memref<4096xf32, #tpu.memory_space<vmem>>[vector<16xi32>], vector<16xf32>,
      %add3A_1306 = arith.addf %gather3A_1305, %get3A_15 : vector<16xf32>
      %convert_element_type3A_1307 = arith.fptosi %add3A_1306 : vector<16xf32> to vector<16xi32>
      %jit3A_1308 = arith.constant 0 : i32
      %jit3A_1309 = arith.constant 2047 : i32
      %max3A_1310 = vector.broadcast %jit3A_1308 : i32 to vector<16xi32>
      %max3A_1311 = arith.maxsi %max3A_1310, %convert_element_type3A_1307 : vector<16xi32>
      %min3A_1312 = vector.broadcast %jit3A_1309 : i32 to vector<16xi32>
      %min3A_1313 = arith.minsi %min3A_1312, %max3A_1311 : vector<16xi32>
      %mul3A_1314 = arith.constant 16 : i32
      %mul3A_1315 = arith.muli %scan3A_1294, %mul3A_1314 : i32
      %swap3A_1316 = arith.index_cast %mul3A_1315 : i32 to index
      %swap3A_1317 = tpu.vector_load %arg17[%swap3A_1316] {strides = array<i32>} : memref<128xi32, #tpu.memory_space<vmem>>, vector<16xi32>,
      tpu.vector_store %arg17[%swap3A_1316], %min3A_1313 {strides = array<i32>} : memref<128xi32, #tpu.memory_space<vmem>>, vector<16xi32>,
      %add3A_1318 = arith.constant 1 : i32
      %add3A_1319 = vector.broadcast %add3A_1318 : i32 to vector<16xi32>
      %add3A_1320 = arith.addi %add3A_1301, %add3A_1319 : vector<16xi32>
      %gather3A_1321 = tpu.vector_load_idx %arg13[%add3A_1320] : memref<4096xf32, #tpu.memory_space<vmem>>[vector<16xi32>], vector<16xf32>,
      %add3A_1322 = arith.addf %gather3A_1321, %get3A_15 : vector<16xf32>
      %convert_element_type3A_1323 = arith.fptosi %add3A_1322 : vector<16xf32> to vector<16xi32>
      %jit3A_1324 = arith.constant 0 : i32
      %jit3A_1325 = arith.constant 511 : i32
      %max3A_1326 = vector.broadcast %jit3A_1324 : i32 to vector<16xi32>
      %max3A_1327 = arith.maxsi %max3A_1326, %convert_element_type3A_1323 : vector<16xi32>
      %min3A_1328 = vector.broadcast %jit3A_1325 : i32 to vector<16xi32>
      %min3A_1329 = arith.minsi %min3A_1328, %max3A_1327 : vector<16xi32>
      %mul3A_1330 = arith.constant 16 : i32
      %mul3A_1331 = arith.muli %scan3A_1294, %mul3A_1330 : i32
      %swap3A_1332 = arith.index_cast %mul3A_1331 : i32 to index
      %swap3A_1333 = tpu.vector_load %arg18[%swap3A_1332] {strides = array<i32>} : memref<128xi32, #tpu.memory_space<vmem>>, vector<16xi32>,
      tpu.vector_store %arg18[%swap3A_1332], %min3A_1329 {strides = array<i32>} : memref<128xi32, #tpu.memory_space<vmem>>, vector<16xi32>,
      %add3A_1334 = arith.constant 2 : i32
      %add3A_1335 = vector.broadcast %add3A_1334 : i32 to vector<16xi32>
      %add3A_1336 = arith.addi %add3A_1301, %add3A_1335 : vector<16xi32>
      %gather3A_1337 = tpu.vector_load_idx %arg13[%add3A_1336] : memref<4096xf32, #tpu.memory_space<vmem>>[vector<16xi32>], vector<16xf32>,
      %add3A_1338 = arith.addf %gather3A_1337, %get3A_15 : vector<16xf32>
      %convert_element_type3A_1339 = arith.fptosi %add3A_1338 : vector<16xf32> to vector<16xi32>
      %jit3A_1340 = arith.constant 0 : i32
      %jit3A_1341 = arith.constant 2047 : i32
      %max3A_1342 = vector.broadcast %jit3A_1340 : i32 to vector<16xi32>
      %max3A_1343 = arith.maxsi %max3A_1342, %convert_element_type3A_1339 : vector<16xi32>
      %min3A_1344 = vector.broadcast %jit3A_1341 : i32 to vector<16xi32>
      %min3A_1345 = arith.minsi %min3A_1344, %max3A_1343 : vector<16xi32>
      %mul3A_1346 = arith.constant 16 : i32
      %mul3A_1347 = arith.muli %scan3A_1294, %mul3A_1346 : i32
      %swap3A_1348 = arith.index_cast %mul3A_1347 : i32 to index
      %swap3A_1349 = tpu.vector_load %arg19[%swap3A_1348] {strides = array<i32>} : memref<128xi32, #tpu.memory_space<vmem>>, vector<16xi32>,
      tpu.vector_store %arg19[%swap3A_1348], %min3A_1345 {strides = array<i32>} : memref<128xi32, #tpu.memory_space<vmem>>, vector<16xi32>,
      %add3A_1350 = arith.constant 3 : i32
      %add3A_1351 = vector.broadcast %add3A_1350 : i32 to vector<16xi32>
      %add3A_1352 = arith.addi %add3A_1301, %add3A_1351 : vector<16xi32>
      %gather3A_1353 = tpu.vector_load_idx %arg13[%add3A_1352] : memref<4096xf32, #tpu.memory_space<vmem>>[vector<16xi32>], vector<16xf32>,
      %add3A_1354 = arith.addf %gather3A_1353, %get3A_15 : vector<16xf32>
      %convert_element_type3A_1355 = arith.fptosi %add3A_1354 : vector<16xf32> to vector<16xi32>
      %jit3A_1356 = arith.constant 0 : i32
      %jit3A_1357 = arith.constant 1023 : i32
      %max3A_1358 = vector.broadcast %jit3A_1356 : i32 to vector<16xi32>
      %max3A_1359 = arith.maxsi %max3A_1358, %convert_element_type3A_1355 : vector<16xi32>
      %min3A_1360 = vector.broadcast %jit3A_1357 : i32 to vector<16xi32>
      %min3A_1361 = arith.minsi %min3A_1360, %max3A_1359 : vector<16xi32>
      %mul3A_1362 = arith.constant 16 : i32
      %mul3A_1363 = arith.muli %scan3A_1294, %mul3A_1362 : i32
      %swap3A_1364 = arith.index_cast %mul3A_1363 : i32 to index
      %swap3A_1365 = tpu.vector_load %arg20[%swap3A_1364] {strides = array<i32>} : memref<128xi32, #tpu.memory_space<vmem>>, vector<16xi32>,
      tpu.vector_store %arg20[%swap3A_1364], %min3A_1361 {strides = array<i32>} : memref<128xi32, #tpu.memory_space<vmem>>, vector<16xi32>,
      %add3A_1366 = arith.constant 4 : i32
      %add3A_1367 = vector.broadcast %add3A_1366 : i32 to vector<16xi32>
      %add3A_1368 = arith.addi %add3A_1301, %add3A_1367 : vector<16xi32>
      %gather3A_1369 = tpu.vector_load_idx %arg13[%add3A_1368] : memref<4096xf32, #tpu.memory_space<vmem>>[vector<16xi32>], vector<16xf32>,
      %add3A_1370 = arith.addf %gather3A_1369, %get3A_15 : vector<16xf32>
      %convert_element_type3A_1371 = arith.fptosi %add3A_1370 : vector<16xf32> to vector<16xi32>
      %jit3A_1372 = arith.constant 0 : i32
      %jit3A_1373 = arith.constant 1023 : i32
      %max3A_1374 = vector.broadcast %jit3A_1372 : i32 to vector<16xi32>
      %max3A_1375 = arith.maxsi %max3A_1374, %convert_element_type3A_1371 : vector<16xi32>
      %min3A_1376 = vector.broadcast %jit3A_1373 : i32 to vector<16xi32>
      %min3A_1377 = arith.minsi %min3A_1376, %max3A_1375 : vector<16xi32>
      %mul3A_1378 = arith.constant 16 : i32
      %mul3A_1379 = arith.muli %scan3A_1294, %mul3A_1378 : i32
      %swap3A_1380 = arith.index_cast %mul3A_1379 : i32 to index
      %swap3A_1381 = tpu.vector_load %arg21[%swap3A_1380] {strides = array<i32>} : memref<128xi32, #tpu.memory_space<vmem>>, vector<16xi32>,
      tpu.vector_store %arg21[%swap3A_1380], %min3A_1377 {strides = array<i32>} : memref<128xi32, #tpu.memory_space<vmem>>, vector<16xi32>,
      %add3A_1382 = arith.constant 5 : i32
      %add3A_1383 = vector.broadcast %add3A_1382 : i32 to vector<16xi32>
      %add3A_1384 = arith.addi %add3A_1301, %add3A_1383 : vector<16xi32>
      %gather3A_1385 = tpu.vector_load_idx %arg13[%add3A_1384] : memref<4096xf32, #tpu.memory_space<vmem>>[vector<16xi32>], vector<16xf32>,
      %add3A_1386 = arith.addf %gather3A_1385, %get3A_15 : vector<16xf32>
      %convert_element_type3A_1387 = arith.fptosi %add3A_1386 : vector<16xf32> to vector<16xi32>
      %jit3A_1388 = arith.constant 0 : i32
      %jit3A_1389 = arith.constant 1023 : i32
      %max3A_1390 = vector.broadcast %jit3A_1388 : i32 to vector<16xi32>
      %max3A_1391 = arith.maxsi %max3A_1390, %convert_element_type3A_1387 : vector<16xi32>
      %min3A_1392 = vector.broadcast %jit3A_1389 : i32 to vector<16xi32>
      %min3A_1393 = arith.minsi %min3A_1392, %max3A_1391 : vector<16xi32>
      %mul3A_1394 = arith.constant 16 : i32
      %mul3A_1395 = arith.muli %scan3A_1294, %mul3A_1394 : i32
      %swap3A_1396 = arith.index_cast %mul3A_1395 : i32 to index
      %swap3A_1397 = tpu.vector_load %arg22[%swap3A_1396] {strides = array<i32>} : memref<128xi32, #tpu.memory_space<vmem>>, vector<16xi32>,
      tpu.vector_store %arg22[%swap3A_1396], %min3A_1393 {strides = array<i32>} : memref<128xi32, #tpu.memory_space<vmem>>, vector<16xi32>,
      %add3A_1398 = arith.constant 6 : i32
      %add3A_1399 = vector.broadcast %add3A_1398 : i32 to vector<16xi32>
      %add3A_1400 = arith.addi %add3A_1301, %add3A_1399 : vector<16xi32>
      %gather3A_1401 = tpu.vector_load_idx %arg13[%add3A_1400] : memref<4096xf32, #tpu.memory_space<vmem>>[vector<16xi32>], vector<16xf32>,
      %add3A_1402 = arith.addf %gather3A_1401, %get3A_15 : vector<16xf32>
      %convert_element_type3A_1403 = arith.fptosi %add3A_1402 : vector<16xf32> to vector<16xi32>
      %jit3A_1404 = arith.constant 0 : i32
      %jit3A_1405 = arith.constant 1023 : i32
      %max3A_1406 = vector.broadcast %jit3A_1404 : i32 to vector<16xi32>
      %max3A_1407 = arith.maxsi %max3A_1406, %convert_element_type3A_1403 : vector<16xi32>
      %min3A_1408 = vector.broadcast %jit3A_1405 : i32 to vector<16xi32>
      %min3A_1409 = arith.minsi %min3A_1408, %max3A_1407 : vector<16xi32>
      %mul3A_1410 = arith.constant 16 : i32
      %mul3A_1411 = arith.muli %scan3A_1294, %mul3A_1410 : i32
      %swap3A_1412 = arith.index_cast %mul3A_1411 : i32 to index
      %swap3A_1413 = tpu.vector_load %arg23[%swap3A_1412] {strides = array<i32>} : memref<128xi32, #tpu.memory_space<vmem>>, vector<16xi32>,
      tpu.vector_store %arg23[%swap3A_1412], %min3A_1409 {strides = array<i32>} : memref<128xi32, #tpu.memory_space<vmem>>, vector<16xi32>,
      %scan3A_1414 = arith.constant 3 : i32
      %mul3A_1415 = arith.constant 32 : i32
      %mul3A_1416 = vector.broadcast %mul3A_1415 : i32 to vector<16xi32>
      %mul3A_1417 = arith.muli %iota3A, %mul3A_1416 : vector<16xi32>
      %mul3A_1418 = arith.constant 512 : i32
      %mul3A_1419 = arith.muli %scan3A_1414, %mul3A_1418 : i32
      %add3A_1420 = vector.broadcast %mul3A_1419 : i32 to vector<16xi32>
      %add3A_1421 = arith.addi %mul3A_1417, %add3A_1420 : vector<16xi32>
      %add3A_1422 = arith.constant 0 : i32
      %add3A_1423 = vector.broadcast %add3A_1422 : i32 to vector<16xi32>
      %add3A_1424 = arith.addi %add3A_1421, %add3A_1423 : vector<16xi32>
      %gather3A_1425 = tpu.vector_load_idx %arg13[%add3A_1424] : memref<4096xf32, #tpu.memory_space<vmem>>[vector<16xi32>], vector<16xf32>,
      %add3A_1426 = arith.addf %gather3A_1425, %get3A_15 : vector<16xf32>
      %convert_element_type3A_1427 = arith.fptosi %add3A_1426 : vector<16xf32> to vector<16xi32>
      %jit3A_1428 = arith.constant 0 : i32
      %jit3A_1429 = arith.constant 2047 : i32
      %max3A_1430 = vector.broadcast %jit3A_1428 : i32 to vector<16xi32>
      %max3A_1431 = arith.maxsi %max3A_1430, %convert_element_type3A_1427 : vector<16xi32>
      %min3A_1432 = vector.broadcast %jit3A_1429 : i32 to vector<16xi32>
      %min3A_1433 = arith.minsi %min3A_1432, %max3A_1431 : vector<16xi32>
      %mul3A_1434 = arith.constant 16 : i32
      %mul3A_1435 = arith.muli %scan3A_1414, %mul3A_1434 : i32
      %swap3A_1436 = arith.index_cast %mul3A_1435 : i32 to index
      %swap3A_1437 = tpu.vector_load %arg17[%swap3A_1436] {strides = array<i32>} : memref<128xi32, #tpu.memory_space<vmem>>, vector<16xi32>,
      tpu.vector_store %arg17[%swap3A_1436], %min3A_1433 {strides = array<i32>} : memref<128xi32, #tpu.memory_space<vmem>>, vector<16xi32>,
      %add3A_1438 = arith.constant 1 : i32
      %add3A_1439 = vector.broadcast %add3A_1438 : i32 to vector<16xi32>
      %add3A_1440 = arith.addi %add3A_1421, %add3A_1439 : vector<16xi32>
      %gather3A_1441 = tpu.vector_load_idx %arg13[%add3A_1440] : memref<4096xf32, #tpu.memory_space<vmem>>[vector<16xi32>], vector<16xf32>,
      %add3A_1442 = arith.addf %gather3A_1441, %get3A_15 : vector<16xf32>
      %convert_element_type3A_1443 = arith.fptosi %add3A_1442 : vector<16xf32> to vector<16xi32>
      %jit3A_1444 = arith.constant 0 : i32
      %jit3A_1445 = arith.constant 511 : i32
      %max3A_1446 = vector.broadcast %jit3A_1444 : i32 to vector<16xi32>
      %max3A_1447 = arith.maxsi %max3A_1446, %convert_element_type3A_1443 : vector<16xi32>
      %min3A_1448 = vector.broadcast %jit3A_1445 : i32 to vector<16xi32>
      %min3A_1449 = arith.minsi %min3A_1448, %max3A_1447 : vector<16xi32>
      %mul3A_1450 = arith.constant 16 : i32
      %mul3A_1451 = arith.muli %scan3A_1414, %mul3A_1450 : i32
      %swap3A_1452 = arith.index_cast %mul3A_1451 : i32 to index
      %swap3A_1453 = tpu.vector_load %arg18[%swap3A_1452] {strides = array<i32>} : memref<128xi32, #tpu.memory_space<vmem>>, vector<16xi32>,
      tpu.vector_store %arg18[%swap3A_1452], %min3A_1449 {strides = array<i32>} : memref<128xi32, #tpu.memory_space<vmem>>, vector<16xi32>,
      %add3A_1454 = arith.constant 2 : i32
      %add3A_1455 = vector.broadcast %add3A_1454 : i32 to vector<16xi32>
      %add3A_1456 = arith.addi %add3A_1421, %add3A_1455 : vector<16xi32>
      %gather3A_1457 = tpu.vector_load_idx %arg13[%add3A_1456] : memref<4096xf32, #tpu.memory_space<vmem>>[vector<16xi32>], vector<16xf32>,
      %add3A_1458 = arith.addf %gather3A_1457, %get3A_15 : vector<16xf32>
      %convert_element_type3A_1459 = arith.fptosi %add3A_1458 : vector<16xf32> to vector<16xi32>
      %jit3A_1460 = arith.constant 0 : i32
      %jit3A_1461 = arith.constant 2047 : i32
      %max3A_1462 = vector.broadcast %jit3A_1460 : i32 to vector<16xi32>
      %max3A_1463 = arith.maxsi %max3A_1462, %convert_element_type3A_1459 : vector<16xi32>
      %min3A_1464 = vector.broadcast %jit3A_1461 : i32 to vector<16xi32>
      %min3A_1465 = arith.minsi %min3A_1464, %max3A_1463 : vector<16xi32>
      %mul3A_1466 = arith.constant 16 : i32
      %mul3A_1467 = arith.muli %scan3A_1414, %mul3A_1466 : i32
      %swap3A_1468 = arith.index_cast %mul3A_1467 : i32 to index
      %swap3A_1469 = tpu.vector_load %arg19[%swap3A_1468] {strides = array<i32>} : memref<128xi32, #tpu.memory_space<vmem>>, vector<16xi32>,
      tpu.vector_store %arg19[%swap3A_1468], %min3A_1465 {strides = array<i32>} : memref<128xi32, #tpu.memory_space<vmem>>, vector<16xi32>,
      %add3A_1470 = arith.constant 3 : i32
      %add3A_1471 = vector.broadcast %add3A_1470 : i32 to vector<16xi32>
      %add3A_1472 = arith.addi %add3A_1421, %add3A_1471 : vector<16xi32>
      %gather3A_1473 = tpu.vector_load_idx %arg13[%add3A_1472] : memref<4096xf32, #tpu.memory_space<vmem>>[vector<16xi32>], vector<16xf32>,
      %add3A_1474 = arith.addf %gather3A_1473, %get3A_15 : vector<16xf32>
      %convert_element_type3A_1475 = arith.fptosi %add3A_1474 : vector<16xf32> to vector<16xi32>
      %jit3A_1476 = arith.constant 0 : i32
      %jit3A_1477 = arith.constant 1023 : i32
      %max3A_1478 = vector.broadcast %jit3A_1476 : i32 to vector<16xi32>
      %max3A_1479 = arith.maxsi %max3A_1478, %convert_element_type3A_1475 : vector<16xi32>
      %min3A_1480 = vector.broadcast %jit3A_1477 : i32 to vector<16xi32>
      %min3A_1481 = arith.minsi %min3A_1480, %max3A_1479 : vector<16xi32>
      %mul3A_1482 = arith.constant 16 : i32
      %mul3A_1483 = arith.muli %scan3A_1414, %mul3A_1482 : i32
      %swap3A_1484 = arith.index_cast %mul3A_1483 : i32 to index
      %swap3A_1485 = tpu.vector_load %arg20[%swap3A_1484] {strides = array<i32>} : memref<128xi32, #tpu.memory_space<vmem>>, vector<16xi32>,
      tpu.vector_store %arg20[%swap3A_1484], %min3A_1481 {strides = array<i32>} : memref<128xi32, #tpu.memory_space<vmem>>, vector<16xi32>,
      %add3A_1486 = arith.constant 4 : i32
      %add3A_1487 = vector.broadcast %add3A_1486 : i32 to vector<16xi32>
      %add3A_1488 = arith.addi %add3A_1421, %add3A_1487 : vector<16xi32>
      %gather3A_1489 = tpu.vector_load_idx %arg13[%add3A_1488] : memref<4096xf32, #tpu.memory_space<vmem>>[vector<16xi32>], vector<16xf32>,
      %add3A_1490 = arith.addf %gather3A_1489, %get3A_15 : vector<16xf32>
      %convert_element_type3A_1491 = arith.fptosi %add3A_1490 : vector<16xf32> to vector<16xi32>
      %jit3A_1492 = arith.constant 0 : i32
      %jit3A_1493 = arith.constant 1023 : i32
      %max3A_1494 = vector.broadcast %jit3A_1492 : i32 to vector<16xi32>
      %max3A_1495 = arith.maxsi %max3A_1494, %convert_element_type3A_1491 : vector<16xi32>
      %min3A_1496 = vector.broadcast %jit3A_1493 : i32 to vector<16xi32>
      %min3A_1497 = arith.minsi %min3A_1496, %max3A_1495 : vector<16xi32>
      %mul3A_1498 = arith.constant 16 : i32
      %mul3A_1499 = arith.muli %scan3A_1414, %mul3A_1498 : i32
      %swap3A_1500 = arith.index_cast %mul3A_1499 : i32 to index
      %swap3A_1501 = tpu.vector_load %arg21[%swap3A_1500] {strides = array<i32>} : memref<128xi32, #tpu.memory_space<vmem>>, vector<16xi32>,
      tpu.vector_store %arg21[%swap3A_1500], %min3A_1497 {strides = array<i32>} : memref<128xi32, #tpu.memory_space<vmem>>, vector<16xi32>,
      %add3A_1502 = arith.constant 5 : i32
      %add3A_1503 = vector.broadcast %add3A_1502 : i32 to vector<16xi32>
      %add3A_1504 = arith.addi %add3A_1421, %add3A_1503 : vector<16xi32>
      %gather3A_1505 = tpu.vector_load_idx %arg13[%add3A_1504] : memref<4096xf32, #tpu.memory_space<vmem>>[vector<16xi32>], vector<16xf32>,
      %add3A_1506 = arith.addf %gather3A_1505, %get3A_15 : vector<16xf32>
      %convert_element_type3A_1507 = arith.fptosi %add3A_1506 : vector<16xf32> to vector<16xi32>
      %jit3A_1508 = arith.constant 0 : i32
      %jit3A_1509 = arith.constant 1023 : i32
      %max3A_1510 = vector.broadcast %jit3A_1508 : i32 to vector<16xi32>
      %max3A_1511 = arith.maxsi %max3A_1510, %convert_element_type3A_1507 : vector<16xi32>
      %min3A_1512 = vector.broadcast %jit3A_1509 : i32 to vector<16xi32>
      %min3A_1513 = arith.minsi %min3A_1512, %max3A_1511 : vector<16xi32>
      %mul3A_1514 = arith.constant 16 : i32
      %mul3A_1515 = arith.muli %scan3A_1414, %mul3A_1514 : i32
      %swap3A_1516 = arith.index_cast %mul3A_1515 : i32 to index
      %swap3A_1517 = tpu.vector_load %arg22[%swap3A_1516] {strides = array<i32>} : memref<128xi32, #tpu.memory_space<vmem>>, vector<16xi32>,
      tpu.vector_store %arg22[%swap3A_1516], %min3A_1513 {strides = array<i32>} : memref<128xi32, #tpu.memory_space<vmem>>, vector<16xi32>,
      %add3A_1518 = arith.constant 6 : i32
      %add3A_1519 = vector.broadcast %add3A_1518 : i32 to vector<16xi32>
      %add3A_1520 = arith.addi %add3A_1421, %add3A_1519 : vector<16xi32>
      %gather3A_1521 = tpu.vector_load_idx %arg13[%add3A_1520] : memref<4096xf32, #tpu.memory_space<vmem>>[vector<16xi32>], vector<16xf32>,
      %add3A_1522 = arith.addf %gather3A_1521, %get3A_15 : vector<16xf32>
      %convert_element_type3A_1523 = arith.fptosi %add3A_1522 : vector<16xf32> to vector<16xi32>
      %jit3A_1524 = arith.constant 0 : i32
      %jit3A_1525 = arith.constant 1023 : i32
      %max3A_1526 = vector.broadcast %jit3A_1524 : i32 to vector<16xi32>
      %max3A_1527 = arith.maxsi %max3A_1526, %convert_element_type3A_1523 : vector<16xi32>
      %min3A_1528 = vector.broadcast %jit3A_1525 : i32 to vector<16xi32>
      %min3A_1529 = arith.minsi %min3A_1528, %max3A_1527 : vector<16xi32>
      %mul3A_1530 = arith.constant 16 : i32
      %mul3A_1531 = arith.muli %scan3A_1414, %mul3A_1530 : i32
      %swap3A_1532 = arith.index_cast %mul3A_1531 : i32 to index
      %swap3A_1533 = tpu.vector_load %arg23[%swap3A_1532] {strides = array<i32>} : memref<128xi32, #tpu.memory_space<vmem>>, vector<16xi32>,
      tpu.vector_store %arg23[%swap3A_1532], %min3A_1529 {strides = array<i32>} : memref<128xi32, #tpu.memory_space<vmem>>, vector<16xi32>,
      %scan3A_1534 = arith.constant 4 : i32
      %mul3A_1535 = arith.constant 32 : i32
      %mul3A_1536 = vector.broadcast %mul3A_1535 : i32 to vector<16xi32>
      %mul3A_1537 = arith.muli %iota3A, %mul3A_1536 : vector<16xi32>
      %mul3A_1538 = arith.constant 512 : i32
      %mul3A_1539 = arith.muli %scan3A_1534, %mul3A_1538 : i32
      %add3A_1540 = vector.broadcast %mul3A_1539 : i32 to vector<16xi32>
      %add3A_1541 = arith.addi %mul3A_1537, %add3A_1540 : vector<16xi32>
      %add3A_1542 = arith.constant 0 : i32
      %add3A_1543 = vector.broadcast %add3A_1542 : i32 to vector<16xi32>
      %add3A_1544 = arith.addi %add3A_1541, %add3A_1543 : vector<16xi32>
      %gather3A_1545 = tpu.vector_load_idx %arg13[%add3A_1544] : memref<4096xf32, #tpu.memory_space<vmem>>[vector<16xi32>], vector<16xf32>,
      %add3A_1546 = arith.addf %gather3A_1545, %get3A_15 : vector<16xf32>
      %convert_element_type3A_1547 = arith.fptosi %add3A_1546 : vector<16xf32> to vector<16xi32>
      %jit3A_1548 = arith.constant 0 : i32
      %jit3A_1549 = arith.constant 2047 : i32
      %max3A_1550 = vector.broadcast %jit3A_1548 : i32 to vector<16xi32>
      %max3A_1551 = arith.maxsi %max3A_1550, %convert_element_type3A_1547 : vector<16xi32>
      %min3A_1552 = vector.broadcast %jit3A_1549 : i32 to vector<16xi32>
      %min3A_1553 = arith.minsi %min3A_1552, %max3A_1551 : vector<16xi32>
      %mul3A_1554 = arith.constant 16 : i32
      %mul3A_1555 = arith.muli %scan3A_1534, %mul3A_1554 : i32
      %swap3A_1556 = arith.index_cast %mul3A_1555 : i32 to index
      %swap3A_1557 = tpu.vector_load %arg17[%swap3A_1556] {strides = array<i32>} : memref<128xi32, #tpu.memory_space<vmem>>, vector<16xi32>,
      tpu.vector_store %arg17[%swap3A_1556], %min3A_1553 {strides = array<i32>} : memref<128xi32, #tpu.memory_space<vmem>>, vector<16xi32>,
      %add3A_1558 = arith.constant 1 : i32
      %add3A_1559 = vector.broadcast %add3A_1558 : i32 to vector<16xi32>
      %add3A_1560 = arith.addi %add3A_1541, %add3A_1559 : vector<16xi32>
      %gather3A_1561 = tpu.vector_load_idx %arg13[%add3A_1560] : memref<4096xf32, #tpu.memory_space<vmem>>[vector<16xi32>], vector<16xf32>,
      %add3A_1562 = arith.addf %gather3A_1561, %get3A_15 : vector<16xf32>
      %convert_element_type3A_1563 = arith.fptosi %add3A_1562 : vector<16xf32> to vector<16xi32>
      %jit3A_1564 = arith.constant 0 : i32
      %jit3A_1565 = arith.constant 511 : i32
      %max3A_1566 = vector.broadcast %jit3A_1564 : i32 to vector<16xi32>
      %max3A_1567 = arith.maxsi %max3A_1566, %convert_element_type3A_1563 : vector<16xi32>
      %min3A_1568 = vector.broadcast %jit3A_1565 : i32 to vector<16xi32>
      %min3A_1569 = arith.minsi %min3A_1568, %max3A_1567 : vector<16xi32>
      %mul3A_1570 = arith.constant 16 : i32
      %mul3A_1571 = arith.muli %scan3A_1534, %mul3A_1570 : i32
      %swap3A_1572 = arith.index_cast %mul3A_1571 : i32 to index
      %swap3A_1573 = tpu.vector_load %arg18[%swap3A_1572] {strides = array<i32>} : memref<128xi32, #tpu.memory_space<vmem>>, vector<16xi32>,
      tpu.vector_store %arg18[%swap3A_1572], %min3A_1569 {strides = array<i32>} : memref<128xi32, #tpu.memory_space<vmem>>, vector<16xi32>,
      %add3A_1574 = arith.constant 2 : i32
      %add3A_1575 = vector.broadcast %add3A_1574 : i32 to vector<16xi32>
      %add3A_1576 = arith.addi %add3A_1541, %add3A_1575 : vector<16xi32>
      %gather3A_1577 = tpu.vector_load_idx %arg13[%add3A_1576] : memref<4096xf32, #tpu.memory_space<vmem>>[vector<16xi32>], vector<16xf32>,
      %add3A_1578 = arith.addf %gather3A_1577, %get3A_15 : vector<16xf32>
      %convert_element_type3A_1579 = arith.fptosi %add3A_1578 : vector<16xf32> to vector<16xi32>
      %jit3A_1580 = arith.constant 0 : i32
      %jit3A_1581 = arith.constant 2047 : i32
      %max3A_1582 = vector.broadcast %jit3A_1580 : i32 to vector<16xi32>
      %max3A_1583 = arith.maxsi %max3A_1582, %convert_element_type3A_1579 : vector<16xi32>
      %min3A_1584 = vector.broadcast %jit3A_1581 : i32 to vector<16xi32>
      %min3A_1585 = arith.minsi %min3A_1584, %max3A_1583 : vector<16xi32>
      %mul3A_1586 = arith.constant 16 : i32
      %mul3A_1587 = arith.muli %scan3A_1534, %mul3A_1586 : i32
      %swap3A_1588 = arith.index_cast %mul3A_1587 : i32 to index
      %swap3A_1589 = tpu.vector_load %arg19[%swap3A_1588] {strides = array<i32>} : memref<128xi32, #tpu.memory_space<vmem>>, vector<16xi32>,
      tpu.vector_store %arg19[%swap3A_1588], %min3A_1585 {strides = array<i32>} : memref<128xi32, #tpu.memory_space<vmem>>, vector<16xi32>,
      %add3A_1590 = arith.constant 3 : i32
      %add3A_1591 = vector.broadcast %add3A_1590 : i32 to vector<16xi32>
      %add3A_1592 = arith.addi %add3A_1541, %add3A_1591 : vector<16xi32>
      %gather3A_1593 = tpu.vector_load_idx %arg13[%add3A_1592] : memref<4096xf32, #tpu.memory_space<vmem>>[vector<16xi32>], vector<16xf32>,
      %add3A_1594 = arith.addf %gather3A_1593, %get3A_15 : vector<16xf32>
      %convert_element_type3A_1595 = arith.fptosi %add3A_1594 : vector<16xf32> to vector<16xi32>
      %jit3A_1596 = arith.constant 0 : i32
      %jit3A_1597 = arith.constant 1023 : i32
      %max3A_1598 = vector.broadcast %jit3A_1596 : i32 to vector<16xi32>
      %max3A_1599 = arith.maxsi %max3A_1598, %convert_element_type3A_1595 : vector<16xi32>
      %min3A_1600 = vector.broadcast %jit3A_1597 : i32 to vector<16xi32>
      %min3A_1601 = arith.minsi %min3A_1600, %max3A_1599 : vector<16xi32>
      %mul3A_1602 = arith.constant 16 : i32
      %mul3A_1603 = arith.muli %scan3A_1534, %mul3A_1602 : i32
      %swap3A_1604 = arith.index_cast %mul3A_1603 : i32 to index
      %swap3A_1605 = tpu.vector_load %arg20[%swap3A_1604] {strides = array<i32>} : memref<128xi32, #tpu.memory_space<vmem>>, vector<16xi32>,
      tpu.vector_store %arg20[%swap3A_1604], %min3A_1601 {strides = array<i32>} : memref<128xi32, #tpu.memory_space<vmem>>, vector<16xi32>,
      %add3A_1606 = arith.constant 4 : i32
      %add3A_1607 = vector.broadcast %add3A_1606 : i32 to vector<16xi32>
      %add3A_1608 = arith.addi %add3A_1541, %add3A_1607 : vector<16xi32>
      %gather3A_1609 = tpu.vector_load_idx %arg13[%add3A_1608] : memref<4096xf32, #tpu.memory_space<vmem>>[vector<16xi32>], vector<16xf32>,
      %add3A_1610 = arith.addf %gather3A_1609, %get3A_15 : vector<16xf32>
      %convert_element_type3A_1611 = arith.fptosi %add3A_1610 : vector<16xf32> to vector<16xi32>
      %jit3A_1612 = arith.constant 0 : i32
      %jit3A_1613 = arith.constant 1023 : i32
      %max3A_1614 = vector.broadcast %jit3A_1612 : i32 to vector<16xi32>
      %max3A_1615 = arith.maxsi %max3A_1614, %convert_element_type3A_1611 : vector<16xi32>
      %min3A_1616 = vector.broadcast %jit3A_1613 : i32 to vector<16xi32>
      %min3A_1617 = arith.minsi %min3A_1616, %max3A_1615 : vector<16xi32>
      %mul3A_1618 = arith.constant 16 : i32
      %mul3A_1619 = arith.muli %scan3A_1534, %mul3A_1618 : i32
      %swap3A_1620 = arith.index_cast %mul3A_1619 : i32 to index
      %swap3A_1621 = tpu.vector_load %arg21[%swap3A_1620] {strides = array<i32>} : memref<128xi32, #tpu.memory_space<vmem>>, vector<16xi32>,
      tpu.vector_store %arg21[%swap3A_1620], %min3A_1617 {strides = array<i32>} : memref<128xi32, #tpu.memory_space<vmem>>, vector<16xi32>,
      %add3A_1622 = arith.constant 5 : i32
      %add3A_1623 = vector.broadcast %add3A_1622 : i32 to vector<16xi32>
      %add3A_1624 = arith.addi %add3A_1541, %add3A_1623 : vector<16xi32>
      %gather3A_1625 = tpu.vector_load_idx %arg13[%add3A_1624] : memref<4096xf32, #tpu.memory_space<vmem>>[vector<16xi32>], vector<16xf32>,
      %add3A_1626 = arith.addf %gather3A_1625, %get3A_15 : vector<16xf32>
      %convert_element_type3A_1627 = arith.fptosi %add3A_1626 : vector<16xf32> to vector<16xi32>
      %jit3A_1628 = arith.constant 0 : i32
      %jit3A_1629 = arith.constant 1023 : i32
      %max3A_1630 = vector.broadcast %jit3A_1628 : i32 to vector<16xi32>
      %max3A_1631 = arith.maxsi %max3A_1630, %convert_element_type3A_1627 : vector<16xi32>
      %min3A_1632 = vector.broadcast %jit3A_1629 : i32 to vector<16xi32>
      %min3A_1633 = arith.minsi %min3A_1632, %max3A_1631 : vector<16xi32>
      %mul3A_1634 = arith.constant 16 : i32
      %mul3A_1635 = arith.muli %scan3A_1534, %mul3A_1634 : i32
      %swap3A_1636 = arith.index_cast %mul3A_1635 : i32 to index
      %swap3A_1637 = tpu.vector_load %arg22[%swap3A_1636] {strides = array<i32>} : memref<128xi32, #tpu.memory_space<vmem>>, vector<16xi32>,
      tpu.vector_store %arg22[%swap3A_1636], %min3A_1633 {strides = array<i32>} : memref<128xi32, #tpu.memory_space<vmem>>, vector<16xi32>,
      %add3A_1638 = arith.constant 6 : i32
      %add3A_1639 = vector.broadcast %add3A_1638 : i32 to vector<16xi32>
      %add3A_1640 = arith.addi %add3A_1541, %add3A_1639 : vector<16xi32>
      %gather3A_1641 = tpu.vector_load_idx %arg13[%add3A_1640] : memref<4096xf32, #tpu.memory_space<vmem>>[vector<16xi32>], vector<16xf32>,
      %add3A_1642 = arith.addf %gather3A_1641, %get3A_15 : vector<16xf32>
      %convert_element_type3A_1643 = arith.fptosi %add3A_1642 : vector<16xf32> to vector<16xi32>
      %jit3A_1644 = arith.constant 0 : i32
      %jit3A_1645 = arith.constant 1023 : i32
      %max3A_1646 = vector.broadcast %jit3A_1644 : i32 to vector<16xi32>
      %max3A_1647 = arith.maxsi %max3A_1646, %convert_element_type3A_1643 : vector<16xi32>
      %min3A_1648 = vector.broadcast %jit3A_1645 : i32 to vector<16xi32>
      %min3A_1649 = arith.minsi %min3A_1648, %max3A_1647 : vector<16xi32>
      %mul3A_1650 = arith.constant 16 : i32
      %mul3A_1651 = arith.muli %scan3A_1534, %mul3A_1650 : i32
      %swap3A_1652 = arith.index_cast %mul3A_1651 : i32 to index
      %swap3A_1653 = tpu.vector_load %arg23[%swap3A_1652] {strides = array<i32>} : memref<128xi32, #tpu.memory_space<vmem>>, vector<16xi32>,
      tpu.vector_store %arg23[%swap3A_1652], %min3A_1649 {strides = array<i32>} : memref<128xi32, #tpu.memory_space<vmem>>, vector<16xi32>,
      %scan3A_1654 = arith.constant 5 : i32
      %mul3A_1655 = arith.constant 32 : i32
      %mul3A_1656 = vector.broadcast %mul3A_1655 : i32 to vector<16xi32>
      %mul3A_1657 = arith.muli %iota3A, %mul3A_1656 : vector<16xi32>
      %mul3A_1658 = arith.constant 512 : i32
      %mul3A_1659 = arith.muli %scan3A_1654, %mul3A_1658 : i32
      %add3A_1660 = vector.broadcast %mul3A_1659 : i32 to vector<16xi32>
      %add3A_1661 = arith.addi %mul3A_1657, %add3A_1660 : vector<16xi32>
      %add3A_1662 = arith.constant 0 : i32
      %add3A_1663 = vector.broadcast %add3A_1662 : i32 to vector<16xi32>
      %add3A_1664 = arith.addi %add3A_1661, %add3A_1663 : vector<16xi32>
      %gather3A_1665 = tpu.vector_load_idx %arg13[%add3A_1664] : memref<4096xf32, #tpu.memory_space<vmem>>[vector<16xi32>], vector<16xf32>,
      %add3A_1666 = arith.addf %gather3A_1665, %get3A_15 : vector<16xf32>
      %convert_element_type3A_1667 = arith.fptosi %add3A_1666 : vector<16xf32> to vector<16xi32>
      %jit3A_1668 = arith.constant 0 : i32
      %jit3A_1669 = arith.constant 2047 : i32
      %max3A_1670 = vector.broadcast %jit3A_1668 : i32 to vector<16xi32>
      %max3A_1671 = arith.maxsi %max3A_1670, %convert_element_type3A_1667 : vector<16xi32>
      %min3A_1672 = vector.broadcast %jit3A_1669 : i32 to vector<16xi32>
      %min3A_1673 = arith.minsi %min3A_1672, %max3A_1671 : vector<16xi32>
      %mul3A_1674 = arith.constant 16 : i32
      %mul3A_1675 = arith.muli %scan3A_1654, %mul3A_1674 : i32
      %swap3A_1676 = arith.index_cast %mul3A_1675 : i32 to index
      %swap3A_1677 = tpu.vector_load %arg17[%swap3A_1676] {strides = array<i32>} : memref<128xi32, #tpu.memory_space<vmem>>, vector<16xi32>,
      tpu.vector_store %arg17[%swap3A_1676], %min3A_1673 {strides = array<i32>} : memref<128xi32, #tpu.memory_space<vmem>>, vector<16xi32>,
      %add3A_1678 = arith.constant 1 : i32
      %add3A_1679 = vector.broadcast %add3A_1678 : i32 to vector<16xi32>
      %add3A_1680 = arith.addi %add3A_1661, %add3A_1679 : vector<16xi32>
      %gather3A_1681 = tpu.vector_load_idx %arg13[%add3A_1680] : memref<4096xf32, #tpu.memory_space<vmem>>[vector<16xi32>], vector<16xf32>,
      %add3A_1682 = arith.addf %gather3A_1681, %get3A_15 : vector<16xf32>
      %convert_element_type3A_1683 = arith.fptosi %add3A_1682 : vector<16xf32> to vector<16xi32>
      %jit3A_1684 = arith.constant 0 : i32
      %jit3A_1685 = arith.constant 511 : i32
      %max3A_1686 = vector.broadcast %jit3A_1684 : i32 to vector<16xi32>
      %max3A_1687 = arith.maxsi %max3A_1686, %convert_element_type3A_1683 : vector<16xi32>
      %min3A_1688 = vector.broadcast %jit3A_1685 : i32 to vector<16xi32>
      %min3A_1689 = arith.minsi %min3A_1688, %max3A_1687 : vector<16xi32>
      %mul3A_1690 = arith.constant 16 : i32
      %mul3A_1691 = arith.muli %scan3A_1654, %mul3A_1690 : i32
      %swap3A_1692 = arith.index_cast %mul3A_1691 : i32 to index
      %swap3A_1693 = tpu.vector_load %arg18[%swap3A_1692] {strides = array<i32>} : memref<128xi32, #tpu.memory_space<vmem>>, vector<16xi32>,
      tpu.vector_store %arg18[%swap3A_1692], %min3A_1689 {strides = array<i32>} : memref<128xi32, #tpu.memory_space<vmem>>, vector<16xi32>,
      %add3A_1694 = arith.constant 2 : i32
      %add3A_1695 = vector.broadcast %add3A_1694 : i32 to vector<16xi32>
      %add3A_1696 = arith.addi %add3A_1661, %add3A_1695 : vector<16xi32>
      %gather3A_1697 = tpu.vector_load_idx %arg13[%add3A_1696] : memref<4096xf32, #tpu.memory_space<vmem>>[vector<16xi32>], vector<16xf32>,
      %add3A_1698 = arith.addf %gather3A_1697, %get3A_15 : vector<16xf32>
      %convert_element_type3A_1699 = arith.fptosi %add3A_1698 : vector<16xf32> to vector<16xi32>
      %jit3A_1700 = arith.constant 0 : i32
      %jit3A_1701 = arith.constant 2047 : i32
      %max3A_1702 = vector.broadcast %jit3A_1700 : i32 to vector<16xi32>
      %max3A_1703 = arith.maxsi %max3A_1702, %convert_element_type3A_1699 : vector<16xi32>
      %min3A_1704 = vector.broadcast %jit3A_1701 : i32 to vector<16xi32>
      %min3A_1705 = arith.minsi %min3A_1704, %max3A_1703 : vector<16xi32>
      %mul3A_1706 = arith.constant 16 : i32
      %mul3A_1707 = arith.muli %scan3A_1654, %mul3A_1706 : i32
      %swap3A_1708 = arith.index_cast %mul3A_1707 : i32 to index
      %swap3A_1709 = tpu.vector_load %arg19[%swap3A_1708] {strides = array<i32>} : memref<128xi32, #tpu.memory_space<vmem>>, vector<16xi32>,
      tpu.vector_store %arg19[%swap3A_1708], %min3A_1705 {strides = array<i32>} : memref<128xi32, #tpu.memory_space<vmem>>, vector<16xi32>,
      %add3A_1710 = arith.constant 3 : i32
      %add3A_1711 = vector.broadcast %add3A_1710 : i32 to vector<16xi32>
      %add3A_1712 = arith.addi %add3A_1661, %add3A_1711 : vector<16xi32>
      %gather3A_1713 = tpu.vector_load_idx %arg13[%add3A_1712] : memref<4096xf32, #tpu.memory_space<vmem>>[vector<16xi32>], vector<16xf32>,
      %add3A_1714 = arith.addf %gather3A_1713, %get3A_15 : vector<16xf32>
      %convert_element_type3A_1715 = arith.fptosi %add3A_1714 : vector<16xf32> to vector<16xi32>
      %jit3A_1716 = arith.constant 0 : i32
      %jit3A_1717 = arith.constant 1023 : i32
      %max3A_1718 = vector.broadcast %jit3A_1716 : i32 to vector<16xi32>
      %max3A_1719 = arith.maxsi %max3A_1718, %convert_element_type3A_1715 : vector<16xi32>
      %min3A_1720 = vector.broadcast %jit3A_1717 : i32 to vector<16xi32>
      %min3A_1721 = arith.minsi %min3A_1720, %max3A_1719 : vector<16xi32>
      %mul3A_1722 = arith.constant 16 : i32
      %mul3A_1723 = arith.muli %scan3A_1654, %mul3A_1722 : i32
      %swap3A_1724 = arith.index_cast %mul3A_1723 : i32 to index
      %swap3A_1725 = tpu.vector_load %arg20[%swap3A_1724] {strides = array<i32>} : memref<128xi32, #tpu.memory_space<vmem>>, vector<16xi32>,
      tpu.vector_store %arg20[%swap3A_1724], %min3A_1721 {strides = array<i32>} : memref<128xi32, #tpu.memory_space<vmem>>, vector<16xi32>,
      %add3A_1726 = arith.constant 4 : i32
      %add3A_1727 = vector.broadcast %add3A_1726 : i32 to vector<16xi32>
      %add3A_1728 = arith.addi %add3A_1661, %add3A_1727 : vector<16xi32>
      %gather3A_1729 = tpu.vector_load_idx %arg13[%add3A_1728] : memref<4096xf32, #tpu.memory_space<vmem>>[vector<16xi32>], vector<16xf32>,
      %add3A_1730 = arith.addf %gather3A_1729, %get3A_15 : vector<16xf32>
      %convert_element_type3A_1731 = arith.fptosi %add3A_1730 : vector<16xf32> to vector<16xi32>
      %jit3A_1732 = arith.constant 0 : i32
      %jit3A_1733 = arith.constant 1023 : i32
      %max3A_1734 = vector.broadcast %jit3A_1732 : i32 to vector<16xi32>
      %max3A_1735 = arith.maxsi %max3A_1734, %convert_element_type3A_1731 : vector<16xi32>
      %min3A_1736 = vector.broadcast %jit3A_1733 : i32 to vector<16xi32>
      %min3A_1737 = arith.minsi %min3A_1736, %max3A_1735 : vector<16xi32>
      %mul3A_1738 = arith.constant 16 : i32
      %mul3A_1739 = arith.muli %scan3A_1654, %mul3A_1738 : i32
      %swap3A_1740 = arith.index_cast %mul3A_1739 : i32 to index
      %swap3A_1741 = tpu.vector_load %arg21[%swap3A_1740] {strides = array<i32>} : memref<128xi32, #tpu.memory_space<vmem>>, vector<16xi32>,
      tpu.vector_store %arg21[%swap3A_1740], %min3A_1737 {strides = array<i32>} : memref<128xi32, #tpu.memory_space<vmem>>, vector<16xi32>,
      %add3A_1742 = arith.constant 5 : i32
      %add3A_1743 = vector.broadcast %add3A_1742 : i32 to vector<16xi32>
      %add3A_1744 = arith.addi %add3A_1661, %add3A_1743 : vector<16xi32>
      %gather3A_1745 = tpu.vector_load_idx %arg13[%add3A_1744] : memref<4096xf32, #tpu.memory_space<vmem>>[vector<16xi32>], vector<16xf32>,
      %add3A_1746 = arith.addf %gather3A_1745, %get3A_15 : vector<16xf32>
      %convert_element_type3A_1747 = arith.fptosi %add3A_1746 : vector<16xf32> to vector<16xi32>
      %jit3A_1748 = arith.constant 0 : i32
      %jit3A_1749 = arith.constant 1023 : i32
      %max3A_1750 = vector.broadcast %jit3A_1748 : i32 to vector<16xi32>
      %max3A_1751 = arith.maxsi %max3A_1750, %convert_element_type3A_1747 : vector<16xi32>
      %min3A_1752 = vector.broadcast %jit3A_1749 : i32 to vector<16xi32>
      %min3A_1753 = arith.minsi %min3A_1752, %max3A_1751 : vector<16xi32>
      %mul3A_1754 = arith.constant 16 : i32
      %mul3A_1755 = arith.muli %scan3A_1654, %mul3A_1754 : i32
      %swap3A_1756 = arith.index_cast %mul3A_1755 : i32 to index
      %swap3A_1757 = tpu.vector_load %arg22[%swap3A_1756] {strides = array<i32>} : memref<128xi32, #tpu.memory_space<vmem>>, vector<16xi32>,
      tpu.vector_store %arg22[%swap3A_1756], %min3A_1753 {strides = array<i32>} : memref<128xi32, #tpu.memory_space<vmem>>, vector<16xi32>,
      %add3A_1758 = arith.constant 6 : i32
      %add3A_1759 = vector.broadcast %add3A_1758 : i32 to vector<16xi32>
      %add3A_1760 = arith.addi %add3A_1661, %add3A_1759 : vector<16xi32>
      %gather3A_1761 = tpu.vector_load_idx %arg13[%add3A_1760] : memref<4096xf32, #tpu.memory_space<vmem>>[vector<16xi32>], vector<16xf32>,
      %add3A_1762 = arith.addf %gather3A_1761, %get3A_15 : vector<16xf32>
      %convert_element_type3A_1763 = arith.fptosi %add3A_1762 : vector<16xf32> to vector<16xi32>
      %jit3A_1764 = arith.constant 0 : i32
      %jit3A_1765 = arith.constant 1023 : i32
      %max3A_1766 = vector.broadcast %jit3A_1764 : i32 to vector<16xi32>
      %max3A_1767 = arith.maxsi %max3A_1766, %convert_element_type3A_1763 : vector<16xi32>
      %min3A_1768 = vector.broadcast %jit3A_1765 : i32 to vector<16xi32>
      %min3A_1769 = arith.minsi %min3A_1768, %max3A_1767 : vector<16xi32>
      %mul3A_1770 = arith.constant 16 : i32
      %mul3A_1771 = arith.muli %scan3A_1654, %mul3A_1770 : i32
      %swap3A_1772 = arith.index_cast %mul3A_1771 : i32 to index
      %swap3A_1773 = tpu.vector_load %arg23[%swap3A_1772] {strides = array<i32>} : memref<128xi32, #tpu.memory_space<vmem>>, vector<16xi32>,
      tpu.vector_store %arg23[%swap3A_1772], %min3A_1769 {strides = array<i32>} : memref<128xi32, #tpu.memory_space<vmem>>, vector<16xi32>,
      %scan3A_1774 = arith.constant 6 : i32
      %mul3A_1775 = arith.constant 32 : i32
      %mul3A_1776 = vector.broadcast %mul3A_1775 : i32 to vector<16xi32>
      %mul3A_1777 = arith.muli %iota3A, %mul3A_1776 : vector<16xi32>
      %mul3A_1778 = arith.constant 512 : i32
      %mul3A_1779 = arith.muli %scan3A_1774, %mul3A_1778 : i32
      %add3A_1780 = vector.broadcast %mul3A_1779 : i32 to vector<16xi32>
      %add3A_1781 = arith.addi %mul3A_1777, %add3A_1780 : vector<16xi32>
      %add3A_1782 = arith.constant 0 : i32
      %add3A_1783 = vector.broadcast %add3A_1782 : i32 to vector<16xi32>
      %add3A_1784 = arith.addi %add3A_1781, %add3A_1783 : vector<16xi32>
      %gather3A_1785 = tpu.vector_load_idx %arg13[%add3A_1784] : memref<4096xf32, #tpu.memory_space<vmem>>[vector<16xi32>], vector<16xf32>,
      %add3A_1786 = arith.addf %gather3A_1785, %get3A_15 : vector<16xf32>
      %convert_element_type3A_1787 = arith.fptosi %add3A_1786 : vector<16xf32> to vector<16xi32>
      %jit3A_1788 = arith.constant 0 : i32
      %jit3A_1789 = arith.constant 2047 : i32
      %max3A_1790 = vector.broadcast %jit3A_1788 : i32 to vector<16xi32>
      %max3A_1791 = arith.maxsi %max3A_1790, %convert_element_type3A_1787 : vector<16xi32>
      %min3A_1792 = vector.broadcast %jit3A_1789 : i32 to vector<16xi32>
      %min3A_1793 = arith.minsi %min3A_1792, %max3A_1791 : vector<16xi32>
      %mul3A_1794 = arith.constant 16 : i32
      %mul3A_1795 = arith.muli %scan3A_1774, %mul3A_1794 : i32
      %swap3A_1796 = arith.index_cast %mul3A_1795 : i32 to index
      %swap3A_1797 = tpu.vector_load %arg17[%swap3A_1796] {strides = array<i32>} : memref<128xi32, #tpu.memory_space<vmem>>, vector<16xi32>,
      tpu.vector_store %arg17[%swap3A_1796], %min3A_1793 {strides = array<i32>} : memref<128xi32, #tpu.memory_space<vmem>>, vector<16xi32>,
      %add3A_1798 = arith.constant 1 : i32
      %add3A_1799 = vector.broadcast %add3A_1798 : i32 to vector<16xi32>
      %add3A_1800 = arith.addi %add3A_1781, %add3A_1799 : vector<16xi32>
      %gather3A_1801 = tpu.vector_load_idx %arg13[%add3A_1800] : memref<4096xf32, #tpu.memory_space<vmem>>[vector<16xi32>], vector<16xf32>,
      %add3A_1802 = arith.addf %gather3A_1801, %get3A_15 : vector<16xf32>
      %convert_element_type3A_1803 = arith.fptosi %add3A_1802 : vector<16xf32> to vector<16xi32>
      %jit3A_1804 = arith.constant 0 : i32
      %jit3A_1805 = arith.constant 511 : i32
      %max3A_1806 = vector.broadcast %jit3A_1804 : i32 to vector<16xi32>
      %max3A_1807 = arith.maxsi %max3A_1806, %convert_element_type3A_1803 : vector<16xi32>
      %min3A_1808 = vector.broadcast %jit3A_1805 : i32 to vector<16xi32>
      %min3A_1809 = arith.minsi %min3A_1808, %max3A_1807 : vector<16xi32>
      %mul3A_1810 = arith.constant 16 : i32
      %mul3A_1811 = arith.muli %scan3A_1774, %mul3A_1810 : i32
      %swap3A_1812 = arith.index_cast %mul3A_1811 : i32 to index
      %swap3A_1813 = tpu.vector_load %arg18[%swap3A_1812] {strides = array<i32>} : memref<128xi32, #tpu.memory_space<vmem>>, vector<16xi32>,
      tpu.vector_store %arg18[%swap3A_1812], %min3A_1809 {strides = array<i32>} : memref<128xi32, #tpu.memory_space<vmem>>, vector<16xi32>,
      %add3A_1814 = arith.constant 2 : i32
      %add3A_1815 = vector.broadcast %add3A_1814 : i32 to vector<16xi32>
      %add3A_1816 = arith.addi %add3A_1781, %add3A_1815 : vector<16xi32>
      %gather3A_1817 = tpu.vector_load_idx %arg13[%add3A_1816] : memref<4096xf32, #tpu.memory_space<vmem>>[vector<16xi32>], vector<16xf32>,
      %add3A_1818 = arith.addf %gather3A_1817, %get3A_15 : vector<16xf32>
      %convert_element_type3A_1819 = arith.fptosi %add3A_1818 : vector<16xf32> to vector<16xi32>
      %jit3A_1820 = arith.constant 0 : i32
      %jit3A_1821 = arith.constant 2047 : i32
      %max3A_1822 = vector.broadcast %jit3A_1820 : i32 to vector<16xi32>
      %max3A_1823 = arith.maxsi %max3A_1822, %convert_element_type3A_1819 : vector<16xi32>
      %min3A_1824 = vector.broadcast %jit3A_1821 : i32 to vector<16xi32>
      %min3A_1825 = arith.minsi %min3A_1824, %max3A_1823 : vector<16xi32>
      %mul3A_1826 = arith.constant 16 : i32
      %mul3A_1827 = arith.muli %scan3A_1774, %mul3A_1826 : i32
      %swap3A_1828 = arith.index_cast %mul3A_1827 : i32 to index
      %swap3A_1829 = tpu.vector_load %arg19[%swap3A_1828] {strides = array<i32>} : memref<128xi32, #tpu.memory_space<vmem>>, vector<16xi32>,
      tpu.vector_store %arg19[%swap3A_1828], %min3A_1825 {strides = array<i32>} : memref<128xi32, #tpu.memory_space<vmem>>, vector<16xi32>,
      %add3A_1830 = arith.constant 3 : i32
      %add3A_1831 = vector.broadcast %add3A_1830 : i32 to vector<16xi32>
      %add3A_1832 = arith.addi %add3A_1781, %add3A_1831 : vector<16xi32>
      %gather3A_1833 = tpu.vector_load_idx %arg13[%add3A_1832] : memref<4096xf32, #tpu.memory_space<vmem>>[vector<16xi32>], vector<16xf32>,
      %add3A_1834 = arith.addf %gather3A_1833, %get3A_15 : vector<16xf32>
      %convert_element_type3A_1835 = arith.fptosi %add3A_1834 : vector<16xf32> to vector<16xi32>
      %jit3A_1836 = arith.constant 0 : i32
      %jit3A_1837 = arith.constant 1023 : i32
      %max3A_1838 = vector.broadcast %jit3A_1836 : i32 to vector<16xi32>
      %max3A_1839 = arith.maxsi %max3A_1838, %convert_element_type3A_1835 : vector<16xi32>
      %min3A_1840 = vector.broadcast %jit3A_1837 : i32 to vector<16xi32>
      %min3A_1841 = arith.minsi %min3A_1840, %max3A_1839 : vector<16xi32>
      %mul3A_1842 = arith.constant 16 : i32
      %mul3A_1843 = arith.muli %scan3A_1774, %mul3A_1842 : i32
      %swap3A_1844 = arith.index_cast %mul3A_1843 : i32 to index
      %swap3A_1845 = tpu.vector_load %arg20[%swap3A_1844] {strides = array<i32>} : memref<128xi32, #tpu.memory_space<vmem>>, vector<16xi32>,
      tpu.vector_store %arg20[%swap3A_1844], %min3A_1841 {strides = array<i32>} : memref<128xi32, #tpu.memory_space<vmem>>, vector<16xi32>,
      %add3A_1846 = arith.constant 4 : i32
      %add3A_1847 = vector.broadcast %add3A_1846 : i32 to vector<16xi32>
      %add3A_1848 = arith.addi %add3A_1781, %add3A_1847 : vector<16xi32>
      %gather3A_1849 = tpu.vector_load_idx %arg13[%add3A_1848] : memref<4096xf32, #tpu.memory_space<vmem>>[vector<16xi32>], vector<16xf32>,
      %add3A_1850 = arith.addf %gather3A_1849, %get3A_15 : vector<16xf32>
      %convert_element_type3A_1851 = arith.fptosi %add3A_1850 : vector<16xf32> to vector<16xi32>
      %jit3A_1852 = arith.constant 0 : i32
      %jit3A_1853 = arith.constant 1023 : i32
      %max3A_1854 = vector.broadcast %jit3A_1852 : i32 to vector<16xi32>
      %max3A_1855 = arith.maxsi %max3A_1854, %convert_element_type3A_1851 : vector<16xi32>
      %min3A_1856 = vector.broadcast %jit3A_1853 : i32 to vector<16xi32>
      %min3A_1857 = arith.minsi %min3A_1856, %max3A_1855 : vector<16xi32>
      %mul3A_1858 = arith.constant 16 : i32
      %mul3A_1859 = arith.muli %scan3A_1774, %mul3A_1858 : i32
      %swap3A_1860 = arith.index_cast %mul3A_1859 : i32 to index
      %swap3A_1861 = tpu.vector_load %arg21[%swap3A_1860] {strides = array<i32>} : memref<128xi32, #tpu.memory_space<vmem>>, vector<16xi32>,
      tpu.vector_store %arg21[%swap3A_1860], %min3A_1857 {strides = array<i32>} : memref<128xi32, #tpu.memory_space<vmem>>, vector<16xi32>,
      %add3A_1862 = arith.constant 5 : i32
      %add3A_1863 = vector.broadcast %add3A_1862 : i32 to vector<16xi32>
      %add3A_1864 = arith.addi %add3A_1781, %add3A_1863 : vector<16xi32>
      %gather3A_1865 = tpu.vector_load_idx %arg13[%add3A_1864] : memref<4096xf32, #tpu.memory_space<vmem>>[vector<16xi32>], vector<16xf32>,
      %add3A_1866 = arith.addf %gather3A_1865, %get3A_15 : vector<16xf32>
      %convert_element_type3A_1867 = arith.fptosi %add3A_1866 : vector<16xf32> to vector<16xi32>
      %jit3A_1868 = arith.constant 0 : i32
      %jit3A_1869 = arith.constant 1023 : i32
      %max3A_1870 = vector.broadcast %jit3A_1868 : i32 to vector<16xi32>
      %max3A_1871 = arith.maxsi %max3A_1870, %convert_element_type3A_1867 : vector<16xi32>
      %min3A_1872 = vector.broadcast %jit3A_1869 : i32 to vector<16xi32>
      %min3A_1873 = arith.minsi %min3A_1872, %max3A_1871 : vector<16xi32>
      %mul3A_1874 = arith.constant 16 : i32
      %mul3A_1875 = arith.muli %scan3A_1774, %mul3A_1874 : i32
      %swap3A_1876 = arith.index_cast %mul3A_1875 : i32 to index
      %swap3A_1877 = tpu.vector_load %arg22[%swap3A_1876] {strides = array<i32>} : memref<128xi32, #tpu.memory_space<vmem>>, vector<16xi32>,
      tpu.vector_store %arg22[%swap3A_1876], %min3A_1873 {strides = array<i32>} : memref<128xi32, #tpu.memory_space<vmem>>, vector<16xi32>,
      %add3A_1878 = arith.constant 6 : i32
      %add3A_1879 = vector.broadcast %add3A_1878 : i32 to vector<16xi32>
      %add3A_1880 = arith.addi %add3A_1781, %add3A_1879 : vector<16xi32>
      %gather3A_1881 = tpu.vector_load_idx %arg13[%add3A_1880] : memref<4096xf32, #tpu.memory_space<vmem>>[vector<16xi32>], vector<16xf32>,
      %add3A_1882 = arith.addf %gather3A_1881, %get3A_15 : vector<16xf32>
      %convert_element_type3A_1883 = arith.fptosi %add3A_1882 : vector<16xf32> to vector<16xi32>
      %jit3A_1884 = arith.constant 0 : i32
      %jit3A_1885 = arith.constant 1023 : i32
      %max3A_1886 = vector.broadcast %jit3A_1884 : i32 to vector<16xi32>
      %max3A_1887 = arith.maxsi %max3A_1886, %convert_element_type3A_1883 : vector<16xi32>
      %min3A_1888 = vector.broadcast %jit3A_1885 : i32 to vector<16xi32>
      %min3A_1889 = arith.minsi %min3A_1888, %max3A_1887 : vector<16xi32>
      %mul3A_1890 = arith.constant 16 : i32
      %mul3A_1891 = arith.muli %scan3A_1774, %mul3A_1890 : i32
      %swap3A_1892 = arith.index_cast %mul3A_1891 : i32 to index
      %swap3A_1893 = tpu.vector_load %arg23[%swap3A_1892] {strides = array<i32>} : memref<128xi32, #tpu.memory_space<vmem>>, vector<16xi32>,
      tpu.vector_store %arg23[%swap3A_1892], %min3A_1889 {strides = array<i32>} : memref<128xi32, #tpu.memory_space<vmem>>, vector<16xi32>,
      %scan3A_1894 = arith.constant 7 : i32
      %mul3A_1895 = arith.constant 32 : i32
      %mul3A_1896 = vector.broadcast %mul3A_1895 : i32 to vector<16xi32>
      %mul3A_1897 = arith.muli %iota3A, %mul3A_1896 : vector<16xi32>
      %mul3A_1898 = arith.constant 512 : i32
      %mul3A_1899 = arith.muli %scan3A_1894, %mul3A_1898 : i32
      %add3A_1900 = vector.broadcast %mul3A_1899 : i32 to vector<16xi32>
      %add3A_1901 = arith.addi %mul3A_1897, %add3A_1900 : vector<16xi32>
      %add3A_1902 = arith.constant 0 : i32
      %add3A_1903 = vector.broadcast %add3A_1902 : i32 to vector<16xi32>
      %add3A_1904 = arith.addi %add3A_1901, %add3A_1903 : vector<16xi32>
      %gather3A_1905 = tpu.vector_load_idx %arg13[%add3A_1904] : memref<4096xf32, #tpu.memory_space<vmem>>[vector<16xi32>], vector<16xf32>,
      %add3A_1906 = arith.addf %gather3A_1905, %get3A_15 : vector<16xf32>
      %convert_element_type3A_1907 = arith.fptosi %add3A_1906 : vector<16xf32> to vector<16xi32>
      %jit3A_1908 = arith.constant 0 : i32
      %jit3A_1909 = arith.constant 2047 : i32
      %max3A_1910 = vector.broadcast %jit3A_1908 : i32 to vector<16xi32>
      %max3A_1911 = arith.maxsi %max3A_1910, %convert_element_type3A_1907 : vector<16xi32>
      %min3A_1912 = vector.broadcast %jit3A_1909 : i32 to vector<16xi32>
      %min3A_1913 = arith.minsi %min3A_1912, %max3A_1911 : vector<16xi32>
      %mul3A_1914 = arith.constant 16 : i32
      %mul3A_1915 = arith.muli %scan3A_1894, %mul3A_1914 : i32
      %swap3A_1916 = arith.index_cast %mul3A_1915 : i32 to index
      %swap3A_1917 = tpu.vector_load %arg17[%swap3A_1916] {strides = array<i32>} : memref<128xi32, #tpu.memory_space<vmem>>, vector<16xi32>,
      tpu.vector_store %arg17[%swap3A_1916], %min3A_1913 {strides = array<i32>} : memref<128xi32, #tpu.memory_space<vmem>>, vector<16xi32>,
      %add3A_1918 = arith.constant 1 : i32
      %add3A_1919 = vector.broadcast %add3A_1918 : i32 to vector<16xi32>
      %add3A_1920 = arith.addi %add3A_1901, %add3A_1919 : vector<16xi32>
      %gather3A_1921 = tpu.vector_load_idx %arg13[%add3A_1920] : memref<4096xf32, #tpu.memory_space<vmem>>[vector<16xi32>], vector<16xf32>,
      %add3A_1922 = arith.addf %gather3A_1921, %get3A_15 : vector<16xf32>
      %convert_element_type3A_1923 = arith.fptosi %add3A_1922 : vector<16xf32> to vector<16xi32>
      %jit3A_1924 = arith.constant 0 : i32
      %jit3A_1925 = arith.constant 511 : i32
      %max3A_1926 = vector.broadcast %jit3A_1924 : i32 to vector<16xi32>
      %max3A_1927 = arith.maxsi %max3A_1926, %convert_element_type3A_1923 : vector<16xi32>
      %min3A_1928 = vector.broadcast %jit3A_1925 : i32 to vector<16xi32>
      %min3A_1929 = arith.minsi %min3A_1928, %max3A_1927 : vector<16xi32>
      %mul3A_1930 = arith.constant 16 : i32
      %mul3A_1931 = arith.muli %scan3A_1894, %mul3A_1930 : i32
      %swap3A_1932 = arith.index_cast %mul3A_1931 : i32 to index
      %swap3A_1933 = tpu.vector_load %arg18[%swap3A_1932] {strides = array<i32>} : memref<128xi32, #tpu.memory_space<vmem>>, vector<16xi32>,
      tpu.vector_store %arg18[%swap3A_1932], %min3A_1929 {strides = array<i32>} : memref<128xi32, #tpu.memory_space<vmem>>, vector<16xi32>,
      %add3A_1934 = arith.constant 2 : i32
      %add3A_1935 = vector.broadcast %add3A_1934 : i32 to vector<16xi32>
      %add3A_1936 = arith.addi %add3A_1901, %add3A_1935 : vector<16xi32>
      %gather3A_1937 = tpu.vector_load_idx %arg13[%add3A_1936] : memref<4096xf32, #tpu.memory_space<vmem>>[vector<16xi32>], vector<16xf32>,
      %add3A_1938 = arith.addf %gather3A_1937, %get3A_15 : vector<16xf32>
      %convert_element_type3A_1939 = arith.fptosi %add3A_1938 : vector<16xf32> to vector<16xi32>
      %jit3A_1940 = arith.constant 0 : i32
      %jit3A_1941 = arith.constant 2047 : i32
      %max3A_1942 = vector.broadcast %jit3A_1940 : i32 to vector<16xi32>
      %max3A_1943 = arith.maxsi %max3A_1942, %convert_element_type3A_1939 : vector<16xi32>
      %min3A_1944 = vector.broadcast %jit3A_1941 : i32 to vector<16xi32>
      %min3A_1945 = arith.minsi %min3A_1944, %max3A_1943 : vector<16xi32>
      %mul3A_1946 = arith.constant 16 : i32
      %mul3A_1947 = arith.muli %scan3A_1894, %mul3A_1946 : i32
      %swap3A_1948 = arith.index_cast %mul3A_1947 : i32 to index
      %swap3A_1949 = tpu.vector_load %arg19[%swap3A_1948] {strides = array<i32>} : memref<128xi32, #tpu.memory_space<vmem>>, vector<16xi32>,
      tpu.vector_store %arg19[%swap3A_1948], %min3A_1945 {strides = array<i32>} : memref<128xi32, #tpu.memory_space<vmem>>, vector<16xi32>,
      %add3A_1950 = arith.constant 3 : i32
      %add3A_1951 = vector.broadcast %add3A_1950 : i32 to vector<16xi32>
      %add3A_1952 = arith.addi %add3A_1901, %add3A_1951 : vector<16xi32>
      %gather3A_1953 = tpu.vector_load_idx %arg13[%add3A_1952] : memref<4096xf32, #tpu.memory_space<vmem>>[vector<16xi32>], vector<16xf32>,
      %add3A_1954 = arith.addf %gather3A_1953, %get3A_15 : vector<16xf32>
      %convert_element_type3A_1955 = arith.fptosi %add3A_1954 : vector<16xf32> to vector<16xi32>
      %jit3A_1956 = arith.constant 0 : i32
      %jit3A_1957 = arith.constant 1023 : i32
      %max3A_1958 = vector.broadcast %jit3A_1956 : i32 to vector<16xi32>
      %max3A_1959 = arith.maxsi %max3A_1958, %convert_element_type3A_1955 : vector<16xi32>
      %min3A_1960 = vector.broadcast %jit3A_1957 : i32 to vector<16xi32>
      %min3A_1961 = arith.minsi %min3A_1960, %max3A_1959 : vector<16xi32>
      %mul3A_1962 = arith.constant 16 : i32
      %mul3A_1963 = arith.muli %scan3A_1894, %mul3A_1962 : i32
      %swap3A_1964 = arith.index_cast %mul3A_1963 : i32 to index
      %swap3A_1965 = tpu.vector_load %arg20[%swap3A_1964] {strides = array<i32>} : memref<128xi32, #tpu.memory_space<vmem>>, vector<16xi32>,
      tpu.vector_store %arg20[%swap3A_1964], %min3A_1961 {strides = array<i32>} : memref<128xi32, #tpu.memory_space<vmem>>, vector<16xi32>,
      %add3A_1966 = arith.constant 4 : i32
      %add3A_1967 = vector.broadcast %add3A_1966 : i32 to vector<16xi32>
      %add3A_1968 = arith.addi %add3A_1901, %add3A_1967 : vector<16xi32>
      %gather3A_1969 = tpu.vector_load_idx %arg13[%add3A_1968] : memref<4096xf32, #tpu.memory_space<vmem>>[vector<16xi32>], vector<16xf32>,
      %add3A_1970 = arith.addf %gather3A_1969, %get3A_15 : vector<16xf32>
      %convert_element_type3A_1971 = arith.fptosi %add3A_1970 : vector<16xf32> to vector<16xi32>
      %jit3A_1972 = arith.constant 0 : i32
      %jit3A_1973 = arith.constant 1023 : i32
      %max3A_1974 = vector.broadcast %jit3A_1972 : i32 to vector<16xi32>
      %max3A_1975 = arith.maxsi %max3A_1974, %convert_element_type3A_1971 : vector<16xi32>
      %min3A_1976 = vector.broadcast %jit3A_1973 : i32 to vector<16xi32>
      %min3A_1977 = arith.minsi %min3A_1976, %max3A_1975 : vector<16xi32>
      %mul3A_1978 = arith.constant 16 : i32
      %mul3A_1979 = arith.muli %scan3A_1894, %mul3A_1978 : i32
      %swap3A_1980 = arith.index_cast %mul3A_1979 : i32 to index
      %swap3A_1981 = tpu.vector_load %arg21[%swap3A_1980] {strides = array<i32>} : memref<128xi32, #tpu.memory_space<vmem>>, vector<16xi32>,
      tpu.vector_store %arg21[%swap3A_1980], %min3A_1977 {strides = array<i32>} : memref<128xi32, #tpu.memory_space<vmem>>, vector<16xi32>,
      %add3A_1982 = arith.constant 5 : i32
      %add3A_1983 = vector.broadcast %add3A_1982 : i32 to vector<16xi32>
      %add3A_1984 = arith.addi %add3A_1901, %add3A_1983 : vector<16xi32>
      %gather3A_1985 = tpu.vector_load_idx %arg13[%add3A_1984] : memref<4096xf32, #tpu.memory_space<vmem>>[vector<16xi32>], vector<16xf32>,
      %add3A_1986 = arith.addf %gather3A_1985, %get3A_15 : vector<16xf32>
      %convert_element_type3A_1987 = arith.fptosi %add3A_1986 : vector<16xf32> to vector<16xi32>
      %jit3A_1988 = arith.constant 0 : i32
      %jit3A_1989 = arith.constant 1023 : i32
      %max3A_1990 = vector.broadcast %jit3A_1988 : i32 to vector<16xi32>
      %max3A_1991 = arith.maxsi %max3A_1990, %convert_element_type3A_1987 : vector<16xi32>
      %min3A_1992 = vector.broadcast %jit3A_1989 : i32 to vector<16xi32>
      %min3A_1993 = arith.minsi %min3A_1992, %max3A_1991 : vector<16xi32>
      %mul3A_1994 = arith.constant 16 : i32
      %mul3A_1995 = arith.muli %scan3A_1894, %mul3A_1994 : i32
      %swap3A_1996 = arith.index_cast %mul3A_1995 : i32 to index
      %swap3A_1997 = tpu.vector_load %arg22[%swap3A_1996] {strides = array<i32>} : memref<128xi32, #tpu.memory_space<vmem>>, vector<16xi32>,
      tpu.vector_store %arg22[%swap3A_1996], %min3A_1993 {strides = array<i32>} : memref<128xi32, #tpu.memory_space<vmem>>, vector<16xi32>,
      %add3A_1998 = arith.constant 6 : i32
      %add3A_1999 = vector.broadcast %add3A_1998 : i32 to vector<16xi32>
      %add3A_2000 = arith.addi %add3A_1901, %add3A_1999 : vector<16xi32>
      %gather3A_2001 = tpu.vector_load_idx %arg13[%add3A_2000] : memref<4096xf32, #tpu.memory_space<vmem>>[vector<16xi32>], vector<16xf32>,
      %add3A_2002 = arith.addf %gather3A_2001, %get3A_15 : vector<16xf32>
      %convert_element_type3A_2003 = arith.fptosi %add3A_2002 : vector<16xf32> to vector<16xi32>
      %jit3A_2004 = arith.constant 0 : i32
      %jit3A_2005 = arith.constant 1023 : i32
      %max3A_2006 = vector.broadcast %jit3A_2004 : i32 to vector<16xi32>
      %max3A_2007 = arith.maxsi %max3A_2006, %convert_element_type3A_2003 : vector<16xi32>
      %min3A_2008 = vector.broadcast %jit3A_2005 : i32 to vector<16xi32>
      %min3A_2009 = arith.minsi %min3A_2008, %max3A_2007 : vector<16xi32>
      %mul3A_2010 = arith.constant 16 : i32
      %mul3A_2011 = arith.muli %scan3A_1894, %mul3A_2010 : i32
      %swap3A_2012 = arith.index_cast %mul3A_2011 : i32 to index
      %swap3A_2013 = tpu.vector_load %arg23[%swap3A_2012] {strides = array<i32>} : memref<128xi32, #tpu.memory_space<vmem>>, vector<16xi32>,
      tpu.vector_store %arg23[%swap3A_2012], %min3A_2009 {strides = array<i32>} : memref<128xi32, #tpu.memory_space<vmem>>, vector<16xi32>,
      %scan3A_2014 = arith.constant 8 : i32
      %dma_start3A_2015 = arith.constant 0 : i32
      %dma_start3A_2016 = arith.constant 0 : i32
      %dma_start3A_2017 = tpu.memref_slice %arg25[%dma_start3A_2015, %dma_start3A_2016] : memref<2048x32xf32, #tpu.memory_space<vmem_shared>> -> memref<2048x32xf32, #tpu.memory_space<vmem_shared>>
      tpu.enqueue_indirect_dma source(%dma_start3A_2017 : memref<2048x32xf32, #tpu.memory_space<vmem_shared>>) target(%arg14 : memref<128x32xf32, #tpu.memory_space<vmem>>) offsets(%arg17 : memref<128xi32, #tpu.memory_space<vmem>>) semaphore(%arg30 : memref<!tpu.dma_semaphore, #tpu.memory_space<semaphore_mem>>)
      %ge3A_2018 = arith.constant 2 : i32
      %ge3A_2019 = arith.cmpi sge, %add3A_1038, %ge3A_2018 : i32
      %convert_element_type3A_2020 = arith.extui %ge3A_2019 : i1 to i32
      %cond3A_2021 = arith.constant 0 : i32
      %cond3A_2022 = arith.cmpi ne, %convert_element_type3A_2020, %cond3A_2021 : i32
      scf.if %cond3A_2022 {
        %sub3A = arith.constant 256 : i32
        %sub3A_2042 = arith.subi %add3A_1041, %sub3A : i32
        %mul3A_2043 = arith.constant 153 : i32
        %mul3A_2044 = arith.muli %sub3A_2042, %mul3A_2043 : i32
        %dma_wait3A_2045 = tpu.memref_slice %arg8[%mul3A_2044] : memref<31334400xf32, #tpu.memory_space<hbm>> -> memref<19584xf32, #tpu.memory_space<hbm>>
        %dma_wait3A_2046 = tpu.memref_slice %arg8[%mul3A_2044] : memref<31334400xf32, #tpu.memory_space<hbm>> -> memref<19584xf32, #tpu.memory_space<hbm>>
        tpu.wait_dma2 semaphore(%arg29 : memref<!tpu.dma_semaphore, #tpu.memory_space<semaphore_mem>>) src(%arg16 : memref<19584xf32, #tpu.memory_space<vmem>>) dst(%dma_wait3A_2046 : memref<19584xf32, #tpu.memory_space<hbm>>)
      } else {
      }
      %scan3A_2023 = arith.constant 0 : i32
      %scan3A_2024 = arith.constant 0 : i32
      %scan3A_2025 = arith.constant 8 : i32
      %scan3A_2026 = arith.addi %scan3A_2024, %scan3A_2025 : i32
      %scan3A_2027 = arith.constant 1 : i32
      scf.for %scan3A_2042 = %scan3A_2024 to %scan3A_2026 step %scan3A_2027  : i32 {
        %mul3A_2043 = arith.constant 16 : i32
        %mul3A_2044 = arith.muli %scan3A_2042, %mul3A_2043 : i32
        %add3A_2045 = vector.broadcast %mul3A_2044 : i32 to vector<16xi32>
        %add3A_2046 = arith.addi %iota3A, %add3A_2045 : vector<16xi32>
        %mul3A_2047 = arith.constant 153 : i32
        %mul3A_2048 = vector.broadcast %mul3A_2047 : i32 to vector<16xi32>
        %mul3A_2049 = arith.muli %add3A_2046, %mul3A_2048 : vector<16xi32>
        %mul3A_2050 = arith.constant 16 : i32
        %mul3A_2051 = arith.muli %scan3A_2042, %mul3A_2050 : i32
        %get3A_2052 = arith.index_cast %mul3A_2051 : i32 to index
        %get3A_2053 = tpu.vector_load %arg18[%get3A_2052] {strides = array<i32>} : memref<128xi32, #tpu.memory_space<vmem>>, vector<16xi32>,
        %broadcast_in_dim3A_2054 = arith.constant 0 : i32
        %broadcast_in_dim3A_2055 = vector.broadcast %broadcast_in_dim3A_2054 : i32 to vector<16xi32>
        %gather3A_2056 = tpu.vector_load_idx %arg9[%get3A_2053, %broadcast_in_dim3A_2055] : memref<512x16xf32, #tpu.memory_space<vmem>>[vector<16xi32>, vector<16xi32>], vector<16xf32>,
        %add3A_2057 = arith.constant 32 : i32
        %add3A_2058 = vector.broadcast %add3A_2057 : i32 to vector<16xi32>
        %add3A_2059 = arith.addi %mul3A_2049, %add3A_2058 : vector<16xi32>
        tpu.vector_store_idx %arg16[%add3A_2059], %gather3A_2056 : memref<19584xf32, #tpu.memory_space<vmem>>[vector<16xi32>], vector<16xf32>,
        %broadcast_in_dim3A_2060 = arith.constant 1 : i32
        %broadcast_in_dim3A_2061 = vector.broadcast %broadcast_in_dim3A_2060 : i32 to vector<16xi32>
        %gather3A_2062 = tpu.vector_load_idx %arg9[%get3A_2053, %broadcast_in_dim3A_2061] : memref<512x16xf32, #tpu.memory_space<vmem>>[vector<16xi32>, vector<16xi32>], vector<16xf32>,
        %add3A_2063 = arith.constant 33 : i32
        %add3A_2064 = vector.broadcast %add3A_2063 : i32 to vector<16xi32>
        %add3A_2065 = arith.addi %mul3A_2049, %add3A_2064 : vector<16xi32>
        tpu.vector_store_idx %arg16[%add3A_2065], %gather3A_2062 : memref<19584xf32, #tpu.memory_space<vmem>>[vector<16xi32>], vector<16xf32>,
        %broadcast_in_dim3A_2066 = arith.constant 2 : i32
        %broadcast_in_dim3A_2067 = vector.broadcast %broadcast_in_dim3A_2066 : i32 to vector<16xi32>
        %gather3A_2068 = tpu.vector_load_idx %arg9[%get3A_2053, %broadcast_in_dim3A_2067] : memref<512x16xf32, #tpu.memory_space<vmem>>[vector<16xi32>, vector<16xi32>], vector<16xf32>,
        %add3A_2069 = arith.constant 34 : i32
        %add3A_2070 = vector.broadcast %add3A_2069 : i32 to vector<16xi32>
        %add3A_2071 = arith.addi %mul3A_2049, %add3A_2070 : vector<16xi32>
        tpu.vector_store_idx %arg16[%add3A_2071], %gather3A_2068 : memref<19584xf32, #tpu.memory_space<vmem>>[vector<16xi32>], vector<16xf32>,
        %broadcast_in_dim3A_2072 = arith.constant 3 : i32
        %broadcast_in_dim3A_2073 = vector.broadcast %broadcast_in_dim3A_2072 : i32 to vector<16xi32>
        %gather3A_2074 = tpu.vector_load_idx %arg9[%get3A_2053, %broadcast_in_dim3A_2073] : memref<512x16xf32, #tpu.memory_space<vmem>>[vector<16xi32>, vector<16xi32>], vector<16xf32>,
        %add3A_2075 = arith.constant 35 : i32
        %add3A_2076 = vector.broadcast %add3A_2075 : i32 to vector<16xi32>
        %add3A_2077 = arith.addi %mul3A_2049, %add3A_2076 : vector<16xi32>
        tpu.vector_store_idx %arg16[%add3A_2077], %gather3A_2074 : memref<19584xf32, #tpu.memory_space<vmem>>[vector<16xi32>], vector<16xf32>,
        %broadcast_in_dim3A_2078 = arith.constant 4 : i32
        %broadcast_in_dim3A_2079 = vector.broadcast %broadcast_in_dim3A_2078 : i32 to vector<16xi32>
        %gather3A_2080 = tpu.vector_load_idx %arg9[%get3A_2053, %broadcast_in_dim3A_2079] : memref<512x16xf32, #tpu.memory_space<vmem>>[vector<16xi32>, vector<16xi32>], vector<16xf32>,
        %add3A_2081 = arith.constant 36 : i32
        %add3A_2082 = vector.broadcast %add3A_2081 : i32 to vector<16xi32>
        %add3A_2083 = arith.addi %mul3A_2049, %add3A_2082 : vector<16xi32>
        tpu.vector_store_idx %arg16[%add3A_2083], %gather3A_2080 : memref<19584xf32, #tpu.memory_space<vmem>>[vector<16xi32>], vector<16xf32>,
        %broadcast_in_dim3A_2084 = arith.constant 5 : i32
        %broadcast_in_dim3A_2085 = vector.broadcast %broadcast_in_dim3A_2084 : i32 to vector<16xi32>
        %gather3A_2086 = tpu.vector_load_idx %arg9[%get3A_2053, %broadcast_in_dim3A_2085] : memref<512x16xf32, #tpu.memory_space<vmem>>[vector<16xi32>, vector<16xi32>], vector<16xf32>,
        %add3A_2087 = arith.constant 37 : i32
        %add3A_2088 = vector.broadcast %add3A_2087 : i32 to vector<16xi32>
        %add3A_2089 = arith.addi %mul3A_2049, %add3A_2088 : vector<16xi32>
        tpu.vector_store_idx %arg16[%add3A_2089], %gather3A_2086 : memref<19584xf32, #tpu.memory_space<vmem>>[vector<16xi32>], vector<16xf32>,
        %broadcast_in_dim3A_2090 = arith.constant 6 : i32
        %broadcast_in_dim3A_2091 = vector.broadcast %broadcast_in_dim3A_2090 : i32 to vector<16xi32>
        %gather3A_2092 = tpu.vector_load_idx %arg9[%get3A_2053, %broadcast_in_dim3A_2091] : memref<512x16xf32, #tpu.memory_space<vmem>>[vector<16xi32>, vector<16xi32>], vector<16xf32>,
        %add3A_2093 = arith.constant 38 : i32
        %add3A_2094 = vector.broadcast %add3A_2093 : i32 to vector<16xi32>
        %add3A_2095 = arith.addi %mul3A_2049, %add3A_2094 : vector<16xi32>
        tpu.vector_store_idx %arg16[%add3A_2095], %gather3A_2092 : memref<19584xf32, #tpu.memory_space<vmem>>[vector<16xi32>], vector<16xf32>,
        %broadcast_in_dim3A_2096 = arith.constant 7 : i32
        %broadcast_in_dim3A_2097 = vector.broadcast %broadcast_in_dim3A_2096 : i32 to vector<16xi32>
        %gather3A_2098 = tpu.vector_load_idx %arg9[%get3A_2053, %broadcast_in_dim3A_2097] : memref<512x16xf32, #tpu.memory_space<vmem>>[vector<16xi32>, vector<16xi32>], vector<16xf32>,
        %add3A_2099 = arith.constant 39 : i32
        %add3A_2100 = vector.broadcast %add3A_2099 : i32 to vector<16xi32>
        %add3A_2101 = arith.addi %mul3A_2049, %add3A_2100 : vector<16xi32>
        tpu.vector_store_idx %arg16[%add3A_2101], %gather3A_2098 : memref<19584xf32, #tpu.memory_space<vmem>>[vector<16xi32>], vector<16xf32>,
        %broadcast_in_dim3A_2102 = arith.constant 8 : i32
        %broadcast_in_dim3A_2103 = vector.broadcast %broadcast_in_dim3A_2102 : i32 to vector<16xi32>
        %gather3A_2104 = tpu.vector_load_idx %arg9[%get3A_2053, %broadcast_in_dim3A_2103] : memref<512x16xf32, #tpu.memory_space<vmem>>[vector<16xi32>, vector<16xi32>], vector<16xf32>,
        %add3A_2105 = arith.constant 40 : i32
        %add3A_2106 = vector.broadcast %add3A_2105 : i32 to vector<16xi32>
        %add3A_2107 = arith.addi %mul3A_2049, %add3A_2106 : vector<16xi32>
        tpu.vector_store_idx %arg16[%add3A_2107], %gather3A_2104 : memref<19584xf32, #tpu.memory_space<vmem>>[vector<16xi32>], vector<16xf32>,
        %broadcast_in_dim3A_2108 = arith.constant 9 : i32
        %broadcast_in_dim3A_2109 = vector.broadcast %broadcast_in_dim3A_2108 : i32 to vector<16xi32>
        %gather3A_2110 = tpu.vector_load_idx %arg9[%get3A_2053, %broadcast_in_dim3A_2109] : memref<512x16xf32, #tpu.memory_space<vmem>>[vector<16xi32>, vector<16xi32>], vector<16xf32>,
        %add3A_2111 = arith.constant 41 : i32
        %add3A_2112 = vector.broadcast %add3A_2111 : i32 to vector<16xi32>
        %add3A_2113 = arith.addi %mul3A_2049, %add3A_2112 : vector<16xi32>
        tpu.vector_store_idx %arg16[%add3A_2113], %gather3A_2110 : memref<19584xf32, #tpu.memory_space<vmem>>[vector<16xi32>], vector<16xf32>,
        %broadcast_in_dim3A_2114 = arith.constant 10 : i32
        %broadcast_in_dim3A_2115 = vector.broadcast %broadcast_in_dim3A_2114 : i32 to vector<16xi32>
        %gather3A_2116 = tpu.vector_load_idx %arg9[%get3A_2053, %broadcast_in_dim3A_2115] : memref<512x16xf32, #tpu.memory_space<vmem>>[vector<16xi32>, vector<16xi32>], vector<16xf32>,
        %add3A_2117 = arith.constant 42 : i32
        %add3A_2118 = vector.broadcast %add3A_2117 : i32 to vector<16xi32>
        %add3A_2119 = arith.addi %mul3A_2049, %add3A_2118 : vector<16xi32>
        tpu.vector_store_idx %arg16[%add3A_2119], %gather3A_2116 : memref<19584xf32, #tpu.memory_space<vmem>>[vector<16xi32>], vector<16xf32>,
        %broadcast_in_dim3A_2120 = arith.constant 11 : i32
        %broadcast_in_dim3A_2121 = vector.broadcast %broadcast_in_dim3A_2120 : i32 to vector<16xi32>
        %gather3A_2122 = tpu.vector_load_idx %arg9[%get3A_2053, %broadcast_in_dim3A_2121] : memref<512x16xf32, #tpu.memory_space<vmem>>[vector<16xi32>, vector<16xi32>], vector<16xf32>,
        %add3A_2123 = arith.constant 43 : i32
        %add3A_2124 = vector.broadcast %add3A_2123 : i32 to vector<16xi32>
        %add3A_2125 = arith.addi %mul3A_2049, %add3A_2124 : vector<16xi32>
        tpu.vector_store_idx %arg16[%add3A_2125], %gather3A_2122 : memref<19584xf32, #tpu.memory_space<vmem>>[vector<16xi32>], vector<16xf32>,
        %broadcast_in_dim3A_2126 = arith.constant 12 : i32
        %broadcast_in_dim3A_2127 = vector.broadcast %broadcast_in_dim3A_2126 : i32 to vector<16xi32>
        %gather3A_2128 = tpu.vector_load_idx %arg9[%get3A_2053, %broadcast_in_dim3A_2127] : memref<512x16xf32, #tpu.memory_space<vmem>>[vector<16xi32>, vector<16xi32>], vector<16xf32>,
        %add3A_2129 = arith.constant 44 : i32
        %add3A_2130 = vector.broadcast %add3A_2129 : i32 to vector<16xi32>
        %add3A_2131 = arith.addi %mul3A_2049, %add3A_2130 : vector<16xi32>
        tpu.vector_store_idx %arg16[%add3A_2131], %gather3A_2128 : memref<19584xf32, #tpu.memory_space<vmem>>[vector<16xi32>], vector<16xf32>,
        %broadcast_in_dim3A_2132 = arith.constant 13 : i32
        %broadcast_in_dim3A_2133 = vector.broadcast %broadcast_in_dim3A_2132 : i32 to vector<16xi32>
        %gather3A_2134 = tpu.vector_load_idx %arg9[%get3A_2053, %broadcast_in_dim3A_2133] : memref<512x16xf32, #tpu.memory_space<vmem>>[vector<16xi32>, vector<16xi32>], vector<16xf32>,
        %add3A_2135 = arith.constant 45 : i32
        %add3A_2136 = vector.broadcast %add3A_2135 : i32 to vector<16xi32>
        %add3A_2137 = arith.addi %mul3A_2049, %add3A_2136 : vector<16xi32>
        tpu.vector_store_idx %arg16[%add3A_2137], %gather3A_2134 : memref<19584xf32, #tpu.memory_space<vmem>>[vector<16xi32>], vector<16xf32>,
        %broadcast_in_dim3A_2138 = arith.constant 14 : i32
        %broadcast_in_dim3A_2139 = vector.broadcast %broadcast_in_dim3A_2138 : i32 to vector<16xi32>
        %gather3A_2140 = tpu.vector_load_idx %arg9[%get3A_2053, %broadcast_in_dim3A_2139] : memref<512x16xf32, #tpu.memory_space<vmem>>[vector<16xi32>, vector<16xi32>], vector<16xf32>,
        %add3A_2141 = arith.constant 46 : i32
        %add3A_2142 = vector.broadcast %add3A_2141 : i32 to vector<16xi32>
        %add3A_2143 = arith.addi %mul3A_2049, %add3A_2142 : vector<16xi32>
        tpu.vector_store_idx %arg16[%add3A_2143], %gather3A_2140 : memref<19584xf32, #tpu.memory_space<vmem>>[vector<16xi32>], vector<16xf32>,
        %broadcast_in_dim3A_2144 = arith.constant 15 : i32
        %broadcast_in_dim3A_2145 = vector.broadcast %broadcast_in_dim3A_2144 : i32 to vector<16xi32>
        %gather3A_2146 = tpu.vector_load_idx %arg9[%get3A_2053, %broadcast_in_dim3A_2145] : memref<512x16xf32, #tpu.memory_space<vmem>>[vector<16xi32>, vector<16xi32>], vector<16xf32>,
        %add3A_2147 = arith.constant 47 : i32
        %add3A_2148 = vector.broadcast %add3A_2147 : i32 to vector<16xi32>
        %add3A_2149 = arith.addi %mul3A_2049, %add3A_2148 : vector<16xi32>
        tpu.vector_store_idx %arg16[%add3A_2149], %gather3A_2146 : memref<19584xf32, #tpu.memory_space<vmem>>[vector<16xi32>], vector<16xf32>,
        %mul3A_2150 = arith.constant 16 : i32
        %mul3A_2151 = arith.muli %scan3A_2042, %mul3A_2150 : i32
        %get3A_2152 = arith.index_cast %mul3A_2151 : i32 to index
        %get3A_2153 = tpu.vector_load %arg19[%get3A_2152] {strides = array<i32>} : memref<128xi32, #tpu.memory_space<vmem>>, vector<16xi32>,
        %broadcast_in_dim3A_2154 = arith.constant 0 : i32
        %broadcast_in_dim3A_2155 = vector.broadcast %broadcast_in_dim3A_2154 : i32 to vector<16xi32>
        %gather3A_2156 = tpu.vector_load_idx %arg10[%get3A_2153, %broadcast_in_dim3A_2155] : memref<2048x16xf32, #tpu.memory_space<vmem>>[vector<16xi32>, vector<16xi32>], vector<16xf32>,
        %add3A_2157 = arith.constant 48 : i32
        %add3A_2158 = vector.broadcast %add3A_2157 : i32 to vector<16xi32>
        %add3A_2159 = arith.addi %mul3A_2049, %add3A_2158 : vector<16xi32>
        tpu.vector_store_idx %arg16[%add3A_2159], %gather3A_2156 : memref<19584xf32, #tpu.memory_space<vmem>>[vector<16xi32>], vector<16xf32>,
        %broadcast_in_dim3A_2160 = arith.constant 1 : i32
        %broadcast_in_dim3A_2161 = vector.broadcast %broadcast_in_dim3A_2160 : i32 to vector<16xi32>
        %gather3A_2162 = tpu.vector_load_idx %arg10[%get3A_2153, %broadcast_in_dim3A_2161] : memref<2048x16xf32, #tpu.memory_space<vmem>>[vector<16xi32>, vector<16xi32>], vector<16xf32>,
        %add3A_2163 = arith.constant 49 : i32
        %add3A_2164 = vector.broadcast %add3A_2163 : i32 to vector<16xi32>
        %add3A_2165 = arith.addi %mul3A_2049, %add3A_2164 : vector<16xi32>
        tpu.vector_store_idx %arg16[%add3A_2165], %gather3A_2162 : memref<19584xf32, #tpu.memory_space<vmem>>[vector<16xi32>], vector<16xf32>,
        %broadcast_in_dim3A_2166 = arith.constant 2 : i32
        %broadcast_in_dim3A_2167 = vector.broadcast %broadcast_in_dim3A_2166 : i32 to vector<16xi32>
        %gather3A_2168 = tpu.vector_load_idx %arg10[%get3A_2153, %broadcast_in_dim3A_2167] : memref<2048x16xf32, #tpu.memory_space<vmem>>[vector<16xi32>, vector<16xi32>], vector<16xf32>,
        %add3A_2169 = arith.constant 50 : i32
        %add3A_2170 = vector.broadcast %add3A_2169 : i32 to vector<16xi32>
        %add3A_2171 = arith.addi %mul3A_2049, %add3A_2170 : vector<16xi32>
        tpu.vector_store_idx %arg16[%add3A_2171], %gather3A_2168 : memref<19584xf32, #tpu.memory_space<vmem>>[vector<16xi32>], vector<16xf32>,
        %broadcast_in_dim3A_2172 = arith.constant 3 : i32
        %broadcast_in_dim3A_2173 = vector.broadcast %broadcast_in_dim3A_2172 : i32 to vector<16xi32>
        %gather3A_2174 = tpu.vector_load_idx %arg10[%get3A_2153, %broadcast_in_dim3A_2173] : memref<2048x16xf32, #tpu.memory_space<vmem>>[vector<16xi32>, vector<16xi32>], vector<16xf32>,
        %add3A_2175 = arith.constant 51 : i32
        %add3A_2176 = vector.broadcast %add3A_2175 : i32 to vector<16xi32>
        %add3A_2177 = arith.addi %mul3A_2049, %add3A_2176 : vector<16xi32>
        tpu.vector_store_idx %arg16[%add3A_2177], %gather3A_2174 : memref<19584xf32, #tpu.memory_space<vmem>>[vector<16xi32>], vector<16xf32>,
        %broadcast_in_dim3A_2178 = arith.constant 4 : i32
        %broadcast_in_dim3A_2179 = vector.broadcast %broadcast_in_dim3A_2178 : i32 to vector<16xi32>
        %gather3A_2180 = tpu.vector_load_idx %arg10[%get3A_2153, %broadcast_in_dim3A_2179] : memref<2048x16xf32, #tpu.memory_space<vmem>>[vector<16xi32>, vector<16xi32>], vector<16xf32>,
        %add3A_2181 = arith.constant 52 : i32
        %add3A_2182 = vector.broadcast %add3A_2181 : i32 to vector<16xi32>
        %add3A_2183 = arith.addi %mul3A_2049, %add3A_2182 : vector<16xi32>
        tpu.vector_store_idx %arg16[%add3A_2183], %gather3A_2180 : memref<19584xf32, #tpu.memory_space<vmem>>[vector<16xi32>], vector<16xf32>,
        %broadcast_in_dim3A_2184 = arith.constant 5 : i32
        %broadcast_in_dim3A_2185 = vector.broadcast %broadcast_in_dim3A_2184 : i32 to vector<16xi32>
        %gather3A_2186 = tpu.vector_load_idx %arg10[%get3A_2153, %broadcast_in_dim3A_2185] : memref<2048x16xf32, #tpu.memory_space<vmem>>[vector<16xi32>, vector<16xi32>], vector<16xf32>,
        %add3A_2187 = arith.constant 53 : i32
        %add3A_2188 = vector.broadcast %add3A_2187 : i32 to vector<16xi32>
        %add3A_2189 = arith.addi %mul3A_2049, %add3A_2188 : vector<16xi32>
        tpu.vector_store_idx %arg16[%add3A_2189], %gather3A_2186 : memref<19584xf32, #tpu.memory_space<vmem>>[vector<16xi32>], vector<16xf32>,
        %broadcast_in_dim3A_2190 = arith.constant 6 : i32
        %broadcast_in_dim3A_2191 = vector.broadcast %broadcast_in_dim3A_2190 : i32 to vector<16xi32>
        %gather3A_2192 = tpu.vector_load_idx %arg10[%get3A_2153, %broadcast_in_dim3A_2191] : memref<2048x16xf32, #tpu.memory_space<vmem>>[vector<16xi32>, vector<16xi32>], vector<16xf32>,
        %add3A_2193 = arith.constant 54 : i32
        %add3A_2194 = vector.broadcast %add3A_2193 : i32 to vector<16xi32>
        %add3A_2195 = arith.addi %mul3A_2049, %add3A_2194 : vector<16xi32>
        tpu.vector_store_idx %arg16[%add3A_2195], %gather3A_2192 : memref<19584xf32, #tpu.memory_space<vmem>>[vector<16xi32>], vector<16xf32>,
        %broadcast_in_dim3A_2196 = arith.constant 7 : i32
        %broadcast_in_dim3A_2197 = vector.broadcast %broadcast_in_dim3A_2196 : i32 to vector<16xi32>
        %gather3A_2198 = tpu.vector_load_idx %arg10[%get3A_2153, %broadcast_in_dim3A_2197] : memref<2048x16xf32, #tpu.memory_space<vmem>>[vector<16xi32>, vector<16xi32>], vector<16xf32>,
        %add3A_2199 = arith.constant 55 : i32
        %add3A_2200 = vector.broadcast %add3A_2199 : i32 to vector<16xi32>
        %add3A_2201 = arith.addi %mul3A_2049, %add3A_2200 : vector<16xi32>
        tpu.vector_store_idx %arg16[%add3A_2201], %gather3A_2198 : memref<19584xf32, #tpu.memory_space<vmem>>[vector<16xi32>], vector<16xf32>,
        %broadcast_in_dim3A_2202 = arith.constant 8 : i32
        %broadcast_in_dim3A_2203 = vector.broadcast %broadcast_in_dim3A_2202 : i32 to vector<16xi32>
        %gather3A_2204 = tpu.vector_load_idx %arg10[%get3A_2153, %broadcast_in_dim3A_2203] : memref<2048x16xf32, #tpu.memory_space<vmem>>[vector<16xi32>, vector<16xi32>], vector<16xf32>,
        %add3A_2205 = arith.constant 56 : i32
        %add3A_2206 = vector.broadcast %add3A_2205 : i32 to vector<16xi32>
        %add3A_2207 = arith.addi %mul3A_2049, %add3A_2206 : vector<16xi32>
        tpu.vector_store_idx %arg16[%add3A_2207], %gather3A_2204 : memref<19584xf32, #tpu.memory_space<vmem>>[vector<16xi32>], vector<16xf32>,
        %broadcast_in_dim3A_2208 = arith.constant 9 : i32
        %broadcast_in_dim3A_2209 = vector.broadcast %broadcast_in_dim3A_2208 : i32 to vector<16xi32>
        %gather3A_2210 = tpu.vector_load_idx %arg10[%get3A_2153, %broadcast_in_dim3A_2209] : memref<2048x16xf32, #tpu.memory_space<vmem>>[vector<16xi32>, vector<16xi32>], vector<16xf32>,
        %add3A_2211 = arith.constant 57 : i32
        %add3A_2212 = vector.broadcast %add3A_2211 : i32 to vector<16xi32>
        %add3A_2213 = arith.addi %mul3A_2049, %add3A_2212 : vector<16xi32>
        tpu.vector_store_idx %arg16[%add3A_2213], %gather3A_2210 : memref<19584xf32, #tpu.memory_space<vmem>>[vector<16xi32>], vector<16xf32>,
        %broadcast_in_dim3A_2214 = arith.constant 10 : i32
        %broadcast_in_dim3A_2215 = vector.broadcast %broadcast_in_dim3A_2214 : i32 to vector<16xi32>
        %gather3A_2216 = tpu.vector_load_idx %arg10[%get3A_2153, %broadcast_in_dim3A_2215] : memref<2048x16xf32, #tpu.memory_space<vmem>>[vector<16xi32>, vector<16xi32>], vector<16xf32>,
        %add3A_2217 = arith.constant 58 : i32
        %add3A_2218 = vector.broadcast %add3A_2217 : i32 to vector<16xi32>
        %add3A_2219 = arith.addi %mul3A_2049, %add3A_2218 : vector<16xi32>
        tpu.vector_store_idx %arg16[%add3A_2219], %gather3A_2216 : memref<19584xf32, #tpu.memory_space<vmem>>[vector<16xi32>], vector<16xf32>,
        %broadcast_in_dim3A_2220 = arith.constant 11 : i32
        %broadcast_in_dim3A_2221 = vector.broadcast %broadcast_in_dim3A_2220 : i32 to vector<16xi32>
        %gather3A_2222 = tpu.vector_load_idx %arg10[%get3A_2153, %broadcast_in_dim3A_2221] : memref<2048x16xf32, #tpu.memory_space<vmem>>[vector<16xi32>, vector<16xi32>], vector<16xf32>,
        %add3A_2223 = arith.constant 59 : i32
        %add3A_2224 = vector.broadcast %add3A_2223 : i32 to vector<16xi32>
        %add3A_2225 = arith.addi %mul3A_2049, %add3A_2224 : vector<16xi32>
        tpu.vector_store_idx %arg16[%add3A_2225], %gather3A_2222 : memref<19584xf32, #tpu.memory_space<vmem>>[vector<16xi32>], vector<16xf32>,
        %broadcast_in_dim3A_2226 = arith.constant 12 : i32
        %broadcast_in_dim3A_2227 = vector.broadcast %broadcast_in_dim3A_2226 : i32 to vector<16xi32>
        %gather3A_2228 = tpu.vector_load_idx %arg10[%get3A_2153, %broadcast_in_dim3A_2227] : memref<2048x16xf32, #tpu.memory_space<vmem>>[vector<16xi32>, vector<16xi32>], vector<16xf32>,
        %add3A_2229 = arith.constant 60 : i32
        %add3A_2230 = vector.broadcast %add3A_2229 : i32 to vector<16xi32>
        %add3A_2231 = arith.addi %mul3A_2049, %add3A_2230 : vector<16xi32>
        tpu.vector_store_idx %arg16[%add3A_2231], %gather3A_2228 : memref<19584xf32, #tpu.memory_space<vmem>>[vector<16xi32>], vector<16xf32>,
        %broadcast_in_dim3A_2232 = arith.constant 13 : i32
        %broadcast_in_dim3A_2233 = vector.broadcast %broadcast_in_dim3A_2232 : i32 to vector<16xi32>
        %gather3A_2234 = tpu.vector_load_idx %arg10[%get3A_2153, %broadcast_in_dim3A_2233] : memref<2048x16xf32, #tpu.memory_space<vmem>>[vector<16xi32>, vector<16xi32>], vector<16xf32>,
        %add3A_2235 = arith.constant 61 : i32
        %add3A_2236 = vector.broadcast %add3A_2235 : i32 to vector<16xi32>
        %add3A_2237 = arith.addi %mul3A_2049, %add3A_2236 : vector<16xi32>
        tpu.vector_store_idx %arg16[%add3A_2237], %gather3A_2234 : memref<19584xf32, #tpu.memory_space<vmem>>[vector<16xi32>], vector<16xf32>,
        %broadcast_in_dim3A_2238 = arith.constant 14 : i32
        %broadcast_in_dim3A_2239 = vector.broadcast %broadcast_in_dim3A_2238 : i32 to vector<16xi32>
        %gather3A_2240 = tpu.vector_load_idx %arg10[%get3A_2153, %broadcast_in_dim3A_2239] : memref<2048x16xf32, #tpu.memory_space<vmem>>[vector<16xi32>, vector<16xi32>], vector<16xf32>,
        %add3A_2241 = arith.constant 62 : i32
        %add3A_2242 = vector.broadcast %add3A_2241 : i32 to vector<16xi32>
        %add3A_2243 = arith.addi %mul3A_2049, %add3A_2242 : vector<16xi32>
        tpu.vector_store_idx %arg16[%add3A_2243], %gather3A_2240 : memref<19584xf32, #tpu.memory_space<vmem>>[vector<16xi32>], vector<16xf32>,
        %broadcast_in_dim3A_2244 = arith.constant 15 : i32
        %broadcast_in_dim3A_2245 = vector.broadcast %broadcast_in_dim3A_2244 : i32 to vector<16xi32>
        %gather3A_2246 = tpu.vector_load_idx %arg10[%get3A_2153, %broadcast_in_dim3A_2245] : memref<2048x16xf32, #tpu.memory_space<vmem>>[vector<16xi32>, vector<16xi32>], vector<16xf32>,
        %add3A_2247 = arith.constant 63 : i32
        %add3A_2248 = vector.broadcast %add3A_2247 : i32 to vector<16xi32>
        %add3A_2249 = arith.addi %mul3A_2049, %add3A_2248 : vector<16xi32>
        tpu.vector_store_idx %arg16[%add3A_2249], %gather3A_2246 : memref<19584xf32, #tpu.memory_space<vmem>>[vector<16xi32>], vector<16xf32>,
        %mul3A_2250 = arith.constant 16 : i32
        %mul3A_2251 = arith.muli %scan3A_2042, %mul3A_2250 : i32
        %get3A_2252 = arith.index_cast %mul3A_2251 : i32 to index
        %get3A_2253 = tpu.vector_load %arg20[%get3A_2252] {strides = array<i32>} : memref<128xi32, #tpu.memory_space<vmem>>, vector<16xi32>,
        %broadcast_in_dim3A_2254 = arith.constant 0 : i32
        %broadcast_in_dim3A_2255 = vector.broadcast %broadcast_in_dim3A_2254 : i32 to vector<16xi32>
        %gather3A_2256 = tpu.vector_load_idx %arg11[%get3A_2253, %broadcast_in_dim3A_2255] : memref<1024x16xf32, #tpu.memory_space<vmem>>[vector<16xi32>, vector<16xi32>], vector<16xf32>,
        %add3A_2257 = arith.constant 64 : i32
        %add3A_2258 = vector.broadcast %add3A_2257 : i32 to vector<16xi32>
        %add3A_2259 = arith.addi %mul3A_2049, %add3A_2258 : vector<16xi32>
        tpu.vector_store_idx %arg16[%add3A_2259], %gather3A_2256 : memref<19584xf32, #tpu.memory_space<vmem>>[vector<16xi32>], vector<16xf32>,
        %broadcast_in_dim3A_2260 = arith.constant 1 : i32
        %broadcast_in_dim3A_2261 = vector.broadcast %broadcast_in_dim3A_2260 : i32 to vector<16xi32>
        %gather3A_2262 = tpu.vector_load_idx %arg11[%get3A_2253, %broadcast_in_dim3A_2261] : memref<1024x16xf32, #tpu.memory_space<vmem>>[vector<16xi32>, vector<16xi32>], vector<16xf32>,
        %add3A_2263 = arith.constant 65 : i32
        %add3A_2264 = vector.broadcast %add3A_2263 : i32 to vector<16xi32>
        %add3A_2265 = arith.addi %mul3A_2049, %add3A_2264 : vector<16xi32>
        tpu.vector_store_idx %arg16[%add3A_2265], %gather3A_2262 : memref<19584xf32, #tpu.memory_space<vmem>>[vector<16xi32>], vector<16xf32>,
        %broadcast_in_dim3A_2266 = arith.constant 2 : i32
        %broadcast_in_dim3A_2267 = vector.broadcast %broadcast_in_dim3A_2266 : i32 to vector<16xi32>
        %gather3A_2268 = tpu.vector_load_idx %arg11[%get3A_2253, %broadcast_in_dim3A_2267] : memref<1024x16xf32, #tpu.memory_space<vmem>>[vector<16xi32>, vector<16xi32>], vector<16xf32>,
        %add3A_2269 = arith.constant 66 : i32
        %add3A_2270 = vector.broadcast %add3A_2269 : i32 to vector<16xi32>
        %add3A_2271 = arith.addi %mul3A_2049, %add3A_2270 : vector<16xi32>
        tpu.vector_store_idx %arg16[%add3A_2271], %gather3A_2268 : memref<19584xf32, #tpu.memory_space<vmem>>[vector<16xi32>], vector<16xf32>,
        %broadcast_in_dim3A_2272 = arith.constant 3 : i32
        %broadcast_in_dim3A_2273 = vector.broadcast %broadcast_in_dim3A_2272 : i32 to vector<16xi32>
        %gather3A_2274 = tpu.vector_load_idx %arg11[%get3A_2253, %broadcast_in_dim3A_2273] : memref<1024x16xf32, #tpu.memory_space<vmem>>[vector<16xi32>, vector<16xi32>], vector<16xf32>,
        %add3A_2275 = arith.constant 67 : i32
        %add3A_2276 = vector.broadcast %add3A_2275 : i32 to vector<16xi32>
        %add3A_2277 = arith.addi %mul3A_2049, %add3A_2276 : vector<16xi32>
        tpu.vector_store_idx %arg16[%add3A_2277], %gather3A_2274 : memref<19584xf32, #tpu.memory_space<vmem>>[vector<16xi32>], vector<16xf32>,
        %broadcast_in_dim3A_2278 = arith.constant 4 : i32
        %broadcast_in_dim3A_2279 = vector.broadcast %broadcast_in_dim3A_2278 : i32 to vector<16xi32>
        %gather3A_2280 = tpu.vector_load_idx %arg11[%get3A_2253, %broadcast_in_dim3A_2279] : memref<1024x16xf32, #tpu.memory_space<vmem>>[vector<16xi32>, vector<16xi32>], vector<16xf32>,
        %add3A_2281 = arith.constant 68 : i32
        %add3A_2282 = vector.broadcast %add3A_2281 : i32 to vector<16xi32>
        %add3A_2283 = arith.addi %mul3A_2049, %add3A_2282 : vector<16xi32>
        tpu.vector_store_idx %arg16[%add3A_2283], %gather3A_2280 : memref<19584xf32, #tpu.memory_space<vmem>>[vector<16xi32>], vector<16xf32>,
        %broadcast_in_dim3A_2284 = arith.constant 5 : i32
        %broadcast_in_dim3A_2285 = vector.broadcast %broadcast_in_dim3A_2284 : i32 to vector<16xi32>
        %gather3A_2286 = tpu.vector_load_idx %arg11[%get3A_2253, %broadcast_in_dim3A_2285] : memref<1024x16xf32, #tpu.memory_space<vmem>>[vector<16xi32>, vector<16xi32>], vector<16xf32>,
        %add3A_2287 = arith.constant 69 : i32
        %add3A_2288 = vector.broadcast %add3A_2287 : i32 to vector<16xi32>
        %add3A_2289 = arith.addi %mul3A_2049, %add3A_2288 : vector<16xi32>
        tpu.vector_store_idx %arg16[%add3A_2289], %gather3A_2286 : memref<19584xf32, #tpu.memory_space<vmem>>[vector<16xi32>], vector<16xf32>,
        %broadcast_in_dim3A_2290 = arith.constant 6 : i32
        %broadcast_in_dim3A_2291 = vector.broadcast %broadcast_in_dim3A_2290 : i32 to vector<16xi32>
        %gather3A_2292 = tpu.vector_load_idx %arg11[%get3A_2253, %broadcast_in_dim3A_2291] : memref<1024x16xf32, #tpu.memory_space<vmem>>[vector<16xi32>, vector<16xi32>], vector<16xf32>,
        %add3A_2293 = arith.constant 70 : i32
        %add3A_2294 = vector.broadcast %add3A_2293 : i32 to vector<16xi32>
        %add3A_2295 = arith.addi %mul3A_2049, %add3A_2294 : vector<16xi32>
        tpu.vector_store_idx %arg16[%add3A_2295], %gather3A_2292 : memref<19584xf32, #tpu.memory_space<vmem>>[vector<16xi32>], vector<16xf32>,
        %broadcast_in_dim3A_2296 = arith.constant 7 : i32
        %broadcast_in_dim3A_2297 = vector.broadcast %broadcast_in_dim3A_2296 : i32 to vector<16xi32>
        %gather3A_2298 = tpu.vector_load_idx %arg11[%get3A_2253, %broadcast_in_dim3A_2297] : memref<1024x16xf32, #tpu.memory_space<vmem>>[vector<16xi32>, vector<16xi32>], vector<16xf32>,
        %add3A_2299 = arith.constant 71 : i32
        %add3A_2300 = vector.broadcast %add3A_2299 : i32 to vector<16xi32>
        %add3A_2301 = arith.addi %mul3A_2049, %add3A_2300 : vector<16xi32>
        tpu.vector_store_idx %arg16[%add3A_2301], %gather3A_2298 : memref<19584xf32, #tpu.memory_space<vmem>>[vector<16xi32>], vector<16xf32>,
        %broadcast_in_dim3A_2302 = arith.constant 8 : i32
        %broadcast_in_dim3A_2303 = vector.broadcast %broadcast_in_dim3A_2302 : i32 to vector<16xi32>
        %gather3A_2304 = tpu.vector_load_idx %arg11[%get3A_2253, %broadcast_in_dim3A_2303] : memref<1024x16xf32, #tpu.memory_space<vmem>>[vector<16xi32>, vector<16xi32>], vector<16xf32>,
        %add3A_2305 = arith.constant 72 : i32
        %add3A_2306 = vector.broadcast %add3A_2305 : i32 to vector<16xi32>
        %add3A_2307 = arith.addi %mul3A_2049, %add3A_2306 : vector<16xi32>
        tpu.vector_store_idx %arg16[%add3A_2307], %gather3A_2304 : memref<19584xf32, #tpu.memory_space<vmem>>[vector<16xi32>], vector<16xf32>,
        %broadcast_in_dim3A_2308 = arith.constant 9 : i32
        %broadcast_in_dim3A_2309 = vector.broadcast %broadcast_in_dim3A_2308 : i32 to vector<16xi32>
        %gather3A_2310 = tpu.vector_load_idx %arg11[%get3A_2253, %broadcast_in_dim3A_2309] : memref<1024x16xf32, #tpu.memory_space<vmem>>[vector<16xi32>, vector<16xi32>], vector<16xf32>,
        %add3A_2311 = arith.constant 73 : i32
        %add3A_2312 = vector.broadcast %add3A_2311 : i32 to vector<16xi32>
        %add3A_2313 = arith.addi %mul3A_2049, %add3A_2312 : vector<16xi32>
        tpu.vector_store_idx %arg16[%add3A_2313], %gather3A_2310 : memref<19584xf32, #tpu.memory_space<vmem>>[vector<16xi32>], vector<16xf32>,
        %broadcast_in_dim3A_2314 = arith.constant 10 : i32
        %broadcast_in_dim3A_2315 = vector.broadcast %broadcast_in_dim3A_2314 : i32 to vector<16xi32>
        %gather3A_2316 = tpu.vector_load_idx %arg11[%get3A_2253, %broadcast_in_dim3A_2315] : memref<1024x16xf32, #tpu.memory_space<vmem>>[vector<16xi32>, vector<16xi32>], vector<16xf32>,
        %add3A_2317 = arith.constant 74 : i32
        %add3A_2318 = vector.broadcast %add3A_2317 : i32 to vector<16xi32>
        %add3A_2319 = arith.addi %mul3A_2049, %add3A_2318 : vector<16xi32>
        tpu.vector_store_idx %arg16[%add3A_2319], %gather3A_2316 : memref<19584xf32, #tpu.memory_space<vmem>>[vector<16xi32>], vector<16xf32>,
        %broadcast_in_dim3A_2320 = arith.constant 11 : i32
        %broadcast_in_dim3A_2321 = vector.broadcast %broadcast_in_dim3A_2320 : i32 to vector<16xi32>
        %gather3A_2322 = tpu.vector_load_idx %arg11[%get3A_2253, %broadcast_in_dim3A_2321] : memref<1024x16xf32, #tpu.memory_space<vmem>>[vector<16xi32>, vector<16xi32>], vector<16xf32>,
        %add3A_2323 = arith.constant 75 : i32
        %add3A_2324 = vector.broadcast %add3A_2323 : i32 to vector<16xi32>
        %add3A_2325 = arith.addi %mul3A_2049, %add3A_2324 : vector<16xi32>
        tpu.vector_store_idx %arg16[%add3A_2325], %gather3A_2322 : memref<19584xf32, #tpu.memory_space<vmem>>[vector<16xi32>], vector<16xf32>,
        %broadcast_in_dim3A_2326 = arith.constant 12 : i32
        %broadcast_in_dim3A_2327 = vector.broadcast %broadcast_in_dim3A_2326 : i32 to vector<16xi32>
        %gather3A_2328 = tpu.vector_load_idx %arg11[%get3A_2253, %broadcast_in_dim3A_2327] : memref<1024x16xf32, #tpu.memory_space<vmem>>[vector<16xi32>, vector<16xi32>], vector<16xf32>,
        %add3A_2329 = arith.constant 76 : i32
        %add3A_2330 = vector.broadcast %add3A_2329 : i32 to vector<16xi32>
        %add3A_2331 = arith.addi %mul3A_2049, %add3A_2330 : vector<16xi32>
        tpu.vector_store_idx %arg16[%add3A_2331], %gather3A_2328 : memref<19584xf32, #tpu.memory_space<vmem>>[vector<16xi32>], vector<16xf32>,
        %broadcast_in_dim3A_2332 = arith.constant 13 : i32
        %broadcast_in_dim3A_2333 = vector.broadcast %broadcast_in_dim3A_2332 : i32 to vector<16xi32>
        %gather3A_2334 = tpu.vector_load_idx %arg11[%get3A_2253, %broadcast_in_dim3A_2333] : memref<1024x16xf32, #tpu.memory_space<vmem>>[vector<16xi32>, vector<16xi32>], vector<16xf32>,
        %add3A_2335 = arith.constant 77 : i32
        %add3A_2336 = vector.broadcast %add3A_2335 : i32 to vector<16xi32>
        %add3A_2337 = arith.addi %mul3A_2049, %add3A_2336 : vector<16xi32>
        tpu.vector_store_idx %arg16[%add3A_2337], %gather3A_2334 : memref<19584xf32, #tpu.memory_space<vmem>>[vector<16xi32>], vector<16xf32>,
        %broadcast_in_dim3A_2338 = arith.constant 14 : i32
        %broadcast_in_dim3A_2339 = vector.broadcast %broadcast_in_dim3A_2338 : i32 to vector<16xi32>
        %gather3A_2340 = tpu.vector_load_idx %arg11[%get3A_2253, %broadcast_in_dim3A_2339] : memref<1024x16xf32, #tpu.memory_space<vmem>>[vector<16xi32>, vector<16xi32>], vector<16xf32>,
        %add3A_2341 = arith.constant 78 : i32
        %add3A_2342 = vector.broadcast %add3A_2341 : i32 to vector<16xi32>
        %add3A_2343 = arith.addi %mul3A_2049, %add3A_2342 : vector<16xi32>
        tpu.vector_store_idx %arg16[%add3A_2343], %gather3A_2340 : memref<19584xf32, #tpu.memory_space<vmem>>[vector<16xi32>], vector<16xf32>,
        %broadcast_in_dim3A_2344 = arith.constant 15 : i32
        %broadcast_in_dim3A_2345 = vector.broadcast %broadcast_in_dim3A_2344 : i32 to vector<16xi32>
        %gather3A_2346 = tpu.vector_load_idx %arg11[%get3A_2253, %broadcast_in_dim3A_2345] : memref<1024x16xf32, #tpu.memory_space<vmem>>[vector<16xi32>, vector<16xi32>], vector<16xf32>,
        %add3A_2347 = arith.constant 79 : i32
        %add3A_2348 = vector.broadcast %add3A_2347 : i32 to vector<16xi32>
        %add3A_2349 = arith.addi %mul3A_2049, %add3A_2348 : vector<16xi32>
        tpu.vector_store_idx %arg16[%add3A_2349], %gather3A_2346 : memref<19584xf32, #tpu.memory_space<vmem>>[vector<16xi32>], vector<16xf32>,
        %mul3A_2350 = arith.constant 16 : i32
        %mul3A_2351 = arith.muli %scan3A_2042, %mul3A_2350 : i32
        %get3A_2352 = arith.index_cast %mul3A_2351 : i32 to index
        %get3A_2353 = tpu.vector_load %arg21[%get3A_2352] {strides = array<i32>} : memref<128xi32, #tpu.memory_space<vmem>>, vector<16xi32>,
        %broadcast_in_dim3A_2354 = arith.constant 0 : i32
        %broadcast_in_dim3A_2355 = vector.broadcast %broadcast_in_dim3A_2354 : i32 to vector<16xi32>
        %gather3A_2356 = tpu.vector_load_idx %arg11[%get3A_2353, %broadcast_in_dim3A_2355] : memref<1024x16xf32, #tpu.memory_space<vmem>>[vector<16xi32>, vector<16xi32>], vector<16xf32>,
        %add3A_2357 = arith.constant 80 : i32
        %add3A_2358 = vector.broadcast %add3A_2357 : i32 to vector<16xi32>
        %add3A_2359 = arith.addi %mul3A_2049, %add3A_2358 : vector<16xi32>
        tpu.vector_store_idx %arg16[%add3A_2359], %gather3A_2356 : memref<19584xf32, #tpu.memory_space<vmem>>[vector<16xi32>], vector<16xf32>,
        %broadcast_in_dim3A_2360 = arith.constant 1 : i32
        %broadcast_in_dim3A_2361 = vector.broadcast %broadcast_in_dim3A_2360 : i32 to vector<16xi32>
        %gather3A_2362 = tpu.vector_load_idx %arg11[%get3A_2353, %broadcast_in_dim3A_2361] : memref<1024x16xf32, #tpu.memory_space<vmem>>[vector<16xi32>, vector<16xi32>], vector<16xf32>,
        %add3A_2363 = arith.constant 81 : i32
        %add3A_2364 = vector.broadcast %add3A_2363 : i32 to vector<16xi32>
        %add3A_2365 = arith.addi %mul3A_2049, %add3A_2364 : vector<16xi32>
        tpu.vector_store_idx %arg16[%add3A_2365], %gather3A_2362 : memref<19584xf32, #tpu.memory_space<vmem>>[vector<16xi32>], vector<16xf32>,
        %broadcast_in_dim3A_2366 = arith.constant 2 : i32
        %broadcast_in_dim3A_2367 = vector.broadcast %broadcast_in_dim3A_2366 : i32 to vector<16xi32>
        %gather3A_2368 = tpu.vector_load_idx %arg11[%get3A_2353, %broadcast_in_dim3A_2367] : memref<1024x16xf32, #tpu.memory_space<vmem>>[vector<16xi32>, vector<16xi32>], vector<16xf32>,
        %add3A_2369 = arith.constant 82 : i32
        %add3A_2370 = vector.broadcast %add3A_2369 : i32 to vector<16xi32>
        %add3A_2371 = arith.addi %mul3A_2049, %add3A_2370 : vector<16xi32>
        tpu.vector_store_idx %arg16[%add3A_2371], %gather3A_2368 : memref<19584xf32, #tpu.memory_space<vmem>>[vector<16xi32>], vector<16xf32>,
        %broadcast_in_dim3A_2372 = arith.constant 3 : i32
        %broadcast_in_dim3A_2373 = vector.broadcast %broadcast_in_dim3A_2372 : i32 to vector<16xi32>
        %gather3A_2374 = tpu.vector_load_idx %arg11[%get3A_2353, %broadcast_in_dim3A_2373] : memref<1024x16xf32, #tpu.memory_space<vmem>>[vector<16xi32>, vector<16xi32>], vector<16xf32>,
        %add3A_2375 = arith.constant 83 : i32
        %add3A_2376 = vector.broadcast %add3A_2375 : i32 to vector<16xi32>
        %add3A_2377 = arith.addi %mul3A_2049, %add3A_2376 : vector<16xi32>
        tpu.vector_store_idx %arg16[%add3A_2377], %gather3A_2374 : memref<19584xf32, #tpu.memory_space<vmem>>[vector<16xi32>], vector<16xf32>,
        %broadcast_in_dim3A_2378 = arith.constant 4 : i32
        %broadcast_in_dim3A_2379 = vector.broadcast %broadcast_in_dim3A_2378 : i32 to vector<16xi32>
        %gather3A_2380 = tpu.vector_load_idx %arg11[%get3A_2353, %broadcast_in_dim3A_2379] : memref<1024x16xf32, #tpu.memory_space<vmem>>[vector<16xi32>, vector<16xi32>], vector<16xf32>,
        %add3A_2381 = arith.constant 84 : i32
        %add3A_2382 = vector.broadcast %add3A_2381 : i32 to vector<16xi32>
        %add3A_2383 = arith.addi %mul3A_2049, %add3A_2382 : vector<16xi32>
        tpu.vector_store_idx %arg16[%add3A_2383], %gather3A_2380 : memref<19584xf32, #tpu.memory_space<vmem>>[vector<16xi32>], vector<16xf32>,
        %broadcast_in_dim3A_2384 = arith.constant 5 : i32
        %broadcast_in_dim3A_2385 = vector.broadcast %broadcast_in_dim3A_2384 : i32 to vector<16xi32>
        %gather3A_2386 = tpu.vector_load_idx %arg11[%get3A_2353, %broadcast_in_dim3A_2385] : memref<1024x16xf32, #tpu.memory_space<vmem>>[vector<16xi32>, vector<16xi32>], vector<16xf32>,
        %add3A_2387 = arith.constant 85 : i32
        %add3A_2388 = vector.broadcast %add3A_2387 : i32 to vector<16xi32>
        %add3A_2389 = arith.addi %mul3A_2049, %add3A_2388 : vector<16xi32>
        tpu.vector_store_idx %arg16[%add3A_2389], %gather3A_2386 : memref<19584xf32, #tpu.memory_space<vmem>>[vector<16xi32>], vector<16xf32>,
        %broadcast_in_dim3A_2390 = arith.constant 6 : i32
        %broadcast_in_dim3A_2391 = vector.broadcast %broadcast_in_dim3A_2390 : i32 to vector<16xi32>
        %gather3A_2392 = tpu.vector_load_idx %arg11[%get3A_2353, %broadcast_in_dim3A_2391] : memref<1024x16xf32, #tpu.memory_space<vmem>>[vector<16xi32>, vector<16xi32>], vector<16xf32>,
        %add3A_2393 = arith.constant 86 : i32
        %add3A_2394 = vector.broadcast %add3A_2393 : i32 to vector<16xi32>
        %add3A_2395 = arith.addi %mul3A_2049, %add3A_2394 : vector<16xi32>
        tpu.vector_store_idx %arg16[%add3A_2395], %gather3A_2392 : memref<19584xf32, #tpu.memory_space<vmem>>[vector<16xi32>], vector<16xf32>,
        %broadcast_in_dim3A_2396 = arith.constant 7 : i32
        %broadcast_in_dim3A_2397 = vector.broadcast %broadcast_in_dim3A_2396 : i32 to vector<16xi32>
        %gather3A_2398 = tpu.vector_load_idx %arg11[%get3A_2353, %broadcast_in_dim3A_2397] : memref<1024x16xf32, #tpu.memory_space<vmem>>[vector<16xi32>, vector<16xi32>], vector<16xf32>,
        %add3A_2399 = arith.constant 87 : i32
        %add3A_2400 = vector.broadcast %add3A_2399 : i32 to vector<16xi32>
        %add3A_2401 = arith.addi %mul3A_2049, %add3A_2400 : vector<16xi32>
        tpu.vector_store_idx %arg16[%add3A_2401], %gather3A_2398 : memref<19584xf32, #tpu.memory_space<vmem>>[vector<16xi32>], vector<16xf32>,
        %broadcast_in_dim3A_2402 = arith.constant 8 : i32
        %broadcast_in_dim3A_2403 = vector.broadcast %broadcast_in_dim3A_2402 : i32 to vector<16xi32>
        %gather3A_2404 = tpu.vector_load_idx %arg11[%get3A_2353, %broadcast_in_dim3A_2403] : memref<1024x16xf32, #tpu.memory_space<vmem>>[vector<16xi32>, vector<16xi32>], vector<16xf32>,
        %add3A_2405 = arith.constant 88 : i32
        %add3A_2406 = vector.broadcast %add3A_2405 : i32 to vector<16xi32>
        %add3A_2407 = arith.addi %mul3A_2049, %add3A_2406 : vector<16xi32>
        tpu.vector_store_idx %arg16[%add3A_2407], %gather3A_2404 : memref<19584xf32, #tpu.memory_space<vmem>>[vector<16xi32>], vector<16xf32>,
        %broadcast_in_dim3A_2408 = arith.constant 9 : i32
        %broadcast_in_dim3A_2409 = vector.broadcast %broadcast_in_dim3A_2408 : i32 to vector<16xi32>
        %gather3A_2410 = tpu.vector_load_idx %arg11[%get3A_2353, %broadcast_in_dim3A_2409] : memref<1024x16xf32, #tpu.memory_space<vmem>>[vector<16xi32>, vector<16xi32>], vector<16xf32>,
        %add3A_2411 = arith.constant 89 : i32
        %add3A_2412 = vector.broadcast %add3A_2411 : i32 to vector<16xi32>
        %add3A_2413 = arith.addi %mul3A_2049, %add3A_2412 : vector<16xi32>
        tpu.vector_store_idx %arg16[%add3A_2413], %gather3A_2410 : memref<19584xf32, #tpu.memory_space<vmem>>[vector<16xi32>], vector<16xf32>,
        %broadcast_in_dim3A_2414 = arith.constant 10 : i32
        %broadcast_in_dim3A_2415 = vector.broadcast %broadcast_in_dim3A_2414 : i32 to vector<16xi32>
        %gather3A_2416 = tpu.vector_load_idx %arg11[%get3A_2353, %broadcast_in_dim3A_2415] : memref<1024x16xf32, #tpu.memory_space<vmem>>[vector<16xi32>, vector<16xi32>], vector<16xf32>,
        %add3A_2417 = arith.constant 90 : i32
        %add3A_2418 = vector.broadcast %add3A_2417 : i32 to vector<16xi32>
        %add3A_2419 = arith.addi %mul3A_2049, %add3A_2418 : vector<16xi32>
        tpu.vector_store_idx %arg16[%add3A_2419], %gather3A_2416 : memref<19584xf32, #tpu.memory_space<vmem>>[vector<16xi32>], vector<16xf32>,
        %broadcast_in_dim3A_2420 = arith.constant 11 : i32
        %broadcast_in_dim3A_2421 = vector.broadcast %broadcast_in_dim3A_2420 : i32 to vector<16xi32>
        %gather3A_2422 = tpu.vector_load_idx %arg11[%get3A_2353, %broadcast_in_dim3A_2421] : memref<1024x16xf32, #tpu.memory_space<vmem>>[vector<16xi32>, vector<16xi32>], vector<16xf32>,
        %add3A_2423 = arith.constant 91 : i32
        %add3A_2424 = vector.broadcast %add3A_2423 : i32 to vector<16xi32>
        %add3A_2425 = arith.addi %mul3A_2049, %add3A_2424 : vector<16xi32>
        tpu.vector_store_idx %arg16[%add3A_2425], %gather3A_2422 : memref<19584xf32, #tpu.memory_space<vmem>>[vector<16xi32>], vector<16xf32>,
        %broadcast_in_dim3A_2426 = arith.constant 12 : i32
        %broadcast_in_dim3A_2427 = vector.broadcast %broadcast_in_dim3A_2426 : i32 to vector<16xi32>
        %gather3A_2428 = tpu.vector_load_idx %arg11[%get3A_2353, %broadcast_in_dim3A_2427] : memref<1024x16xf32, #tpu.memory_space<vmem>>[vector<16xi32>, vector<16xi32>], vector<16xf32>,
        %add3A_2429 = arith.constant 92 : i32
        %add3A_2430 = vector.broadcast %add3A_2429 : i32 to vector<16xi32>
        %add3A_2431 = arith.addi %mul3A_2049, %add3A_2430 : vector<16xi32>
        tpu.vector_store_idx %arg16[%add3A_2431], %gather3A_2428 : memref<19584xf32, #tpu.memory_space<vmem>>[vector<16xi32>], vector<16xf32>,
        %broadcast_in_dim3A_2432 = arith.constant 13 : i32
        %broadcast_in_dim3A_2433 = vector.broadcast %broadcast_in_dim3A_2432 : i32 to vector<16xi32>
        %gather3A_2434 = tpu.vector_load_idx %arg11[%get3A_2353, %broadcast_in_dim3A_2433] : memref<1024x16xf32, #tpu.memory_space<vmem>>[vector<16xi32>, vector<16xi32>], vector<16xf32>,
        %add3A_2435 = arith.constant 93 : i32
        %add3A_2436 = vector.broadcast %add3A_2435 : i32 to vector<16xi32>
        %add3A_2437 = arith.addi %mul3A_2049, %add3A_2436 : vector<16xi32>
        tpu.vector_store_idx %arg16[%add3A_2437], %gather3A_2434 : memref<19584xf32, #tpu.memory_space<vmem>>[vector<16xi32>], vector<16xf32>,
        %broadcast_in_dim3A_2438 = arith.constant 14 : i32
        %broadcast_in_dim3A_2439 = vector.broadcast %broadcast_in_dim3A_2438 : i32 to vector<16xi32>
        %gather3A_2440 = tpu.vector_load_idx %arg11[%get3A_2353, %broadcast_in_dim3A_2439] : memref<1024x16xf32, #tpu.memory_space<vmem>>[vector<16xi32>, vector<16xi32>], vector<16xf32>,
        %add3A_2441 = arith.constant 94 : i32
        %add3A_2442 = vector.broadcast %add3A_2441 : i32 to vector<16xi32>
        %add3A_2443 = arith.addi %mul3A_2049, %add3A_2442 : vector<16xi32>
        tpu.vector_store_idx %arg16[%add3A_2443], %gather3A_2440 : memref<19584xf32, #tpu.memory_space<vmem>>[vector<16xi32>], vector<16xf32>,
        %broadcast_in_dim3A_2444 = arith.constant 15 : i32
        %broadcast_in_dim3A_2445 = vector.broadcast %broadcast_in_dim3A_2444 : i32 to vector<16xi32>
        %gather3A_2446 = tpu.vector_load_idx %arg11[%get3A_2353, %broadcast_in_dim3A_2445] : memref<1024x16xf32, #tpu.memory_space<vmem>>[vector<16xi32>, vector<16xi32>], vector<16xf32>,
        %add3A_2447 = arith.constant 95 : i32
        %add3A_2448 = vector.broadcast %add3A_2447 : i32 to vector<16xi32>
        %add3A_2449 = arith.addi %mul3A_2049, %add3A_2448 : vector<16xi32>
        tpu.vector_store_idx %arg16[%add3A_2449], %gather3A_2446 : memref<19584xf32, #tpu.memory_space<vmem>>[vector<16xi32>], vector<16xf32>,
        %mul3A_2450 = arith.constant 16 : i32
        %mul3A_2451 = arith.muli %scan3A_2042, %mul3A_2450 : i32
        %get3A_2452 = arith.index_cast %mul3A_2451 : i32 to index
        %get3A_2453 = tpu.vector_load %arg22[%get3A_2452] {strides = array<i32>} : memref<128xi32, #tpu.memory_space<vmem>>, vector<16xi32>,
        %broadcast_in_dim3A_2454 = arith.constant 0 : i32
        %broadcast_in_dim3A_2455 = vector.broadcast %broadcast_in_dim3A_2454 : i32 to vector<16xi32>
        %gather3A_2456 = tpu.vector_load_idx %arg11[%get3A_2453, %broadcast_in_dim3A_2455] : memref<1024x16xf32, #tpu.memory_space<vmem>>[vector<16xi32>, vector<16xi32>], vector<16xf32>,
        %add3A_2457 = arith.constant 96 : i32
        %add3A_2458 = vector.broadcast %add3A_2457 : i32 to vector<16xi32>
        %add3A_2459 = arith.addi %mul3A_2049, %add3A_2458 : vector<16xi32>
        tpu.vector_store_idx %arg16[%add3A_2459], %gather3A_2456 : memref<19584xf32, #tpu.memory_space<vmem>>[vector<16xi32>], vector<16xf32>,
        %broadcast_in_dim3A_2460 = arith.constant 1 : i32
        %broadcast_in_dim3A_2461 = vector.broadcast %broadcast_in_dim3A_2460 : i32 to vector<16xi32>
        %gather3A_2462 = tpu.vector_load_idx %arg11[%get3A_2453, %broadcast_in_dim3A_2461] : memref<1024x16xf32, #tpu.memory_space<vmem>>[vector<16xi32>, vector<16xi32>], vector<16xf32>,
        %add3A_2463 = arith.constant 97 : i32
        %add3A_2464 = vector.broadcast %add3A_2463 : i32 to vector<16xi32>
        %add3A_2465 = arith.addi %mul3A_2049, %add3A_2464 : vector<16xi32>
        tpu.vector_store_idx %arg16[%add3A_2465], %gather3A_2462 : memref<19584xf32, #tpu.memory_space<vmem>>[vector<16xi32>], vector<16xf32>,
        %broadcast_in_dim3A_2466 = arith.constant 2 : i32
        %broadcast_in_dim3A_2467 = vector.broadcast %broadcast_in_dim3A_2466 : i32 to vector<16xi32>
        %gather3A_2468 = tpu.vector_load_idx %arg11[%get3A_2453, %broadcast_in_dim3A_2467] : memref<1024x16xf32, #tpu.memory_space<vmem>>[vector<16xi32>, vector<16xi32>], vector<16xf32>,
        %add3A_2469 = arith.constant 98 : i32
        %add3A_2470 = vector.broadcast %add3A_2469 : i32 to vector<16xi32>
        %add3A_2471 = arith.addi %mul3A_2049, %add3A_2470 : vector<16xi32>
        tpu.vector_store_idx %arg16[%add3A_2471], %gather3A_2468 : memref<19584xf32, #tpu.memory_space<vmem>>[vector<16xi32>], vector<16xf32>,
        %broadcast_in_dim3A_2472 = arith.constant 3 : i32
        %broadcast_in_dim3A_2473 = vector.broadcast %broadcast_in_dim3A_2472 : i32 to vector<16xi32>
        %gather3A_2474 = tpu.vector_load_idx %arg11[%get3A_2453, %broadcast_in_dim3A_2473] : memref<1024x16xf32, #tpu.memory_space<vmem>>[vector<16xi32>, vector<16xi32>], vector<16xf32>,
        %add3A_2475 = arith.constant 99 : i32
        %add3A_2476 = vector.broadcast %add3A_2475 : i32 to vector<16xi32>
        %add3A_2477 = arith.addi %mul3A_2049, %add3A_2476 : vector<16xi32>
        tpu.vector_store_idx %arg16[%add3A_2477], %gather3A_2474 : memref<19584xf32, #tpu.memory_space<vmem>>[vector<16xi32>], vector<16xf32>,
        %broadcast_in_dim3A_2478 = arith.constant 4 : i32
        %broadcast_in_dim3A_2479 = vector.broadcast %broadcast_in_dim3A_2478 : i32 to vector<16xi32>
        %gather3A_2480 = tpu.vector_load_idx %arg11[%get3A_2453, %broadcast_in_dim3A_2479] : memref<1024x16xf32, #tpu.memory_space<vmem>>[vector<16xi32>, vector<16xi32>], vector<16xf32>,
        %add3A_2481 = arith.constant 100 : i32
        %add3A_2482 = vector.broadcast %add3A_2481 : i32 to vector<16xi32>
        %add3A_2483 = arith.addi %mul3A_2049, %add3A_2482 : vector<16xi32>
        tpu.vector_store_idx %arg16[%add3A_2483], %gather3A_2480 : memref<19584xf32, #tpu.memory_space<vmem>>[vector<16xi32>], vector<16xf32>,
        %broadcast_in_dim3A_2484 = arith.constant 5 : i32
        %broadcast_in_dim3A_2485 = vector.broadcast %broadcast_in_dim3A_2484 : i32 to vector<16xi32>
        %gather3A_2486 = tpu.vector_load_idx %arg11[%get3A_2453, %broadcast_in_dim3A_2485] : memref<1024x16xf32, #tpu.memory_space<vmem>>[vector<16xi32>, vector<16xi32>], vector<16xf32>,
        %add3A_2487 = arith.constant 101 : i32
        %add3A_2488 = vector.broadcast %add3A_2487 : i32 to vector<16xi32>
        %add3A_2489 = arith.addi %mul3A_2049, %add3A_2488 : vector<16xi32>
        tpu.vector_store_idx %arg16[%add3A_2489], %gather3A_2486 : memref<19584xf32, #tpu.memory_space<vmem>>[vector<16xi32>], vector<16xf32>,
        %broadcast_in_dim3A_2490 = arith.constant 6 : i32
        %broadcast_in_dim3A_2491 = vector.broadcast %broadcast_in_dim3A_2490 : i32 to vector<16xi32>
        %gather3A_2492 = tpu.vector_load_idx %arg11[%get3A_2453, %broadcast_in_dim3A_2491] : memref<1024x16xf32, #tpu.memory_space<vmem>>[vector<16xi32>, vector<16xi32>], vector<16xf32>,
        %add3A_2493 = arith.constant 102 : i32
        %add3A_2494 = vector.broadcast %add3A_2493 : i32 to vector<16xi32>
        %add3A_2495 = arith.addi %mul3A_2049, %add3A_2494 : vector<16xi32>
        tpu.vector_store_idx %arg16[%add3A_2495], %gather3A_2492 : memref<19584xf32, #tpu.memory_space<vmem>>[vector<16xi32>], vector<16xf32>,
        %broadcast_in_dim3A_2496 = arith.constant 7 : i32
        %broadcast_in_dim3A_2497 = vector.broadcast %broadcast_in_dim3A_2496 : i32 to vector<16xi32>
        %gather3A_2498 = tpu.vector_load_idx %arg11[%get3A_2453, %broadcast_in_dim3A_2497] : memref<1024x16xf32, #tpu.memory_space<vmem>>[vector<16xi32>, vector<16xi32>], vector<16xf32>,
        %add3A_2499 = arith.constant 103 : i32
        %add3A_2500 = vector.broadcast %add3A_2499 : i32 to vector<16xi32>
        %add3A_2501 = arith.addi %mul3A_2049, %add3A_2500 : vector<16xi32>
        tpu.vector_store_idx %arg16[%add3A_2501], %gather3A_2498 : memref<19584xf32, #tpu.memory_space<vmem>>[vector<16xi32>], vector<16xf32>,
        %broadcast_in_dim3A_2502 = arith.constant 8 : i32
        %broadcast_in_dim3A_2503 = vector.broadcast %broadcast_in_dim3A_2502 : i32 to vector<16xi32>
        %gather3A_2504 = tpu.vector_load_idx %arg11[%get3A_2453, %broadcast_in_dim3A_2503] : memref<1024x16xf32, #tpu.memory_space<vmem>>[vector<16xi32>, vector<16xi32>], vector<16xf32>,
        %add3A_2505 = arith.constant 104 : i32
        %add3A_2506 = vector.broadcast %add3A_2505 : i32 to vector<16xi32>
        %add3A_2507 = arith.addi %mul3A_2049, %add3A_2506 : vector<16xi32>
        tpu.vector_store_idx %arg16[%add3A_2507], %gather3A_2504 : memref<19584xf32, #tpu.memory_space<vmem>>[vector<16xi32>], vector<16xf32>,
        %broadcast_in_dim3A_2508 = arith.constant 9 : i32
        %broadcast_in_dim3A_2509 = vector.broadcast %broadcast_in_dim3A_2508 : i32 to vector<16xi32>
        %gather3A_2510 = tpu.vector_load_idx %arg11[%get3A_2453, %broadcast_in_dim3A_2509] : memref<1024x16xf32, #tpu.memory_space<vmem>>[vector<16xi32>, vector<16xi32>], vector<16xf32>,
        %add3A_2511 = arith.constant 105 : i32
        %add3A_2512 = vector.broadcast %add3A_2511 : i32 to vector<16xi32>
        %add3A_2513 = arith.addi %mul3A_2049, %add3A_2512 : vector<16xi32>
        tpu.vector_store_idx %arg16[%add3A_2513], %gather3A_2510 : memref<19584xf32, #tpu.memory_space<vmem>>[vector<16xi32>], vector<16xf32>,
        %broadcast_in_dim3A_2514 = arith.constant 10 : i32
        %broadcast_in_dim3A_2515 = vector.broadcast %broadcast_in_dim3A_2514 : i32 to vector<16xi32>
        %gather3A_2516 = tpu.vector_load_idx %arg11[%get3A_2453, %broadcast_in_dim3A_2515] : memref<1024x16xf32, #tpu.memory_space<vmem>>[vector<16xi32>, vector<16xi32>], vector<16xf32>,
        %add3A_2517 = arith.constant 106 : i32
        %add3A_2518 = vector.broadcast %add3A_2517 : i32 to vector<16xi32>
        %add3A_2519 = arith.addi %mul3A_2049, %add3A_2518 : vector<16xi32>
        tpu.vector_store_idx %arg16[%add3A_2519], %gather3A_2516 : memref<19584xf32, #tpu.memory_space<vmem>>[vector<16xi32>], vector<16xf32>,
        %broadcast_in_dim3A_2520 = arith.constant 11 : i32
        %broadcast_in_dim3A_2521 = vector.broadcast %broadcast_in_dim3A_2520 : i32 to vector<16xi32>
        %gather3A_2522 = tpu.vector_load_idx %arg11[%get3A_2453, %broadcast_in_dim3A_2521] : memref<1024x16xf32, #tpu.memory_space<vmem>>[vector<16xi32>, vector<16xi32>], vector<16xf32>,
        %add3A_2523 = arith.constant 107 : i32
        %add3A_2524 = vector.broadcast %add3A_2523 : i32 to vector<16xi32>
        %add3A_2525 = arith.addi %mul3A_2049, %add3A_2524 : vector<16xi32>
        tpu.vector_store_idx %arg16[%add3A_2525], %gather3A_2522 : memref<19584xf32, #tpu.memory_space<vmem>>[vector<16xi32>], vector<16xf32>,
        %broadcast_in_dim3A_2526 = arith.constant 12 : i32
        %broadcast_in_dim3A_2527 = vector.broadcast %broadcast_in_dim3A_2526 : i32 to vector<16xi32>
        %gather3A_2528 = tpu.vector_load_idx %arg11[%get3A_2453, %broadcast_in_dim3A_2527] : memref<1024x16xf32, #tpu.memory_space<vmem>>[vector<16xi32>, vector<16xi32>], vector<16xf32>,
        %add3A_2529 = arith.constant 108 : i32
        %add3A_2530 = vector.broadcast %add3A_2529 : i32 to vector<16xi32>
        %add3A_2531 = arith.addi %mul3A_2049, %add3A_2530 : vector<16xi32>
        tpu.vector_store_idx %arg16[%add3A_2531], %gather3A_2528 : memref<19584xf32, #tpu.memory_space<vmem>>[vector<16xi32>], vector<16xf32>,
        %broadcast_in_dim3A_2532 = arith.constant 13 : i32
        %broadcast_in_dim3A_2533 = vector.broadcast %broadcast_in_dim3A_2532 : i32 to vector<16xi32>
        %gather3A_2534 = tpu.vector_load_idx %arg11[%get3A_2453, %broadcast_in_dim3A_2533] : memref<1024x16xf32, #tpu.memory_space<vmem>>[vector<16xi32>, vector<16xi32>], vector<16xf32>,
        %add3A_2535 = arith.constant 109 : i32
        %add3A_2536 = vector.broadcast %add3A_2535 : i32 to vector<16xi32>
        %add3A_2537 = arith.addi %mul3A_2049, %add3A_2536 : vector<16xi32>
        tpu.vector_store_idx %arg16[%add3A_2537], %gather3A_2534 : memref<19584xf32, #tpu.memory_space<vmem>>[vector<16xi32>], vector<16xf32>,
        %broadcast_in_dim3A_2538 = arith.constant 14 : i32
        %broadcast_in_dim3A_2539 = vector.broadcast %broadcast_in_dim3A_2538 : i32 to vector<16xi32>
        %gather3A_2540 = tpu.vector_load_idx %arg11[%get3A_2453, %broadcast_in_dim3A_2539] : memref<1024x16xf32, #tpu.memory_space<vmem>>[vector<16xi32>, vector<16xi32>], vector<16xf32>,
        %add3A_2541 = arith.constant 110 : i32
        %add3A_2542 = vector.broadcast %add3A_2541 : i32 to vector<16xi32>
        %add3A_2543 = arith.addi %mul3A_2049, %add3A_2542 : vector<16xi32>
        tpu.vector_store_idx %arg16[%add3A_2543], %gather3A_2540 : memref<19584xf32, #tpu.memory_space<vmem>>[vector<16xi32>], vector<16xf32>,
        %broadcast_in_dim3A_2544 = arith.constant 15 : i32
        %broadcast_in_dim3A_2545 = vector.broadcast %broadcast_in_dim3A_2544 : i32 to vector<16xi32>
        %gather3A_2546 = tpu.vector_load_idx %arg11[%get3A_2453, %broadcast_in_dim3A_2545] : memref<1024x16xf32, #tpu.memory_space<vmem>>[vector<16xi32>, vector<16xi32>], vector<16xf32>,
        %add3A_2547 = arith.constant 111 : i32
        %add3A_2548 = vector.broadcast %add3A_2547 : i32 to vector<16xi32>
        %add3A_2549 = arith.addi %mul3A_2049, %add3A_2548 : vector<16xi32>
        tpu.vector_store_idx %arg16[%add3A_2549], %gather3A_2546 : memref<19584xf32, #tpu.memory_space<vmem>>[vector<16xi32>], vector<16xf32>,
        %mul3A_2550 = arith.constant 16 : i32
        %mul3A_2551 = arith.muli %scan3A_2042, %mul3A_2550 : i32
        %get3A_2552 = arith.index_cast %mul3A_2551 : i32 to index
        %get3A_2553 = tpu.vector_load %arg23[%get3A_2552] {strides = array<i32>} : memref<128xi32, #tpu.memory_space<vmem>>, vector<16xi32>,
        %broadcast_in_dim3A_2554 = arith.constant 0 : i32
        %broadcast_in_dim3A_2555 = vector.broadcast %broadcast_in_dim3A_2554 : i32 to vector<16xi32>
        %gather3A_2556 = tpu.vector_load_idx %arg11[%get3A_2553, %broadcast_in_dim3A_2555] : memref<1024x16xf32, #tpu.memory_space<vmem>>[vector<16xi32>, vector<16xi32>], vector<16xf32>,
        %add3A_2557 = arith.constant 112 : i32
        %add3A_2558 = vector.broadcast %add3A_2557 : i32 to vector<16xi32>
        %add3A_2559 = arith.addi %mul3A_2049, %add3A_2558 : vector<16xi32>
        tpu.vector_store_idx %arg16[%add3A_2559], %gather3A_2556 : memref<19584xf32, #tpu.memory_space<vmem>>[vector<16xi32>], vector<16xf32>,
        %broadcast_in_dim3A_2560 = arith.constant 1 : i32
        %broadcast_in_dim3A_2561 = vector.broadcast %broadcast_in_dim3A_2560 : i32 to vector<16xi32>
        %gather3A_2562 = tpu.vector_load_idx %arg11[%get3A_2553, %broadcast_in_dim3A_2561] : memref<1024x16xf32, #tpu.memory_space<vmem>>[vector<16xi32>, vector<16xi32>], vector<16xf32>,
        %add3A_2563 = arith.constant 113 : i32
        %add3A_2564 = vector.broadcast %add3A_2563 : i32 to vector<16xi32>
        %add3A_2565 = arith.addi %mul3A_2049, %add3A_2564 : vector<16xi32>
        tpu.vector_store_idx %arg16[%add3A_2565], %gather3A_2562 : memref<19584xf32, #tpu.memory_space<vmem>>[vector<16xi32>], vector<16xf32>,
        %broadcast_in_dim3A_2566 = arith.constant 2 : i32
        %broadcast_in_dim3A_2567 = vector.broadcast %broadcast_in_dim3A_2566 : i32 to vector<16xi32>
        %gather3A_2568 = tpu.vector_load_idx %arg11[%get3A_2553, %broadcast_in_dim3A_2567] : memref<1024x16xf32, #tpu.memory_space<vmem>>[vector<16xi32>, vector<16xi32>], vector<16xf32>,
        %add3A_2569 = arith.constant 114 : i32
        %add3A_2570 = vector.broadcast %add3A_2569 : i32 to vector<16xi32>
        %add3A_2571 = arith.addi %mul3A_2049, %add3A_2570 : vector<16xi32>
        tpu.vector_store_idx %arg16[%add3A_2571], %gather3A_2568 : memref<19584xf32, #tpu.memory_space<vmem>>[vector<16xi32>], vector<16xf32>,
        %broadcast_in_dim3A_2572 = arith.constant 3 : i32
        %broadcast_in_dim3A_2573 = vector.broadcast %broadcast_in_dim3A_2572 : i32 to vector<16xi32>
        %gather3A_2574 = tpu.vector_load_idx %arg11[%get3A_2553, %broadcast_in_dim3A_2573] : memref<1024x16xf32, #tpu.memory_space<vmem>>[vector<16xi32>, vector<16xi32>], vector<16xf32>,
        %add3A_2575 = arith.constant 115 : i32
        %add3A_2576 = vector.broadcast %add3A_2575 : i32 to vector<16xi32>
        %add3A_2577 = arith.addi %mul3A_2049, %add3A_2576 : vector<16xi32>
        tpu.vector_store_idx %arg16[%add3A_2577], %gather3A_2574 : memref<19584xf32, #tpu.memory_space<vmem>>[vector<16xi32>], vector<16xf32>,
        %broadcast_in_dim3A_2578 = arith.constant 4 : i32
        %broadcast_in_dim3A_2579 = vector.broadcast %broadcast_in_dim3A_2578 : i32 to vector<16xi32>
        %gather3A_2580 = tpu.vector_load_idx %arg11[%get3A_2553, %broadcast_in_dim3A_2579] : memref<1024x16xf32, #tpu.memory_space<vmem>>[vector<16xi32>, vector<16xi32>], vector<16xf32>,
        %add3A_2581 = arith.constant 116 : i32
        %add3A_2582 = vector.broadcast %add3A_2581 : i32 to vector<16xi32>
        %add3A_2583 = arith.addi %mul3A_2049, %add3A_2582 : vector<16xi32>
        tpu.vector_store_idx %arg16[%add3A_2583], %gather3A_2580 : memref<19584xf32, #tpu.memory_space<vmem>>[vector<16xi32>], vector<16xf32>,
        %broadcast_in_dim3A_2584 = arith.constant 5 : i32
        %broadcast_in_dim3A_2585 = vector.broadcast %broadcast_in_dim3A_2584 : i32 to vector<16xi32>
        %gather3A_2586 = tpu.vector_load_idx %arg11[%get3A_2553, %broadcast_in_dim3A_2585] : memref<1024x16xf32, #tpu.memory_space<vmem>>[vector<16xi32>, vector<16xi32>], vector<16xf32>,
        %add3A_2587 = arith.constant 117 : i32
        %add3A_2588 = vector.broadcast %add3A_2587 : i32 to vector<16xi32>
        %add3A_2589 = arith.addi %mul3A_2049, %add3A_2588 : vector<16xi32>
        tpu.vector_store_idx %arg16[%add3A_2589], %gather3A_2586 : memref<19584xf32, #tpu.memory_space<vmem>>[vector<16xi32>], vector<16xf32>,
        %broadcast_in_dim3A_2590 = arith.constant 6 : i32
        %broadcast_in_dim3A_2591 = vector.broadcast %broadcast_in_dim3A_2590 : i32 to vector<16xi32>
        %gather3A_2592 = tpu.vector_load_idx %arg11[%get3A_2553, %broadcast_in_dim3A_2591] : memref<1024x16xf32, #tpu.memory_space<vmem>>[vector<16xi32>, vector<16xi32>], vector<16xf32>,
        %add3A_2593 = arith.constant 118 : i32
        %add3A_2594 = vector.broadcast %add3A_2593 : i32 to vector<16xi32>
        %add3A_2595 = arith.addi %mul3A_2049, %add3A_2594 : vector<16xi32>
        tpu.vector_store_idx %arg16[%add3A_2595], %gather3A_2592 : memref<19584xf32, #tpu.memory_space<vmem>>[vector<16xi32>], vector<16xf32>,
        %broadcast_in_dim3A_2596 = arith.constant 7 : i32
        %broadcast_in_dim3A_2597 = vector.broadcast %broadcast_in_dim3A_2596 : i32 to vector<16xi32>
        %gather3A_2598 = tpu.vector_load_idx %arg11[%get3A_2553, %broadcast_in_dim3A_2597] : memref<1024x16xf32, #tpu.memory_space<vmem>>[vector<16xi32>, vector<16xi32>], vector<16xf32>,
        %add3A_2599 = arith.constant 119 : i32
        %add3A_2600 = vector.broadcast %add3A_2599 : i32 to vector<16xi32>
        %add3A_2601 = arith.addi %mul3A_2049, %add3A_2600 : vector<16xi32>
        tpu.vector_store_idx %arg16[%add3A_2601], %gather3A_2598 : memref<19584xf32, #tpu.memory_space<vmem>>[vector<16xi32>], vector<16xf32>,
        %broadcast_in_dim3A_2602 = arith.constant 8 : i32
        %broadcast_in_dim3A_2603 = vector.broadcast %broadcast_in_dim3A_2602 : i32 to vector<16xi32>
        %gather3A_2604 = tpu.vector_load_idx %arg11[%get3A_2553, %broadcast_in_dim3A_2603] : memref<1024x16xf32, #tpu.memory_space<vmem>>[vector<16xi32>, vector<16xi32>], vector<16xf32>,
        %add3A_2605 = arith.constant 120 : i32
        %add3A_2606 = vector.broadcast %add3A_2605 : i32 to vector<16xi32>
        %add3A_2607 = arith.addi %mul3A_2049, %add3A_2606 : vector<16xi32>
        tpu.vector_store_idx %arg16[%add3A_2607], %gather3A_2604 : memref<19584xf32, #tpu.memory_space<vmem>>[vector<16xi32>], vector<16xf32>,
        %broadcast_in_dim3A_2608 = arith.constant 9 : i32
        %broadcast_in_dim3A_2609 = vector.broadcast %broadcast_in_dim3A_2608 : i32 to vector<16xi32>
        %gather3A_2610 = tpu.vector_load_idx %arg11[%get3A_2553, %broadcast_in_dim3A_2609] : memref<1024x16xf32, #tpu.memory_space<vmem>>[vector<16xi32>, vector<16xi32>], vector<16xf32>,
        %add3A_2611 = arith.constant 121 : i32
        %add3A_2612 = vector.broadcast %add3A_2611 : i32 to vector<16xi32>
        %add3A_2613 = arith.addi %mul3A_2049, %add3A_2612 : vector<16xi32>
        tpu.vector_store_idx %arg16[%add3A_2613], %gather3A_2610 : memref<19584xf32, #tpu.memory_space<vmem>>[vector<16xi32>], vector<16xf32>,
        %broadcast_in_dim3A_2614 = arith.constant 10 : i32
        %broadcast_in_dim3A_2615 = vector.broadcast %broadcast_in_dim3A_2614 : i32 to vector<16xi32>
        %gather3A_2616 = tpu.vector_load_idx %arg11[%get3A_2553, %broadcast_in_dim3A_2615] : memref<1024x16xf32, #tpu.memory_space<vmem>>[vector<16xi32>, vector<16xi32>], vector<16xf32>,
        %add3A_2617 = arith.constant 122 : i32
        %add3A_2618 = vector.broadcast %add3A_2617 : i32 to vector<16xi32>
        %add3A_2619 = arith.addi %mul3A_2049, %add3A_2618 : vector<16xi32>
        tpu.vector_store_idx %arg16[%add3A_2619], %gather3A_2616 : memref<19584xf32, #tpu.memory_space<vmem>>[vector<16xi32>], vector<16xf32>,
        %broadcast_in_dim3A_2620 = arith.constant 11 : i32
        %broadcast_in_dim3A_2621 = vector.broadcast %broadcast_in_dim3A_2620 : i32 to vector<16xi32>
        %gather3A_2622 = tpu.vector_load_idx %arg11[%get3A_2553, %broadcast_in_dim3A_2621] : memref<1024x16xf32, #tpu.memory_space<vmem>>[vector<16xi32>, vector<16xi32>], vector<16xf32>,
        %add3A_2623 = arith.constant 123 : i32
        %add3A_2624 = vector.broadcast %add3A_2623 : i32 to vector<16xi32>
        %add3A_2625 = arith.addi %mul3A_2049, %add3A_2624 : vector<16xi32>
        tpu.vector_store_idx %arg16[%add3A_2625], %gather3A_2622 : memref<19584xf32, #tpu.memory_space<vmem>>[vector<16xi32>], vector<16xf32>,
        %broadcast_in_dim3A_2626 = arith.constant 12 : i32
        %broadcast_in_dim3A_2627 = vector.broadcast %broadcast_in_dim3A_2626 : i32 to vector<16xi32>
        %gather3A_2628 = tpu.vector_load_idx %arg11[%get3A_2553, %broadcast_in_dim3A_2627] : memref<1024x16xf32, #tpu.memory_space<vmem>>[vector<16xi32>, vector<16xi32>], vector<16xf32>,
        %add3A_2629 = arith.constant 124 : i32
        %add3A_2630 = vector.broadcast %add3A_2629 : i32 to vector<16xi32>
        %add3A_2631 = arith.addi %mul3A_2049, %add3A_2630 : vector<16xi32>
        tpu.vector_store_idx %arg16[%add3A_2631], %gather3A_2628 : memref<19584xf32, #tpu.memory_space<vmem>>[vector<16xi32>], vector<16xf32>,
        %broadcast_in_dim3A_2632 = arith.constant 13 : i32
        %broadcast_in_dim3A_2633 = vector.broadcast %broadcast_in_dim3A_2632 : i32 to vector<16xi32>
        %gather3A_2634 = tpu.vector_load_idx %arg11[%get3A_2553, %broadcast_in_dim3A_2633] : memref<1024x16xf32, #tpu.memory_space<vmem>>[vector<16xi32>, vector<16xi32>], vector<16xf32>,
        %add3A_2635 = arith.constant 125 : i32
        %add3A_2636 = vector.broadcast %add3A_2635 : i32 to vector<16xi32>
        %add3A_2637 = arith.addi %mul3A_2049, %add3A_2636 : vector<16xi32>
        tpu.vector_store_idx %arg16[%add3A_2637], %gather3A_2634 : memref<19584xf32, #tpu.memory_space<vmem>>[vector<16xi32>], vector<16xf32>,
        %broadcast_in_dim3A_2638 = arith.constant 14 : i32
        %broadcast_in_dim3A_2639 = vector.broadcast %broadcast_in_dim3A_2638 : i32 to vector<16xi32>
        %gather3A_2640 = tpu.vector_load_idx %arg11[%get3A_2553, %broadcast_in_dim3A_2639] : memref<1024x16xf32, #tpu.memory_space<vmem>>[vector<16xi32>, vector<16xi32>], vector<16xf32>,
        %add3A_2641 = arith.constant 126 : i32
        %add3A_2642 = vector.broadcast %add3A_2641 : i32 to vector<16xi32>
        %add3A_2643 = arith.addi %mul3A_2049, %add3A_2642 : vector<16xi32>
        tpu.vector_store_idx %arg16[%add3A_2643], %gather3A_2640 : memref<19584xf32, #tpu.memory_space<vmem>>[vector<16xi32>], vector<16xf32>,
        %broadcast_in_dim3A_2644 = arith.constant 15 : i32
        %broadcast_in_dim3A_2645 = vector.broadcast %broadcast_in_dim3A_2644 : i32 to vector<16xi32>
        %gather3A_2646 = tpu.vector_load_idx %arg11[%get3A_2553, %broadcast_in_dim3A_2645] : memref<1024x16xf32, #tpu.memory_space<vmem>>[vector<16xi32>, vector<16xi32>], vector<16xf32>,
        %add3A_2647 = arith.constant 127 : i32
        %add3A_2648 = vector.broadcast %add3A_2647 : i32 to vector<16xi32>
        %add3A_2649 = arith.addi %mul3A_2049, %add3A_2648 : vector<16xi32>
        tpu.vector_store_idx %arg16[%add3A_2649], %gather3A_2646 : memref<19584xf32, #tpu.memory_space<vmem>>[vector<16xi32>], vector<16xf32>,
      }
      %scan3A_2028 = arith.constant 8 : i32
      %dma_wait3A_2029 = arith.constant 0 : i32
      %dma_wait3A_2030 = arith.constant 0 : i32
      %dma_wait3A_2031 = tpu.memref_slice %arg25[%dma_wait3A_2029, %dma_wait3A_2030] : memref<2048x32xf32, #tpu.memory_space<vmem_shared>> -> memref<2048x32xf32, #tpu.memory_space<vmem_shared>>
      tpu.wait_indirect_dma semaphore(%arg30 : memref<!tpu.dma_semaphore, #tpu.memory_space<semaphore_mem>>) src(%dma_wait3A_2031 : memref<2048x32xf32, #tpu.memory_space<vmem_shared>>) dst(%arg14 : memref<128x32xf32, #tpu.memory_space<vmem>>)
      %scan3A_2032 = arith.constant 0 : i32
      %scan3A_2033 = arith.constant 0 : i32
      %scan3A_2034 = arith.constant 128 : i32
      %scan3A_2035 = arith.addi %scan3A_2033, %scan3A_2034 : i32
      %scan3A_2036 = arith.constant 4 : i32
      scf.for %scan3A_2042 = %scan3A_2033 to %scan3A_2035 step %scan3A_2036  : i32 {
        %mul3A_2043 = arith.constant 153 : i32
        %mul3A_2044 = arith.muli %scan3A_2042, %mul3A_2043 : i32
        %mul3A_2045 = arith.constant 32 : i32
        %mul3A_2046 = arith.muli %scan3A_2042, %mul3A_2045 : i32
        %get3A_2047 = arith.index_cast %scan3A_2042 : i32 to index
        %get3A_2048 = arith.constant 0 : index
        %get3A_2049 = tpu.vector_load %arg14[%get3A_2047, %get3A_2048] {strides = array<i32>} : memref<128x32xf32, #tpu.memory_space<vmem>>, vector<16xf32>,
        %swap3A_2050 = arith.index_cast %mul3A_2044 : i32 to index
        %swap3A_2051 = tpu.vector_load %arg16[%swap3A_2050] {strides = array<i32>} : memref<19584xf32, #tpu.memory_space<vmem>>, vector<16xf32>,
        tpu.vector_store %arg16[%swap3A_2050], %get3A_2049 {strides = array<i32>} : memref<19584xf32, #tpu.memory_space<vmem>>, vector<16xf32>,
        %get3A_2052 = arith.index_cast %scan3A_2042 : i32 to index
        %get3A_2053 = arith.constant 16 : index
        %get3A_2054 = tpu.vector_load %arg14[%get3A_2052, %get3A_2053] {strides = array<i32>} : memref<128x32xf32, #tpu.memory_space<vmem>>, vector<16xf32>,
        %add3A_2055 = arith.constant 16 : i32
        %add3A_2056 = arith.addi %mul3A_2044, %add3A_2055 : i32
        %swap3A_2057 = arith.index_cast %add3A_2056 : i32 to index
        %swap3A_2058 = tpu.vector_load %arg16[%swap3A_2057] {strides = array<i32>} : memref<19584xf32, #tpu.memory_space<vmem>>, vector<16xf32>,
        tpu.vector_store %arg16[%swap3A_2057], %get3A_2054 {strides = array<i32>} : memref<19584xf32, #tpu.memory_space<vmem>>, vector<16xf32>,
        %add3A_2059 = arith.constant 7 : i32
        %add3A_2060 = arith.addi %mul3A_2046, %add3A_2059 : i32
        %get3A_2061 = arith.index_cast %add3A_2060 : i32 to index
        %get3A_2062 = tpu.vector_load %arg13[%get3A_2061] {strides = array<i32>} : memref<4096xf32, #tpu.memory_space<vmem>>, vector<16xf32>,
        %add3A_2063 = arith.addf %get3A_2062, %get3A_15 : vector<16xf32>
        %add3A_2064 = arith.constant 128 : i32
        %add3A_2065 = arith.addi %mul3A_2044, %add3A_2064 : i32
        %swap3A_2066 = arith.index_cast %add3A_2065 : i32 to index
        %swap3A_2067 = tpu.vector_load %arg16[%swap3A_2066] {strides = array<i32>} : memref<19584xf32, #tpu.memory_space<vmem>>, vector<16xf32>,
        tpu.vector_store %arg16[%swap3A_2066], %add3A_2063 {strides = array<i32>} : memref<19584xf32, #tpu.memory_space<vmem>>, vector<16xf32>,
        %add3A_2068 = arith.constant 16 : i32
        %add3A_2069 = arith.addi %mul3A_2046, %add3A_2068 : i32
        %get3A_2070 = arith.index_cast %add3A_2069 : i32 to index
        %get3A_2071 = tpu.vector_load %arg13[%get3A_2070] {strides = array<i32>} : memref<4096xf32, #tpu.memory_space<vmem>>, vector<16xf32>,
        %add3A_2072 = arith.addf %get3A_2071, %get3A_15 : vector<16xf32>
        %add3A_2073 = arith.constant 137 : i32
        %add3A_2074 = arith.addi %mul3A_2044, %add3A_2073 : i32
        %swap3A_2075 = arith.index_cast %add3A_2074 : i32 to index
        %swap3A_2076 = tpu.vector_load %arg16[%swap3A_2075] {strides = array<i32>} : memref<19584xf32, #tpu.memory_space<vmem>>, vector<16xf32>,
        tpu.vector_store %arg16[%swap3A_2075], %add3A_2072 {strides = array<i32>} : memref<19584xf32, #tpu.memory_space<vmem>>, vector<16xf32>,
        %scan3A_2077 = arith.constant 1 : i32
        %scan3A_2078 = arith.addi %scan3A_2042, %scan3A_2077 : i32
        %mul3A_2079 = arith.constant 153 : i32
        %mul3A_2080 = arith.muli %scan3A_2078, %mul3A_2079 : i32
        %mul3A_2081 = arith.constant 32 : i32
        %mul3A_2082 = arith.muli %scan3A_2078, %mul3A_2081 : i32
        %get3A_2083 = arith.index_cast %scan3A_2078 : i32 to index
        %get3A_2084 = arith.constant 0 : index
        %get3A_2085 = tpu.vector_load %arg14[%get3A_2083, %get3A_2084] {strides = array<i32>} : memref<128x32xf32, #tpu.memory_space<vmem>>, vector<16xf32>,
        %swap3A_2086 = arith.index_cast %mul3A_2080 : i32 to index
        %swap3A_2087 = tpu.vector_load %arg16[%swap3A_2086] {strides = array<i32>} : memref<19584xf32, #tpu.memory_space<vmem>>, vector<16xf32>,
        tpu.vector_store %arg16[%swap3A_2086], %get3A_2085 {strides = array<i32>} : memref<19584xf32, #tpu.memory_space<vmem>>, vector<16xf32>,
        %get3A_2088 = arith.index_cast %scan3A_2078 : i32 to index
        %get3A_2089 = arith.constant 16 : index
        %get3A_2090 = tpu.vector_load %arg14[%get3A_2088, %get3A_2089] {strides = array<i32>} : memref<128x32xf32, #tpu.memory_space<vmem>>, vector<16xf32>,
        %add3A_2091 = arith.constant 16 : i32
        %add3A_2092 = arith.addi %mul3A_2080, %add3A_2091 : i32
        %swap3A_2093 = arith.index_cast %add3A_2092 : i32 to index
        %swap3A_2094 = tpu.vector_load %arg16[%swap3A_2093] {strides = array<i32>} : memref<19584xf32, #tpu.memory_space<vmem>>, vector<16xf32>,
        tpu.vector_store %arg16[%swap3A_2093], %get3A_2090 {strides = array<i32>} : memref<19584xf32, #tpu.memory_space<vmem>>, vector<16xf32>,
        %add3A_2095 = arith.constant 7 : i32
        %add3A_2096 = arith.addi %mul3A_2082, %add3A_2095 : i32
        %get3A_2097 = arith.index_cast %add3A_2096 : i32 to index
        %get3A_2098 = tpu.vector_load %arg13[%get3A_2097] {strides = array<i32>} : memref<4096xf32, #tpu.memory_space<vmem>>, vector<16xf32>,
        %add3A_2099 = arith.addf %get3A_2098, %get3A_15 : vector<16xf32>
        %add3A_2100 = arith.constant 128 : i32
        %add3A_2101 = arith.addi %mul3A_2080, %add3A_2100 : i32
        %swap3A_2102 = arith.index_cast %add3A_2101 : i32 to index
        %swap3A_2103 = tpu.vector_load %arg16[%swap3A_2102] {strides = array<i32>} : memref<19584xf32, #tpu.memory_space<vmem>>, vector<16xf32>,
        tpu.vector_store %arg16[%swap3A_2102], %add3A_2099 {strides = array<i32>} : memref<19584xf32, #tpu.memory_space<vmem>>, vector<16xf32>,
        %add3A_2104 = arith.constant 16 : i32
        %add3A_2105 = arith.addi %mul3A_2082, %add3A_2104 : i32
        %get3A_2106 = arith.index_cast %add3A_2105 : i32 to index
        %get3A_2107 = tpu.vector_load %arg13[%get3A_2106] {strides = array<i32>} : memref<4096xf32, #tpu.memory_space<vmem>>, vector<16xf32>,
        %add3A_2108 = arith.addf %get3A_2107, %get3A_15 : vector<16xf32>
        %add3A_2109 = arith.constant 137 : i32
        %add3A_2110 = arith.addi %mul3A_2080, %add3A_2109 : i32
        %swap3A_2111 = arith.index_cast %add3A_2110 : i32 to index
        %swap3A_2112 = tpu.vector_load %arg16[%swap3A_2111] {strides = array<i32>} : memref<19584xf32, #tpu.memory_space<vmem>>, vector<16xf32>,
        tpu.vector_store %arg16[%swap3A_2111], %add3A_2108 {strides = array<i32>} : memref<19584xf32, #tpu.memory_space<vmem>>, vector<16xf32>,
        %scan3A_2113 = arith.constant 2 : i32
        %scan3A_2114 = arith.addi %scan3A_2042, %scan3A_2113 : i32
        %mul3A_2115 = arith.constant 153 : i32
        %mul3A_2116 = arith.muli %scan3A_2114, %mul3A_2115 : i32
        %mul3A_2117 = arith.constant 32 : i32
        %mul3A_2118 = arith.muli %scan3A_2114, %mul3A_2117 : i32
        %get3A_2119 = arith.index_cast %scan3A_2114 : i32 to index
        %get3A_2120 = arith.constant 0 : index
        %get3A_2121 = tpu.vector_load %arg14[%get3A_2119, %get3A_2120] {strides = array<i32>} : memref<128x32xf32, #tpu.memory_space<vmem>>, vector<16xf32>,
        %swap3A_2122 = arith.index_cast %mul3A_2116 : i32 to index
        %swap3A_2123 = tpu.vector_load %arg16[%swap3A_2122] {strides = array<i32>} : memref<19584xf32, #tpu.memory_space<vmem>>, vector<16xf32>,
        tpu.vector_store %arg16[%swap3A_2122], %get3A_2121 {strides = array<i32>} : memref<19584xf32, #tpu.memory_space<vmem>>, vector<16xf32>,
        %get3A_2124 = arith.index_cast %scan3A_2114 : i32 to index
        %get3A_2125 = arith.constant 16 : index
        %get3A_2126 = tpu.vector_load %arg14[%get3A_2124, %get3A_2125] {strides = array<i32>} : memref<128x32xf32, #tpu.memory_space<vmem>>, vector<16xf32>,
        %add3A_2127 = arith.constant 16 : i32
        %add3A_2128 = arith.addi %mul3A_2116, %add3A_2127 : i32
        %swap3A_2129 = arith.index_cast %add3A_2128 : i32 to index
        %swap3A_2130 = tpu.vector_load %arg16[%swap3A_2129] {strides = array<i32>} : memref<19584xf32, #tpu.memory_space<vmem>>, vector<16xf32>,
        tpu.vector_store %arg16[%swap3A_2129], %get3A_2126 {strides = array<i32>} : memref<19584xf32, #tpu.memory_space<vmem>>, vector<16xf32>,
        %add3A_2131 = arith.constant 7 : i32
        %add3A_2132 = arith.addi %mul3A_2118, %add3A_2131 : i32
        %get3A_2133 = arith.index_cast %add3A_2132 : i32 to index
        %get3A_2134 = tpu.vector_load %arg13[%get3A_2133] {strides = array<i32>} : memref<4096xf32, #tpu.memory_space<vmem>>, vector<16xf32>,
        %add3A_2135 = arith.addf %get3A_2134, %get3A_15 : vector<16xf32>
        %add3A_2136 = arith.constant 128 : i32
        %add3A_2137 = arith.addi %mul3A_2116, %add3A_2136 : i32
        %swap3A_2138 = arith.index_cast %add3A_2137 : i32 to index
        %swap3A_2139 = tpu.vector_load %arg16[%swap3A_2138] {strides = array<i32>} : memref<19584xf32, #tpu.memory_space<vmem>>, vector<16xf32>,
        tpu.vector_store %arg16[%swap3A_2138], %add3A_2135 {strides = array<i32>} : memref<19584xf32, #tpu.memory_space<vmem>>, vector<16xf32>,
        %add3A_2140 = arith.constant 16 : i32
        %add3A_2141 = arith.addi %mul3A_2118, %add3A_2140 : i32
        %get3A_2142 = arith.index_cast %add3A_2141 : i32 to index
        %get3A_2143 = tpu.vector_load %arg13[%get3A_2142] {strides = array<i32>} : memref<4096xf32, #tpu.memory_space<vmem>>, vector<16xf32>,
        %add3A_2144 = arith.addf %get3A_2143, %get3A_15 : vector<16xf32>
        %add3A_2145 = arith.constant 137 : i32
        %add3A_2146 = arith.addi %mul3A_2116, %add3A_2145 : i32
        %swap3A_2147 = arith.index_cast %add3A_2146 : i32 to index
        %swap3A_2148 = tpu.vector_load %arg16[%swap3A_2147] {strides = array<i32>} : memref<19584xf32, #tpu.memory_space<vmem>>, vector<16xf32>,
        tpu.vector_store %arg16[%swap3A_2147], %add3A_2144 {strides = array<i32>} : memref<19584xf32, #tpu.memory_space<vmem>>, vector<16xf32>,
        %scan3A_2149 = arith.constant 3 : i32
        %scan3A_2150 = arith.addi %scan3A_2042, %scan3A_2149 : i32
        %mul3A_2151 = arith.constant 153 : i32
        %mul3A_2152 = arith.muli %scan3A_2150, %mul3A_2151 : i32
        %mul3A_2153 = arith.constant 32 : i32
        %mul3A_2154 = arith.muli %scan3A_2150, %mul3A_2153 : i32
        %get3A_2155 = arith.index_cast %scan3A_2150 : i32 to index
        %get3A_2156 = arith.constant 0 : index
        %get3A_2157 = tpu.vector_load %arg14[%get3A_2155, %get3A_2156] {strides = array<i32>} : memref<128x32xf32, #tpu.memory_space<vmem>>, vector<16xf32>,
        %swap3A_2158 = arith.index_cast %mul3A_2152 : i32 to index
        %swap3A_2159 = tpu.vector_load %arg16[%swap3A_2158] {strides = array<i32>} : memref<19584xf32, #tpu.memory_space<vmem>>, vector<16xf32>,
        tpu.vector_store %arg16[%swap3A_2158], %get3A_2157 {strides = array<i32>} : memref<19584xf32, #tpu.memory_space<vmem>>, vector<16xf32>,
        %get3A_2160 = arith.index_cast %scan3A_2150 : i32 to index
        %get3A_2161 = arith.constant 16 : index
        %get3A_2162 = tpu.vector_load %arg14[%get3A_2160, %get3A_2161] {strides = array<i32>} : memref<128x32xf32, #tpu.memory_space<vmem>>, vector<16xf32>,
        %add3A_2163 = arith.constant 16 : i32
        %add3A_2164 = arith.addi %mul3A_2152, %add3A_2163 : i32
        %swap3A_2165 = arith.index_cast %add3A_2164 : i32 to index
        %swap3A_2166 = tpu.vector_load %arg16[%swap3A_2165] {strides = array<i32>} : memref<19584xf32, #tpu.memory_space<vmem>>, vector<16xf32>,
        tpu.vector_store %arg16[%swap3A_2165], %get3A_2162 {strides = array<i32>} : memref<19584xf32, #tpu.memory_space<vmem>>, vector<16xf32>,
        %add3A_2167 = arith.constant 7 : i32
        %add3A_2168 = arith.addi %mul3A_2154, %add3A_2167 : i32
        %get3A_2169 = arith.index_cast %add3A_2168 : i32 to index
        %get3A_2170 = tpu.vector_load %arg13[%get3A_2169] {strides = array<i32>} : memref<4096xf32, #tpu.memory_space<vmem>>, vector<16xf32>,
        %add3A_2171 = arith.addf %get3A_2170, %get3A_15 : vector<16xf32>
        %add3A_2172 = arith.constant 128 : i32
        %add3A_2173 = arith.addi %mul3A_2152, %add3A_2172 : i32
        %swap3A_2174 = arith.index_cast %add3A_2173 : i32 to index
        %swap3A_2175 = tpu.vector_load %arg16[%swap3A_2174] {strides = array<i32>} : memref<19584xf32, #tpu.memory_space<vmem>>, vector<16xf32>,
        tpu.vector_store %arg16[%swap3A_2174], %add3A_2171 {strides = array<i32>} : memref<19584xf32, #tpu.memory_space<vmem>>, vector<16xf32>,
        %add3A_2176 = arith.constant 16 : i32
        %add3A_2177 = arith.addi %mul3A_2154, %add3A_2176 : i32
        %get3A_2178 = arith.index_cast %add3A_2177 : i32 to index
        %get3A_2179 = tpu.vector_load %arg13[%get3A_2178] {strides = array<i32>} : memref<4096xf32, #tpu.memory_space<vmem>>, vector<16xf32>,
        %add3A_2180 = arith.addf %get3A_2179, %get3A_15 : vector<16xf32>
        %add3A_2181 = arith.constant 137 : i32
        %add3A_2182 = arith.addi %mul3A_2152, %add3A_2181 : i32
        %swap3A_2183 = arith.index_cast %add3A_2182 : i32 to index
        %swap3A_2184 = tpu.vector_load %arg16[%swap3A_2183] {strides = array<i32>} : memref<19584xf32, #tpu.memory_space<vmem>>, vector<16xf32>,
        tpu.vector_store %arg16[%swap3A_2183], %add3A_2180 {strides = array<i32>} : memref<19584xf32, #tpu.memory_space<vmem>>, vector<16xf32>,
      }
      %scan3A_2037 = arith.constant 128 : i32
      %mul3A_2038 = arith.constant 153 : i32
      %mul3A_2039 = arith.muli %add3A_1041, %mul3A_2038 : i32
      %dma_start3A_2040 = tpu.memref_slice %arg8[%mul3A_2039] : memref<31334400xf32, #tpu.memory_space<hbm>> -> memref<19584xf32, #tpu.memory_space<hbm>>
      %dma_start3A_2041 = tpu.memref_slice %arg8[%mul3A_2039] : memref<31334400xf32, #tpu.memory_space<hbm>> -> memref<19584xf32, #tpu.memory_space<hbm>>
      tpu.enqueue_dma source(%arg16 : memref<19584xf32, #tpu.memory_space<vmem>>) target(%dma_start3A_2041 : memref<19584xf32, #tpu.memory_space<hbm>>) target_semaphore(%arg29 : memref<!tpu.dma_semaphore, #tpu.memory_space<semaphore_mem>>)
    }
    %scan3A_27 = arith.constant 25 : i32
    %add3A_28 = arith.constant 6144 : i32
    %add3A_29 = arith.addi %mul3A_2, %add3A_28 : i32
    %mul3A_30 = arith.constant 153 : i32
    %mul3A_31 = arith.muli %add3A_29, %mul3A_30 : i32
    %dma_wait3A = tpu.memref_slice %arg8[%mul3A_31] : memref<31334400xf32, #tpu.memory_space<hbm>> -> memref<19584xf32, #tpu.memory_space<hbm>>
    %dma_wait3A_32 = tpu.memref_slice %arg8[%mul3A_31] : memref<31334400xf32, #tpu.memory_space<hbm>> -> memref<19584xf32, #tpu.memory_space<hbm>>
    tpu.wait_dma2 semaphore(%arg28 : memref<!tpu.dma_semaphore, #tpu.memory_space<semaphore_mem>>) src(%arg15 : memref<19584xf32, #tpu.memory_space<vmem>>) dst(%dma_wait3A_32 : memref<19584xf32, #tpu.memory_space<hbm>>)
    %add3A_33 = arith.constant 128 : i32
    %add3A_34 = arith.addi %add3A_29, %add3A_33 : i32
    %mul3A_35 = arith.constant 153 : i32
    %mul3A_36 = arith.muli %add3A_34, %mul3A_35 : i32
    %dma_wait3A_37 = tpu.memref_slice %arg8[%mul3A_36] : memref<31334400xf32, #tpu.memory_space<hbm>> -> memref<19584xf32, #tpu.memory_space<hbm>>
    %dma_wait3A_38 = tpu.memref_slice %arg8[%mul3A_36] : memref<31334400xf32, #tpu.memory_space<hbm>> -> memref<19584xf32, #tpu.memory_space<hbm>>
    tpu.wait_dma2 semaphore(%arg29 : memref<!tpu.dma_semaphore, #tpu.memory_space<semaphore_mem>>) src(%arg16 : memref<19584xf32, #tpu.memory_space<vmem>>) dst(%dma_wait3A_38 : memref<19584xf32, #tpu.memory_space<hbm>>)
    return
  }
}

</mosaic_0001>

<sc_bundles>
// kernel: _run.3.cloned.1.call-start
scs
__scs_entry_jumppad:
0x0: {  	(pc) =	sbr.rel $0x88, $3  }
0x1: {  	(tag) =	ssettag $0x0;
	lr =	simm.s32 $0x1  }
0x2: {  	[smem:$0x3F9B] =	sst lr;
	_ =	strace $0xD0000000  }
0x3: {  	_ = 	snop  }
0x4: {  	_ = 	snop  }
0x5: {  	_ = 	snop  }
0x6: {  	_ = 	snop  }
0x7: {  	_ = 	snop  }
__scs_overlays_trampoline_lowered:
0x8: {  	[smem:$0x3FAA] =	sst s0  }
0x9: {  	[smem:$0x3FAB] =	sst s1  }
0xa: {  	[smem:$0x3FAC] =	sst s2  }
0xb: {  	[smem:$0x3FAD] =	sst s3  }
0xc: {  	[smem:$0x3FAE] =	sst s4  }
0xd: {  	[smem:$0x3FAF] =	sst s5  }
0xe: {  	[smem:$0x3FB0] =	sst s6  }
0xf: {  	[smem:$0x3FB1] =	sst s7  }
0x10: {  	[smem:$0x3FB2] =	sst s8  }
0x11: {  	[smem:$0x3FB3] =	sst s9;
	s0 =	simm.s32 @!p0 $0x0  }
0x12: {  	s1 =	sld [smem:$0x3F99];
	s0 =	simm.s32 @p0 $0x1  }
0x13: {  	[smem:$0x3FB4] =	sst s0;
	s0 =	simm.s32 @!p1 $0x0  }
0x14: {  	s2 =	sld [smem:$0x3F98];
	s0 =	simm.s32 @p1 $0x1  }
0x15: {  	[smem:$0x3FB5] =	sst s0;
	s0 =	simm.s32 @!p2 $0x0  }
0x16: {  	s3 =	sld [smem:$0x3FDB];
	s0 =	simm.s32 @p2 $0x1  }
0x17: {  	s4 =	simm.s32 $0x1BF5;
	[smem:$0x3FB7] =	sst s0  }
0x18: {  	s0 =	sld [smem:$0x3F9A];
	_ =	swait.ge [sflag:s4], $0x0  }
0x19: {  	s7 =	sld [smem:$0x3F9B]  }
0x1a: {  	s8 =	sadd.s32 $0xFFFFE003, lr  }
0x1b: {  	s9 =	sadd.s32 $0xFFFFFEF7, lr;
	s5 =	simm.s32 $0xFFFFFFFF;
	p2 =	slt.u32 s8, $0xFFFFF086  }
0x1c: {  	p1 =	slt.u32 s9, $0xF7A;
	s5 =	simm.s32 @!p2 $0x0  }
0x1d: {  	s5 =	simm.s32 @p1 $0x1;
	p0 =	seq.s32 s7, s2  }
0x1e: {  	s7 =	smul.u32 @!p0 $0xF7A, s2;
	p2 =	seq.s32 @!p0 s5, $0x0  }
0x1f: {  	s9 =	smul.u32 $0xF7A, s1;
	s8 =	simm.s32 @!p0 $0x1BF5;
	p2 =	por !p2, p0  }
0x20: {  	[sflag:s8] =	ssyncset.s32 @!p0 $0xFFFFF086;
	s6 =	sadd.s32 @!p0 s3, s7;
	s7 =	simm.s32 @!p0 $0x108  }
0x21: {  	s3 =	sadd.s32 s3, s9;
	s6 =	sadd.s32 @!p0 $0x88, s6;
	s7 =	simm.s32 @p2 $0x1082  }
0x22: {  	[simem:s7], [sflag:s8] =	dma.local @!p0 [hbm:s6], $0xF7A  }
0x23: {  	s9 =	sor.u32 $0xD0000000, s2;
	s6 =	simm.s32 $0x108;
	_ =	swait.ge @!p0 [sflag:s8], $0x0  }
0x24: {  	s3 =	sadd.s32 $0x88, s3;
	s6 =	simm.s32 @!p1 $0x1082;
	[sflag:s4] =	ssyncset.s32 $0xFFFFF086  }
0x25: {  	[simem:s6], [sflag:s4] =	dma.local [hbm:s3], $0xF7A  }
0x26: {  	[smem:$0x3F9B] =	sst s1;
	(tag) =	ssettag s2;
	_ =	strace s9  }
0x27: {  	s1 =	sld [smem:$0x3FAB]  }
0x28: {  	s2 =	sld [smem:$0x3FAC]  }
0x29: {  	s4 =	sld [smem:$0x3FAE]  }
0x2a: {  	p0 =	seq.s32 s5, $0x0;
	s5 =	sld [smem:$0x3FAF]  }
0x2b: {  	s6 =	sld [smem:$0x3FB0]  }
0x2c: {  	s7 =	sld [smem:$0x3FB1]  }
0x2d: {  	s3 =	simm.s32 $0x108;
	s8 =	sld [smem:$0x3FB2]  }
0x2e: {  	s3 =	simm.s32 @!p0 $0x1082;
	s9 =	sld [smem:$0x3FB3]  }
0x2f: {  	lr =	sadd.s32 s0, s3;
	s0 =	sld [smem:$0x3FAA]  }
0x30: {  	s3 =	sld [smem:$0x3FAD]  }
0x31: {  	[smem:$0x3FB6] =	sst s10  }
0x32: {  	s10 =	sld [smem:$0x3FB4];
	_ =	sdelay $0x3  }
0x33: {  	p0 =	seq.s32 s10, $0x1;
	s10 =	sld [smem:$0x3FB6];
	_ =	sdelay $0x3  }
0x34: {  	[smem:$0x3FB6] =	sst s10  }
0x35: {  	s10 =	sld [smem:$0x3FB5];
	_ =	sdelay $0x3  }
0x36: {  	p1 =	seq.s32 s10, $0x1;
	s10 =	sld [smem:$0x3FB6];
	_ =	sdelay $0x3  }
0x37: {  	[smem:$0x3FB6] =	sst s10  }
0x38: {  	s10 =	sld [smem:$0x3FB7]  }
0x39: {  	_ = 	snop;
	(pc) =	sbr.ind lr, $3  }
0x3a: {  	_ = 	snop  }
0x3b: {  	_ = 	snop  }
0x3c: {  	p2 =	seq.s32 s10, $0x1;
	s10 =	sld [smem:$0x3FB6]  }
0x3d: {  	_ =	shalt  }
0x3e: {  	_ =	shalt  }
0x3f: {  	_ =	shalt  }
0x40: {  	_ =	shalt  }
0x41: {  	_ =	shalt  }
0x42: {  	_ =	shalt  }
0x43: {  	_ =	shalt  }
0x44: {  	_ =	shalt  }
0x45: {  	_ =	shalt  }
0x46: {  	_ =	shalt  }
0x47: {  	_ =	shalt  }
0x48: {  	_ =	shalt  }
0x49: {  	_ =	shalt  }
0x4a: {  	_ =	shalt  }
0x4b: {  	_ =	shalt  }
0x4c: {  	_ =	shalt  }
0x4d: {  	_ =	shalt  }
0x4e: {  	_ =	shalt  }
0x4f: {  	_ =	shalt  }
0x50: {  	_ =	shalt  }
0x51: {  	_ =	shalt  }
0x52: {  	_ =	shalt  }
0x53: {  	_ =	shalt  }
0x54: {  	_ =	shalt  }
0x55: {  	_ =	shalt  }
0x56: {  	_ =	shalt  }
0x57: {  	_ =	shalt  }
0x58: {  	_ =	shalt  }
0x59: {  	_ =	shalt  }
0x5a: {  	_ =	shalt  }
0x5b: {  	_ =	shalt  }
0x5c: {  	_ =	shalt  }
0x5d: {  	_ =	shalt  }
0x5e: {  	_ =	shalt  }
0x5f: {  	_ =	shalt  }
0x60: {  	_ =	shalt  }
0x61: {  	_ =	shalt  }
0x62: {  	_ =	shalt  }
0x63: {  	_ =	shalt  }
0x64: {  	_ =	shalt  }
0x65: {  	_ =	shalt  }
0x66: {  	_ =	shalt  }
0x67: {  	_ =	shalt  }
0x68: {  	_ =	shalt  }
0x69: {  	_ =	shalt  }
0x6a: {  	_ =	shalt  }
0x6b: {  	_ =	shalt  }
0x6c: {  	_ =	shalt  }
0x6d: {  	_ =	shalt  }
0x6e: {  	_ =	shalt  }
0x6f: {  	_ =	shalt  }
0x70: {  	_ =	shalt  }
0x71: {  	_ =	shalt  }
0x72: {  	_ =	shalt  }
0x73: {  	_ =	shalt  }
0x74: {  	_ =	shalt  }
0x75: {  	_ =	shalt  }
0x76: {  	_ =	shalt  }
0x77: {  	_ =	shalt  }
0x78: {  	_ =	shalt  }
0x79: {  	_ =	shalt  }
0x7a: {  	_ =	shalt  }
0x7b: {  	_ =	shalt  }
0x7c: {  	_ =	shalt  }
0x7d: {  	_ =	shalt  }
0x7e: {  	_ =	shalt  }
0x7f: {  	_ =	shalt  }
0x80: {  	_ =	shalt  }
0x81: {  	_ =	shalt  }
0x82: {  	_ =	shalt  }
0x83: {  	_ =	shalt  }
0x84: {  	_ =	shalt  }
0x85: {  	_ =	shalt  }
0x86: {  	_ =	shalt  }
0x87: {  	_ =	shalt  }
.Lfunc_end0:
.L_simem_size_0:
called_computation_lowered:
.L_overlay_start_0:
0x88: {  	s2 =	sld [smem:$0x3FD9]  }
0x89: {  	s3 =	sld [smem:$0x3FFE];
	_ =	sdelay $0x1  }
0x8a: {  	s1 =	srdreg.scid  }
0x8b: {  	s0 =	sand.u32 $0x1, s1  }
0x8c: {  	s17 =	sshll.u32 s0, $0xA;
	s2 =	sadd.s32 s3, s2  }
0x8d: {  	s2 =	sadd.s32 s2, s17  }
0x8e: {  	[smem:$0x3FC2] =	sst s2  }
0x8f: {  	_ = 	snop  }
0x90: {  	s2 =	sld [smem:$0x3FC9]  }
0x91: {  	s18 =	sld [smem:$0x3FC8]  }
0x92: {  	s4 =	sld [smem:$0x3FD0];
	(tm) =	ssettm $0x1  }
0x93: {  	s5 =	sld [smem:$0x3FFB];
	_ =	sdelay $0x3  }
0x94: {  	_ =	strace s5  }
0x95: {  	s5 =	sld [smem:$0x3FFC];
	_ =	sdelay $0x3  }
0x96: {  	_ =	strace s5  }
0x97: {  	s5 =	sld [smem:$0x3FFD];
	_ =	sdelay $0x3  }
0x98: {  	_ =	strace s5  }
0x99: {  	_ =	strace $0x8FFFFFFF  }
0x9a: {  	s19 =	sld [smem:$0x3FDB];
	_ =	sdelay $0x1  }
0x9b: {  	s6 =	simm.s32 $_scs_section_size  }
0x9c: {  	s7 =	simm.s32 $_size__tile_overlayer_lowered;
	s8 =	simm.s32 $_tile_overlayer_lowered  }
0x9d: {  	s22 =	simm.s32 $0x1BFF;
	s21 =	sshll.u32 s8, $0x1;
	s5 =	sadd.s32 s6, s19  }
0x9e: {  	s9 =	simm.s32 $0x0;
	s20 =	sshll.u32 s7, $0x1;
	s7 =	sadd.s32 s21, s5  }
0x9f: {  	[timem:s9], [sflag:s22] =	dma.local [hbm:s7], s20  }
0xa0: {  	_ =	swait.ge [sflag:s22], s20  }
0xa1: {  	s6 =	ssub.s32 $0x0, s20;
	[sflag:s22] =	ssyncset.done $0x0  }
0xa2: {  	[sflag:s22] =	ssyncadd.s32 s6;
	_ =	sdelay $0x1  }
0xa3: {  	s23 =	simm.s32 $0x1B8B  }
0xa4: {  	_ =	swait.ge [sflag:s23], $0x1  }
0xa5: {  	[sflag:s23] =	ssyncset.done $0x0  }
0xa6: {  	s25 =	simm.s32 $0x1B8E;
	s24 =	sld [smem:$0x3FFE];
	[sflag:s23] =	ssyncadd.s32 $0xFFFFFFFF  }
0xa7: {  	s26 =	simm.s32 $execute0_lowered;
	[smem:$0x3FD2] =	sst s25  }
0xa8: {  	s7 =	sshll.u32 s26, $0x1;
	_ =	strace $0x80000046;
	[dreg:$0x1] =	wrdreg $0xFFFFFFFF  }
0xa9: {  	s28 =	simm.s32 $_size_execute0_lowered;
	s5 =	sadd.s32 s5, s7;
	[dreg:$0x0] =	wrdreg $0x0  }
0xaa: {  	s7 =	sshll.u32 s28, $0x1;
	[dreg:$0x2] =	wrdreg s5  }
0xab: {  	[dreg:$0x3] =	wrdreg s7  }
0xac: {  	[dreg:$0x4] =	wrdreg $0xC0  }
0xad: {  	_ =	task [dreg:s9], $0x5FFFF  }
0xae: {  	[dreg:$0x1] =	wrdreg $0xFFFFFFFF  }
0xaf: {  	[dreg:$0x0] =	wrdreg $0x60  }
0xb0: {  	[dreg:$0x2] =	wrdreg s2  }
0xb1: {  	[dreg:$0x3] =	wrdreg s18  }
0xb2: {  	[dreg:$0x4] =	wrdreg s24  }
0xb3: {  	[dreg:$0x5] =	wrdreg s4  }
0xb4: {  	[dreg:$0x6] =	wrdreg $0x1AC900  }
0xb5: {  	[dreg:$0x7] =	wrdreg $0x9  }
0xb6: {  	_ =	task.clear_ibuf [dreg:s9], $0x8FFFF;
	_ =	strace $0x90000046  }
0xb7: {  	s29 =	simm.s32 $0x9;
	_ =	strace $0x80000048  }
0xb8: {  	_ =	swait.ge [sflag:s29], $0x1  }
0xb9: {  	[sflag:s29] =	ssyncadd.s32 $0xFFFFFFFF  }
0xba: {  	_ =	strace $0x90000048  }
0xbb: {  	_ =	sfence  }
0xbc: {  	s30 =	sld [smem:$0x0];
	_ =	sdelay $0x2  }
0xbd: {  	s31 =	sshll.u32 s1, $0xD;
	s1 =	sshrl.u32 s1, $0x2  }
0xbe: {  	s3 =	sand.u32 $0x4000, s31;
	s1 =	sadd.s32 s1, s30  }
0xbf: {  	s0 =	sor.u32 s3, s0;
	s1 =	sshll.u32 s1, $0x11  }
0xc0: {  	s0 =	sor.u32 s1, s0  }
0xc1: {  	s0 =	sadd.s32 $0x8F2B, s0  }
0xc2: {  	[sflag:s0] =	ssyncadd.remote.s32 $0x1  }
0xc3: {  	_ =	sfence.sel $0xFFFF  }
0xc4: {  	[dreg:$0x0] =	wrdreg $0xFFFFFFFF;
	(pc) =	sbr.abs _section_cstart, $3  }
0xc5: {  	[dreg:$0x1] =	wrdreg $0xFFFFFFFF  }
0xc6: {  	_ =	task.clear_ibuf [dreg:s9], $0x2FFFF;
	_ =	strace $0x9FFFFFFF  }
0xc7: {  	(tm) =	ssettm $0x7FFFFFFF  }
tec
execute0_lowered:
.L_overlay_start_1:
0x0: {  	(tag) =	ssettag $0x1  }
0x1: {  	v0 =	vlaneseq.u32  }
0x2: {  	v6 =	vmul.u32 $0x20, v0;
	_ =	sdelay $0x1  }
0x3: {  	v1 =	vor.u32 $0x1, v6  }
0x4: {  	v52 =	vor.u32 $0x2, v6;
	[tilespmem:$0x1FBE0] =	vst v1  }
0x5: {  	v53 =	vor.u32 $0x3, v6;
	[tilespmem:$0x1FBF0] =	vst v52  }
0x6: {  	v54 =	vor.u32 $0x4, v6;
	[tilespmem:$0x1FC00] =	vst v53  }
0x7: {  	v55 =	vor.u32 $0x5, v6;
	[tilespmem:$0x1FC10] =	vst v54  }
0x8: {  	v56 =	vor.u32 $0x6, v6;
	[tilespmem:$0x1FC20] =	vst v55  }
0x9: {  	v57 =	vor.u32 $0x200, v6;
	[tilespmem:$0x1FC30] =	vst v56  }
0xa: {  	v58 =	vor.u32 $0x201, v6;
	[tilespmem:$0x1FC40] =	vst v57  }
0xb: {  	v59 =	vor.u32 $0x202, v6;
	[tilespmem:$0x1FC50] =	vst v58  }
0xc: {  	v60 =	vor.u32 $0x203, v6;
	[tilespmem:$0x1FC60] =	vst v59  }
0xd: {  	v61 =	vor.u32 $0x204, v6;
	[tilespmem:$0x1FC70] =	vst v60  }
0xe: {  	v62 =	vor.u32 $0x205, v6;
	[tilespmem:$0x1FC80] =	vst v61  }
0xf: {  	v63 =	vor.u32 $0x206, v6;
	[tilespmem:$0x1FC90] =	vst v62  }
0x10: {  	v9 =	vor.u32 $0x400, v6;
	[tilespmem:$0x1FCA0] =	vst v63  }
0x11: {  	v10 =	vor.u32 $0x401, v6;
	[tilespmem:$0x1FCB0] =	vst v9  }
0x12: {  	v11 =	vor.u32 $0x402, v6;
	[tilespmem:$0x1FCC0] =	vst v10  }
0x13: {  	v12 =	vor.u32 $0x403, v6;
	[tilespmem:$0x1FCD0] =	vst v11  }
0x14: {  	v13 =	vor.u32 $0x404, v6;
	[tilespmem:$0x1FCE0] =	vst v12  }
0x15: {  	v14 =	vor.u32 $0x405, v6;
	[tilespmem:$0x1FCF0] =	vst v13  }
0x16: {  	v15 =	vor.u32 $0x406, v6;
	[tilespmem:$0x1FD00] =	vst v14  }
0x17: {  	v16 =	vor.u32 $0x600, v6;
	[tilespmem:$0x1FD10] =	vst v15  }
0x18: {  	v17 =	vor.u32 $0x601, v6;
	[tilespmem:$0x1FD20] =	vst v16  }
0x19: {  	v18 =	vor.u32 $0x602, v6;
	[tilespmem:$0x1FD30] =	vst v17  }
0x1a: {  	v19 =	vor.u32 $0x603, v6;
	[tilespmem:$0x1FD40] =	vst v18  }
0x1b: {  	v20 =	vor.u32 $0x604, v6;
	[tilespmem:$0x1FD50] =	vst v19  }
0x1c: {  	v21 =	vor.u32 $0x605, v6;
	[tilespmem:$0x1FD60] =	vst v20  }
0x1d: {  	v22 =	vor.u32 $0x606, v6;
	[tilespmem:$0x1FD70] =	vst v21  }
0x1e: {  	v23 =	vor.u32 $0x800, v6;
	[tilespmem:$0x1FD80] =	vst v22  }
0x1f: {  	v24 =	vor.u32 $0x801, v6;
	[tilespmem:$0x1FD90] =	vst v23  }
0x20: {  	v25 =	vor.u32 $0x802, v6;
	[tilespmem:$0x1FDA0] =	vst v24  }
0x21: {  	v26 =	vor.u32 $0x803, v6;
	[tilespmem:$0x1FDB0] =	vst v25  }
0x22: {  	v27 =	vor.u32 $0x804, v6;
	[tilespmem:$0x1FDC0] =	vst v26  }
0x23: {  	v28 =	vor.u32 $0x805, v6;
	[tilespmem:$0x1FDD0] =	vst v27  }
0x24: {  	v29 =	vor.u32 $0x806, v6;
	[tilespmem:$0x1FDE0] =	vst v28  }
0x25: {  	v30 =	vor.u32 $0xA00, v6;
	[tilespmem:$0x1FDF0] =	vst v29  }
0x26: {  	v31 =	vor.u32 $0xA01, v6;
	[tilespmem:$0x1FE00] =	vst v30  }
0x27: {  	v32 =	vor.u32 $0xA02, v6;
	[tilespmem:$0x1FE10] =	vst v31  }
0x28: {  	v33 =	vor.u32 $0xA03, v6;
	[tilespmem:$0x1FE20] =	vst v32  }
0x29: {  	v34 =	vor.u32 $0xA04, v6;
	[tilespmem:$0x1FE30] =	vst v33  }
0x2a: {  	v35 =	vor.u32 $0xA05, v6;
	[tilespmem:$0x1FE40] =	vst v34  }
0x2b: {  	v36 =	vor.u32 $0xA06, v6;
	[tilespmem:$0x1FE50] =	vst v35  }
0x2c: {  	s0 =	rddreg [dreg:$0x0];
	v37 =	vor.u32 $0xC00, v6;
	[tilespmem:$0x1FE60] =	vst v36  }
0x2d: {  	s2 =	rddreg [dreg:$0x2];
	v38 =	vor.u32 $0xC01, v6;
	[tilespmem:$0x1FE70] =	vst v37  }
0x2e: {  	s1 =	rddreg [dreg:$0x3];
	s5 =	simm.s32 $0x0;
	v39 =	vor.u32 $0xC02, v6;
	[tilespmem:$0x1FE80] =	vst v38  }
0x2f: {  	[smem:$0x7FF] =	sst s5;
	v40 =	vor.u32 $0xC03, v6;
	[tilespmem:$0x1FE90] =	vst v39  }
0x30: {  	s3 =	rddreg [dreg:$0x4];
	v41 =	vor.u32 $0xC04, v6;
	_ =	strace $0x80000047;
	[tilespmem:$0x1FEA0] =	vst v40  }
0x31: {  	v42 =	vor.u32 $0xC05, v6;
	[tilespmem:$0x1FEB0] =	vst v41  }
0x32: {  	v43 =	vor.u32 $0xC06, v6;
	[tilespmem:$0x1FEC0] =	vst v42  }
0x33: {  	v44 =	vor.u32 $0xE00, v6;
	[tilespmem:$0x1FED0] =	vst v43  }
0x34: {  	v2 =	vor.u32 $0xE01, v6;
	[tilespmem:$0x1FEE0] =	vst v44  }
0x35: {  	v46 =	vor.u32 $0xE02, v6;
	[tilespmem:$0x1FEF0] =	vst v2  }
0x36: {  	v47 =	vor.u32 $0xE03, v6;
	[tilespmem:$0x1FF00] =	vst v46  }
0x37: {  	s10 =	stileid.u32;
	s6 =	srdreg.scid;
	v45 =	vimm.s32 $0x7654321;
	v48 =	vor.u32 $0xE04, v6;
	[tilespmem:$0x1FF10] =	vst v47  }
0x38: {  	s15 =	simm.s32 $0x2000;
	s16 =	simm.s32 $0xA000;
	v3 =	vimm.s32 $0x43210765;
	s17 =	simm.s32 $0x6;
	v53 =	vor.u32 $0xE05, v6;
	[tilespmem:$0x1FF20] =	vst v48  }
0x39: {  	v49 =	vimm.s32 $0x10765432;
	s19 =	simm.s32 $0x10000;
	s28 =	simm.s32 $0x2;
	s29 =	simm.s32 $0x15C80;
	v3 =	vunpack.c.l.s4.s8 v3;
	v54 =	vor.u32 $0xE06, v6;
	[tilespmem:$0x1FF30] =	vst v53  }
0x3a: {  	v4 =	vimm.s32 $0x54321076;
	s30 =	simm.s32 $0x3;
	s31 =	simm.s32 $0x4;
	s4 =	sshll.u32 s10, $0x9;
	[tilespmem:$0x1FF40] =	vst v54  }
0x3b: {  	s6 =	sand.u32 $0x1, s6;
	s7 =	sadd.s32 $0x400, s2;
	s8 =	sshll.u32 s10, $0x1;
	v55 =	vmul.u32 $0x99, v0;
	v56 =	vand.u32 $0x7, v0;
	v61 =	vunpack.c.0.s8.s32 v3;
	[tilespmem:$0x1FF50] =	vst v6  }
0x3c: {  	s9 =	sadd.s32 $0x3000, s2;
	s24 =	sshll.u32 s10, $0xC;
	s13 =	sadd.s32 $0x200, s0;
	v1 =	vunpack.c.l.s4.s8 v45;
	[tilespmem:$0x1FF70] =	vst v56  }
0x3d: {  	v5 =	vimm.s32 $0x65432107;
	s4 =	sadd.s32 s4, s2;
	s20 =	ssub.s32 $0x2, s6;
	s6 =	sor.u32 s6, s8;
	v0 =	vunpack.c.l.s4.s8 v49;
	v47 =	vadd.s32 $0x21, v55;
	[tilespmem:$0x1FFC0] =	vst v61  }
0x3e: {  	s2 =	sadd.s32 $0x800, s2;
	s21 =	sshrl.u32 s20, $0x1;
	v52 =	vunpack.c.l.s4.s8 v4;
	[dreg:$0x6] =	wrdreg s7;
	v57 =	vunpack.c.0.s8.s32 v1;
	v49 =	vadd.s32 $0x20, v55;
	[tilespmem:$0x1FF60] =	vst v47  }
0x3f: {  	v51 =	vimm.s32 $0x32107654;
	s23 =	smul.u32 $0x6400, s6;
	s4 =	sadd.s32 $0x1000, s4;
	v4 =	vunpack.c.l.s4.s8 v5;
	[dreg:$0x7] =	wrdreg s9;
	v58 =	vunpack.c.0.s8.s32 v0;
	[tilespmem:$0x1FFF0] =	vst v49  }
0x40: {  	v50 =	vimm.s32 $0x21076543;
	s22 =	ssub.s32 s20, s21;
	s20 =	simm.s32 $0xE000;
	[dreg:$0x8] =	wrdreg s2;
	v2 =	vunpack.c.l.s4.s8 v51;
	v62 =	vunpack.c.0.s8.s32 v52;
	[tilespmem:$0x1FF80] =	vst v57  }
0x41: {  	s21 =	simm.s32 $0x1;
	s9 =	smul.u32 $0x1900, s6;
	[dreg:$0x9] =	wrdreg s4;
	v1 =	vunpack.c.l.s4.s8 v50;
	v63 =	vunpack.c.0.s8.s32 v4;
	[tilespmem:$0x1FF90] =	vst v58  }
0x42: {  	s4 =	sadd.s32 s24, s3;
	s25 =	sadd.s32 s0, s23;
	s26 =	smax.u32 s22, $0x1;
	v60 =	vunpack.c.0.s8.s32 v2;
	[tilespmem:$0x1FFD0] =	vst v62  }
0x43: {  	s22 =	simm.s32 $0xF000;
	s23 =	simm.s32 $0x80;
	[dreg:$0xa] =	wrdreg s4;
	v59 =	vunpack.c.0.s8.s32 v1;
	[tilespmem:$0x1FFE0] =	vst v63  }
0x44: {  	s24 =	simm.s32 $0x1A900;
	s2 =	simm.s32 $0x0;
	[dreg:$0xb] =	wrdreg s25;
	[tilespmem:$0x1FFB0] =	vst v60  }
0x45: {  	[dreg:$0xc] =	wrdreg s26;
	s25 =	simm.s32 $0x11000;
	s26 =	simm.s32 $0x5;
	[tilespmem:$0x1FFA0] =	vst v59  }
.LBB2_1:
0x46: {  	s0 =	rddreg [dreg:$0x6]  }
0x47: {  	[tilespmem:s5], [sflag:$0x6] =	stream.linear.gather [hbm4b:s0+s5], $0x2000, $0x38;
	[tilespmem:$0x1BC90] =	vst v63  }
0x48: {  	_ =	swait.ge [sflag:s17], $0x2000  }
0x49: {  	[sflag:s17] =	ssyncset.done $0x0  }
0x4a: {  	s8 =	rddreg [dreg:$0x7];
	[sflag:s17] =	ssyncadd.s32 $0xFFFFE000  }
0x4b: {  	[tilespmem:s15], [sflag:$0x6] =	stream.linear.gather [hbm4b:s8+s5], $0x8000, $0x38;
	[tilespmem:$0x1BC90] =	vst v63  }
0x4c: {  	_ =	swait.ge [sflag:s17], $0x8000  }
0x4d: {  	[sflag:s17] =	ssyncset.done $0x0  }
0x4e: {  	s10 =	rddreg [dreg:$0x8];
	[sflag:s17] =	ssyncadd.s32 $0xFFFF8000  }
0x4f: {  	[tilespmem:s16], [sflag:$0x6] =	stream.linear.gather [hbm4b:s10+s5], $0x4000, $0x38;
	[tilespmem:$0x1BC90] =	vst v63  }
0x50: {  	_ =	swait.ge [sflag:s17], $0x4000  }
0x51: {  	[sflag:s17] =	ssyncset.done $0x0  }
0x52: {  	[sflag:s17] =	ssyncadd.s32 $0xFFFFC000  }
0x53: {  	s4 =	simm.s32 $0x1AC80;
	s11 =	rddreg [dreg:$0x1]  }
0x54: {  	[tilespmem:s4], [sflag:$0x6] =	stream.linear.gather [hbm4b:s11+s5], $0x10, $0x38;
	[tilespmem:$0x1BC90] =	vst v63  }
0x55: {  	_ =	swait.ge [sflag:s17], $0x10  }
0x56: {  	[sflag:s17] =	ssyncset.done $0x0  }
0x57: {  	v0 =	vimm.f32 $0.0e+00;
	[sflag:s17] =	ssyncadd.s32 $0xFFFFFFF0  }
0x58: {  	[tilespmem:$0x0] =	vst v0  }
0x59: {  	[tilespmem:$0x2000] =	vst v0  }
0x5a: {  	s12 =	rddreg [dreg:$0x9];
	[tilespmem:$0xA000] =	vst v0  }
0x5b: {  	v5 =	vld [tilespmem:$0x1AC80];
	[tilespmem:s19], [sflag:$0x6] =	stream.linear.gather [hbm4b:s12+s5], $0x1000, $0x38  }
0x5c: {  	_ =	swait.ge [sflag:s17], $0x1000  }
0x5d: {  	[sflag:s17] =	ssyncset.done $0x0  }
0x5e: {  	s14 =	rddreg [dreg:$0xa];
	[sflag:s17] =	ssyncadd.s32 $0xFFFFF000  }
0x5f: {  	[spmem:s14] =	stream.linear.scatter [tilespmem:s19], [sflag:$0x6], $0x1000, $0x38;
	[tilespmem:$0x1BC90] =	vst v63  }
0x60: {  	_ =	swait.ge [sflag:s17], $0x1000  }
0x61: {  	[sflag:s17] =	ssyncset.done $0x0  }
0x62: {  	[sflag:s17] =	ssyncadd.s32 $0xFFFFF000  }
0x63: {  	[bflag:$0x0] =	sbarrier.arrive $0xFFFF  }
0x64: {  	s4 =	simm.s32 $0x0;
	s18 =	rddreg [dreg:$0xb]  }
0x65: {  	[tilespmem:s20], [sflag:$0x1] =	stream.linear.gather [hbm4b:s18+s5], $0x1000, $0x38;
	[tilespmem:$0x1BC90] =	vst v63  }
.LBB2_2:
0x66: {  	s0 =	sshll.u32 s4, $0x8  }
0x67: {  	_ =	swait.ge [sflag:s21], $0x1000;
	s18 =	sadd.s32 s9, s0  }
0x68: {  	[sflag:s21] =	ssyncset.done $0x0;
	s6 =	sshll.u32 s18, $0x2  }
0x69: {  	[sflag:s21] =	ssyncadd.s32 $0xFFFFF000;
	s6 =	sadd.s32 s6, s13  }
0x6a: {  	[tilespmem:s22], [sflag:$0x2] =	stream.linear.gather [hbm4b:s6+s5], $0x1000, $0x38;
	[tilespmem:$0x1BC90] =	vst v63  }
0x6b: {  	v0 =	vld.idx.msk [tilespmem:v6+s20+$0x0], $0xffff;
	_ =	sdelay $0x4  }
0x6c: {  	v0 =	vadd.f32 v0, v5  }
0x6d: {  	v43 =	vld [tilespmem:$0x1FBE0]  }
0x6e: {  	v0 =	vtrunc.f32 v0  }
0x6f: {  	v0 =	vcvt.f32.s32 v0;
	_ =	sdelay $0x1  }
0x70: {  	vm0 =	vgt.s32 v0, $0x0  }
0x71: {  	v0 =	vnsel vm0, $0x0, v0  }
0x72: {  	v0 =	vmin.u32 v0, $0x7FF  }
0x73: {  	[tilespmem:$0x1A900] =	vst v0  }
0x74: {  	v0 =	vld.idx.msk [tilespmem:v43+s20+$0x0], $0xffff;
	_ =	sdelay $0x4  }
0x75: {  	v0 =	vadd.f32 v0, v5  }
0x76: {  	v44 =	vld [tilespmem:$0x1FBF0]  }
0x77: {  	v0 =	vtrunc.f32 v0  }
0x78: {  	v0 =	vcvt.f32.s32 v0;
	_ =	sdelay $0x1  }
0x79: {  	vm9 =	vgt.s32 v0, $0x0  }
0x7a: {  	v0 =	vnsel vm9, $0x0, v0  }
0x7b: {  	v0 =	vmin.u32 v0, $0x1FF  }
0x7c: {  	[tilespmem:$0x1A980] =	vst v0  }
0x7d: {  	v0 =	vld.idx.msk [tilespmem:v44+s20+$0x0], $0xffff;
	_ =	sdelay $0x4  }
0x7e: {  	v0 =	vadd.f32 v0, v5  }
0x7f: {  	v45 =	vld [tilespmem:$0x1FC00]  }
0x80: {  	v0 =	vtrunc.f32 v0  }
0x81: {  	v0 =	vcvt.f32.s32 v0;
	_ =	sdelay $0x1  }
0x82: {  	vm10 =	vgt.s32 v0, $0x0  }
0x83: {  	v0 =	vnsel vm10, $0x0, v0  }
0x84: {  	v0 =	vmin.u32 v0, $0x7FF  }
0x85: {  	[tilespmem:$0x1AA00] =	vst v0  }
0x86: {  	v0 =	vld.idx.msk [tilespmem:v45+s20+$0x0], $0xffff;
	_ =	sdelay $0x4  }
0x87: {  	v0 =	vadd.f32 v0, v5  }
0x88: {  	v46 =	vld [tilespmem:$0x1FC10]  }
0x89: {  	v0 =	vtrunc.f32 v0  }
0x8a: {  	v0 =	vcvt.f32.s32 v0;
	_ =	sdelay $0x1  }
0x8b: {  	vm11 =	vgt.s32 v0, $0x0  }
0x8c: {  	v0 =	vnsel vm11, $0x0, v0  }
0x8d: {  	v0 =	vmin.u32 v0, $0x3FF  }
0x8e: {  	[tilespmem:$0x1AA80] =	vst v0  }
0x8f: {  	v0 =	vld.idx.msk [tilespmem:v46+s20+$0x0], $0xffff;
	_ =	sdelay $0x4  }
0x90: {  	v0 =	vadd.f32 v0, v5  }
0x91: {  	v48 =	vld [tilespmem:$0x1FC20]  }
0x92: {  	v0 =	vtrunc.f32 v0  }
0x93: {  	v0 =	vcvt.f32.s32 v0;
	_ =	sdelay $0x1  }
0x94: {  	vm12 =	vgt.s32 v0, $0x0  }
0x95: {  	v0 =	vnsel vm12, $0x0, v0  }
0x96: {  	v0 =	vmin.u32 v0, $0x3FF  }
0x97: {  	[tilespmem:$0x1AB00] =	vst v0  }
0x98: {  	v0 =	vld.idx.msk [tilespmem:v48+s20+$0x0], $0xffff;
	_ =	sdelay $0x4  }
0x99: {  	v0 =	vadd.f32 v0, v5  }
0x9a: {  	v50 =	vld [tilespmem:$0x1FC30]  }
0x9b: {  	v0 =	vtrunc.f32 v0  }
0x9c: {  	v0 =	vcvt.f32.s32 v0;
	_ =	sdelay $0x1  }
0x9d: {  	vm13 =	vgt.s32 v0, $0x0  }
0x9e: {  	v0 =	vnsel vm13, $0x0, v0  }
0x9f: {  	v0 =	vmin.u32 v0, $0x3FF  }
0xa0: {  	[tilespmem:$0x1AB80] =	vst v0  }
0xa1: {  	v0 =	vld.idx.msk [tilespmem:v50+s20+$0x0], $0xffff;
	_ =	sdelay $0x4  }
0xa2: {  	v0 =	vadd.f32 v0, v5  }
0xa3: {  	v51 =	vld [tilespmem:$0x1FC40]  }
0xa4: {  	v0 =	vtrunc.f32 v0  }
0xa5: {  	v0 =	vcvt.f32.s32 v0;
	_ =	sdelay $0x1  }
0xa6: {  	vm14 =	vgt.s32 v0, $0x0  }
0xa7: {  	v0 =	vnsel vm14, $0x0, v0  }
0xa8: {  	v0 =	vmin.u32 v0, $0x3FF  }
0xa9: {  	[tilespmem:$0x1AC00] =	vst v0  }
0xaa: {  	v0 =	vld.idx.msk [tilespmem:v51+s20+$0x0], $0xffff;
	_ =	sdelay $0x4  }
0xab: {  	v0 =	vadd.f32 v0, v5  }
0xac: {  	v52 =	vld [tilespmem:$0x1FC50]  }
0xad: {  	v0 =	vtrunc.f32 v0  }
0xae: {  	v0 =	vcvt.f32.s32 v0;
	_ =	sdelay $0x1  }
0xaf: {  	vm15 =	vgt.s32 v0, $0x0  }
0xb0: {  	v0 =	vnsel vm15, $0x0, v0  }
0xb1: {  	v0 =	vmin.u32 v0, $0x7FF  }
0xb2: {  	[tilespmem:$0x1A910] =	vst v0  }
0xb3: {  	v0 =	vld.idx.msk [tilespmem:v52+s20+$0x0], $0xffff;
	_ =	sdelay $0x4  }
0xb4: {  	v0 =	vadd.f32 v0, v5  }
0xb5: {  	v53 =	vld [tilespmem:$0x1FC60]  }
0xb6: {  	v0 =	vtrunc.f32 v0  }
0xb7: {  	v0 =	vcvt.f32.s32 v0;
	_ =	sdelay $0x1  }
0xb8: {  	vm4 =	vgt.s32 v0, $0x0  }
0xb9: {  	v0 =	vnsel vm4, $0x0, v0  }
0xba: {  	v0 =	vmin.u32 v0, $0x1FF  }
0xbb: {  	[tilespmem:$0x1A990] =	vst v0  }
0xbc: {  	v0 =	vld.idx.msk [tilespmem:v53+s20+$0x0], $0xffff;
	_ =	sdelay $0x4  }
0xbd: {  	v0 =	vadd.f32 v0, v5  }
0xbe: {  	v54 =	vld [tilespmem:$0x1FC70]  }
0xbf: {  	v0 =	vtrunc.f32 v0  }
0xc0: {  	v0 =	vcvt.f32.s32 v0;
	_ =	sdelay $0x1  }
0xc1: {  	vm5 =	vgt.s32 v0, $0x0  }
0xc2: {  	v0 =	vnsel vm5, $0x0, v0  }
0xc3: {  	v0 =	vmin.u32 v0, $0x7FF  }
0xc4: {  	[tilespmem:$0x1AA10] =	vst v0  }
0xc5: {  	v0 =	vld.idx.msk [tilespmem:v54+s20+$0x0], $0xffff;
	_ =	sdelay $0x4  }
0xc6: {  	v0 =	vadd.f32 v0, v5  }
0xc7: {  	v8 =	vld [tilespmem:$0x1FC80]  }
0xc8: {  	v0 =	vtrunc.f32 v0  }
0xc9: {  	v0 =	vcvt.f32.s32 v0;
	_ =	sdelay $0x1  }
0xca: {  	vm6 =	vgt.s32 v0, $0x0  }
0xcb: {  	v0 =	vnsel vm6, $0x0, v0  }
0xcc: {  	v0 =	vmin.u32 v0, $0x3FF  }
0xcd: {  	[tilespmem:$0x1AA90] =	vst v0  }
0xce: {  	v0 =	vld.idx.msk [tilespmem:v8+s20+$0x0], $0xffff;
	_ =	sdelay $0x4  }
0xcf: {  	v0 =	vadd.f32 v0, v5  }
0xd0: {  	v9 =	vld [tilespmem:$0x1FC90]  }
0xd1: {  	v0 =	vtrunc.f32 v0  }
0xd2: {  	v0 =	vcvt.f32.s32 v0;
	_ =	sdelay $0x1  }
0xd3: {  	vm7 =	vgt.s32 v0, $0x0  }
0xd4: {  	v0 =	vnsel vm7, $0x0, v0  }
0xd5: {  	v0 =	vmin.u32 v0, $0x3FF  }
0xd6: {  	[tilespmem:$0x1AB10] =	vst v0  }
0xd7: {  	v0 =	vld.idx.msk [tilespmem:v9+s20+$0x0], $0xffff;
	_ =	sdelay $0x4  }
0xd8: {  	v0 =	vadd.f32 v0, v5  }
0xd9: {  	v10 =	vld [tilespmem:$0x1FCA0]  }
0xda: {  	v0 =	vtrunc.f32 v0  }
0xdb: {  	v0 =	vcvt.f32.s32 v0;
	_ =	sdelay $0x1  }
0xdc: {  	vm8 =	vgt.s32 v0, $0x0  }
0xdd: {  	v0 =	vnsel vm8, $0x0, v0  }
0xde: {  	v0 =	vmin.u32 v0, $0x3FF  }
0xdf: {  	[tilespmem:$0x1AB90] =	vst v0  }
0xe0: {  	v0 =	vld.idx.msk [tilespmem:v10+s20+$0x0], $0xffff;
	_ =	sdelay $0x4  }
0xe1: {  	v0 =	vadd.f32 v0, v5  }
0xe2: {  	v11 =	vld [tilespmem:$0x1FCB0]  }
0xe3: {  	v0 =	vtrunc.f32 v0  }
0xe4: {  	v0 =	vcvt.f32.s32 v0;
	_ =	sdelay $0x1  }
0xe5: {  	vm9 =	vgt.s32 v0, $0x0  }
0xe6: {  	v0 =	vnsel vm9, $0x0, v0  }
0xe7: {  	v0 =	vmin.u32 v0, $0x3FF  }
0xe8: {  	[tilespmem:$0x1AC10] =	vst v0  }
0xe9: {  	v0 =	vld.idx.msk [tilespmem:v11+s20+$0x0], $0xffff;
	_ =	sdelay $0x4  }
0xea: {  	v0 =	vadd.f32 v0, v5  }
0xeb: {  	v12 =	vld [tilespmem:$0x1FCC0]  }
0xec: {  	v0 =	vtrunc.f32 v0  }
0xed: {  	v0 =	vcvt.f32.s32 v0;
	_ =	sdelay $0x1  }
0xee: {  	vm10 =	vgt.s32 v0, $0x0  }
0xef: {  	v0 =	vnsel vm10, $0x0, v0  }
0xf0: {  	v0 =	vmin.u32 v0, $0x7FF  }
0xf1: {  	[tilespmem:$0x1A920] =	vst v0  }
0xf2: {  	v0 =	vld.idx.msk [tilespmem:v12+s20+$0x0], $0xffff;
	_ =	sdelay $0x4  }
0xf3: {  	v0 =	vadd.f32 v0, v5  }
0xf4: {  	v13 =	vld [tilespmem:$0x1FCD0]  }
0xf5: {  	v0 =	vtrunc.f32 v0  }
0xf6: {  	v0 =	vcvt.f32.s32 v0;
	_ =	sdelay $0x1  }
0xf7: {  	vm11 =	vgt.s32 v0, $0x0  }
0xf8: {  	v0 =	vnsel vm11, $0x0, v0  }
0xf9: {  	v0 =	vmin.u32 v0, $0x1FF  }
0xfa: {  	[tilespmem:$0x1A9A0] =	vst v0  }
0xfb: {  	v0 =	vld.idx.msk [tilespmem:v13+s20+$0x0], $0xffff;
	_ =	sdelay $0x4  }
0xfc: {  	v0 =	vadd.f32 v0, v5  }
0xfd: {  	v14 =	vld [tilespmem:$0x1FCE0]  }
0xfe: {  	v0 =	vtrunc.f32 v0  }
0xff: {  	v0 =	vcvt.f32.s32 v0;
	_ =	sdelay $0x1  }
0x100: {  	vm12 =	vgt.s32 v0, $0x0  }
0x101: {  	v0 =	vnsel vm12, $0x0, v0  }
0x102: {  	v0 =	vmin.u32 v0, $0x7FF  }
0x103: {  	[tilespmem:$0x1AA20] =	vst v0  }
0x104: {  	v0 =	vld.idx.msk [tilespmem:v14+s20+$0x0], $0xffff;
	_ =	sdelay $0x4  }
0x105: {  	v0 =	vadd.f32 v0, v5  }
0x106: {  	v15 =	vld [tilespmem:$0x1FCF0]  }
0x107: {  	v0 =	vtrunc.f32 v0  }
0x108: {  	v0 =	vcvt.f32.s32 v0;
	_ =	sdelay $0x1  }
0x109: {  	vm13 =	vgt.s32 v0, $0x0  }
0x10a: {  	v0 =	vnsel vm13, $0x0, v0  }
0x10b: {  	v0 =	vmin.u32 v0, $0x3FF  }
0x10c: {  	[tilespmem:$0x1AAA0] =	vst v0  }
0x10d: {  	v0 =	vld.idx.msk [tilespmem:v15+s20+$0x0], $0xffff;
	_ =	sdelay $0x4  }
0x10e: {  	v0 =	vadd.f32 v0, v5  }
0x10f: {  	v16 =	vld [tilespmem:$0x1FD00]  }
0x110: {  	v0 =	vtrunc.f32 v0  }
0x111: {  	v0 =	vcvt.f32.s32 v0;
	_ =	sdelay $0x1  }
0x112: {  	vm14 =	vgt.s32 v0, $0x0  }
0x113: {  	v0 =	vnsel vm14, $0x0, v0  }
0x114: {  	v0 =	vmin.u32 v0, $0x3FF  }
0x115: {  	[tilespmem:$0x1AB20] =	vst v0  }
0x116: {  	v0 =	vld.idx.msk [tilespmem:v16+s20+$0x0], $0xffff;
	_ =	sdelay $0x4  }
0x117: {  	v0 =	vadd.f32 v0, v5  }
0x118: {  	v17 =	vld [tilespmem:$0x1FD10]  }
0x119: {  	v0 =	vtrunc.f32 v0  }
0x11a: {  	v0 =	vcvt.f32.s32 v0;
	_ =	sdelay $0x1  }
0x11b: {  	vm15 =	vgt.s32 v0, $0x0  }
0x11c: {  	v0 =	vnsel vm15, $0x0, v0  }
0x11d: {  	v0 =	vmin.u32 v0, $0x3FF  }
0x11e: {  	[tilespmem:$0x1ABA0] =	vst v0  }
0x11f: {  	v0 =	vld.idx.msk [tilespmem:v17+s20+$0x0], $0xffff;
	_ =	sdelay $0x4  }
0x120: {  	v0 =	vadd.f32 v0, v5  }
0x121: {  	v18 =	vld [tilespmem:$0x1FD20]  }
0x122: {  	v0 =	vtrunc.f32 v0  }
0x123: {  	v0 =	vcvt.f32.s32 v0;
	_ =	sdelay $0x1  }
0x124: {  	vm4 =	vgt.s32 v0, $0x0  }
0x125: {  	v0 =	vnsel vm4, $0x0, v0  }
0x126: {  	v0 =	vmin.u32 v0, $0x3FF  }
0x127: {  	[tilespmem:$0x1AC20] =	vst v0  }
0x128: {  	v0 =	vld.idx.msk [tilespmem:v18+s20+$0x0], $0xffff;
	_ =	sdelay $0x4  }
0x129: {  	v0 =	vadd.f32 v0, v5  }
0x12a: {  	v19 =	vld [tilespmem:$0x1FD30]  }
0x12b: {  	v0 =	vtrunc.f32 v0  }
0x12c: {  	v0 =	vcvt.f32.s32 v0;
	_ =	sdelay $0x1  }
0x12d: {  	vm5 =	vgt.s32 v0, $0x0  }
0x12e: {  	v0 =	vnsel vm5, $0x0, v0  }
0x12f: {  	v0 =	vmin.u32 v0, $0x7FF  }
0x130: {  	[tilespmem:$0x1A930] =	vst v0  }
0x131: {  	v0 =	vld.idx.msk [tilespmem:v19+s20+$0x0], $0xffff;
	_ =	sdelay $0x4  }
0x132: {  	v0 =	vadd.f32 v0, v5  }
0x133: {  	v20 =	vld [tilespmem:$0x1FD40]  }
0x134: {  	v0 =	vtrunc.f32 v0  }
0x135: {  	v0 =	vcvt.f32.s32 v0;
	_ =	sdelay $0x1  }
0x136: {  	vm6 =	vgt.s32 v0, $0x0  }
0x137: {  	v0 =	vnsel vm6, $0x0, v0  }
0x138: {  	v0 =	vmin.u32 v0, $0x1FF  }
0x139: {  	[tilespmem:$0x1A9B0] =	vst v0  }
0x13a: {  	v0 =	vld.idx.msk [tilespmem:v20+s20+$0x0], $0xffff;
	_ =	sdelay $0x4  }
0x13b: {  	v0 =	vadd.f32 v0, v5  }
0x13c: {  	v21 =	vld [tilespmem:$0x1FD50]  }
0x13d: {  	v0 =	vtrunc.f32 v0  }
0x13e: {  	v0 =	vcvt.f32.s32 v0;
	_ =	sdelay $0x1  }
0x13f: {  	vm7 =	vgt.s32 v0, $0x0  }
0x140: {  	v0 =	vnsel vm7, $0x0, v0  }
0x141: {  	v0 =	vmin.u32 v0, $0x7FF  }
0x142: {  	[tilespmem:$0x1AA30] =	vst v0  }
0x143: {  	v0 =	vld.idx.msk [tilespmem:v21+s20+$0x0], $0xffff;
	_ =	sdelay $0x4  }
0x144: {  	v0 =	vadd.f32 v0, v5  }
0x145: {  	v22 =	vld [tilespmem:$0x1FD60]  }
0x146: {  	v0 =	vtrunc.f32 v0  }
0x147: {  	v0 =	vcvt.f32.s32 v0;
	_ =	sdelay $0x1  }
0x148: {  	vm8 =	vgt.s32 v0, $0x0  }
0x149: {  	v0 =	vnsel vm8, $0x0, v0  }
0x14a: {  	v0 =	vmin.u32 v0, $0x3FF  }
0x14b: {  	[tilespmem:$0x1AAB0] =	vst v0  }
0x14c: {  	v0 =	vld.idx.msk [tilespmem:v22+s20+$0x0], $0xffff;
	_ =	sdelay $0x4  }
0x14d: {  	v0 =	vadd.f32 v0, v5  }
0x14e: {  	v23 =	vld [tilespmem:$0x1FD70]  }
0x14f: {  	v0 =	vtrunc.f32 v0  }
0x150: {  	v0 =	vcvt.f32.s32 v0;
	_ =	sdelay $0x1  }
0x151: {  	vm9 =	vgt.s32 v0, $0x0  }
0x152: {  	v0 =	vnsel vm9, $0x0, v0  }
0x153: {  	v0 =	vmin.u32 v0, $0x3FF  }
0x154: {  	[tilespmem:$0x1AB30] =	vst v0  }
0x155: {  	v0 =	vld.idx.msk [tilespmem:v23+s20+$0x0], $0xffff;
	_ =	sdelay $0x4  }
0x156: {  	v0 =	vadd.f32 v0, v5  }
0x157: {  	v24 =	vld [tilespmem:$0x1FD80]  }
0x158: {  	v0 =	vtrunc.f32 v0  }
0x159: {  	v0 =	vcvt.f32.s32 v0;
	_ =	sdelay $0x1  }
0x15a: {  	vm10 =	vgt.s32 v0, $0x0  }
0x15b: {  	v0 =	vnsel vm10, $0x0, v0  }
0x15c: {  	v0 =	vmin.u32 v0, $0x3FF  }
0x15d: {  	[tilespmem:$0x1ABB0] =	vst v0  }
0x15e: {  	v0 =	vld.idx.msk [tilespmem:v24+s20+$0x0], $0xffff;
	_ =	sdelay $0x4  }
0x15f: {  	v0 =	vadd.f32 v0, v5  }
0x160: {  	v25 =	vld [tilespmem:$0x1FD90]  }
0x161: {  	v0 =	vtrunc.f32 v0  }
0x162: {  	v0 =	vcvt.f32.s32 v0;
	_ =	sdelay $0x1  }
0x163: {  	vm11 =	vgt.s32 v0, $0x0  }
0x164: {  	v0 =	vnsel vm11, $0x0, v0  }
0x165: {  	v0 =	vmin.u32 v0, $0x3FF  }
0x166: {  	[tilespmem:$0x1AC30] =	vst v0  }
0x167: {  	v0 =	vld.idx.msk [tilespmem:v25+s20+$0x0], $0xffff;
	_ =	sdelay $0x4  }
0x168: {  	v0 =	vadd.f32 v0, v5  }
0x169: {  	v26 =	vld [tilespmem:$0x1FDA0]  }
0x16a: {  	v0 =	vtrunc.f32 v0  }
0x16b: {  	v0 =	vcvt.f32.s32 v0;
	_ =	sdelay $0x1  }
0x16c: {  	vm12 =	vgt.s32 v0, $0x0  }
0x16d: {  	v0 =	vnsel vm12, $0x0, v0  }
0x16e: {  	v0 =	vmin.u32 v0, $0x7FF  }
0x16f: {  	[tilespmem:$0x1A940] =	vst v0  }
0x170: {  	v0 =	vld.idx.msk [tilespmem:v26+s20+$0x0], $0xffff;
	_ =	sdelay $0x4  }
0x171: {  	v0 =	vadd.f32 v0, v5  }
0x172: {  	v27 =	vld [tilespmem:$0x1FDB0]  }
0x173: {  	v0 =	vtrunc.f32 v0  }
0x174: {  	v0 =	vcvt.f32.s32 v0;
	_ =	sdelay $0x1  }
0x175: {  	vm13 =	vgt.s32 v0, $0x0  }
0x176: {  	v0 =	vnsel vm13, $0x0, v0  }
0x177: {  	v0 =	vmin.u32 v0, $0x1FF  }
0x178: {  	[tilespmem:$0x1A9C0] =	vst v0  }
0x179: {  	v0 =	vld.idx.msk [tilespmem:v27+s20+$0x0], $0xffff;
	_ =	sdelay $0x4  }
0x17a: {  	v0 =	vadd.f32 v0, v5  }
0x17b: {  	v28 =	vld [tilespmem:$0x1FDC0]  }
0x17c: {  	v0 =	vtrunc.f32 v0  }
0x17d: {  	v0 =	vcvt.f32.s32 v0;
	_ =	sdelay $0x1  }
0x17e: {  	vm14 =	vgt.s32 v0, $0x0  }
0x17f: {  	v0 =	vnsel vm14, $0x0, v0  }
0x180: {  	v0 =	vmin.u32 v0, $0x7FF  }
0x181: {  	[tilespmem:$0x1AA40] =	vst v0  }
0x182: {  	v0 =	vld.idx.msk [tilespmem:v28+s20+$0x0], $0xffff;
	_ =	sdelay $0x4  }
0x183: {  	v0 =	vadd.f32 v0, v5  }
0x184: {  	v29 =	vld [tilespmem:$0x1FDD0]  }
0x185: {  	v0 =	vtrunc.f32 v0  }
0x186: {  	v0 =	vcvt.f32.s32 v0;
	_ =	sdelay $0x1  }
0x187: {  	vm15 =	vgt.s32 v0, $0x0  }
0x188: {  	v0 =	vnsel vm15, $0x0, v0  }
0x189: {  	v0 =	vmin.u32 v0, $0x3FF  }
0x18a: {  	[tilespmem:$0x1AAC0] =	vst v0  }
0x18b: {  	v0 =	vld.idx.msk [tilespmem:v29+s20+$0x0], $0xffff;
	_ =	sdelay $0x4  }
0x18c: {  	v0 =	vadd.f32 v0, v5  }
0x18d: {  	v30 =	vld [tilespmem:$0x1FDE0]  }
0x18e: {  	v0 =	vtrunc.f32 v0  }
0x18f: {  	v0 =	vcvt.f32.s32 v0;
	_ =	sdelay $0x1  }
0x190: {  	vm4 =	vgt.s32 v0, $0x0  }
0x191: {  	v0 =	vnsel vm4, $0x0, v0  }
0x192: {  	v0 =	vmin.u32 v0, $0x3FF  }
0x193: {  	[tilespmem:$0x1AB40] =	vst v0  }
0x194: {  	v0 =	vld.idx.msk [tilespmem:v30+s20+$0x0], $0xffff;
	_ =	sdelay $0x4  }
0x195: {  	v0 =	vadd.f32 v0, v5  }
0x196: {  	v31 =	vld [tilespmem:$0x1FDF0]  }
0x197: {  	v0 =	vtrunc.f32 v0  }
0x198: {  	v0 =	vcvt.f32.s32 v0;
	_ =	sdelay $0x1  }
0x199: {  	vm5 =	vgt.s32 v0, $0x0  }
0x19a: {  	v0 =	vnsel vm5, $0x0, v0  }
0x19b: {  	v0 =	vmin.u32 v0, $0x3FF  }
0x19c: {  	[tilespmem:$0x1ABC0] =	vst v0  }
0x19d: {  	v0 =	vld.idx.msk [tilespmem:v31+s20+$0x0], $0xffff;
	_ =	sdelay $0x4  }
0x19e: {  	v0 =	vadd.f32 v0, v5  }
0x19f: {  	v32 =	vld [tilespmem:$0x1FE00]  }
0x1a0: {  	v0 =	vtrunc.f32 v0  }
0x1a1: {  	v0 =	vcvt.f32.s32 v0;
	_ =	sdelay $0x1  }
0x1a2: {  	vm6 =	vgt.s32 v0, $0x0  }
0x1a3: {  	v0 =	vnsel vm6, $0x0, v0  }
0x1a4: {  	v0 =	vmin.u32 v0, $0x3FF  }
0x1a5: {  	[tilespmem:$0x1AC40] =	vst v0  }
0x1a6: {  	v0 =	vld.idx.msk [tilespmem:v32+s20+$0x0], $0xffff;
	_ =	sdelay $0x4  }
0x1a7: {  	v0 =	vadd.f32 v0, v5  }
0x1a8: {  	v33 =	vld [tilespmem:$0x1FE10]  }
0x1a9: {  	v0 =	vtrunc.f32 v0  }
0x1aa: {  	v0 =	vcvt.f32.s32 v0;
	_ =	sdelay $0x1  }
0x1ab: {  	vm7 =	vgt.s32 v0, $0x0  }
0x1ac: {  	v0 =	vnsel vm7, $0x0, v0  }
0x1ad: {  	v0 =	vmin.u32 v0, $0x7FF  }
0x1ae: {  	[tilespmem:$0x1A950] =	vst v0  }
0x1af: {  	v0 =	vld.idx.msk [tilespmem:v33+s20+$0x0], $0xffff;
	_ =	sdelay $0x4  }
0x1b0: {  	v0 =	vadd.f32 v0, v5  }
0x1b1: {  	v34 =	vld [tilespmem:$0x1FE20]  }
0x1b2: {  	v0 =	vtrunc.f32 v0  }
0x1b3: {  	v0 =	vcvt.f32.s32 v0;
	_ =	sdelay $0x1  }
0x1b4: {  	vm8 =	vgt.s32 v0, $0x0  }
0x1b5: {  	v0 =	vnsel vm8, $0x0, v0  }
0x1b6: {  	v0 =	vmin.u32 v0, $0x1FF  }
0x1b7: {  	[tilespmem:$0x1A9D0] =	vst v0  }
0x1b8: {  	v0 =	vld.idx.msk [tilespmem:v34+s20+$0x0], $0xffff;
	_ =	sdelay $0x4  }
0x1b9: {  	v0 =	vadd.f32 v0, v5  }
0x1ba: {  	v35 =	vld [tilespmem:$0x1FE30]  }
0x1bb: {  	v0 =	vtrunc.f32 v0  }
0x1bc: {  	v0 =	vcvt.f32.s32 v0;
	_ =	sdelay $0x1  }
0x1bd: {  	vm9 =	vgt.s32 v0, $0x0  }
0x1be: {  	v0 =	vnsel vm9, $0x0, v0  }
0x1bf: {  	v0 =	vmin.u32 v0, $0x7FF  }
0x1c0: {  	[tilespmem:$0x1AA50] =	vst v0  }
0x1c1: {  	v0 =	vld.idx.msk [tilespmem:v35+s20+$0x0], $0xffff;
	_ =	sdelay $0x4  }
0x1c2: {  	v0 =	vadd.f32 v0, v5  }
0x1c3: {  	v36 =	vld [tilespmem:$0x1FE40]  }
0x1c4: {  	v0 =	vtrunc.f32 v0  }
0x1c5: {  	v0 =	vcvt.f32.s32 v0;
	_ =	sdelay $0x1  }
0x1c6: {  	vm10 =	vgt.s32 v0, $0x0  }
0x1c7: {  	v0 =	vnsel vm10, $0x0, v0  }
0x1c8: {  	v0 =	vmin.u32 v0, $0x3FF  }
0x1c9: {  	[tilespmem:$0x1AAD0] =	vst v0  }
0x1ca: {  	v0 =	vld.idx.msk [tilespmem:v36+s20+$0x0], $0xffff;
	_ =	sdelay $0x4  }
0x1cb: {  	v0 =	vadd.f32 v0, v5  }
0x1cc: {  	v37 =	vld [tilespmem:$0x1FE50]  }
0x1cd: {  	v0 =	vtrunc.f32 v0  }
0x1ce: {  	v0 =	vcvt.f32.s32 v0;
	_ =	sdelay $0x1  }
0x1cf: {  	vm11 =	vgt.s32 v0, $0x0  }
0x1d0: {  	v0 =	vnsel vm11, $0x0, v0  }
0x1d1: {  	v0 =	vmin.u32 v0, $0x3FF  }
0x1d2: {  	[tilespmem:$0x1AB50] =	vst v0  }
0x1d3: {  	v0 =	vld.idx.msk [tilespmem:v37+s20+$0x0], $0xffff;
	_ =	sdelay $0x4  }
0x1d4: {  	v0 =	vadd.f32 v0, v5  }
0x1d5: {  	v38 =	vld [tilespmem:$0x1FE60]  }
0x1d6: {  	v0 =	vtrunc.f32 v0  }
0x1d7: {  	v0 =	vcvt.f32.s32 v0;
	_ =	sdelay $0x1  }
0x1d8: {  	vm12 =	vgt.s32 v0, $0x0  }
0x1d9: {  	v0 =	vnsel vm12, $0x0, v0  }
0x1da: {  	v0 =	vmin.u32 v0, $0x3FF  }
0x1db: {  	[tilespmem:$0x1ABD0] =	vst v0  }
0x1dc: {  	v0 =	vld.idx.msk [tilespmem:v38+s20+$0x0], $0xffff;
	_ =	sdelay $0x4  }
0x1dd: {  	v0 =	vadd.f32 v0, v5  }
0x1de: {  	v39 =	vld [tilespmem:$0x1FE70]  }
0x1df: {  	v0 =	vtrunc.f32 v0  }
0x1e0: {  	v0 =	vcvt.f32.s32 v0;
	_ =	sdelay $0x1  }
0x1e1: {  	vm13 =	vgt.s32 v0, $0x0  }
0x1e2: {  	v0 =	vnsel vm13, $0x0, v0  }
0x1e3: {  	v0 =	vmin.u32 v0, $0x3FF  }
0x1e4: {  	[tilespmem:$0x1AC50] =	vst v0  }
0x1e5: {  	v0 =	vld.idx.msk [tilespmem:v39+s20+$0x0], $0xffff;
	_ =	sdelay $0x4  }
0x1e6: {  	v0 =	vadd.f32 v0, v5  }
0x1e7: {  	v40 =	vld [tilespmem:$0x1FE80]  }
0x1e8: {  	v0 =	vtrunc.f32 v0  }
0x1e9: {  	v0 =	vcvt.f32.s32 v0;
	_ =	sdelay $0x1  }
0x1ea: {  	vm14 =	vgt.s32 v0, $0x0  }
0x1eb: {  	v0 =	vnsel vm14, $0x0, v0  }
0x1ec: {  	v0 =	vmin.u32 v0, $0x7FF  }
0x1ed: {  	[tilespmem:$0x1A960] =	vst v0  }
0x1ee: {  	v0 =	vld.idx.msk [tilespmem:v40+s20+$0x0], $0xffff;
	_ =	sdelay $0x4  }
0x1ef: {  	v0 =	vadd.f32 v0, v5  }
0x1f0: {  	v41 =	vld [tilespmem:$0x1FE90]  }
0x1f1: {  	v0 =	vtrunc.f32 v0  }
0x1f2: {  	v0 =	vcvt.f32.s32 v0;
	_ =	sdelay $0x1  }
0x1f3: {  	vm15 =	vgt.s32 v0, $0x0  }
0x1f4: {  	v0 =	vnsel vm15, $0x0, v0  }
0x1f5: {  	v0 =	vmin.u32 v0, $0x1FF  }
0x1f6: {  	[tilespmem:$0x1A9E0] =	vst v0  }
0x1f7: {  	v0 =	vld.idx.msk [tilespmem:v41+s20+$0x0], $0xffff;
	_ =	sdelay $0x4  }
0x1f8: {  	v0 =	vadd.f32 v0, v5  }
0x1f9: {  	v42 =	vld [tilespmem:$0x1FEA0]  }
0x1fa: {  	v0 =	vtrunc.f32 v0  }
0x1fb: {  	v0 =	vcvt.f32.s32 v0;
	_ =	sdelay $0x1  }
0x1fc: {  	vm4 =	vgt.s32 v0, $0x0  }
0x1fd: {  	v0 =	vnsel vm4, $0x0, v0  }
0x1fe: {  	v0 =	vmin.u32 v0, $0x7FF  }
0x1ff: {  	[tilespmem:$0x1AA60] =	vst v0  }
0x200: {  	v0 =	vld.idx.msk [tilespmem:v42+s20+$0x0], $0xffff;
	_ =	sdelay $0x4  }
0x201: {  	v0 =	vadd.f32 v0, v5  }
0x202: {  	v43 =	vld [tilespmem:$0x1FEB0]  }
0x203: {  	v0 =	vtrunc.f32 v0  }
0x204: {  	v0 =	vcvt.f32.s32 v0;
	_ =	sdelay $0x1  }
0x205: {  	vm5 =	vgt.s32 v0, $0x0  }
0x206: {  	v0 =	vnsel vm5, $0x0, v0  }
0x207: {  	v0 =	vmin.u32 v0, $0x3FF  }
0x208: {  	[tilespmem:$0x1AAE0] =	vst v0  }
0x209: {  	v0 =	vld.idx.msk [tilespmem:v43+s20+$0x0], $0xffff;
	_ =	sdelay $0x4  }
0x20a: {  	v0 =	vadd.f32 v0, v5  }
0x20b: {  	v44 =	vld [tilespmem:$0x1FEC0]  }
0x20c: {  	v0 =	vtrunc.f32 v0  }
0x20d: {  	v0 =	vcvt.f32.s32 v0;
	_ =	sdelay $0x1  }
0x20e: {  	vm6 =	vgt.s32 v0, $0x0  }
0x20f: {  	v0 =	vnsel vm6, $0x0, v0  }
0x210: {  	v0 =	vmin.u32 v0, $0x3FF  }
0x211: {  	[tilespmem:$0x1AB60] =	vst v0  }
0x212: {  	v0 =	vld.idx.msk [tilespmem:v44+s20+$0x0], $0xffff;
	_ =	sdelay $0x4  }
0x213: {  	v0 =	vadd.f32 v0, v5  }
0x214: {  	v45 =	vld [tilespmem:$0x1FED0]  }
0x215: {  	v0 =	vtrunc.f32 v0  }
0x216: {  	v0 =	vcvt.f32.s32 v0;
	_ =	sdelay $0x1  }
0x217: {  	vm7 =	vgt.s32 v0, $0x0  }
0x218: {  	v0 =	vnsel vm7, $0x0, v0  }
0x219: {  	v0 =	vmin.u32 v0, $0x3FF  }
0x21a: {  	[tilespmem:$0x1ABE0] =	vst v0  }
0x21b: {  	v0 =	vld.idx.msk [tilespmem:v45+s20+$0x0], $0xffff;
	_ =	sdelay $0x4  }
0x21c: {  	v0 =	vadd.f32 v0, v5  }
0x21d: {  	v46 =	vld [tilespmem:$0x1FEE0]  }
0x21e: {  	v0 =	vtrunc.f32 v0  }
0x21f: {  	v0 =	vcvt.f32.s32 v0;
	_ =	sdelay $0x1  }
0x220: {  	vm8 =	vgt.s32 v0, $0x0  }
0x221: {  	v0 =	vnsel vm8, $0x0, v0  }
0x222: {  	v0 =	vmin.u32 v0, $0x3FF  }
0x223: {  	[tilespmem:$0x1AC60] =	vst v0  }
0x224: {  	v0 =	vld.idx.msk [tilespmem:v46+s20+$0x0], $0xffff;
	_ =	sdelay $0x4  }
0x225: {  	v0 =	vadd.f32 v0, v5  }
0x226: {  	v48 =	vld [tilespmem:$0x1FEF0]  }
0x227: {  	v0 =	vtrunc.f32 v0  }
0x228: {  	v0 =	vcvt.f32.s32 v0;
	_ =	sdelay $0x1  }
0x229: {  	vm9 =	vgt.s32 v0, $0x0  }
0x22a: {  	v0 =	vnsel vm9, $0x0, v0  }
0x22b: {  	v0 =	vmin.u32 v0, $0x7FF  }
0x22c: {  	[tilespmem:$0x1A970] =	vst v0  }
0x22d: {  	v0 =	vld.idx.msk [tilespmem:v48+s20+$0x0], $0xffff;
	_ =	sdelay $0x4  }
0x22e: {  	v0 =	vadd.f32 v0, v5  }
0x22f: {  	v50 =	vld [tilespmem:$0x1FF00]  }
0x230: {  	v0 =	vtrunc.f32 v0  }
0x231: {  	v0 =	vcvt.f32.s32 v0;
	_ =	sdelay $0x1  }
0x232: {  	vm10 =	vgt.s32 v0, $0x0  }
0x233: {  	v0 =	vnsel vm10, $0x0, v0  }
0x234: {  	v0 =	vmin.u32 v0, $0x1FF  }
0x235: {  	[tilespmem:$0x1A9F0] =	vst v0  }
0x236: {  	v0 =	vld.idx.msk [tilespmem:v50+s20+$0x0], $0xffff;
	_ =	sdelay $0x4  }
0x237: {  	v0 =	vadd.f32 v0, v5  }
0x238: {  	v51 =	vld [tilespmem:$0x1FF10]  }
0x239: {  	v0 =	vtrunc.f32 v0  }
0x23a: {  	v0 =	vcvt.f32.s32 v0;
	_ =	sdelay $0x1  }
0x23b: {  	vm11 =	vgt.s32 v0, $0x0  }
0x23c: {  	v0 =	vnsel vm11, $0x0, v0  }
0x23d: {  	v0 =	vmin.u32 v0, $0x7FF  }
0x23e: {  	[tilespmem:$0x1AA70] =	vst v0  }
0x23f: {  	v0 =	vld.idx.msk [tilespmem:v51+s20+$0x0], $0xffff;
	_ =	sdelay $0x4  }
0x240: {  	v0 =	vadd.f32 v0, v5  }
0x241: {  	v52 =	vld [tilespmem:$0x1FF20]  }
0x242: {  	v0 =	vtrunc.f32 v0  }
0x243: {  	v0 =	vcvt.f32.s32 v0;
	_ =	sdelay $0x1  }
0x244: {  	vm12 =	vgt.s32 v0, $0x0  }
0x245: {  	v0 =	vnsel vm12, $0x0, v0  }
0x246: {  	v0 =	vmin.u32 v0, $0x3FF  }
0x247: {  	[tilespmem:$0x1AAF0] =	vst v0  }
0x248: {  	v0 =	vld.idx.msk [tilespmem:v52+s20+$0x0], $0xffff;
	_ =	sdelay $0x4  }
0x249: {  	v0 =	vadd.f32 v0, v5  }
0x24a: {  	v53 =	vld [tilespmem:$0x1FF30]  }
0x24b: {  	v0 =	vtrunc.f32 v0  }
0x24c: {  	v0 =	vcvt.f32.s32 v0;
	_ =	sdelay $0x1  }
0x24d: {  	vm13 =	vgt.s32 v0, $0x0  }
0x24e: {  	v0 =	vnsel vm13, $0x0, v0  }
0x24f: {  	v0 =	vmin.u32 v0, $0x3FF  }
0x250: {  	[tilespmem:$0x1AB70] =	vst v0  }
0x251: {  	v0 =	vld.idx.msk [tilespmem:v53+s20+$0x0], $0xffff;
	_ =	sdelay $0x4  }
0x252: {  	v0 =	vadd.f32 v0, v5  }
0x253: {  	v54 =	vld [tilespmem:$0x1FF40]  }
0x254: {  	v0 =	vtrunc.f32 v0  }
0x255: {  	v0 =	vcvt.f32.s32 v0;
	_ =	sdelay $0x1  }
0x256: {  	vm14 =	vgt.s32 v0, $0x0  }
0x257: {  	v0 =	vnsel vm14, $0x0, v0  }
0x258: {  	v0 =	vmin.u32 v0, $0x3FF  }
0x259: {  	[tilespmem:$0x1ABF0] =	vst v0  }
0x25a: {  	v0 =	vld.idx.msk [tilespmem:v54+s20+$0x0], $0xffff;
	_ =	sdelay $0x4  }
0x25b: {  	v0 =	vadd.f32 v0, v5;
	_ =	sdelay $0x1  }
0x25c: {  	v0 =	vtrunc.f32 v0  }
0x25d: {  	v0 =	vcvt.f32.s32 v0;
	_ =	sdelay $0x1  }
0x25e: {  	vm15 =	vgt.s32 v0, $0x0  }
0x25f: {  	v0 =	vnsel vm15, $0x0, v0  }
0x260: {  	p0 =	seq.s32 s4, $0x0;
	v0 =	vmin.u32 v0, $0x3FF  }
0x261: {  	s7 =	simm.s32 $0x1A980;
	s6 =	simm.s32 @!p0 $0x3;
	[tilespmem:$0x1AC70] =	vst v0  }
0x262: {  	[tilespmem:s19], [sflag:$0x5] =	stream.indirect.gather [spmem:s3], $0x20, s24, s23, $0xb8;
	[tilespmem:$0x1BC90] =	vst v63  }
0x263: {  	s8 =	simm.s32 $0x1AA00;
	s10 =	simm.s32 $0x1AA80;
	_ =	swait.ge @!p0 [sflag:s6], $0x4C80  }
0x264: {  	s11 =	simm.s32 $0x1AB00;
	s12 =	simm.s32 $0x1AB80;
	[sflag:s6] =	ssyncset.done @!p0 $0x0  }
0x265: {  	s14 =	simm.s32 $0x1AC00;
	[sflag:s6] =	ssyncadd.s32 @!p0 $0xFFFFB380;
	s6 =	simm.s32 $0x0  }
.LBB2_3:
0x266: {  	v0 =	vld [tilespmem:s7+$0x0];
	_ =	sdelay $0x2  }
0x267: {  	v1 =	vmov s6  }
0x268: {  	v1 =	vmul.u32 $0x99, v1  }
0x269: {  	v0 =	vshll.u32 v0, $0x4  }
0x26a: {  	v46 =	vbroadcast v1, $0x0;
	_ =	sdelay $0x1  }
0x26b: {  	v1 =	vadd.s32 v49, v46  }
0x26c: {  	v1 =	vand.u32 $0xFFFFFFF8, v1  }
0x26d: {  	v1 =	vor.u32 v56, v1;
	v2 =	vld.idx.msk [tilespmem:v0+s5+$0x0], $0xffff  }
0x26e: {  	v3 =	vor.u32 $0x1, v0;
	_ =	sdelay $0x2  }
0x26f: {  	v4 =	vadd.s32 v47, v46  }
0x270: {  	[tilespmem:v1+s25+$0x0] =	vst.idx.msk $0xffff, v2;
	v1 =	vand.u32 $0xFFFFFFF8, v4  }
0x271: {  	v2 =	vld.idx.msk [tilespmem:v3+s5+$0x0], $0xffff;
	v1 =	vor.u32 v57, v1  }
0x272: {  	v3 =	vor.u32 $0x2, v0;
	_ =	sdelay $0x1  }
0x273: {  	v4 =	vadd.s32 $0x22, v55  }
0x274: {  	[tilespmem:$0x1F910] =	vst v4;
	v4 =	vadd.s32 v4, v46  }
0x275: {  	[tilespmem:v1+s25+$0x0] =	vst.idx.msk $0xffff, v2;
	v1 =	vand.u32 $0xFFFFFFF8, v4  }
0x276: {  	v2 =	vld.idx.msk [tilespmem:v3+s5+$0x0], $0xffff;
	v1 =	vor.u32 v58, v1  }
0x277: {  	v3 =	vor.u32 $0x3, v0;
	_ =	sdelay $0x1  }
0x278: {  	v4 =	vadd.s32 $0x23, v55  }
0x279: {  	[tilespmem:$0x1F920] =	vst v4;
	v4 =	vadd.s32 v4, v46  }
0x27a: {  	[tilespmem:v1+s25+$0x0] =	vst.idx.msk $0xffff, v2;
	v1 =	vand.u32 $0xFFFFFFF8, v4  }
0x27b: {  	v2 =	vld.idx.msk [tilespmem:v3+s5+$0x0], $0xffff;
	v1 =	vor.u32 v59, v1  }
0x27c: {  	v3 =	vor.u32 $0x4, v0;
	_ =	sdelay $0x1  }
0x27d: {  	v4 =	vadd.s32 $0x24, v55  }
0x27e: {  	[tilespmem:$0x1F930] =	vst v4;
	v4 =	vadd.s32 v4, v46  }
0x27f: {  	[tilespmem:v1+s25+$0x0] =	vst.idx.msk $0xffff, v2;
	v1 =	vand.u32 $0xFFFFFFF8, v4  }
0x280: {  	v2 =	vld.idx.msk [tilespmem:v3+s5+$0x0], $0xffff;
	v1 =	vor.u32 v60, v1  }
0x281: {  	v3 =	vor.u32 $0x5, v0;
	_ =	sdelay $0x1  }
0x282: {  	v4 =	vadd.s32 $0x25, v55  }
0x283: {  	[tilespmem:$0x1F940] =	vst v4;
	v4 =	vadd.s32 v4, v46  }
0x284: {  	[tilespmem:v1+s25+$0x0] =	vst.idx.msk $0xffff, v2;
	v1 =	vand.u32 $0xFFFFFFF8, v4  }
0x285: {  	v2 =	vld.idx.msk [tilespmem:v3+s5+$0x0], $0xffff;
	v1 =	vor.u32 v61, v1  }
0x286: {  	v3 =	vor.u32 $0x6, v0;
	_ =	sdelay $0x1  }
0x287: {  	v4 =	vadd.s32 $0x26, v55  }
0x288: {  	[tilespmem:$0x1F950] =	vst v4;
	v4 =	vadd.s32 v4, v46  }
0x289: {  	[tilespmem:v1+s25+$0x0] =	vst.idx.msk $0xffff, v2;
	v1 =	vand.u32 $0xFFFFFFF8, v4  }
0x28a: {  	v2 =	vld.idx.msk [tilespmem:v3+s5+$0x0], $0xffff;
	v1 =	vor.u32 v62, v1  }
0x28b: {  	v3 =	vor.u32 $0x7, v0;
	_ =	sdelay $0x1  }
0x28c: {  	v4 =	vadd.s32 $0x27, v55  }
0x28d: {  	[tilespmem:$0x1F960] =	vst v4;
	v4 =	vadd.s32 v4, v46  }
0x28e: {  	[tilespmem:v1+s25+$0x0] =	vst.idx.msk $0xffff, v2;
	v1 =	vand.u32 $0xFFFFFFF8, v4  }
0x28f: {  	v2 =	vld.idx.msk [tilespmem:v3+s5+$0x0], $0xffff;
	v1 =	vor.u32 v63, v1  }
0x290: {  	v3 =	vor.u32 $0x8, v0;
	_ =	sdelay $0x1  }
0x291: {  	v4 =	vadd.s32 $0x28, v55  }
0x292: {  	[tilespmem:$0x1F970] =	vst v4;
	v4 =	vadd.s32 v4, v46  }
0x293: {  	[tilespmem:v1+s25+$0x0] =	vst.idx.msk $0xffff, v2;
	v1 =	vand.u32 $0xFFFFFFF8, v4  }
0x294: {  	v2 =	vld.idx.msk [tilespmem:v3+s5+$0x0], $0xffff;
	v1 =	vor.u32 v56, v1  }
0x295: {  	v3 =	vor.u32 $0x9, v0;
	_ =	sdelay $0x1  }
0x296: {  	v4 =	vadd.s32 $0x29, v55  }
0x297: {  	[tilespmem:$0x1F980] =	vst v4;
	v4 =	vadd.s32 v4, v46  }
0x298: {  	[tilespmem:v1+s25+$0x0] =	vst.idx.msk $0xffff, v2;
	v1 =	vand.u32 $0xFFFFFFF8, v4  }
0x299: {  	v2 =	vld.idx.msk [tilespmem:v3+s5+$0x0], $0xffff;
	v1 =	vor.u32 v57, v1  }
0x29a: {  	v3 =	vor.u32 $0xA, v0;
	_ =	sdelay $0x1  }
0x29b: {  	v4 =	vadd.s32 $0x2A, v55  }
0x29c: {  	[tilespmem:$0x1F990] =	vst v4;
	v4 =	vadd.s32 v4, v46  }
0x29d: {  	[tilespmem:v1+s25+$0x0] =	vst.idx.msk $0xffff, v2;
	v1 =	vand.u32 $0xFFFFFFF8, v4  }
0x29e: {  	v2 =	vld.idx.msk [tilespmem:v3+s5+$0x0], $0xffff;
	v1 =	vor.u32 v58, v1  }
0x29f: {  	v3 =	vor.u32 $0xB, v0;
	_ =	sdelay $0x1  }
0x2a0: {  	v4 =	vadd.s32 $0x2B, v55  }
0x2a1: {  	[tilespmem:$0x1F9A0] =	vst v4;
	v4 =	vadd.s32 v4, v46  }
0x2a2: {  	[tilespmem:v1+s25+$0x0] =	vst.idx.msk $0xffff, v2;
	v1 =	vand.u32 $0xFFFFFFF8, v4  }
0x2a3: {  	v2 =	vld.idx.msk [tilespmem:v3+s5+$0x0], $0xffff;
	v1 =	vor.u32 v59, v1  }
0x2a4: {  	v3 =	vor.u32 $0xC, v0;
	_ =	sdelay $0x1  }
0x2a5: {  	v4 =	vadd.s32 $0x2C, v55  }
0x2a6: {  	[tilespmem:$0x1F9B0] =	vst v4;
	v4 =	vadd.s32 v4, v46  }
0x2a7: {  	[tilespmem:v1+s25+$0x0] =	vst.idx.msk $0xffff, v2;
	v1 =	vand.u32 $0xFFFFFFF8, v4  }
0x2a8: {  	v2 =	vld.idx.msk [tilespmem:v3+s5+$0x0], $0xffff;
	v1 =	vor.u32 v60, v1  }
0x2a9: {  	v3 =	vor.u32 $0xD, v0;
	_ =	sdelay $0x1  }
0x2aa: {  	v4 =	vadd.s32 $0x2D, v55  }
0x2ab: {  	[tilespmem:$0x1F9C0] =	vst v4;
	v4 =	vadd.s32 v4, v46  }
0x2ac: {  	[tilespmem:v1+s25+$0x0] =	vst.idx.msk $0xffff, v2;
	v1 =	vand.u32 $0xFFFFFFF8, v4  }
0x2ad: {  	v2 =	vld.idx.msk [tilespmem:v3+s5+$0x0], $0xffff;
	v1 =	vor.u32 v61, v1  }
0x2ae: {  	v3 =	vor.u32 $0xE, v0;
	_ =	sdelay $0x1  }
0x2af: {  	v4 =	vadd.s32 $0x2E, v55  }
0x2b0: {  	[tilespmem:$0x1F9D0] =	vst v4;
	v4 =	vadd.s32 v4, v46  }
0x2b1: {  	[tilespmem:v1+s25+$0x0] =	vst.idx.msk $0xffff, v2;
	v1 =	vand.u32 $0xFFFFFFF8, v4  }
0x2b2: {  	v2 =	vld.idx.msk [tilespmem:v3+s5+$0x0], $0xffff;
	v1 =	vor.u32 v62, v1  }
0x2b3: {  	v0 =	vor.u32 $0xF, v0;
	_ =	sdelay $0x1  }
0x2b4: {  	v3 =	vadd.s32 $0x2F, v55  }
0x2b5: {  	[tilespmem:$0x1F9E0] =	vst v3;
	v3 =	vadd.s32 v3, v46  }
0x2b6: {  	[tilespmem:v1+s25+$0x0] =	vst.idx.msk $0xffff, v2;
	v1 =	vand.u32 $0xFFFFFFF8, v3  }
0x2b7: {  	v0 =	vld.idx.msk [tilespmem:v0+s5+$0x0], $0xffff;
	v1 =	vor.u32 v63, v1;
	_ =	sdelay $0x4  }
0x2b8: {  	[tilespmem:v1+s25+$0x0] =	vst.idx.msk $0xffff, v0  }
0x2b9: {  	v0 =	vld [tilespmem:s8+$0x0];
	_ =	sdelay $0x4  }
0x2ba: {  	v0 =	vshll.u32 v0, $0x4;
	_ =	sdelay $0x1  }
0x2bb: {  	v1 =	vadd.s32 $0x30, v55  }
0x2bc: {  	[tilespmem:$0x1F9F0] =	vst v1;
	v1 =	vadd.s32 v1, v46  }
0x2bd: {  	v1 =	vand.u32 $0xFFFFFFF8, v1  }
0x2be: {  	v1 =	vor.u32 v56, v1;
	v2 =	vld.idx.msk [tilespmem:v0+s15+$0x0], $0xffff  }
0x2bf: {  	v3 =	vor.u32 $0x1, v0;
	_ =	sdelay $0x1  }
0x2c0: {  	v4 =	vadd.s32 $0x31, v55  }
0x2c1: {  	[tilespmem:$0x1FA00] =	vst v4;
	v4 =	vadd.s32 v4, v46  }
0x2c2: {  	[tilespmem:v1+s25+$0x0] =	vst.idx.msk $0xffff, v2;
	v1 =	vand.u32 $0xFFFFFFF8, v4  }
0x2c3: {  	v2 =	vld.idx.msk [tilespmem:v3+s15+$0x0], $0xffff;
	v1 =	vor.u32 v57, v1  }
0x2c4: {  	v3 =	vor.u32 $0x2, v0;
	_ =	sdelay $0x1  }
0x2c5: {  	v4 =	vadd.s32 $0x32, v55  }
0x2c6: {  	[tilespmem:$0x1FA10] =	vst v4;
	v4 =	vadd.s32 v4, v46  }
0x2c7: {  	[tilespmem:v1+s25+$0x0] =	vst.idx.msk $0xffff, v2;
	v1 =	vand.u32 $0xFFFFFFF8, v4  }
0x2c8: {  	v2 =	vld.idx.msk [tilespmem:v3+s15+$0x0], $0xffff;
	v1 =	vor.u32 v58, v1  }
0x2c9: {  	v3 =	vor.u32 $0x3, v0;
	_ =	sdelay $0x1  }
0x2ca: {  	v4 =	vadd.s32 $0x33, v55  }
0x2cb: {  	[tilespmem:$0x1FA20] =	vst v4;
	v4 =	vadd.s32 v4, v46  }
0x2cc: {  	[tilespmem:v1+s25+$0x0] =	vst.idx.msk $0xffff, v2;
	v1 =	vand.u32 $0xFFFFFFF8, v4  }
0x2cd: {  	v2 =	vld.idx.msk [tilespmem:v3+s15+$0x0], $0xffff;
	v1 =	vor.u32 v59, v1  }
0x2ce: {  	v3 =	vor.u32 $0x4, v0;
	_ =	sdelay $0x1  }
0x2cf: {  	v4 =	vadd.s32 $0x34, v55  }
0x2d0: {  	[tilespmem:$0x1FA30] =	vst v4;
	v4 =	vadd.s32 v4, v46  }
0x2d1: {  	[tilespmem:v1+s25+$0x0] =	vst.idx.msk $0xffff, v2;
	v1 =	vand.u32 $0xFFFFFFF8, v4  }
0x2d2: {  	v2 =	vld.idx.msk [tilespmem:v3+s15+$0x0], $0xffff;
	v1 =	vor.u32 v60, v1  }
0x2d3: {  	v3 =	vor.u32 $0x5, v0;
	_ =	sdelay $0x1  }
0x2d4: {  	v4 =	vadd.s32 $0x35, v55  }
0x2d5: {  	[tilespmem:$0x1FA40] =	vst v4;
	v4 =	vadd.s32 v4, v46  }
0x2d6: {  	[tilespmem:v1+s25+$0x0] =	vst.idx.msk $0xffff, v2;
	v1 =	vand.u32 $0xFFFFFFF8, v4  }
0x2d7: {  	v2 =	vld.idx.msk [tilespmem:v3+s15+$0x0], $0xffff;
	v1 =	vor.u32 v61, v1  }
0x2d8: {  	v3 =	vor.u32 $0x6, v0;
	_ =	sdelay $0x1  }
0x2d9: {  	v4 =	vadd.s32 $0x36, v55  }
0x2da: {  	[tilespmem:$0x1FA50] =	vst v4;
	v4 =	vadd.s32 v4, v46  }
0x2db: {  	[tilespmem:v1+s25+$0x0] =	vst.idx.msk $0xffff, v2;
	v1 =	vand.u32 $0xFFFFFFF8, v4  }
0x2dc: {  	v2 =	vld.idx.msk [tilespmem:v3+s15+$0x0], $0xffff;
	v1 =	vor.u32 v62, v1  }
0x2dd: {  	v3 =	vor.u32 $0x7, v0;
	_ =	sdelay $0x1  }
0x2de: {  	v4 =	vadd.s32 $0x37, v55  }
0x2df: {  	[tilespmem:$0x1FA60] =	vst v4;
	v4 =	vadd.s32 v4, v46  }
0x2e0: {  	[tilespmem:v1+s25+$0x0] =	vst.idx.msk $0xffff, v2;
	v1 =	vand.u32 $0xFFFFFFF8, v4  }
0x2e1: {  	v2 =	vld.idx.msk [tilespmem:v3+s15+$0x0], $0xffff;
	v1 =	vor.u32 v63, v1  }
0x2e2: {  	v3 =	vor.u32 $0x8, v0;
	_ =	sdelay $0x1  }
0x2e3: {  	v4 =	vadd.s32 $0x38, v55  }
0x2e4: {  	[tilespmem:$0x1FA70] =	vst v4;
	v4 =	vadd.s32 v4, v46  }
0x2e5: {  	[tilespmem:v1+s25+$0x0] =	vst.idx.msk $0xffff, v2;
	v1 =	vand.u32 $0xFFFFFFF8, v4  }
0x2e6: {  	v2 =	vld.idx.msk [tilespmem:v3+s15+$0x0], $0xffff;
	v1 =	vor.u32 v56, v1  }
0x2e7: {  	v3 =	vor.u32 $0x9, v0;
	_ =	sdelay $0x1  }
0x2e8: {  	v4 =	vadd.s32 $0x39, v55  }
0x2e9: {  	[tilespmem:$0x1FA80] =	vst v4;
	v4 =	vadd.s32 v4, v46  }
0x2ea: {  	[tilespmem:v1+s25+$0x0] =	vst.idx.msk $0xffff, v2;
	v1 =	vand.u32 $0xFFFFFFF8, v4  }
0x2eb: {  	v2 =	vld.idx.msk [tilespmem:v3+s15+$0x0], $0xffff;
	v1 =	vor.u32 v57, v1  }
0x2ec: {  	v3 =	vor.u32 $0xA, v0;
	_ =	sdelay $0x1  }
0x2ed: {  	v4 =	vadd.s32 $0x3A, v55  }
0x2ee: {  	[tilespmem:$0x1FA90] =	vst v4;
	v4 =	vadd.s32 v4, v46  }
0x2ef: {  	[tilespmem:v1+s25+$0x0] =	vst.idx.msk $0xffff, v2;
	v1 =	vand.u32 $0xFFFFFFF8, v4  }
0x2f0: {  	v2 =	vld.idx.msk [tilespmem:v3+s15+$0x0], $0xffff;
	v1 =	vor.u32 v58, v1  }
0x2f1: {  	v3 =	vor.u32 $0xB, v0;
	_ =	sdelay $0x1  }
0x2f2: {  	v4 =	vadd.s32 $0x3B, v55  }
0x2f3: {  	[tilespmem:$0x1FAA0] =	vst v4;
	v4 =	vadd.s32 v4, v46  }
0x2f4: {  	[tilespmem:v1+s25+$0x0] =	vst.idx.msk $0xffff, v2;
	v1 =	vand.u32 $0xFFFFFFF8, v4  }
0x2f5: {  	v2 =	vld.idx.msk [tilespmem:v3+s15+$0x0], $0xffff;
	v1 =	vor.u32 v59, v1  }
0x2f6: {  	v3 =	vor.u32 $0xC, v0;
	_ =	sdelay $0x1  }
0x2f7: {  	v4 =	vadd.s32 $0x3C, v55  }
0x2f8: {  	[tilespmem:$0x1FAB0] =	vst v4;
	v4 =	vadd.s32 v4, v46  }
0x2f9: {  	[tilespmem:v1+s25+$0x0] =	vst.idx.msk $0xffff, v2;
	v1 =	vand.u32 $0xFFFFFFF8, v4  }
0x2fa: {  	v2 =	vld.idx.msk [tilespmem:v3+s15+$0x0], $0xffff;
	v1 =	vor.u32 v60, v1  }
0x2fb: {  	v3 =	vor.u32 $0xD, v0;
	_ =	sdelay $0x1  }
0x2fc: {  	v4 =	vadd.s32 $0x3D, v55  }
0x2fd: {  	[tilespmem:$0x1FAC0] =	vst v4;
	v4 =	vadd.s32 v4, v46  }
0x2fe: {  	[tilespmem:v1+s25+$0x0] =	vst.idx.msk $0xffff, v2;
	v1 =	vand.u32 $0xFFFFFFF8, v4  }
0x2ff: {  	v2 =	vld.idx.msk [tilespmem:v3+s15+$0x0], $0xffff;
	v1 =	vor.u32 v61, v1  }
0x300: {  	v3 =	vor.u32 $0xE, v0;
	_ =	sdelay $0x1  }
0x301: {  	v4 =	vadd.s32 $0x3E, v55  }
0x302: {  	[tilespmem:$0x1FAD0] =	vst v4;
	v4 =	vadd.s32 v4, v46  }
0x303: {  	[tilespmem:v1+s25+$0x0] =	vst.idx.msk $0xffff, v2;
	v1 =	vand.u32 $0xFFFFFFF8, v4  }
0x304: {  	v2 =	vld.idx.msk [tilespmem:v3+s15+$0x0], $0xffff;
	v1 =	vor.u32 v62, v1  }
0x305: {  	v0 =	vor.u32 $0xF, v0;
	_ =	sdelay $0x1  }
0x306: {  	v3 =	vadd.s32 $0x3F, v55  }
0x307: {  	[tilespmem:$0x1FAE0] =	vst v3;
	v3 =	vadd.s32 v3, v46  }
0x308: {  	[tilespmem:v1+s25+$0x0] =	vst.idx.msk $0xffff, v2;
	v1 =	vand.u32 $0xFFFFFFF8, v3  }
0x309: {  	v0 =	vld.idx.msk [tilespmem:v0+s15+$0x0], $0xffff;
	v1 =	vor.u32 v63, v1;
	_ =	sdelay $0x4  }
0x30a: {  	[tilespmem:v1+s25+$0x0] =	vst.idx.msk $0xffff, v0  }
0x30b: {  	v0 =	vld [tilespmem:s10+$0x0];
	_ =	sdelay $0x4  }
0x30c: {  	v0 =	vshll.u32 v0, $0x4;
	_ =	sdelay $0x1  }
0x30d: {  	v1 =	vadd.s32 $0x40, v55  }
0x30e: {  	[tilespmem:$0x1FAF0] =	vst v1;
	v1 =	vadd.s32 v1, v46  }
0x30f: {  	v1 =	vand.u32 $0xFFFFFFF8, v1  }
0x310: {  	v1 =	vor.u32 v56, v1;
	v2 =	vld.idx.msk [tilespmem:v0+s16+$0x0], $0xffff  }
0x311: {  	v3 =	vor.u32 $0x1, v0;
	_ =	sdelay $0x1  }
0x312: {  	v4 =	vadd.s32 $0x41, v55  }
0x313: {  	[tilespmem:$0x1FB00] =	vst v4;
	v4 =	vadd.s32 v4, v46  }
0x314: {  	[tilespmem:v1+s25+$0x0] =	vst.idx.msk $0xffff, v2;
	v1 =	vand.u32 $0xFFFFFFF8, v4  }
0x315: {  	v2 =	vld.idx.msk [tilespmem:v3+s16+$0x0], $0xffff;
	v1 =	vor.u32 v57, v1  }
0x316: {  	v3 =	vor.u32 $0x2, v0;
	_ =	sdelay $0x1  }
0x317: {  	v4 =	vadd.s32 $0x42, v55  }
0x318: {  	[tilespmem:$0x1FB10] =	vst v4;
	v4 =	vadd.s32 v4, v46  }
0x319: {  	[tilespmem:v1+s25+$0x0] =	vst.idx.msk $0xffff, v2;
	v1 =	vand.u32 $0xFFFFFFF8, v4  }
0x31a: {  	v2 =	vld.idx.msk [tilespmem:v3+s16+$0x0], $0xffff;
	v1 =	vor.u32 v58, v1  }
0x31b: {  	v3 =	vor.u32 $0x3, v0;
	_ =	sdelay $0x1  }
0x31c: {  	v4 =	vadd.s32 $0x43, v55  }
0x31d: {  	[tilespmem:$0x1FB20] =	vst v4;
	v4 =	vadd.s32 v4, v46  }
0x31e: {  	[tilespmem:v1+s25+$0x0] =	vst.idx.msk $0xffff, v2;
	v1 =	vand.u32 $0xFFFFFFF8, v4  }
0x31f: {  	v2 =	vld.idx.msk [tilespmem:v3+s16+$0x0], $0xffff;
	v1 =	vor.u32 v59, v1  }
0x320: {  	v3 =	vor.u32 $0x4, v0;
	_ =	sdelay $0x1  }
0x321: {  	v4 =	vadd.s32 $0x44, v55  }
0x322: {  	[tilespmem:$0x1FB30] =	vst v4;
	v4 =	vadd.s32 v4, v46  }
0x323: {  	[tilespmem:v1+s25+$0x0] =	vst.idx.msk $0xffff, v2;
	v1 =	vand.u32 $0xFFFFFFF8, v4  }
0x324: {  	v2 =	vld.idx.msk [tilespmem:v3+s16+$0x0], $0xffff;
	v1 =	vor.u32 v60, v1  }
0x325: {  	v3 =	vor.u32 $0x5, v0;
	_ =	sdelay $0x1  }
0x326: {  	v4 =	vadd.s32 $0x45, v55  }
0x327: {  	[tilespmem:$0x1FB40] =	vst v4;
	v4 =	vadd.s32 v4, v46  }
0x328: {  	[tilespmem:v1+s25+$0x0] =	vst.idx.msk $0xffff, v2;
	v1 =	vand.u32 $0xFFFFFFF8, v4  }
0x329: {  	v2 =	vld.idx.msk [tilespmem:v3+s16+$0x0], $0xffff;
	v1 =	vor.u32 v61, v1  }
0x32a: {  	v3 =	vor.u32 $0x6, v0;
	_ =	sdelay $0x1  }
0x32b: {  	v4 =	vadd.s32 $0x46, v55  }
0x32c: {  	[tilespmem:$0x1FB50] =	vst v4;
	v4 =	vadd.s32 v4, v46  }
0x32d: {  	[tilespmem:v1+s25+$0x0] =	vst.idx.msk $0xffff, v2;
	v1 =	vand.u32 $0xFFFFFFF8, v4  }
0x32e: {  	v2 =	vld.idx.msk [tilespmem:v3+s16+$0x0], $0xffff;
	v1 =	vor.u32 v62, v1  }
0x32f: {  	v3 =	vor.u32 $0x7, v0;
	_ =	sdelay $0x1  }
0x330: {  	v4 =	vadd.s32 $0x47, v55  }
0x331: {  	[tilespmem:$0x1FB60] =	vst v4;
	v4 =	vadd.s32 v4, v46  }
0x332: {  	[tilespmem:v1+s25+$0x0] =	vst.idx.msk $0xffff, v2;
	v1 =	vand.u32 $0xFFFFFFF8, v4  }
0x333: {  	v2 =	vld.idx.msk [tilespmem:v3+s16+$0x0], $0xffff;
	v1 =	vor.u32 v63, v1  }
0x334: {  	v3 =	vor.u32 $0x8, v0;
	_ =	sdelay $0x1  }
0x335: {  	v4 =	vadd.s32 $0x48, v55  }
0x336: {  	[tilespmem:$0x1FB70] =	vst v4;
	v4 =	vadd.s32 v4, v46  }
0x337: {  	[tilespmem:v1+s25+$0x0] =	vst.idx.msk $0xffff, v2;
	v1 =	vand.u32 $0xFFFFFFF8, v4  }
0x338: {  	v2 =	vld.idx.msk [tilespmem:v3+s16+$0x0], $0xffff;
	v1 =	vor.u32 v56, v1  }
0x339: {  	v3 =	vor.u32 $0x9, v0;
	_ =	sdelay $0x1  }
0x33a: {  	v4 =	vadd.s32 $0x49, v55  }
0x33b: {  	[tilespmem:$0x1FB80] =	vst v4;
	v4 =	vadd.s32 v4, v46  }
0x33c: {  	[tilespmem:v1+s25+$0x0] =	vst.idx.msk $0xffff, v2;
	v1 =	vand.u32 $0xFFFFFFF8, v4  }
0x33d: {  	v2 =	vld.idx.msk [tilespmem:v3+s16+$0x0], $0xffff;
	v1 =	vor.u32 v57, v1  }
0x33e: {  	v3 =	vor.u32 $0xA, v0;
	_ =	sdelay $0x1  }
0x33f: {  	v4 =	vadd.s32 $0x4A, v55  }
0x340: {  	[tilespmem:$0x1FB90] =	vst v4;
	v4 =	vadd.s32 v4, v46  }
0x341: {  	[tilespmem:v1+s25+$0x0] =	vst.idx.msk $0xffff, v2;
	v1 =	vand.u32 $0xFFFFFFF8, v4  }
0x342: {  	v2 =	vld.idx.msk [tilespmem:v3+s16+$0x0], $0xffff;
	v1 =	vor.u32 v58, v1  }
0x343: {  	v3 =	vor.u32 $0xB, v0;
	_ =	sdelay $0x1  }
0x344: {  	v4 =	vadd.s32 $0x4B, v55  }
0x345: {  	[tilespmem:$0x1FBA0] =	vst v4;
	v4 =	vadd.s32 v4, v46  }
0x346: {  	[tilespmem:v1+s25+$0x0] =	vst.idx.msk $0xffff, v2;
	v1 =	vand.u32 $0xFFFFFFF8, v4  }
0x347: {  	v2 =	vld.idx.msk [tilespmem:v3+s16+$0x0], $0xffff;
	v1 =	vor.u32 v59, v1  }
0x348: {  	v3 =	vor.u32 $0xC, v0;
	_ =	sdelay $0x1  }
0x349: {  	v4 =	vadd.s32 $0x4C, v55  }
0x34a: {  	[tilespmem:$0x1FBB0] =	vst v4;
	v4 =	vadd.s32 v4, v46  }
0x34b: {  	[tilespmem:v1+s25+$0x0] =	vst.idx.msk $0xffff, v2;
	v1 =	vand.u32 $0xFFFFFFF8, v4  }
0x34c: {  	v2 =	vld.idx.msk [tilespmem:v3+s16+$0x0], $0xffff;
	v1 =	vor.u32 v60, v1  }
0x34d: {  	v3 =	vor.u32 $0xD, v0;
	_ =	sdelay $0x1  }
0x34e: {  	v4 =	vadd.s32 $0x4D, v55  }
0x34f: {  	[tilespmem:$0x1FBC0] =	vst v4;
	v4 =	vadd.s32 v4, v46  }
0x350: {  	[tilespmem:v1+s25+$0x0] =	vst.idx.msk $0xffff, v2;
	v1 =	vand.u32 $0xFFFFFFF8, v4  }
0x351: {  	v2 =	vld.idx.msk [tilespmem:v3+s16+$0x0], $0xffff;
	v1 =	vor.u32 v61, v1  }
0x352: {  	v3 =	vor.u32 $0xE, v0;
	_ =	sdelay $0x1  }
0x353: {  	v4 =	vadd.s32 $0x4E, v55  }
0x354: {  	[tilespmem:$0x1FBD0] =	vst v4;
	v4 =	vadd.s32 v4, v46  }
0x355: {  	[tilespmem:v1+s25+$0x0] =	vst.idx.msk $0xffff, v2;
	v1 =	vand.u32 $0xFFFFFFF8, v4  }
0x356: {  	v2 =	vld.idx.msk [tilespmem:v3+s16+$0x0], $0xffff;
	v1 =	vor.u32 v62, v1  }
0x357: {  	v0 =	vor.u32 $0xF, v0;
	_ =	sdelay $0x1  }
0x358: {  	v53 =	vadd.s32 $0x4F, v55  }
0x359: {  	v3 =	vadd.s32 v53, v46  }
0x35a: {  	[tilespmem:v1+s25+$0x0] =	vst.idx.msk $0xffff, v2;
	v1 =	vand.u32 $0xFFFFFFF8, v3  }
0x35b: {  	v0 =	vld.idx.msk [tilespmem:v0+s16+$0x0], $0xffff;
	v1 =	vor.u32 v63, v1;
	_ =	sdelay $0x4  }
0x35c: {  	[tilespmem:v1+s25+$0x0] =	vst.idx.msk $0xffff, v0  }
0x35d: {  	v0 =	vld [tilespmem:s11+$0x0];
	_ =	sdelay $0x4  }
0x35e: {  	v13 =	vshll.u32 v0, $0x4;
	_ =	sdelay $0x1  }
0x35f: {  	v54 =	vadd.s32 $0x50, v55  }
0x360: {  	v0 =	vadd.s32 v54, v46  }
0x361: {  	v0 =	vand.u32 $0xFFFFFFF8, v0  }
0x362: {  	v2 =	vor.u32 v56, v0;
	v1 =	vld.idx.msk [tilespmem:v13+s16+$0x0], $0xffff  }
0x363: {  	v3 =	vor.u32 $0x1, v13;
	_ =	sdelay $0x1  }
0x364: {  	v0 =	vadd.s32 $0x51, v55  }
0x365: {  	v4 =	vadd.s32 v0, v46  }
0x366: {  	[tilespmem:v2+s25+$0x0] =	vst.idx.msk $0xffff, v1;
	v1 =	vand.u32 $0xFFFFFFF8, v4  }
0x367: {  	v2 =	vld.idx.msk [tilespmem:v3+s16+$0x0], $0xffff;
	v1 =	vor.u32 v57, v1  }
0x368: {  	v3 =	vor.u32 $0x2, v13;
	_ =	sdelay $0x1  }
0x369: {  	v52 =	vadd.s32 $0x52, v55  }
0x36a: {  	v4 =	vadd.s32 v52, v46  }
0x36b: {  	[tilespmem:v1+s25+$0x0] =	vst.idx.msk $0xffff, v2;
	v1 =	vand.u32 $0xFFFFFFF8, v4  }
0x36c: {  	v2 =	vld.idx.msk [tilespmem:v3+s16+$0x0], $0xffff;
	v1 =	vor.u32 v58, v1  }
0x36d: {  	v3 =	vor.u32 $0x3, v13;
	_ =	sdelay $0x1  }
0x36e: {  	v51 =	vadd.s32 $0x53, v55  }
0x36f: {  	v4 =	vadd.s32 v51, v46  }
0x370: {  	[tilespmem:v1+s25+$0x0] =	vst.idx.msk $0xffff, v2;
	v1 =	vand.u32 $0xFFFFFFF8, v4  }
0x371: {  	v2 =	vld.idx.msk [tilespmem:v3+s16+$0x0], $0xffff;
	v3 =	vor.u32 v59, v1  }
0x372: {  	v4 =	vor.u32 $0x4, v13;
	_ =	sdelay $0x1  }
0x373: {  	v1 =	vadd.s32 $0x54, v55  }
0x374: {  	v6 =	vadd.s32 v1, v46  }
0x375: {  	[tilespmem:v3+s25+$0x0] =	vst.idx.msk $0xffff, v2;
	v2 =	vand.u32 $0xFFFFFFF8, v6  }
0x376: {  	v3 =	vld.idx.msk [tilespmem:v4+s16+$0x0], $0xffff;
	v4 =	vor.u32 v60, v2  }
0x377: {  	v6 =	vor.u32 $0x5, v13;
	_ =	sdelay $0x1  }
0x378: {  	v2 =	vadd.s32 $0x55, v55  }
0x379: {  	v7 =	vadd.s32 v2, v46  }
0x37a: {  	[tilespmem:v4+s25+$0x0] =	vst.idx.msk $0xffff, v3;
	v3 =	vand.u32 $0xFFFFFFF8, v7  }
0x37b: {  	v4 =	vld.idx.msk [tilespmem:v6+s16+$0x0], $0xffff;
	v6 =	vor.u32 v61, v3  }
0x37c: {  	v7 =	vor.u32 $0x6, v13;
	_ =	sdelay $0x1  }
0x37d: {  	v3 =	vadd.s32 $0x56, v55  }
0x37e: {  	v8 =	vadd.s32 v3, v46  }
0x37f: {  	[tilespmem:v6+s25+$0x0] =	vst.idx.msk $0xffff, v4;
	v4 =	vand.u32 $0xFFFFFFF8, v8  }
0x380: {  	v6 =	vld.idx.msk [tilespmem:v7+s16+$0x0], $0xffff;
	v7 =	vor.u32 v62, v4  }
0x381: {  	v8 =	vor.u32 $0x7, v13;
	_ =	sdelay $0x1  }
0x382: {  	v4 =	vadd.s32 $0x57, v55  }
0x383: {  	v9 =	vadd.s32 v4, v46  }
0x384: {  	[tilespmem:v7+s25+$0x0] =	vst.idx.msk $0xffff, v6;
	v6 =	vand.u32 $0xFFFFFFF8, v9  }
0x385: {  	v7 =	vld.idx.msk [tilespmem:v8+s16+$0x0], $0xffff;
	v8 =	vor.u32 v63, v6  }
0x386: {  	v9 =	vor.u32 $0x8, v13;
	_ =	sdelay $0x1  }
0x387: {  	v6 =	vadd.s32 $0x58, v55  }
0x388: {  	v10 =	vadd.s32 v6, v46  }
0x389: {  	[tilespmem:v8+s25+$0x0] =	vst.idx.msk $0xffff, v7;
	v7 =	vand.u32 $0xFFFFFFF8, v10  }
0x38a: {  	v8 =	vld.idx.msk [tilespmem:v9+s16+$0x0], $0xffff;
	v9 =	vor.u32 v56, v7  }
0x38b: {  	v10 =	vor.u32 $0x9, v13;
	_ =	sdelay $0x1  }
0x38c: {  	v7 =	vadd.s32 $0x59, v55  }
0x38d: {  	v11 =	vadd.s32 v7, v46  }
0x38e: {  	[tilespmem:v9+s25+$0x0] =	vst.idx.msk $0xffff, v8;
	v8 =	vand.u32 $0xFFFFFFF8, v11  }
0x38f: {  	v9 =	vld.idx.msk [tilespmem:v10+s16+$0x0], $0xffff;
	v10 =	vor.u32 v57, v8  }
0x390: {  	v11 =	vor.u32 $0xA, v13;
	_ =	sdelay $0x1  }
0x391: {  	v8 =	vadd.s32 $0x5A, v55  }
0x392: {  	v12 =	vadd.s32 v8, v46  }
0x393: {  	[tilespmem:v10+s25+$0x0] =	vst.idx.msk $0xffff, v9;
	v9 =	vand.u32 $0xFFFFFFF8, v12  }
0x394: {  	v10 =	vld.idx.msk [tilespmem:v11+s16+$0x0], $0xffff;
	v11 =	vor.u32 v58, v9  }
0x395: {  	v12 =	vor.u32 $0xB, v13;
	_ =	sdelay $0x1  }
0x396: {  	v9 =	vadd.s32 $0x5B, v55  }
0x397: {  	v14 =	vadd.s32 v9, v46  }
0x398: {  	[tilespmem:v11+s25+$0x0] =	vst.idx.msk $0xffff, v10;
	v10 =	vand.u32 $0xFFFFFFF8, v14  }
0x399: {  	v11 =	vld.idx.msk [tilespmem:v12+s16+$0x0], $0xffff;
	v12 =	vor.u32 v59, v10  }
0x39a: {  	v14 =	vor.u32 $0xC, v13;
	_ =	sdelay $0x1  }
0x39b: {  	v10 =	vadd.s32 $0x5C, v55  }
0x39c: {  	v15 =	vadd.s32 v10, v46  }
0x39d: {  	[tilespmem:v12+s25+$0x0] =	vst.idx.msk $0xffff, v11;
	v11 =	vand.u32 $0xFFFFFFF8, v15  }
0x39e: {  	v12 =	vld.idx.msk [tilespmem:v14+s16+$0x0], $0xffff;
	v14 =	vor.u32 v60, v11  }
0x39f: {  	v15 =	vor.u32 $0xD, v13;
	_ =	sdelay $0x1  }
0x3a0: {  	v11 =	vadd.s32 $0x5D, v55  }
0x3a1: {  	v16 =	vadd.s32 v11, v46  }
0x3a2: {  	[tilespmem:v14+s25+$0x0] =	vst.idx.msk $0xffff, v12;
	v12 =	vand.u32 $0xFFFFFFF8, v16  }
0x3a3: {  	v14 =	vld.idx.msk [tilespmem:v15+s16+$0x0], $0xffff;
	v15 =	vor.u32 v61, v12  }
0x3a4: {  	v16 =	vor.u32 $0xE, v13;
	_ =	sdelay $0x1  }
0x3a5: {  	v12 =	vadd.s32 $0x5E, v55  }
0x3a6: {  	v17 =	vadd.s32 v12, v46  }
0x3a7: {  	[tilespmem:v15+s25+$0x0] =	vst.idx.msk $0xffff, v14;
	v14 =	vand.u32 $0xFFFFFFF8, v17  }
0x3a8: {  	v15 =	vld.idx.msk [tilespmem:v16+s16+$0x0], $0xffff;
	v14 =	vor.u32 v62, v14  }
0x3a9: {  	v16 =	vor.u32 $0xF, v13;
	_ =	sdelay $0x1  }
0x3aa: {  	v13 =	vadd.s32 $0x5F, v55  }
0x3ab: {  	v17 =	vadd.s32 v13, v46  }
0x3ac: {  	[tilespmem:v14+s25+$0x0] =	vst.idx.msk $0xffff, v15;
	v14 =	vand.u32 $0xFFFFFFF8, v17  }
0x3ad: {  	v15 =	vld.idx.msk [tilespmem:v16+s16+$0x0], $0xffff;
	v14 =	vor.u32 v63, v14;
	_ =	sdelay $0x4  }
0x3ae: {  	[tilespmem:v14+s25+$0x0] =	vst.idx.msk $0xffff, v15  }
0x3af: {  	v14 =	vld [tilespmem:s12+$0x0];
	_ =	sdelay $0x4  }
0x3b0: {  	v29 =	vshll.u32 v14, $0x4;
	_ =	sdelay $0x1  }
0x3b1: {  	v14 =	vadd.s32 $0x60, v55  }
0x3b2: {  	v15 =	vadd.s32 v14, v46  }
0x3b3: {  	v15 =	vand.u32 $0xFFFFFFF8, v15  }
0x3b4: {  	v16 =	vor.u32 v56, v15;
	v17 =	vld.idx.msk [tilespmem:v29+s16+$0x0], $0xffff  }
0x3b5: {  	v18 =	vor.u32 $0x1, v29;
	_ =	sdelay $0x1  }
0x3b6: {  	v15 =	vadd.s32 $0x61, v55  }
0x3b7: {  	v19 =	vadd.s32 v15, v46  }
0x3b8: {  	[tilespmem:v16+s25+$0x0] =	vst.idx.msk $0xffff, v17;
	v16 =	vand.u32 $0xFFFFFFF8, v19  }
0x3b9: {  	v17 =	vld.idx.msk [tilespmem:v18+s16+$0x0], $0xffff;
	v18 =	vor.u32 v57, v16  }
0x3ba: {  	v19 =	vor.u32 $0x2, v29;
	_ =	sdelay $0x1  }
0x3bb: {  	v16 =	vadd.s32 $0x62, v55  }
0x3bc: {  	v20 =	vadd.s32 v16, v46  }
0x3bd: {  	[tilespmem:v18+s25+$0x0] =	vst.idx.msk $0xffff, v17;
	v17 =	vand.u32 $0xFFFFFFF8, v20  }
0x3be: {  	v18 =	vld.idx.msk [tilespmem:v19+s16+$0x0], $0xffff;
	v19 =	vor.u32 v58, v17  }
0x3bf: {  	v20 =	vor.u32 $0x3, v29;
	_ =	sdelay $0x1  }
0x3c0: {  	v17 =	vadd.s32 $0x63, v55  }
0x3c1: {  	v21 =	vadd.s32 v17, v46  }
0x3c2: {  	[tilespmem:v19+s25+$0x0] =	vst.idx.msk $0xffff, v18;
	v18 =	vand.u32 $0xFFFFFFF8, v21  }
0x3c3: {  	v19 =	vld.idx.msk [tilespmem:v20+s16+$0x0], $0xffff;
	v20 =	vor.u32 v59, v18  }
0x3c4: {  	v21 =	vor.u32 $0x4, v29;
	_ =	sdelay $0x1  }
0x3c5: {  	v18 =	vadd.s32 $0x64, v55  }
0x3c6: {  	v22 =	vadd.s32 v18, v46  }
0x3c7: {  	[tilespmem:v20+s25+$0x0] =	vst.idx.msk $0xffff, v19;
	v19 =	vand.u32 $0xFFFFFFF8, v22  }
0x3c8: {  	v20 =	vld.idx.msk [tilespmem:v21+s16+$0x0], $0xffff;
	v21 =	vor.u32 v60, v19  }
0x3c9: {  	v22 =	vor.u32 $0x5, v29;
	_ =	sdelay $0x1  }
0x3ca: {  	v19 =	vadd.s32 $0x65, v55  }
0x3cb: {  	v23 =	vadd.s32 v19, v46  }
0x3cc: {  	[tilespmem:v21+s25+$0x0] =	vst.idx.msk $0xffff, v20;
	v20 =	vand.u32 $0xFFFFFFF8, v23  }
0x3cd: {  	v21 =	vld.idx.msk [tilespmem:v22+s16+$0x0], $0xffff;
	v22 =	vor.u32 v61, v20  }
0x3ce: {  	v23 =	vor.u32 $0x6, v29;
	_ =	sdelay $0x1  }
0x3cf: {  	v20 =	vadd.s32 $0x66, v55  }
0x3d0: {  	v24 =	vadd.s32 v20, v46  }
0x3d1: {  	[tilespmem:v22+s25+$0x0] =	vst.idx.msk $0xffff, v21;
	v21 =	vand.u32 $0xFFFFFFF8, v24  }
0x3d2: {  	v22 =	vld.idx.msk [tilespmem:v23+s16+$0x0], $0xffff;
	v23 =	vor.u32 v62, v21  }
0x3d3: {  	v24 =	vor.u32 $0x7, v29;
	_ =	sdelay $0x1  }
0x3d4: {  	v21 =	vadd.s32 $0x67, v55  }
0x3d5: {  	v25 =	vadd.s32 v21, v46  }
0x3d6: {  	[tilespmem:v23+s25+$0x0] =	vst.idx.msk $0xffff, v22;
	v22 =	vand.u32 $0xFFFFFFF8, v25  }
0x3d7: {  	v23 =	vld.idx.msk [tilespmem:v24+s16+$0x0], $0xffff;
	v24 =	vor.u32 v63, v22  }
0x3d8: {  	v25 =	vor.u32 $0x8, v29;
	_ =	sdelay $0x1  }
0x3d9: {  	v22 =	vadd.s32 $0x68, v55  }
0x3da: {  	v26 =	vadd.s32 v22, v46  }
0x3db: {  	[tilespmem:v24+s25+$0x0] =	vst.idx.msk $0xffff, v23;
	v23 =	vand.u32 $0xFFFFFFF8, v26  }
0x3dc: {  	v24 =	vld.idx.msk [tilespmem:v25+s16+$0x0], $0xffff;
	v25 =	vor.u32 v56, v23  }
0x3dd: {  	v26 =	vor.u32 $0x9, v29;
	_ =	sdelay $0x1  }
0x3de: {  	v23 =	vadd.s32 $0x69, v55  }
0x3df: {  	v27 =	vadd.s32 v23, v46  }
0x3e0: {  	[tilespmem:v25+s25+$0x0] =	vst.idx.msk $0xffff, v24;
	v24 =	vand.u32 $0xFFFFFFF8, v27  }
0x3e1: {  	v25 =	vld.idx.msk [tilespmem:v26+s16+$0x0], $0xffff;
	v26 =	vor.u32 v57, v24  }
0x3e2: {  	v27 =	vor.u32 $0xA, v29;
	_ =	sdelay $0x1  }
0x3e3: {  	v24 =	vadd.s32 $0x6A, v55  }
0x3e4: {  	v28 =	vadd.s32 v24, v46  }
0x3e5: {  	[tilespmem:v26+s25+$0x0] =	vst.idx.msk $0xffff, v25;
	v25 =	vand.u32 $0xFFFFFFF8, v28  }
0x3e6: {  	v26 =	vld.idx.msk [tilespmem:v27+s16+$0x0], $0xffff;
	v27 =	vor.u32 v58, v25  }
0x3e7: {  	v28 =	vor.u32 $0xB, v29;
	_ =	sdelay $0x1  }
0x3e8: {  	v25 =	vadd.s32 $0x6B, v55  }
0x3e9: {  	v30 =	vadd.s32 v25, v46  }
0x3ea: {  	[tilespmem:v27+s25+$0x0] =	vst.idx.msk $0xffff, v26;
	v26 =	vand.u32 $0xFFFFFFF8, v30  }
0x3eb: {  	v27 =	vld.idx.msk [tilespmem:v28+s16+$0x0], $0xffff;
	v28 =	vor.u32 v59, v26  }
0x3ec: {  	v30 =	vor.u32 $0xC, v29;
	_ =	sdelay $0x1  }
0x3ed: {  	v26 =	vadd.s32 $0x6C, v55  }
0x3ee: {  	v31 =	vadd.s32 v26, v46  }
0x3ef: {  	[tilespmem:v28+s25+$0x0] =	vst.idx.msk $0xffff, v27;
	v27 =	vand.u32 $0xFFFFFFF8, v31  }
0x3f0: {  	v28 =	vld.idx.msk [tilespmem:v30+s16+$0x0], $0xffff;
	v30 =	vor.u32 v60, v27  }
0x3f1: {  	v31 =	vor.u32 $0xD, v29;
	_ =	sdelay $0x1  }
0x3f2: {  	v27 =	vadd.s32 $0x6D, v55  }
0x3f3: {  	v32 =	vadd.s32 v27, v46  }
0x3f4: {  	[tilespmem:v30+s25+$0x0] =	vst.idx.msk $0xffff, v28;
	v28 =	vand.u32 $0xFFFFFFF8, v32  }
0x3f5: {  	v30 =	vld.idx.msk [tilespmem:v31+s16+$0x0], $0xffff;
	v31 =	vor.u32 v61, v28  }
0x3f6: {  	v43 =	vor.u32 $0xE, v29;
	_ =	sdelay $0x1  }
0x3f7: {  	v28 =	vadd.s32 $0x6E, v55  }
0x3f8: {  	v33 =	vadd.s32 v28, v46  }
0x3f9: {  	[tilespmem:v31+s25+$0x0] =	vst.idx.msk $0xffff, v30;
	v30 =	vand.u32 $0xFFFFFFF8, v33  }
0x3fa: {  	v31 =	vld.idx.msk [tilespmem:v43+s16+$0x0], $0xffff;
	v30 =	vor.u32 v62, v30  }
0x3fb: {  	v44 =	vor.u32 $0xF, v29;
	_ =	sdelay $0x1  }
0x3fc: {  	v29 =	vadd.s32 $0x6F, v55  }
0x3fd: {  	v45 =	vadd.s32 v29, v46  }
0x3fe: {  	[tilespmem:v30+s25+$0x0] =	vst.idx.msk $0xffff, v31;
	v30 =	vand.u32 $0xFFFFFFF8, v45  }
0x3ff: {  	v31 =	vld.idx.msk [tilespmem:v44+s16+$0x0], $0xffff;
	v30 =	vor.u32 v63, v30;
	_ =	sdelay $0x4  }
0x400: {  	[tilespmem:v30+s25+$0x0] =	vst.idx.msk $0xffff, v31  }
0x401: {  	v30 =	vld [tilespmem:s14+$0x0];
	_ =	sdelay $0x4  }
0x402: {  	v45 =	vshll.u32 v30, $0x4;
	_ =	sdelay $0x1  }
0x403: {  	v30 =	vadd.s32 $0x70, v55  }
0x404: {  	v31 =	vadd.s32 v30, v46  }
0x405: {  	v31 =	vand.u32 $0xFFFFFFF8, v31  }
0x406: {  	v47 =	vor.u32 v56, v31;
	v48 =	vld.idx.msk [tilespmem:v45+s16+$0x0], $0xffff  }
0x407: {  	v34 =	vor.u32 $0x1, v45;
	_ =	sdelay $0x1  }
0x408: {  	v31 =	vadd.s32 $0x71, v55  }
0x409: {  	v35 =	vadd.s32 v31, v46  }
0x40a: {  	v49 =	vand.u32 $0xFFFFFFF8, v35;
	[tilespmem:v47+s25+$0x0] =	vst.idx.msk $0xffff, v48  }
0x40b: {  	v50 =	vor.u32 v57, v49;
	v33 =	vld.idx.msk [tilespmem:v34+s16+$0x0], $0xffff  }
0x40c: {  	v40 =	vor.u32 $0x2, v45;
	_ =	sdelay $0x1  }
0x40d: {  	v32 =	vadd.s32 $0x72, v55  }
0x40e: {  	v36 =	vadd.s32 v32, v46  }
0x40f: {  	v41 =	vand.u32 $0xFFFFFFF8, v36;
	[tilespmem:v50+s25+$0x0] =	vst.idx.msk $0xffff, v33  }
0x410: {  	v42 =	vor.u32 v58, v41;
	v34 =	vld.idx.msk [tilespmem:v40+s16+$0x0], $0xffff  }
0x411: {  	v43 =	vor.u32 $0x3, v45;
	_ =	sdelay $0x1  }
0x412: {  	v33 =	vadd.s32 $0x73, v55  }
0x413: {  	v37 =	vadd.s32 v33, v46  }
0x414: {  	v44 =	vand.u32 $0xFFFFFFF8, v37;
	[tilespmem:v42+s25+$0x0] =	vst.idx.msk $0xffff, v34  }
0x415: {  	v47 =	vor.u32 v59, v44;
	v35 =	vld.idx.msk [tilespmem:v43+s16+$0x0], $0xffff  }
0x416: {  	v48 =	vor.u32 $0x4, v45;
	_ =	sdelay $0x1  }
0x417: {  	v34 =	vadd.s32 $0x74, v55  }
0x418: {  	v38 =	vadd.s32 v34, v46  }
0x419: {  	v49 =	vand.u32 $0xFFFFFFF8, v38;
	[tilespmem:v47+s25+$0x0] =	vst.idx.msk $0xffff, v35  }
0x41a: {  	v50 =	vor.u32 v60, v49;
	v36 =	vld.idx.msk [tilespmem:v48+s16+$0x0], $0xffff  }
0x41b: {  	v42 =	vor.u32 $0x5, v45;
	_ =	sdelay $0x1  }
0x41c: {  	v35 =	vadd.s32 $0x75, v55  }
0x41d: {  	v39 =	vadd.s32 v35, v46  }
0x41e: {  	v43 =	vand.u32 $0xFFFFFFF8, v39;
	[tilespmem:v50+s25+$0x0] =	vst.idx.msk $0xffff, v36  }
0x41f: {  	v44 =	vor.u32 v61, v43;
	v37 =	vld.idx.msk [tilespmem:v42+s16+$0x0], $0xffff  }
0x420: {  	v47 =	vor.u32 $0x6, v45;
	_ =	sdelay $0x1  }
0x421: {  	v36 =	vadd.s32 $0x76, v55  }
0x422: {  	v40 =	vadd.s32 v36, v46  }
0x423: {  	v48 =	vand.u32 $0xFFFFFFF8, v40;
	[tilespmem:v44+s25+$0x0] =	vst.idx.msk $0xffff, v37  }
0x424: {  	v49 =	vor.u32 v62, v48;
	v38 =	vld.idx.msk [tilespmem:v47+s16+$0x0], $0xffff  }
0x425: {  	v50 =	vor.u32 $0x7, v45;
	_ =	sdelay $0x1  }
0x426: {  	v37 =	vadd.s32 $0x77, v55  }
0x427: {  	v41 =	vadd.s32 v37, v46  }
0x428: {  	v44 =	vand.u32 $0xFFFFFFF8, v41;
	[tilespmem:v49+s25+$0x0] =	vst.idx.msk $0xffff, v38  }
0x429: {  	v47 =	vor.u32 v63, v44;
	v39 =	vld.idx.msk [tilespmem:v50+s16+$0x0], $0xffff  }
0x42a: {  	v48 =	vor.u32 $0x8, v45;
	_ =	sdelay $0x1  }
0x42b: {  	v38 =	vadd.s32 $0x78, v55  }
0x42c: {  	v42 =	vadd.s32 v38, v46  }
0x42d: {  	v49 =	vand.u32 $0xFFFFFFF8, v42;
	[tilespmem:v47+s25+$0x0] =	vst.idx.msk $0xffff, v39  }
0x42e: {  	v50 =	vor.u32 v56, v49;
	v40 =	vld.idx.msk [tilespmem:v48+s16+$0x0], $0xffff  }
0x42f: {  	v47 =	vor.u32 $0x9, v45;
	_ =	sdelay $0x1  }
0x430: {  	v39 =	vadd.s32 $0x79, v55  }
0x431: {  	v43 =	vadd.s32 v39, v46  }
0x432: {  	v48 =	vand.u32 $0xFFFFFFF8, v43;
	[tilespmem:v50+s25+$0x0] =	vst.idx.msk $0xffff, v40  }
0x433: {  	v49 =	vor.u32 v57, v48;
	v41 =	vld.idx.msk [tilespmem:v47+s16+$0x0], $0xffff  }
0x434: {  	v50 =	vor.u32 $0xA, v45;
	_ =	sdelay $0x1  }
0x435: {  	v40 =	vadd.s32 $0x7A, v55  }
0x436: {  	v44 =	vadd.s32 v40, v46  }
0x437: {  	v47 =	vand.u32 $0xFFFFFFF8, v44;
	[tilespmem:v49+s25+$0x0] =	vst.idx.msk $0xffff, v41  }
0x438: {  	v48 =	vor.u32 v58, v47;
	v42 =	vld.idx.msk [tilespmem:v50+s16+$0x0], $0xffff  }
0x439: {  	v49 =	vor.u32 $0xB, v45;
	_ =	sdelay $0x1  }
0x43a: {  	v41 =	vadd.s32 $0x7B, v55  }
0x43b: {  	v50 =	vadd.s32 v41, v46  }
0x43c: {  	[tilespmem:v48+s25+$0x0] =	vst.idx.msk $0xffff, v42;
	v48 =	vand.u32 $0xFFFFFFF8, v50  }
0x43d: {  	v43 =	vld.idx.msk [tilespmem:v49+s16+$0x0], $0xffff;
	v44 =	vor.u32 v59, v48  }
0x43e: {  	v47 =	vor.u32 $0xC, v45;
	_ =	sdelay $0x1  }
0x43f: {  	v42 =	vadd.s32 $0x7C, v55  }
0x440: {  	v48 =	vadd.s32 v42, v46  }
0x441: {  	v49 =	vand.u32 $0xFFFFFFF8, v48;
	[tilespmem:v44+s25+$0x0] =	vst.idx.msk $0xffff, v43  }
0x442: {  	v44 =	vld.idx.msk [tilespmem:v47+s16+$0x0], $0xffff;
	v47 =	vor.u32 v60, v49  }
0x443: {  	v48 =	vor.u32 $0xD, v45;
	_ =	sdelay $0x1  }
0x444: {  	v43 =	vadd.s32 $0x7D, v55  }
0x445: {  	v49 =	vadd.s32 v43, v46  }
0x446: {  	v50 =	vand.u32 $0xFFFFFFF8, v49;
	[tilespmem:v47+s25+$0x0] =	vst.idx.msk $0xffff, v44  }
0x447: {  	v47 =	vld.idx.msk [tilespmem:v48+s16+$0x0], $0xffff;
	v48 =	vor.u32 v61, v50  }
0x448: {  	v49 =	vor.u32 $0xE, v45;
	_ =	sdelay $0x1  }
0x449: {  	v44 =	vadd.s32 $0x7E, v55  }
0x44a: {  	v50 =	vadd.s32 v44, v46  }
0x44b: {  	[tilespmem:v48+s25+$0x0] =	vst.idx.msk $0xffff, v47;
	v47 =	vand.u32 $0xFFFFFFF8, v50  }
0x44c: {  	v48 =	vld.idx.msk [tilespmem:v49+s16+$0x0], $0xffff;
	v47 =	vor.u32 v62, v47  }
0x44d: {  	v49 =	vor.u32 $0xF, v45;
	_ =	sdelay $0x1  }
0x44e: {  	v45 =	vadd.s32 $0x7F, v55  }
0x44f: {  	v46 =	vadd.s32 v45, v46  }
0x450: {  	v46 =	vand.u32 $0xFFFFFFF8, v46;
	[tilespmem:v47+s25+$0x0] =	vst.idx.msk $0xffff, v48  }
0x451: {  	p1 =	sne.s32 s6, $0x70;
	v46 =	vor.u32 v63, v46;
	v47 =	vld.idx.msk [tilespmem:v49+s16+$0x0], $0xffff  }
.Ltmp0:
0x452: {  	_ = 	snop;
	(pc) =	sbr.rel @p1 .LBB2_3-.Ltmp0, $4  }
0x453: {  	_ = 	snop  }
0x454: {  	s7 =	sadd.s32 $0x10, s7  }
0x455: {  	s6 =	sadd.s32 $0x10, s6;
	s8 =	sadd.s32 $0x10, s8;
	s10 =	sadd.s32 $0x10, s10;
	v49 =	vld [tilespmem:$0x1FFF0]  }
0x456: {  	s11 =	sadd.s32 $0x10, s11;
	s12 =	sadd.s32 $0x10, s12;
	s14 =	sadd.s32 $0x10, s14;
	[tilespmem:v46+s25+$0x0] =	vst.idx.msk $0xffff, v47;
	v47 =	vld [tilespmem:$0x1FF60]  }
0x457: {  	[tilespmem:$0x1F620] =	vst v43  }
0x458: {  	[tilespmem:$0x1F630] =	vst v42  }
0x459: {  	[tilespmem:$0x1F640] =	vst v41  }
0x45a: {  	[tilespmem:$0x1F650] =	vst v40  }
0x45b: {  	[tilespmem:$0x1F660] =	vst v39  }
0x45c: {  	[tilespmem:$0x1F670] =	vst v38  }
0x45d: {  	[tilespmem:$0x1F680] =	vst v37  }
0x45e: {  	[tilespmem:$0x1F690] =	vst v36  }
0x45f: {  	[tilespmem:$0x1F6A0] =	vst v35  }
0x460: {  	[tilespmem:$0x1F6B0] =	vst v34  }
0x461: {  	[tilespmem:$0x1F6C0] =	vst v33  }
0x462: {  	[tilespmem:$0x1F6D0] =	vst v32  }
0x463: {  	[tilespmem:$0x1F6E0] =	vst v31  }
0x464: {  	[tilespmem:$0x1F6F0] =	vst v30  }
0x465: {  	[tilespmem:$0x1F700] =	vst v29  }
0x466: {  	[tilespmem:$0x1F710] =	vst v28  }
0x467: {  	[tilespmem:$0x1F720] =	vst v27  }
0x468: {  	[tilespmem:$0x1F730] =	vst v26  }
0x469: {  	[tilespmem:$0x1F740] =	vst v25  }
0x46a: {  	[tilespmem:$0x1F750] =	vst v24  }
0x46b: {  	[tilespmem:$0x1F760] =	vst v23  }
0x46c: {  	[tilespmem:$0x1F770] =	vst v22  }
0x46d: {  	[tilespmem:$0x1F780] =	vst v21  }
0x46e: {  	[tilespmem:$0x1F790] =	vst v20  }
0x46f: {  	[tilespmem:$0x1F7A0] =	vst v19  }
0x470: {  	[tilespmem:$0x1F7B0] =	vst v18  }
0x471: {  	[tilespmem:$0x1F7C0] =	vst v17  }
0x472: {  	[tilespmem:$0x1F7D0] =	vst v16  }
0x473: {  	[tilespmem:$0x1F7E0] =	vst v15  }
0x474: {  	[tilespmem:$0x1F7F0] =	vst v14  }
0x475: {  	[tilespmem:$0x1F800] =	vst v13  }
0x476: {  	[tilespmem:$0x1F810] =	vst v12  }
0x477: {  	[tilespmem:$0x1F820] =	vst v11  }
0x478: {  	[tilespmem:$0x1F830] =	vst v10  }
0x479: {  	[tilespmem:$0x1F840] =	vst v9  }
0x47a: {  	[tilespmem:$0x1F850] =	vst v8  }
0x47b: {  	[tilespmem:$0x1F860] =	vst v7  }
0x47c: {  	[tilespmem:$0x1F870] =	vst v6  }
0x47d: {  	[tilespmem:$0x1F880] =	vst v4  }
0x47e: {  	[tilespmem:$0x1F890] =	vst v3  }
0x47f: {  	[tilespmem:$0x1F8A0] =	vst v2  }
0x480: {  	[tilespmem:$0x1F8B0] =	vst v1  }
0x481: {  	[tilespmem:$0x1F8C0] =	vst v51  }
0x482: {  	[tilespmem:$0x1F8D0] =	vst v52  }
0x483: {  	[tilespmem:$0x1F8E0] =	vst v0  }
0x484: {  	[tilespmem:$0x1F8F0] =	vst v54  }
0x485: {  	[tilespmem:$0x1F900] =	vst v53  }
0x486: {  	_ =	swait.ge [sflag:s26], $0x1000  }
0x487: {  	[sflag:s26] =	ssyncset.done $0x0  }
0x488: {  	s6 =	simm.s32 $0x10040;
	[sflag:s26] =	ssyncadd.s32 $0xFFFFF000  }
0x489: {  	v46 =	vld [tilespmem:s6+$0xFFFFFFC0];
	_ =	sdelay $0x3  }
0x48a: {  	s7 =	simm.s32 $0x11132  }
0x48b: {  	[tilespmem:s7+$0xFFFFFECE] =	vst v46  }
0x48c: {  	v46 =	vld [tilespmem:s6+$0xFFFFFFD0];
	_ =	sdelay $0x2  }
0x48d: {  	s8 =	simm.s32 $0x0  }
0x48e: {  	s10 =	sand.u32 $0x7FFC, s8  }
0x48f: {  	s11 =	simm.s32 $0xE047;
	[tilespmem:s10+$0x11010] =	vst v46  }
0x490: {  	v46 =	vld [tilespmem:s11+$0xFFFFFFC0];
	_ =	sdelay $0x4  }
0x491: {  	v46 =	vadd.f32 v46, v5;
	_ =	sdelay $0x1  }
0x492: {  	[tilespmem:s10+$0x11080] =	vst v46  }
0x493: {  	v46 =	vld [tilespmem:s11+$0xFFFFFFC9];
	_ =	sdelay $0x4  }
0x494: {  	v46 =	vadd.f32 v46, v5;
	_ =	sdelay $0x1  }
0x495: {  	[tilespmem:s7+$0xFFFFFF57] =	vst v46  }
0x496: {  	v46 =	vld [tilespmem:s6+$0xFFFFFFE0];
	_ =	sdelay $0x4  }
0x497: {  	[tilespmem:s7+$0xFFFFFF67] =	vst v46  }
0x498: {  	v46 =	vld [tilespmem:s6+$0xFFFFFFF0];
	_ =	sdelay $0x2  }
0x499: {  	s14 =	simm.s32 $0x99  }
0x49a: {  	s10 =	sand.u32 $0x7FFD, s14  }
0x49b: {  	[tilespmem:s10+$0x11010] =	vst v46  }
0x49c: {  	v46 =	vld [tilespmem:s11+$0xFFFFFFE0];
	_ =	sdelay $0x4  }
0x49d: {  	v46 =	vadd.f32 v46, v5;
	_ =	sdelay $0x1  }
0x49e: {  	[tilespmem:s10+$0x11080] =	vst v46  }
0x49f: {  	v46 =	vld [tilespmem:s11+$0xFFFFFFE9];
	_ =	sdelay $0x4  }
0x4a0: {  	v46 =	vadd.f32 v46, v5;
	_ =	sdelay $0x1  }
0x4a1: {  	[tilespmem:s7+$0xFFFFFFF0] =	vst v46  }
0x4a2: {  	v46 =	vld [tilespmem:s6+$0x0];
	_ =	sdelay $0x4  }
0x4a3: {  	[tilespmem:s7+$0x0] =	vst v46  }
0x4a4: {  	v46 =	vld [tilespmem:s6+$0x10];
	_ =	sdelay $0x2  }
0x4a5: {  	s12 =	simm.s32 $0x132  }
0x4a6: {  	s10 =	sand.u32 $0x7FFE, s12  }
0x4a7: {  	[tilespmem:s10+$0x11010] =	vst v46  }
0x4a8: {  	v46 =	vld [tilespmem:s11+$0x0];
	_ =	sdelay $0x4  }
0x4a9: {  	v46 =	vadd.f32 v46, v5;
	_ =	sdelay $0x1  }
0x4aa: {  	[tilespmem:s10+$0x11080] =	vst v46  }
0x4ab: {  	v46 =	vld [tilespmem:s11+$0x9];
	_ =	sdelay $0x4  }
0x4ac: {  	v46 =	vadd.f32 v46, v5;
	_ =	sdelay $0x1  }
0x4ad: {  	[tilespmem:s7+$0x89] =	vst v46  }
0x4ae: {  	v46 =	vld [tilespmem:s6+$0x20];
	_ =	sdelay $0x4  }
0x4af: {  	[tilespmem:s7+$0x99] =	vst v46  }
0x4b0: {  	v46 =	vld [tilespmem:s6+$0x30];
	_ =	sdelay $0x2  }
0x4b1: {  	s14 =	simm.s32 $0x1CB  }
0x4b2: {  	s10 =	sand.u32 $0x7FFF, s14  }
0x4b3: {  	[tilespmem:s10+$0x11010] =	vst v46  }
0x4b4: {  	v46 =	vld [tilespmem:s11+$0x20];
	_ =	sdelay $0x4  }
0x4b5: {  	v46 =	vadd.f32 v46, v5;
	_ =	sdelay $0x1  }
0x4b6: {  	[tilespmem:s10+$0x11080] =	vst v46  }
0x4b7: {  	v46 =	vld [tilespmem:s11+$0x29];
	_ =	sdelay $0x4  }
0x4b8: {  	v46 =	vadd.f32 v46, v5  }
0x4b9: {  	s12 =	simm.s32 $0xE0C7;
	s10 =	simm.s32 $0x0;
	s11 =	simm.s32 $0x11396  }
.LBB2_5:
0x4ba: {  	s10 =	sadd.s32 $0x4, s10;
	[tilespmem:s7+$0x122] =	vst v46;
	s8 =	sadd.s32 $0x264, s8;
	s6 =	sadd.s32 $0x80, s6  }
0x4bb: {  	s7 =	smov.u32 s11;
	v46 =	vld [tilespmem:s6+$0xFFFFFFC0];
	p1 =	slt.u32 s10, $0x7C;
	_ =	sdelay $0x4  }
0x4bc: {  	[tilespmem:s11+$0xFFFFFECE] =	vst v46  }
0x4bd: {  	v46 =	vld [tilespmem:s6+$0xFFFFFFD0];
	_ =	sdelay $0x3  }
0x4be: {  	s14 =	sand.u32 $0x7FFC, s8  }
0x4bf: {  	[tilespmem:s14+$0x11010] =	vst v46  }
0x4c0: {  	v46 =	vld [tilespmem:s12+$0xFFFFFFC0];
	_ =	sdelay $0x4  }
0x4c1: {  	v46 =	vadd.f32 v46, v5;
	_ =	sdelay $0x1  }
0x4c2: {  	[tilespmem:s14+$0x11080] =	vst v46  }
0x4c3: {  	v46 =	vld [tilespmem:s12+$0xFFFFFFC9];
	_ =	sdelay $0x4  }
0x4c4: {  	v46 =	vadd.f32 v46, v5;
	_ =	sdelay $0x1  }
0x4c5: {  	[tilespmem:s11+$0xFFFFFF57] =	vst v46  }
0x4c6: {  	v46 =	vld [tilespmem:s6+$0xFFFFFFE0];
	_ =	sdelay $0x4  }
0x4c7: {  	[tilespmem:s11+$0xFFFFFF67] =	vst v46  }
0x4c8: {  	v46 =	vld [tilespmem:s6+$0xFFFFFFF0];
	_ =	sdelay $0x2  }
0x4c9: {  	s14 =	sadd.s32 $0x99, s8  }
0x4ca: {  	s14 =	sand.u32 $0x7FFD, s14  }
0x4cb: {  	[tilespmem:s14+$0x11010] =	vst v46  }
0x4cc: {  	v46 =	vld [tilespmem:s12+$0xFFFFFFE0];
	_ =	sdelay $0x4  }
0x4cd: {  	v46 =	vadd.f32 v46, v5;
	_ =	sdelay $0x1  }
0x4ce: {  	[tilespmem:s14+$0x11080] =	vst v46  }
0x4cf: {  	v46 =	vld [tilespmem:s12+$0xFFFFFFE9];
	_ =	sdelay $0x4  }
0x4d0: {  	v46 =	vadd.f32 v46, v5;
	_ =	sdelay $0x1  }
0x4d1: {  	[tilespmem:s11+$0xFFFFFFF0] =	vst v46  }
0x4d2: {  	v46 =	vld [tilespmem:s6+$0x0];
	_ =	sdelay $0x4  }
0x4d3: {  	[tilespmem:s11+$0x0] =	vst v46  }
0x4d4: {  	v46 =	vld [tilespmem:s6+$0x10];
	_ =	sdelay $0x2  }
0x4d5: {  	s14 =	sadd.s32 $0x132, s8  }
0x4d6: {  	s14 =	sand.u32 $0x7FFE, s14  }
0x4d7: {  	[tilespmem:s14+$0x11010] =	vst v46  }
0x4d8: {  	v46 =	vld [tilespmem:s12+$0x0];
	_ =	sdelay $0x4  }
0x4d9: {  	v46 =	vadd.f32 v46, v5;
	_ =	sdelay $0x1  }
0x4da: {  	[tilespmem:s14+$0x11080] =	vst v46  }
0x4db: {  	v46 =	vld [tilespmem:s12+$0x9];
	_ =	sdelay $0x4  }
0x4dc: {  	v46 =	vadd.f32 v46, v5;
	_ =	sdelay $0x1  }
0x4dd: {  	[tilespmem:s11+$0x89] =	vst v46  }
0x4de: {  	v46 =	vld [tilespmem:s6+$0x20];
	_ =	sdelay $0x4  }
0x4df: {  	[tilespmem:s11+$0x99] =	vst v46  }
0x4e0: {  	v46 =	vld [tilespmem:s6+$0x30];
	_ =	sdelay $0x2  }
0x4e1: {  	s14 =	sadd.s32 $0x1CB, s8  }
0x4e2: {  	s14 =	sand.u32 $0x7FFF, s14  }
0x4e3: {  	[tilespmem:s14+$0x11010] =	vst v46  }
0x4e4: {  	v46 =	vld [tilespmem:s12+$0x20];
	_ =	sdelay $0x4  }
0x4e5: {  	v46 =	vadd.f32 v46, v5;
	_ =	sdelay $0x1  }
0x4e6: {  	[tilespmem:s14+$0x11080] =	vst v46  }
0x4e7: {  	v46 =	vld [tilespmem:s12+$0x29];
	_ =	sdelay $0x1  }
.Ltmp1:
0x4e8: {  	(pc) =	sbr.rel @p1 .LBB2_5-.Ltmp1, $3  }
0x4e9: {  	_ =	sdelay $0x1  }
0x4ea: {  	v46 =	vadd.f32 v46, v5  }
0x4eb: {  	s11 =	sadd.s32 $0x264, s11;
	s12 =	sadd.s32 $0x80, s12  }
0x4ec: {  	s6 =	smul.u32 $0x99, s18;
	_ =	sdelay $0x1  }
0x4ed: {  	s6 =	sshrl.u32 s6, $0x3  }
0x4ee: {  	[tilespmem:s7+$0x122] =	vst v46;
	s6 =	sadd.s32 s1, s6  }
0x4ef: {  	[hbm4b:s6+s5] =	stream.linear.scatter [tilespmem:s25], [sflag:$0x3], $0x4C80, $0x38;
	[tilespmem:$0x1BC90] =	vst v63  }
0x4f0: {  	_ =	swait.ge [sflag:s28], $0x1000  }
0x4f1: {  	v0 =	vld [tilespmem:$0x1FF50];
	_ =	sdelay $0x2  }
0x4f2: {  	s0 =	sadd.s32 s0, s9  }
0x4f3: {  	p1 =	seq.s32 s4, $0x18;
	s0 =	sadd.s32 $0x80, s0  }
0x4f4: {  	s7 =	simm.s32 @!p1 $0x0;
	s6 =	sshll.u32 @!p1 s0, $0x2;
	[sflag:s28] =	ssyncset.done $0x0  }
0x4f5: {  	s8 =	simm.s32 @!p1 $0xE000;
	s6 =	sadd.s32 @!p1 s6, s13;
	[sflag:s28] =	ssyncadd.s32 $0xFFFFF000  }
0x4f6: {  	[tilespmem:s8], [sflag:$0x1] =	stream.linear.gather @!p1 [hbm4b:s6+s7], $0x1000, $0x38;
	[tilespmem:$0x1BC90] =	vst v63  }
0x4f7: {  	v60 =	vld.idx.msk [tilespmem:v0+s22+$0x0], $0xffff;
	_ =	sdelay $0x4  }
0x4f8: {  	v46 =	vadd.f32 v60, v5  }
0x4f9: {  	v61 =	vld [tilespmem:$0x1FBE0]  }
0x4fa: {  	v46 =	vtrunc.f32 v46  }
0x4fb: {  	v46 =	vcvt.f32.s32 v46;
	_ =	sdelay $0x1  }
0x4fc: {  	vm0 =	vgt.s32 v46, $0x0  }
0x4fd: {  	v46 =	vnsel vm0, $0x0, v46  }
0x4fe: {  	v46 =	vmin.u32 v46, $0x7FF  }
0x4ff: {  	[tilespmem:$0x1A900] =	vst v46  }
0x500: {  	v46 =	vld.idx.msk [tilespmem:v61+s22+$0x0], $0xffff;
	_ =	sdelay $0x4  }
0x501: {  	v46 =	vadd.f32 v46, v5  }
0x502: {  	v62 =	vld [tilespmem:$0x1FBF0]  }
0x503: {  	v46 =	vtrunc.f32 v46  }
0x504: {  	v46 =	vcvt.f32.s32 v46;
	_ =	sdelay $0x1  }
0x505: {  	vm9 =	vgt.s32 v46, $0x0  }
0x506: {  	v46 =	vnsel vm9, $0x0, v46  }
0x507: {  	v46 =	vmin.u32 v46, $0x1FF  }
0x508: {  	[tilespmem:$0x1A980] =	vst v46  }
0x509: {  	v46 =	vld.idx.msk [tilespmem:v62+s22+$0x0], $0xffff;
	_ =	sdelay $0x4  }
0x50a: {  	v46 =	vadd.f32 v46, v5  }
0x50b: {  	v63 =	vld [tilespmem:$0x1FC00]  }
0x50c: {  	v46 =	vtrunc.f32 v46  }
0x50d: {  	v46 =	vcvt.f32.s32 v46;
	_ =	sdelay $0x1  }
0x50e: {  	vm10 =	vgt.s32 v46, $0x0  }
0x50f: {  	v46 =	vnsel vm10, $0x0, v46  }
0x510: {  	v46 =	vmin.u32 v46, $0x7FF  }
0x511: {  	[tilespmem:$0x1AA00] =	vst v46  }
0x512: {  	v46 =	vld.idx.msk [tilespmem:v63+s22+$0x0], $0xffff;
	_ =	sdelay $0x4  }
0x513: {  	v46 =	vadd.f32 v46, v5  }
0x514: {  	v32 =	vld [tilespmem:$0x1FC10]  }
0x515: {  	v46 =	vtrunc.f32 v46  }
0x516: {  	v46 =	vcvt.f32.s32 v46;
	_ =	sdelay $0x1  }
0x517: {  	vm11 =	vgt.s32 v46, $0x0  }
0x518: {  	v46 =	vnsel vm11, $0x0, v46  }
0x519: {  	v46 =	vmin.u32 v46, $0x3FF  }
0x51a: {  	[tilespmem:$0x1AA80] =	vst v46  }
0x51b: {  	v46 =	vld.idx.msk [tilespmem:v32+s22+$0x0], $0xffff;
	_ =	sdelay $0x4  }
0x51c: {  	v46 =	vadd.f32 v46, v5  }
0x51d: {  	v33 =	vld [tilespmem:$0x1FC20]  }
0x51e: {  	v46 =	vtrunc.f32 v46  }
0x51f: {  	v46 =	vcvt.f32.s32 v46;
	_ =	sdelay $0x1  }
0x520: {  	vm12 =	vgt.s32 v46, $0x0  }
0x521: {  	v46 =	vnsel vm12, $0x0, v46  }
0x522: {  	v46 =	vmin.u32 v46, $0x3FF  }
0x523: {  	[tilespmem:$0x1AB00] =	vst v46  }
0x524: {  	v46 =	vld.idx.msk [tilespmem:v33+s22+$0x0], $0xffff;
	_ =	sdelay $0x4  }
0x525: {  	v46 =	vadd.f32 v46, v5  }
0x526: {  	v34 =	vld [tilespmem:$0x1FC30]  }
0x527: {  	v46 =	vtrunc.f32 v46  }
0x528: {  	v46 =	vcvt.f32.s32 v46;
	_ =	sdelay $0x1  }
0x529: {  	vm13 =	vgt.s32 v46, $0x0  }
0x52a: {  	v46 =	vnsel vm13, $0x0, v46  }
0x52b: {  	v46 =	vmin.u32 v46, $0x3FF  }
0x52c: {  	[tilespmem:$0x1AB80] =	vst v46  }
0x52d: {  	v46 =	vld.idx.msk [tilespmem:v34+s22+$0x0], $0xffff;
	_ =	sdelay $0x4  }
0x52e: {  	v46 =	vadd.f32 v46, v5  }
0x52f: {  	v35 =	vld [tilespmem:$0x1FC40]  }
0x530: {  	v46 =	vtrunc.f32 v46  }
0x531: {  	v46 =	vcvt.f32.s32 v46;
	_ =	sdelay $0x1  }
0x532: {  	vm14 =	vgt.s32 v46, $0x0  }
0x533: {  	v46 =	vnsel vm14, $0x0, v46  }
0x534: {  	v46 =	vmin.u32 v46, $0x3FF  }
0x535: {  	[tilespmem:$0x1AC00] =	vst v46  }
0x536: {  	v46 =	vld.idx.msk [tilespmem:v35+s22+$0x0], $0xffff;
	_ =	sdelay $0x4  }
0x537: {  	v46 =	vadd.f32 v46, v5  }
0x538: {  	v36 =	vld [tilespmem:$0x1FC50]  }
0x539: {  	v46 =	vtrunc.f32 v46  }
0x53a: {  	v46 =	vcvt.f32.s32 v46;
	_ =	sdelay $0x1  }
0x53b: {  	vm15 =	vgt.s32 v46, $0x0  }
0x53c: {  	v46 =	vnsel vm15, $0x0, v46  }
0x53d: {  	v46 =	vmin.u32 v46, $0x7FF  }
0x53e: {  	[tilespmem:$0x1A910] =	vst v46  }
0x53f: {  	v46 =	vld.idx.msk [tilespmem:v36+s22+$0x0], $0xffff;
	_ =	sdelay $0x4  }
0x540: {  	v46 =	vadd.f32 v46, v5  }
0x541: {  	v37 =	vld [tilespmem:$0x1FC60]  }
0x542: {  	v46 =	vtrunc.f32 v46  }
0x543: {  	v46 =	vcvt.f32.s32 v46;
	_ =	sdelay $0x1  }
0x544: {  	vm4 =	vgt.s32 v46, $0x0  }
0x545: {  	v46 =	vnsel vm4, $0x0, v46  }
0x546: {  	v46 =	vmin.u32 v46, $0x1FF  }
0x547: {  	[tilespmem:$0x1A990] =	vst v46  }
0x548: {  	v46 =	vld.idx.msk [tilespmem:v37+s22+$0x0], $0xffff;
	_ =	sdelay $0x4  }
0x549: {  	v46 =	vadd.f32 v46, v5  }
0x54a: {  	v38 =	vld [tilespmem:$0x1FC70]  }
0x54b: {  	v46 =	vtrunc.f32 v46  }
0x54c: {  	v46 =	vcvt.f32.s32 v46;
	_ =	sdelay $0x1  }
0x54d: {  	vm5 =	vgt.s32 v46, $0x0  }
0x54e: {  	v46 =	vnsel vm5, $0x0, v46  }
0x54f: {  	v46 =	vmin.u32 v46, $0x7FF  }
0x550: {  	[tilespmem:$0x1AA10] =	vst v46  }
0x551: {  	v46 =	vld.idx.msk [tilespmem:v38+s22+$0x0], $0xffff;
	_ =	sdelay $0x4  }
0x552: {  	v46 =	vadd.f32 v46, v5  }
0x553: {  	v39 =	vld [tilespmem:$0x1FC80]  }
0x554: {  	v46 =	vtrunc.f32 v46  }
0x555: {  	v46 =	vcvt.f32.s32 v46;
	_ =	sdelay $0x1  }
0x556: {  	vm6 =	vgt.s32 v46, $0x0  }
0x557: {  	v46 =	vnsel vm6, $0x0, v46  }
0x558: {  	v46 =	vmin.u32 v46, $0x3FF  }
0x559: {  	[tilespmem:$0x1AA90] =	vst v46  }
0x55a: {  	v46 =	vld.idx.msk [tilespmem:v39+s22+$0x0], $0xffff;
	_ =	sdelay $0x4  }
0x55b: {  	v46 =	vadd.f32 v46, v5  }
0x55c: {  	v40 =	vld [tilespmem:$0x1FC90]  }
0x55d: {  	v46 =	vtrunc.f32 v46  }
0x55e: {  	v46 =	vcvt.f32.s32 v46;
	_ =	sdelay $0x1  }
0x55f: {  	vm7 =	vgt.s32 v46, $0x0  }
0x560: {  	v46 =	vnsel vm7, $0x0, v46  }
0x561: {  	v46 =	vmin.u32 v46, $0x3FF  }
0x562: {  	[tilespmem:$0x1AB10] =	vst v46  }
0x563: {  	v46 =	vld.idx.msk [tilespmem:v40+s22+$0x0], $0xffff;
	_ =	sdelay $0x4  }
0x564: {  	v46 =	vadd.f32 v46, v5  }
0x565: {  	v41 =	vld [tilespmem:$0x1FCA0]  }
0x566: {  	v46 =	vtrunc.f32 v46  }
0x567: {  	v46 =	vcvt.f32.s32 v46;
	_ =	sdelay $0x1  }
0x568: {  	vm8 =	vgt.s32 v46, $0x0  }
0x569: {  	v46 =	vnsel vm8, $0x0, v46  }
0x56a: {  	v46 =	vmin.u32 v46, $0x3FF  }
0x56b: {  	[tilespmem:$0x1AB90] =	vst v46  }
0x56c: {  	v46 =	vld.idx.msk [tilespmem:v41+s22+$0x0], $0xffff;
	_ =	sdelay $0x4  }
0x56d: {  	v46 =	vadd.f32 v46, v5  }
0x56e: {  	v42 =	vld [tilespmem:$0x1FCB0]  }
0x56f: {  	v46 =	vtrunc.f32 v46  }
0x570: {  	v46 =	vcvt.f32.s32 v46;
	_ =	sdelay $0x1  }
0x571: {  	vm9 =	vgt.s32 v46, $0x0  }
0x572: {  	v46 =	vnsel vm9, $0x0, v46  }
0x573: {  	v46 =	vmin.u32 v46, $0x3FF  }
0x574: {  	[tilespmem:$0x1AC10] =	vst v46  }
0x575: {  	v46 =	vld.idx.msk [tilespmem:v42+s22+$0x0], $0xffff;
	_ =	sdelay $0x4  }
0x576: {  	v46 =	vadd.f32 v46, v5  }
0x577: {  	v43 =	vld [tilespmem:$0x1FCC0]  }
0x578: {  	v46 =	vtrunc.f32 v46  }
0x579: {  	v46 =	vcvt.f32.s32 v46;
	_ =	sdelay $0x1  }
0x57a: {  	vm10 =	vgt.s32 v46, $0x0  }
0x57b: {  	v46 =	vnsel vm10, $0x0, v46  }
0x57c: {  	v46 =	vmin.u32 v46, $0x7FF  }
0x57d: {  	[tilespmem:$0x1A920] =	vst v46  }
0x57e: {  	v46 =	vld.idx.msk [tilespmem:v43+s22+$0x0], $0xffff;
	_ =	sdelay $0x4  }
0x57f: {  	v46 =	vadd.f32 v46, v5  }
0x580: {  	v48 =	vld [tilespmem:$0x1FCD0]  }
0x581: {  	v46 =	vtrunc.f32 v46  }
0x582: {  	v46 =	vcvt.f32.s32 v46;
	_ =	sdelay $0x1  }
0x583: {  	vm11 =	vgt.s32 v46, $0x0  }
0x584: {  	v46 =	vnsel vm11, $0x0, v46  }
0x585: {  	v46 =	vmin.u32 v46, $0x1FF  }
0x586: {  	[tilespmem:$0x1A9A0] =	vst v46  }
0x587: {  	v46 =	vld.idx.msk [tilespmem:v48+s22+$0x0], $0xffff;
	_ =	sdelay $0x4  }
0x588: {  	v46 =	vadd.f32 v46, v5  }
0x589: {  	v50 =	vld [tilespmem:$0x1FCE0]  }
0x58a: {  	v46 =	vtrunc.f32 v46  }
0x58b: {  	v46 =	vcvt.f32.s32 v46;
	_ =	sdelay $0x1  }
0x58c: {  	vm12 =	vgt.s32 v46, $0x0  }
0x58d: {  	v46 =	vnsel vm12, $0x0, v46  }
0x58e: {  	v46 =	vmin.u32 v46, $0x7FF  }
0x58f: {  	[tilespmem:$0x1AA20] =	vst v46  }
0x590: {  	v46 =	vld.idx.msk [tilespmem:v50+s22+$0x0], $0xffff;
	_ =	sdelay $0x4  }
0x591: {  	v46 =	vadd.f32 v46, v5  }
0x592: {  	v51 =	vld [tilespmem:$0x1FCF0]  }
0x593: {  	v46 =	vtrunc.f32 v46  }
0x594: {  	v46 =	vcvt.f32.s32 v46;
	_ =	sdelay $0x1  }
0x595: {  	vm13 =	vgt.s32 v46, $0x0  }
0x596: {  	v46 =	vnsel vm13, $0x0, v46  }
0x597: {  	v46 =	vmin.u32 v46, $0x3FF  }
0x598: {  	[tilespmem:$0x1AAA0] =	vst v46  }
0x599: {  	v46 =	vld.idx.msk [tilespmem:v51+s22+$0x0], $0xffff;
	_ =	sdelay $0x4  }
0x59a: {  	v46 =	vadd.f32 v46, v5  }
0x59b: {  	v52 =	vld [tilespmem:$0x1FD00]  }
0x59c: {  	v46 =	vtrunc.f32 v46  }
0x59d: {  	v46 =	vcvt.f32.s32 v46;
	_ =	sdelay $0x1  }
0x59e: {  	vm14 =	vgt.s32 v46, $0x0  }
0x59f: {  	v46 =	vnsel vm14, $0x0, v46  }
0x5a0: {  	v46 =	vmin.u32 v46, $0x3FF  }
0x5a1: {  	[tilespmem:$0x1AB20] =	vst v46  }
0x5a2: {  	v46 =	vld.idx.msk [tilespmem:v52+s22+$0x0], $0xffff;
	_ =	sdelay $0x4  }
0x5a3: {  	v46 =	vadd.f32 v46, v5  }
0x5a4: {  	v53 =	vld [tilespmem:$0x1FD10]  }
0x5a5: {  	v46 =	vtrunc.f32 v46  }
0x5a6: {  	v46 =	vcvt.f32.s32 v46;
	_ =	sdelay $0x1  }
0x5a7: {  	vm15 =	vgt.s32 v46, $0x0  }
0x5a8: {  	v46 =	vnsel vm15, $0x0, v46  }
0x5a9: {  	v46 =	vmin.u32 v46, $0x3FF  }
0x5aa: {  	[tilespmem:$0x1ABA0] =	vst v46  }
0x5ab: {  	v46 =	vld.idx.msk [tilespmem:v53+s22+$0x0], $0xffff;
	_ =	sdelay $0x4  }
0x5ac: {  	v46 =	vadd.f32 v46, v5  }
0x5ad: {  	v54 =	vld [tilespmem:$0x1FD20]  }
0x5ae: {  	v46 =	vtrunc.f32 v46  }
0x5af: {  	v46 =	vcvt.f32.s32 v46;
	_ =	sdelay $0x1  }
0x5b0: {  	vm4 =	vgt.s32 v46, $0x0  }
0x5b1: {  	v46 =	vnsel vm4, $0x0, v46  }
0x5b2: {  	v46 =	vmin.u32 v46, $0x3FF  }
0x5b3: {  	[tilespmem:$0x1AC20] =	vst v46  }
0x5b4: {  	v46 =	vld.idx.msk [tilespmem:v54+s22+$0x0], $0xffff;
	_ =	sdelay $0x4  }
0x5b5: {  	v46 =	vadd.f32 v46, v5  }
0x5b6: {  	v56 =	vld [tilespmem:$0x1FD30]  }
0x5b7: {  	v46 =	vtrunc.f32 v46  }
0x5b8: {  	v46 =	vcvt.f32.s32 v46;
	_ =	sdelay $0x1  }
0x5b9: {  	vm5 =	vgt.s32 v46, $0x0  }
0x5ba: {  	v46 =	vnsel vm5, $0x0, v46  }
0x5bb: {  	v46 =	vmin.u32 v46, $0x7FF  }
0x5bc: {  	[tilespmem:$0x1A930] =	vst v46  }
0x5bd: {  	v46 =	vld.idx.msk [tilespmem:v56+s22+$0x0], $0xffff;
	_ =	sdelay $0x4  }
0x5be: {  	v46 =	vadd.f32 v46, v5  }
0x5bf: {  	v57 =	vld [tilespmem:$0x1FD40]  }
0x5c0: {  	v46 =	vtrunc.f32 v46  }
0x5c1: {  	v46 =	vcvt.f32.s32 v46;
	_ =	sdelay $0x1  }
0x5c2: {  	vm6 =	vgt.s32 v46, $0x0  }
0x5c3: {  	v46 =	vnsel vm6, $0x0, v46  }
0x5c4: {  	v46 =	vmin.u32 v46, $0x1FF  }
0x5c5: {  	[tilespmem:$0x1A9B0] =	vst v46  }
0x5c6: {  	v46 =	vld.idx.msk [tilespmem:v57+s22+$0x0], $0xffff;
	_ =	sdelay $0x4  }
0x5c7: {  	v46 =	vadd.f32 v46, v5  }
0x5c8: {  	v58 =	vld [tilespmem:$0x1FD50]  }
0x5c9: {  	v46 =	vtrunc.f32 v46  }
0x5ca: {  	v46 =	vcvt.f32.s32 v46;
	_ =	sdelay $0x1  }
0x5cb: {  	vm7 =	vgt.s32 v46, $0x0  }
0x5cc: {  	v46 =	vnsel vm7, $0x0, v46  }
0x5cd: {  	v46 =	vmin.u32 v46, $0x7FF  }
0x5ce: {  	[tilespmem:$0x1AA30] =	vst v46  }
0x5cf: {  	v46 =	vld.idx.msk [tilespmem:v58+s22+$0x0], $0xffff;
	_ =	sdelay $0x4  }
0x5d0: {  	v46 =	vadd.f32 v46, v5  }
0x5d1: {  	v59 =	vld [tilespmem:$0x1FD60]  }
0x5d2: {  	v46 =	vtrunc.f32 v46  }
0x5d3: {  	v46 =	vcvt.f32.s32 v46;
	_ =	sdelay $0x1  }
0x5d4: {  	vm8 =	vgt.s32 v46, $0x0  }
0x5d5: {  	v46 =	vnsel vm8, $0x0, v46  }
0x5d6: {  	v46 =	vmin.u32 v46, $0x3FF  }
0x5d7: {  	[tilespmem:$0x1AAB0] =	vst v46  }
0x5d8: {  	v46 =	vld.idx.msk [tilespmem:v59+s22+$0x0], $0xffff;
	_ =	sdelay $0x4  }
0x5d9: {  	v46 =	vadd.f32 v46, v5  }
0x5da: {  	v60 =	vld [tilespmem:$0x1FD70]  }
0x5db: {  	v46 =	vtrunc.f32 v46  }
0x5dc: {  	v46 =	vcvt.f32.s32 v46;
	_ =	sdelay $0x1  }
0x5dd: {  	vm9 =	vgt.s32 v46, $0x0  }
0x5de: {  	v46 =	vnsel vm9, $0x0, v46  }
0x5df: {  	v46 =	vmin.u32 v46, $0x3FF  }
0x5e0: {  	[tilespmem:$0x1AB30] =	vst v46  }
0x5e1: {  	v46 =	vld.idx.msk [tilespmem:v60+s22+$0x0], $0xffff;
	_ =	sdelay $0x4  }
0x5e2: {  	v46 =	vadd.f32 v46, v5  }
0x5e3: {  	v61 =	vld [tilespmem:$0x1FD80]  }
0x5e4: {  	v46 =	vtrunc.f32 v46  }
0x5e5: {  	v46 =	vcvt.f32.s32 v46;
	_ =	sdelay $0x1  }
0x5e6: {  	vm10 =	vgt.s32 v46, $0x0  }
0x5e7: {  	v46 =	vnsel vm10, $0x0, v46  }
0x5e8: {  	v46 =	vmin.u32 v46, $0x3FF  }
0x5e9: {  	[tilespmem:$0x1ABB0] =	vst v46  }
0x5ea: {  	v46 =	vld.idx.msk [tilespmem:v61+s22+$0x0], $0xffff;
	_ =	sdelay $0x4  }
0x5eb: {  	v46 =	vadd.f32 v46, v5  }
0x5ec: {  	v62 =	vld [tilespmem:$0x1FD90]  }
0x5ed: {  	v46 =	vtrunc.f32 v46  }
0x5ee: {  	v46 =	vcvt.f32.s32 v46;
	_ =	sdelay $0x1  }
0x5ef: {  	vm11 =	vgt.s32 v46, $0x0  }
0x5f0: {  	v46 =	vnsel vm11, $0x0, v46  }
0x5f1: {  	v46 =	vmin.u32 v46, $0x3FF  }
0x5f2: {  	[tilespmem:$0x1AC30] =	vst v46  }
0x5f3: {  	v46 =	vld.idx.msk [tilespmem:v62+s22+$0x0], $0xffff;
	_ =	sdelay $0x4  }
0x5f4: {  	v46 =	vadd.f32 v46, v5  }
0x5f5: {  	v63 =	vld [tilespmem:$0x1FDA0]  }
0x5f6: {  	v46 =	vtrunc.f32 v46  }
0x5f7: {  	v46 =	vcvt.f32.s32 v46;
	_ =	sdelay $0x1  }
0x5f8: {  	vm12 =	vgt.s32 v46, $0x0  }
0x5f9: {  	v46 =	vnsel vm12, $0x0, v46  }
0x5fa: {  	v46 =	vmin.u32 v46, $0x7FF  }
0x5fb: {  	[tilespmem:$0x1A940] =	vst v46  }
0x5fc: {  	v46 =	vld.idx.msk [tilespmem:v63+s22+$0x0], $0xffff;
	_ =	sdelay $0x4  }
0x5fd: {  	v46 =	vadd.f32 v46, v5  }
0x5fe: {  	v32 =	vld [tilespmem:$0x1FDB0]  }
0x5ff: {  	v46 =	vtrunc.f32 v46  }
0x600: {  	v46 =	vcvt.f32.s32 v46;
	_ =	sdelay $0x1  }
0x601: {  	vm13 =	vgt.s32 v46, $0x0  }
0x602: {  	v46 =	vnsel vm13, $0x0, v46  }
0x603: {  	v46 =	vmin.u32 v46, $0x1FF  }
0x604: {  	[tilespmem:$0x1A9C0] =	vst v46  }
0x605: {  	v46 =	vld.idx.msk [tilespmem:v32+s22+$0x0], $0xffff;
	_ =	sdelay $0x4  }
0x606: {  	v46 =	vadd.f32 v46, v5  }
0x607: {  	v33 =	vld [tilespmem:$0x1FDC0]  }
0x608: {  	v46 =	vtrunc.f32 v46  }
0x609: {  	v46 =	vcvt.f32.s32 v46;
	_ =	sdelay $0x1  }
0x60a: {  	vm14 =	vgt.s32 v46, $0x0  }
0x60b: {  	v46 =	vnsel vm14, $0x0, v46  }
0x60c: {  	v46 =	vmin.u32 v46, $0x7FF  }
0x60d: {  	[tilespmem:$0x1AA40] =	vst v46  }
0x60e: {  	v46 =	vld.idx.msk [tilespmem:v33+s22+$0x0], $0xffff;
	_ =	sdelay $0x4  }
0x60f: {  	v46 =	vadd.f32 v46, v5  }
0x610: {  	v34 =	vld [tilespmem:$0x1FDD0]  }
0x611: {  	v46 =	vtrunc.f32 v46  }
0x612: {  	v46 =	vcvt.f32.s32 v46;
	_ =	sdelay $0x1  }
0x613: {  	vm15 =	vgt.s32 v46, $0x0  }
0x614: {  	v46 =	vnsel vm15, $0x0, v46  }
0x615: {  	v46 =	vmin.u32 v46, $0x3FF  }
0x616: {  	[tilespmem:$0x1AAC0] =	vst v46  }
0x617: {  	v46 =	vld.idx.msk [tilespmem:v34+s22+$0x0], $0xffff;
	_ =	sdelay $0x4  }
0x618: {  	v46 =	vadd.f32 v46, v5  }
0x619: {  	v35 =	vld [tilespmem:$0x1FDE0]  }
0x61a: {  	v46 =	vtrunc.f32 v46  }
0x61b: {  	v46 =	vcvt.f32.s32 v46;
	_ =	sdelay $0x1  }
0x61c: {  	vm4 =	vgt.s32 v46, $0x0  }
0x61d: {  	v46 =	vnsel vm4, $0x0, v46  }
0x61e: {  	v46 =	vmin.u32 v46, $0x3FF  }
0x61f: {  	[tilespmem:$0x1AB40] =	vst v46  }
0x620: {  	v46 =	vld.idx.msk [tilespmem:v35+s22+$0x0], $0xffff;
	_ =	sdelay $0x4  }
0x621: {  	v46 =	vadd.f32 v46, v5  }
0x622: {  	v36 =	vld [tilespmem:$0x1FDF0]  }
0x623: {  	v46 =	vtrunc.f32 v46  }
0x624: {  	v46 =	vcvt.f32.s32 v46;
	_ =	sdelay $0x1  }
0x625: {  	vm5 =	vgt.s32 v46, $0x0  }
0x626: {  	v46 =	vnsel vm5, $0x0, v46  }
0x627: {  	v46 =	vmin.u32 v46, $0x3FF  }
0x628: {  	[tilespmem:$0x1ABC0] =	vst v46  }
0x629: {  	v46 =	vld.idx.msk [tilespmem:v36+s22+$0x0], $0xffff;
	_ =	sdelay $0x4  }
0x62a: {  	v46 =	vadd.f32 v46, v5  }
0x62b: {  	v37 =	vld [tilespmem:$0x1FE00]  }
0x62c: {  	v46 =	vtrunc.f32 v46  }
0x62d: {  	v46 =	vcvt.f32.s32 v46;
	_ =	sdelay $0x1  }
0x62e: {  	vm6 =	vgt.s32 v46, $0x0  }
0x62f: {  	v46 =	vnsel vm6, $0x0, v46  }
0x630: {  	v46 =	vmin.u32 v46, $0x3FF  }
0x631: {  	[tilespmem:$0x1AC40] =	vst v46  }
0x632: {  	v46 =	vld.idx.msk [tilespmem:v37+s22+$0x0], $0xffff;
	_ =	sdelay $0x4  }
0x633: {  	v46 =	vadd.f32 v46, v5  }
0x634: {  	v38 =	vld [tilespmem:$0x1FE10]  }
0x635: {  	v46 =	vtrunc.f32 v46  }
0x636: {  	v46 =	vcvt.f32.s32 v46;
	_ =	sdelay $0x1  }
0x637: {  	vm7 =	vgt.s32 v46, $0x0  }
0x638: {  	v46 =	vnsel vm7, $0x0, v46  }
0x639: {  	v46 =	vmin.u32 v46, $0x7FF  }
0x63a: {  	[tilespmem:$0x1A950] =	vst v46  }
0x63b: {  	v46 =	vld.idx.msk [tilespmem:v38+s22+$0x0], $0xffff;
	_ =	sdelay $0x4  }
0x63c: {  	v46 =	vadd.f32 v46, v5  }
0x63d: {  	v39 =	vld [tilespmem:$0x1FE20]  }
0x63e: {  	v46 =	vtrunc.f32 v46  }
0x63f: {  	v46 =	vcvt.f32.s32 v46;
	_ =	sdelay $0x1  }
0x640: {  	vm8 =	vgt.s32 v46, $0x0  }
0x641: {  	v46 =	vnsel vm8, $0x0, v46  }
0x642: {  	v46 =	vmin.u32 v46, $0x1FF  }
0x643: {  	[tilespmem:$0x1A9D0] =	vst v46  }
0x644: {  	v46 =	vld.idx.msk [tilespmem:v39+s22+$0x0], $0xffff;
	_ =	sdelay $0x4  }
0x645: {  	v46 =	vadd.f32 v46, v5  }
0x646: {  	v40 =	vld [tilespmem:$0x1FE30]  }
0x647: {  	v46 =	vtrunc.f32 v46  }
0x648: {  	v46 =	vcvt.f32.s32 v46;
	_ =	sdelay $0x1  }
0x649: {  	vm9 =	vgt.s32 v46, $0x0  }
0x64a: {  	v46 =	vnsel vm9, $0x0, v46  }
0x64b: {  	v46 =	vmin.u32 v46, $0x7FF  }
0x64c: {  	[tilespmem:$0x1AA50] =	vst v46  }
0x64d: {  	v46 =	vld.idx.msk [tilespmem:v40+s22+$0x0], $0xffff;
	_ =	sdelay $0x4  }
0x64e: {  	v46 =	vadd.f32 v46, v5  }
0x64f: {  	v41 =	vld [tilespmem:$0x1FE40]  }
0x650: {  	v46 =	vtrunc.f32 v46  }
0x651: {  	v46 =	vcvt.f32.s32 v46;
	_ =	sdelay $0x1  }
0x652: {  	vm10 =	vgt.s32 v46, $0x0  }
0x653: {  	v46 =	vnsel vm10, $0x0, v46  }
0x654: {  	v46 =	vmin.u32 v46, $0x3FF  }
0x655: {  	[tilespmem:$0x1AAD0] =	vst v46  }
0x656: {  	v46 =	vld.idx.msk [tilespmem:v41+s22+$0x0], $0xffff;
	_ =	sdelay $0x4  }
0x657: {  	v46 =	vadd.f32 v46, v5  }
0x658: {  	v42 =	vld [tilespmem:$0x1FE50]  }
0x659: {  	v46 =	vtrunc.f32 v46  }
0x65a: {  	v46 =	vcvt.f32.s32 v46;
	_ =	sdelay $0x1  }
0x65b: {  	vm11 =	vgt.s32 v46, $0x0  }
0x65c: {  	v46 =	vnsel vm11, $0x0, v46  }
0x65d: {  	v46 =	vmin.u32 v46, $0x3FF  }
0x65e: {  	[tilespmem:$0x1AB50] =	vst v46  }
0x65f: {  	v46 =	vld.idx.msk [tilespmem:v42+s22+$0x0], $0xffff;
	_ =	sdelay $0x4  }
0x660: {  	v46 =	vadd.f32 v46, v5  }
0x661: {  	v43 =	vld [tilespmem:$0x1FE60]  }
0x662: {  	v46 =	vtrunc.f32 v46  }
0x663: {  	v46 =	vcvt.f32.s32 v46;
	_ =	sdelay $0x1  }
0x664: {  	vm12 =	vgt.s32 v46, $0x0  }
0x665: {  	v46 =	vnsel vm12, $0x0, v46  }
0x666: {  	v46 =	vmin.u32 v46, $0x3FF  }
0x667: {  	[tilespmem:$0x1ABD0] =	vst v46  }
0x668: {  	v46 =	vld.idx.msk [tilespmem:v43+s22+$0x0], $0xffff;
	_ =	sdelay $0x4  }
0x669: {  	v46 =	vadd.f32 v46, v5  }
0x66a: {  	v48 =	vld [tilespmem:$0x1FE70]  }
0x66b: {  	v46 =	vtrunc.f32 v46  }
0x66c: {  	v46 =	vcvt.f32.s32 v46;
	_ =	sdelay $0x1  }
0x66d: {  	vm13 =	vgt.s32 v46, $0x0  }
0x66e: {  	v46 =	vnsel vm13, $0x0, v46  }
0x66f: {  	v46 =	vmin.u32 v46, $0x3FF  }
0x670: {  	[tilespmem:$0x1AC50] =	vst v46  }
0x671: {  	v46 =	vld.idx.msk [tilespmem:v48+s22+$0x0], $0xffff;
	_ =	sdelay $0x4  }
0x672: {  	v46 =	vadd.f32 v46, v5  }
0x673: {  	v50 =	vld [tilespmem:$0x1FE80]  }
0x674: {  	v46 =	vtrunc.f32 v46  }
0x675: {  	v46 =	vcvt.f32.s32 v46;
	_ =	sdelay $0x1  }
0x676: {  	vm14 =	vgt.s32 v46, $0x0  }
0x677: {  	v46 =	vnsel vm14, $0x0, v46  }
0x678: {  	v46 =	vmin.u32 v46, $0x7FF  }
0x679: {  	[tilespmem:$0x1A960] =	vst v46  }
0x67a: {  	v46 =	vld.idx.msk [tilespmem:v50+s22+$0x0], $0xffff;
	_ =	sdelay $0x4  }
0x67b: {  	v46 =	vadd.f32 v46, v5  }
0x67c: {  	v51 =	vld [tilespmem:$0x1FE90]  }
0x67d: {  	v46 =	vtrunc.f32 v46  }
0x67e: {  	v46 =	vcvt.f32.s32 v46;
	_ =	sdelay $0x1  }
0x67f: {  	vm15 =	vgt.s32 v46, $0x0  }
0x680: {  	v46 =	vnsel vm15, $0x0, v46  }
0x681: {  	v46 =	vmin.u32 v46, $0x1FF  }
0x682: {  	[tilespmem:$0x1A9E0] =	vst v46  }
0x683: {  	v46 =	vld.idx.msk [tilespmem:v51+s22+$0x0], $0xffff;
	_ =	sdelay $0x4  }
0x684: {  	v46 =	vadd.f32 v46, v5  }
0x685: {  	v52 =	vld [tilespmem:$0x1FEA0]  }
0x686: {  	v46 =	vtrunc.f32 v46  }
0x687: {  	v46 =	vcvt.f32.s32 v46;
	_ =	sdelay $0x1  }
0x688: {  	vm4 =	vgt.s32 v46, $0x0  }
0x689: {  	v46 =	vnsel vm4, $0x0, v46  }
0x68a: {  	v46 =	vmin.u32 v46, $0x7FF  }
0x68b: {  	[tilespmem:$0x1AA60] =	vst v46  }
0x68c: {  	v46 =	vld.idx.msk [tilespmem:v52+s22+$0x0], $0xffff;
	_ =	sdelay $0x4  }
0x68d: {  	v46 =	vadd.f32 v46, v5  }
0x68e: {  	v53 =	vld [tilespmem:$0x1FEB0]  }
0x68f: {  	v46 =	vtrunc.f32 v46  }
0x690: {  	v46 =	vcvt.f32.s32 v46;
	_ =	sdelay $0x1  }
0x691: {  	vm5 =	vgt.s32 v46, $0x0  }
0x692: {  	v46 =	vnsel vm5, $0x0, v46  }
0x693: {  	v46 =	vmin.u32 v46, $0x3FF  }
0x694: {  	[tilespmem:$0x1AAE0] =	vst v46  }
0x695: {  	v46 =	vld.idx.msk [tilespmem:v53+s22+$0x0], $0xffff;
	_ =	sdelay $0x4  }
0x696: {  	v46 =	vadd.f32 v46, v5  }
0x697: {  	v54 =	vld [tilespmem:$0x1FEC0]  }
0x698: {  	v46 =	vtrunc.f32 v46  }
0x699: {  	v46 =	vcvt.f32.s32 v46;
	_ =	sdelay $0x1  }
0x69a: {  	vm6 =	vgt.s32 v46, $0x0  }
0x69b: {  	v46 =	vnsel vm6, $0x0, v46  }
0x69c: {  	v46 =	vmin.u32 v46, $0x3FF  }
0x69d: {  	[tilespmem:$0x1AB60] =	vst v46  }
0x69e: {  	v46 =	vld.idx.msk [tilespmem:v54+s22+$0x0], $0xffff;
	_ =	sdelay $0x4  }
0x69f: {  	v46 =	vadd.f32 v46, v5  }
0x6a0: {  	v56 =	vld [tilespmem:$0x1FED0]  }
0x6a1: {  	v46 =	vtrunc.f32 v46  }
0x6a2: {  	v46 =	vcvt.f32.s32 v46;
	_ =	sdelay $0x1  }
0x6a3: {  	vm7 =	vgt.s32 v46, $0x0  }
0x6a4: {  	v46 =	vnsel vm7, $0x0, v46  }
0x6a5: {  	v46 =	vmin.u32 v46, $0x3FF  }
0x6a6: {  	[tilespmem:$0x1ABE0] =	vst v46  }
0x6a7: {  	v46 =	vld.idx.msk [tilespmem:v56+s22+$0x0], $0xffff;
	_ =	sdelay $0x4  }
0x6a8: {  	v46 =	vadd.f32 v46, v5  }
0x6a9: {  	v57 =	vld [tilespmem:$0x1FEE0]  }
0x6aa: {  	v46 =	vtrunc.f32 v46  }
0x6ab: {  	v46 =	vcvt.f32.s32 v46;
	_ =	sdelay $0x1  }
0x6ac: {  	vm8 =	vgt.s32 v46, $0x0  }
0x6ad: {  	v46 =	vnsel vm8, $0x0, v46  }
0x6ae: {  	v46 =	vmin.u32 v46, $0x3FF  }
0x6af: {  	[tilespmem:$0x1AC60] =	vst v46  }
0x6b0: {  	v46 =	vld.idx.msk [tilespmem:v57+s22+$0x0], $0xffff;
	_ =	sdelay $0x4  }
0x6b1: {  	v46 =	vadd.f32 v46, v5  }
0x6b2: {  	v58 =	vld [tilespmem:$0x1FEF0]  }
0x6b3: {  	v46 =	vtrunc.f32 v46  }
0x6b4: {  	v46 =	vcvt.f32.s32 v46;
	_ =	sdelay $0x1  }
0x6b5: {  	vm9 =	vgt.s32 v46, $0x0  }
0x6b6: {  	v46 =	vnsel vm9, $0x0, v46  }
0x6b7: {  	v46 =	vmin.u32 v46, $0x7FF  }
0x6b8: {  	[tilespmem:$0x1A970] =	vst v46  }
0x6b9: {  	v46 =	vld.idx.msk [tilespmem:v58+s22+$0x0], $0xffff;
	_ =	sdelay $0x4  }
0x6ba: {  	v46 =	vadd.f32 v46, v5  }
0x6bb: {  	v59 =	vld [tilespmem:$0x1FF00]  }
0x6bc: {  	v46 =	vtrunc.f32 v46  }
0x6bd: {  	v46 =	vcvt.f32.s32 v46;
	_ =	sdelay $0x1  }
0x6be: {  	vm10 =	vgt.s32 v46, $0x0  }
0x6bf: {  	v46 =	vnsel vm10, $0x0, v46  }
0x6c0: {  	v46 =	vmin.u32 v46, $0x1FF  }
0x6c1: {  	[tilespmem:$0x1A9F0] =	vst v46  }
0x6c2: {  	v46 =	vld.idx.msk [tilespmem:v59+s22+$0x0], $0xffff;
	_ =	sdelay $0x4  }
0x6c3: {  	v46 =	vadd.f32 v46, v5  }
0x6c4: {  	v60 =	vld [tilespmem:$0x1FF10]  }
0x6c5: {  	v46 =	vtrunc.f32 v46  }
0x6c6: {  	v46 =	vcvt.f32.s32 v46;
	_ =	sdelay $0x1  }
0x6c7: {  	vm11 =	vgt.s32 v46, $0x0  }
0x6c8: {  	v46 =	vnsel vm11, $0x0, v46  }
0x6c9: {  	v46 =	vmin.u32 v46, $0x7FF  }
0x6ca: {  	[tilespmem:$0x1AA70] =	vst v46  }
0x6cb: {  	v46 =	vld.idx.msk [tilespmem:v60+s22+$0x0], $0xffff;
	_ =	sdelay $0x4  }
0x6cc: {  	v46 =	vadd.f32 v46, v5  }
0x6cd: {  	v61 =	vld [tilespmem:$0x1FF20]  }
0x6ce: {  	v46 =	vtrunc.f32 v46  }
0x6cf: {  	v46 =	vcvt.f32.s32 v46;
	_ =	sdelay $0x1  }
0x6d0: {  	vm12 =	vgt.s32 v46, $0x0  }
0x6d1: {  	v46 =	vnsel vm12, $0x0, v46  }
0x6d2: {  	v46 =	vmin.u32 v46, $0x3FF  }
0x6d3: {  	[tilespmem:$0x1AAF0] =	vst v46  }
0x6d4: {  	v46 =	vld.idx.msk [tilespmem:v61+s22+$0x0], $0xffff;
	_ =	sdelay $0x4  }
0x6d5: {  	v46 =	vadd.f32 v46, v5  }
0x6d6: {  	v62 =	vld [tilespmem:$0x1FF30]  }
0x6d7: {  	v46 =	vtrunc.f32 v46  }
0x6d8: {  	v46 =	vcvt.f32.s32 v46;
	_ =	sdelay $0x1  }
0x6d9: {  	vm13 =	vgt.s32 v46, $0x0  }
0x6da: {  	v46 =	vnsel vm13, $0x0, v46  }
0x6db: {  	v46 =	vmin.u32 v46, $0x3FF  }
0x6dc: {  	[tilespmem:$0x1AB70] =	vst v46  }
0x6dd: {  	v46 =	vld.idx.msk [tilespmem:v62+s22+$0x0], $0xffff;
	_ =	sdelay $0x4  }
0x6de: {  	v46 =	vadd.f32 v46, v5  }
0x6df: {  	v63 =	vld [tilespmem:$0x1FF40]  }
0x6e0: {  	v46 =	vtrunc.f32 v46  }
0x6e1: {  	v46 =	vcvt.f32.s32 v46;
	_ =	sdelay $0x1  }
0x6e2: {  	vm14 =	vgt.s32 v46, $0x0  }
0x6e3: {  	v46 =	vnsel vm14, $0x0, v46  }
0x6e4: {  	v46 =	vmin.u32 v46, $0x3FF  }
0x6e5: {  	[tilespmem:$0x1ABF0] =	vst v46  }
0x6e6: {  	v46 =	vld.idx.msk [tilespmem:v63+s22+$0x0], $0xffff;
	_ =	sdelay $0x4  }
0x6e7: {  	v46 =	vadd.f32 v46, v5;
	_ =	sdelay $0x1  }
0x6e8: {  	v46 =	vtrunc.f32 v46  }
0x6e9: {  	v46 =	vcvt.f32.s32 v46;
	_ =	sdelay $0x1  }
0x6ea: {  	vm15 =	vgt.s32 v46, $0x0  }
0x6eb: {  	v46 =	vnsel vm15, $0x0, v46  }
0x6ec: {  	v46 =	vmin.u32 v46, $0x3FF  }
0x6ed: {  	s6 =	simm.s32 @!p0 $0x4;
	[tilespmem:$0x1AC70] =	vst v46  }
0x6ee: {  	[tilespmem:s19], [sflag:$0x5] =	stream.indirect.gather [spmem:s3], $0x20, s24, s23, $0xb8;
	[tilespmem:$0x1BC90] =	vst v63  }
0x6ef: {  	_ =	swait.ge @!p0 [sflag:s6], $0x4C80  }
0x6f0: {  	v43 =	vld [tilespmem:$0x1FF60]  }
0x6f1: {  	v56 =	vld [tilespmem:$0x1FF70]  }
0x6f2: {  	v57 =	vld [tilespmem:$0x1FF80]  }
0x6f3: {  	v58 =	vld [tilespmem:$0x1FF90]  }
0x6f4: {  	v59 =	vld [tilespmem:$0x1FFA0]  }
0x6f5: {  	v60 =	vld [tilespmem:$0x1FFB0]  }
0x6f6: {  	v61 =	vld [tilespmem:$0x1FFC0]  }
0x6f7: {  	v62 =	vld [tilespmem:$0x1FFD0]  }
0x6f8: {  	v63 =	vld [tilespmem:$0x1FFE0]  }
0x6f9: {  	v54 =	vld [tilespmem:$0x1F8E0]  }
0x6fa: {  	v0 =	vld [tilespmem:$0x1F8D0]  }
0x6fb: {  	v52 =	vld [tilespmem:$0x1F8C0]  }
0x6fc: {  	v53 =	vld [tilespmem:$0x1F8B0]  }
0x6fd: {  	v1 =	vld [tilespmem:$0x1F8A0]  }
0x6fe: {  	v2 =	vld [tilespmem:$0x1F890]  }
0x6ff: {  	v3 =	vld [tilespmem:$0x1F880]  }
0x700: {  	v4 =	vld [tilespmem:$0x1F870]  }
0x701: {  	v6 =	vld [tilespmem:$0x1F860]  }
0x702: {  	v7 =	vld [tilespmem:$0x1F850]  }
0x703: {  	v8 =	vld [tilespmem:$0x1F840]  }
0x704: {  	v9 =	vld [tilespmem:$0x1F830]  }
0x705: {  	v10 =	vld [tilespmem:$0x1F820]  }
0x706: {  	v11 =	vld [tilespmem:$0x1F810]  }
0x707: {  	v12 =	vld [tilespmem:$0x1F800]  }
0x708: {  	v13 =	vld [tilespmem:$0x1F7F0]  }
0x709: {  	v14 =	vld [tilespmem:$0x1F7E0]  }
0x70a: {  	v15 =	vld [tilespmem:$0x1F7D0]  }
0x70b: {  	v16 =	vld [tilespmem:$0x1F7C0]  }
0x70c: {  	v17 =	vld [tilespmem:$0x1F7B0]  }
0x70d: {  	v18 =	vld [tilespmem:$0x1F7A0]  }
0x70e: {  	v19 =	vld [tilespmem:$0x1F790]  }
0x70f: {  	v20 =	vld [tilespmem:$0x1F780]  }
0x710: {  	v21 =	vld [tilespmem:$0x1F770]  }
0x711: {  	v22 =	vld [tilespmem:$0x1F760]  }
0x712: {  	v23 =	vld [tilespmem:$0x1F750]  }
0x713: {  	v24 =	vld [tilespmem:$0x1F740]  }
0x714: {  	v25 =	vld [tilespmem:$0x1F730]  }
0x715: {  	v26 =	vld [tilespmem:$0x1F720]  }
0x716: {  	v27 =	vld [tilespmem:$0x1F710]  }
0x717: {  	v28 =	vld [tilespmem:$0x1F700]  }
0x718: {  	v29 =	vld [tilespmem:$0x1F6F0]  }
0x719: {  	v30 =	vld [tilespmem:$0x1F6E0]  }
0x71a: {  	v31 =	vld [tilespmem:$0x1F6D0]  }
0x71b: {  	v32 =	vld [tilespmem:$0x1F6C0]  }
0x71c: {  	v33 =	vld [tilespmem:$0x1F6B0]  }
0x71d: {  	v34 =	vld [tilespmem:$0x1F6A0]  }
0x71e: {  	v35 =	vld [tilespmem:$0x1F690]  }
0x71f: {  	v36 =	vld [tilespmem:$0x1F680]  }
0x720: {  	v37 =	vld [tilespmem:$0x1F670]  }
0x721: {  	v38 =	vld [tilespmem:$0x1F660]  }
0x722: {  	v39 =	vld [tilespmem:$0x1F650]  }
0x723: {  	s10 =	simm.s32 $0x1AA80;
	s11 =	simm.s32 $0x1AB00;
	s12 =	simm.s32 $0x1AB80;
	v40 =	vld [tilespmem:$0x1F640]  }
0x724: {  	s14 =	simm.s32 $0x1AC00;
	s7 =	simm.s32 $0x1A980;
	[sflag:s6] =	ssyncset.done @!p0 $0x0;
	v41 =	vld [tilespmem:$0x1F630]  }
0x725: {  	s8 =	simm.s32 $0x1AA00;
	v42 =	vld [tilespmem:$0x1F620];
	[sflag:s6] =	ssyncadd.s32 @!p0 $0xFFFFB380;
	s6 =	simm.s32 $0x0  }
.LBB2_7:
0x726: {  	v46 =	vld [tilespmem:s7+$0x0];
	_ =	sdelay $0x2  }
0x727: {  	v47 =	vmov s6  }
0x728: {  	v47 =	vmul.u32 $0x99, v47  }
0x729: {  	v48 =	vshll.u32 v46, $0x4  }
0x72a: {  	v46 =	vbroadcast v47, $0x0;
	_ =	sdelay $0x1  }
0x72b: {  	v47 =	vadd.s32 v49, v46  }
0x72c: {  	v47 =	vand.u32 $0xFFFFFFF8, v47  }
0x72d: {  	v47 =	vor.u32 v56, v47;
	v49 =	vld.idx.msk [tilespmem:v48+s5+$0x0], $0xffff  }
0x72e: {  	v50 =	vor.u32 $0x1, v48;
	_ =	sdelay $0x2  }
0x72f: {  	v51 =	vadd.s32 v43, v46  }
0x730: {  	[tilespmem:v47+s29+$0x0] =	vst.idx.msk $0xffff, v49;
	v47 =	vand.u32 $0xFFFFFFF8, v51;
	v51 =	vld [tilespmem:$0x1F910]  }
0x731: {  	v49 =	vld.idx.msk [tilespmem:v50+s5+$0x0], $0xffff;
	v47 =	vor.u32 v57, v47  }
0x732: {  	v50 =	vor.u32 $0x2, v48;
	_ =	sdelay $0x2  }
0x733: {  	v51 =	vadd.s32 v51, v46  }
0x734: {  	[tilespmem:v47+s29+$0x0] =	vst.idx.msk $0xffff, v49;
	v47 =	vand.u32 $0xFFFFFFF8, v51;
	v51 =	vld [tilespmem:$0x1F920]  }
0x735: {  	v49 =	vld.idx.msk [tilespmem:v50+s5+$0x0], $0xffff;
	v47 =	vor.u32 v58, v47  }
0x736: {  	v50 =	vor.u32 $0x3, v48;
	_ =	sdelay $0x2  }
0x737: {  	v51 =	vadd.s32 v51, v46  }
0x738: {  	[tilespmem:v47+s29+$0x0] =	vst.idx.msk $0xffff, v49;
	v47 =	vand.u32 $0xFFFFFFF8, v51;
	v51 =	vld [tilespmem:$0x1F930]  }
0x739: {  	v49 =	vld.idx.msk [tilespmem:v50+s5+$0x0], $0xffff;
	v47 =	vor.u32 v59, v47  }
0x73a: {  	v50 =	vor.u32 $0x4, v48;
	_ =	sdelay $0x2  }
0x73b: {  	v51 =	vadd.s32 v51, v46  }
0x73c: {  	[tilespmem:v47+s29+$0x0] =	vst.idx.msk $0xffff, v49;
	v47 =	vand.u32 $0xFFFFFFF8, v51;
	v51 =	vld [tilespmem:$0x1F940]  }
0x73d: {  	v49 =	vld.idx.msk [tilespmem:v50+s5+$0x0], $0xffff;
	v47 =	vor.u32 v60, v47  }
0x73e: {  	v50 =	vor.u32 $0x5, v48;
	_ =	sdelay $0x2  }
0x73f: {  	v51 =	vadd.s32 v51, v46  }
0x740: {  	[tilespmem:v47+s29+$0x0] =	vst.idx.msk $0xffff, v49;
	v47 =	vand.u32 $0xFFFFFFF8, v51;
	v51 =	vld [tilespmem:$0x1F950]  }
0x741: {  	v49 =	vld.idx.msk [tilespmem:v50+s5+$0x0], $0xffff;
	v47 =	vor.u32 v61, v47  }
0x742: {  	v50 =	vor.u32 $0x6, v48;
	_ =	sdelay $0x2  }
0x743: {  	v51 =	vadd.s32 v51, v46  }
0x744: {  	[tilespmem:v47+s29+$0x0] =	vst.idx.msk $0xffff, v49;
	v47 =	vand.u32 $0xFFFFFFF8, v51;
	v51 =	vld [tilespmem:$0x1F960]  }
0x745: {  	v49 =	vld.idx.msk [tilespmem:v50+s5+$0x0], $0xffff;
	v47 =	vor.u32 v62, v47  }
0x746: {  	v50 =	vor.u32 $0x7, v48;
	_ =	sdelay $0x2  }
0x747: {  	v51 =	vadd.s32 v51, v46  }
0x748: {  	[tilespmem:v47+s29+$0x0] =	vst.idx.msk $0xffff, v49;
	v47 =	vand.u32 $0xFFFFFFF8, v51;
	v51 =	vld [tilespmem:$0x1F970]  }
0x749: {  	v49 =	vld.idx.msk [tilespmem:v50+s5+$0x0], $0xffff;
	v47 =	vor.u32 v63, v47  }
0x74a: {  	v50 =	vor.u32 $0x8, v48;
	_ =	sdelay $0x2  }
0x74b: {  	v51 =	vadd.s32 v51, v46  }
0x74c: {  	[tilespmem:v47+s29+$0x0] =	vst.idx.msk $0xffff, v49;
	v47 =	vand.u32 $0xFFFFFFF8, v51;
	v51 =	vld [tilespmem:$0x1F980]  }
0x74d: {  	v49 =	vld.idx.msk [tilespmem:v50+s5+$0x0], $0xffff;
	v47 =	vor.u32 v56, v47  }
0x74e: {  	v50 =	vor.u32 $0x9, v48;
	_ =	sdelay $0x2  }
0x74f: {  	v51 =	vadd.s32 v51, v46  }
0x750: {  	[tilespmem:v47+s29+$0x0] =	vst.idx.msk $0xffff, v49;
	v47 =	vand.u32 $0xFFFFFFF8, v51;
	v51 =	vld [tilespmem:$0x1F990]  }
0x751: {  	v49 =	vld.idx.msk [tilespmem:v50+s5+$0x0], $0xffff;
	v47 =	vor.u32 v57, v47  }
0x752: {  	v50 =	vor.u32 $0xA, v48;
	_ =	sdelay $0x2  }
0x753: {  	v51 =	vadd.s32 v51, v46  }
0x754: {  	[tilespmem:v47+s29+$0x0] =	vst.idx.msk $0xffff, v49;
	v47 =	vand.u32 $0xFFFFFFF8, v51;
	v51 =	vld [tilespmem:$0x1F9A0]  }
0x755: {  	v49 =	vld.idx.msk [tilespmem:v50+s5+$0x0], $0xffff;
	v47 =	vor.u32 v58, v47  }
0x756: {  	v50 =	vor.u32 $0xB, v48;
	_ =	sdelay $0x2  }
0x757: {  	v51 =	vadd.s32 v51, v46  }
0x758: {  	[tilespmem:v47+s29+$0x0] =	vst.idx.msk $0xffff, v49;
	v47 =	vand.u32 $0xFFFFFFF8, v51;
	v51 =	vld [tilespmem:$0x1F9B0]  }
0x759: {  	v49 =	vld.idx.msk [tilespmem:v50+s5+$0x0], $0xffff;
	v47 =	vor.u32 v59, v47  }
0x75a: {  	v50 =	vor.u32 $0xC, v48;
	_ =	sdelay $0x2  }
0x75b: {  	v51 =	vadd.s32 v51, v46  }
0x75c: {  	[tilespmem:v47+s29+$0x0] =	vst.idx.msk $0xffff, v49;
	v47 =	vand.u32 $0xFFFFFFF8, v51;
	v51 =	vld [tilespmem:$0x1F9C0]  }
0x75d: {  	v49 =	vld.idx.msk [tilespmem:v50+s5+$0x0], $0xffff;
	v47 =	vor.u32 v60, v47  }
0x75e: {  	v50 =	vor.u32 $0xD, v48;
	_ =	sdelay $0x2  }
0x75f: {  	v51 =	vadd.s32 v51, v46  }
0x760: {  	[tilespmem:v47+s29+$0x0] =	vst.idx.msk $0xffff, v49;
	v47 =	vand.u32 $0xFFFFFFF8, v51  }
0x761: {  	v49 =	vld.idx.msk [tilespmem:v50+s5+$0x0], $0xffff;
	v47 =	vor.u32 v61, v47  }
0x762: {  	v51 =	vld [tilespmem:$0x1F9D0];
	v50 =	vor.u32 $0xE, v48;
	_ =	sdelay $0x3  }
0x763: {  	[tilespmem:v47+s29+$0x0] =	vst.idx.msk $0xffff, v49  }
0x764: {  	v51 =	vadd.s32 v51, v46;
	v49 =	vld.idx.msk [tilespmem:v50+s5+$0x0], $0xffff  }
0x765: {  	v47 =	vand.u32 $0xFFFFFFF8, v51;
	v50 =	vld [tilespmem:$0x1F9E0]  }
0x766: {  	v47 =	vor.u32 v62, v47  }
0x767: {  	v48 =	vor.u32 $0xF, v48;
	_ =	sdelay $0x2  }
0x768: {  	v50 =	vadd.s32 v50, v46  }
0x769: {  	[tilespmem:v47+s29+$0x0] =	vst.idx.msk $0xffff, v49;
	v47 =	vand.u32 $0xFFFFFFF8, v50  }
0x76a: {  	v48 =	vld.idx.msk [tilespmem:v48+s5+$0x0], $0xffff;
	v47 =	vor.u32 v63, v47;
	_ =	sdelay $0x4  }
0x76b: {  	[tilespmem:v47+s29+$0x0] =	vst.idx.msk $0xffff, v48  }
0x76c: {  	v47 =	vld [tilespmem:s8+$0x0];
	_ =	sdelay $0x2  }
0x76d: {  	v48 =	vld [tilespmem:$0x1F9F0];
	_ =	sdelay $0x1  }
0x76e: {  	v47 =	vshll.u32 v47, $0x4;
	_ =	sdelay $0x2  }
0x76f: {  	v48 =	vadd.s32 v48, v46  }
0x770: {  	v51 =	vld [tilespmem:$0x1FA00];
	v48 =	vand.u32 $0xFFFFFFF8, v48  }
0x771: {  	v48 =	vor.u32 v56, v48;
	v49 =	vld.idx.msk [tilespmem:v47+s15+$0x0], $0xffff  }
0x772: {  	v50 =	vor.u32 $0x1, v47;
	_ =	sdelay $0x2  }
0x773: {  	v51 =	vadd.s32 v51, v46  }
0x774: {  	[tilespmem:v48+s29+$0x0] =	vst.idx.msk $0xffff, v49;
	v48 =	vand.u32 $0xFFFFFFF8, v51;
	v51 =	vld [tilespmem:$0x1FA10]  }
0x775: {  	v49 =	vld.idx.msk [tilespmem:v50+s15+$0x0], $0xffff;
	v48 =	vor.u32 v57, v48  }
0x776: {  	v50 =	vor.u32 $0x2, v47;
	_ =	sdelay $0x2  }
0x777: {  	v51 =	vadd.s32 v51, v46  }
0x778: {  	[tilespmem:v48+s29+$0x0] =	vst.idx.msk $0xffff, v49;
	v48 =	vand.u32 $0xFFFFFFF8, v51;
	v51 =	vld [tilespmem:$0x1FA20]  }
0x779: {  	v49 =	vld.idx.msk [tilespmem:v50+s15+$0x0], $0xffff;
	v48 =	vor.u32 v58, v48  }
0x77a: {  	v50 =	vor.u32 $0x3, v47;
	_ =	sdelay $0x2  }
0x77b: {  	v51 =	vadd.s32 v51, v46  }
0x77c: {  	[tilespmem:v48+s29+$0x0] =	vst.idx.msk $0xffff, v49;
	v48 =	vand.u32 $0xFFFFFFF8, v51;
	v51 =	vld [tilespmem:$0x1FA30]  }
0x77d: {  	v49 =	vld.idx.msk [tilespmem:v50+s15+$0x0], $0xffff;
	v48 =	vor.u32 v59, v48  }
0x77e: {  	v50 =	vor.u32 $0x4, v47;
	_ =	sdelay $0x2  }
0x77f: {  	v51 =	vadd.s32 v51, v46  }
0x780: {  	[tilespmem:v48+s29+$0x0] =	vst.idx.msk $0xffff, v49;
	v48 =	vand.u32 $0xFFFFFFF8, v51;
	v51 =	vld [tilespmem:$0x1FA40]  }
0x781: {  	v49 =	vld.idx.msk [tilespmem:v50+s15+$0x0], $0xffff;
	v48 =	vor.u32 v60, v48  }
0x782: {  	v50 =	vor.u32 $0x5, v47;
	_ =	sdelay $0x2  }
0x783: {  	v51 =	vadd.s32 v51, v46  }
0x784: {  	[tilespmem:v48+s29+$0x0] =	vst.idx.msk $0xffff, v49;
	v48 =	vand.u32 $0xFFFFFFF8, v51;
	v51 =	vld [tilespmem:$0x1FA50]  }
0x785: {  	v49 =	vld.idx.msk [tilespmem:v50+s15+$0x0], $0xffff;
	v48 =	vor.u32 v61, v48  }
0x786: {  	v50 =	vor.u32 $0x6, v47;
	_ =	sdelay $0x2  }
0x787: {  	v51 =	vadd.s32 v51, v46  }
0x788: {  	[tilespmem:v48+s29+$0x0] =	vst.idx.msk $0xffff, v49;
	v48 =	vand.u32 $0xFFFFFFF8, v51;
	v51 =	vld [tilespmem:$0x1FA60]  }
0x789: {  	v49 =	vld.idx.msk [tilespmem:v50+s15+$0x0], $0xffff;
	v48 =	vor.u32 v62, v48  }
0x78a: {  	v50 =	vor.u32 $0x7, v47;
	_ =	sdelay $0x2  }
0x78b: {  	v51 =	vadd.s32 v51, v46  }
0x78c: {  	[tilespmem:v48+s29+$0x0] =	vst.idx.msk $0xffff, v49;
	v48 =	vand.u32 $0xFFFFFFF8, v51;
	v51 =	vld [tilespmem:$0x1FA70]  }
0x78d: {  	v49 =	vld.idx.msk [tilespmem:v50+s15+$0x0], $0xffff;
	v48 =	vor.u32 v63, v48  }
0x78e: {  	v50 =	vor.u32 $0x8, v47;
	_ =	sdelay $0x2  }
0x78f: {  	v51 =	vadd.s32 v51, v46  }
0x790: {  	[tilespmem:v48+s29+$0x0] =	vst.idx.msk $0xffff, v49;
	v48 =	vand.u32 $0xFFFFFFF8, v51;
	v51 =	vld [tilespmem:$0x1FA80]  }
0x791: {  	v49 =	vld.idx.msk [tilespmem:v50+s15+$0x0], $0xffff;
	v48 =	vor.u32 v56, v48  }
0x792: {  	v50 =	vor.u32 $0x9, v47;
	_ =	sdelay $0x2  }
0x793: {  	v51 =	vadd.s32 v51, v46  }
0x794: {  	[tilespmem:v48+s29+$0x0] =	vst.idx.msk $0xffff, v49;
	v48 =	vand.u32 $0xFFFFFFF8, v51;
	v51 =	vld [tilespmem:$0x1FA90]  }
0x795: {  	v49 =	vld.idx.msk [tilespmem:v50+s15+$0x0], $0xffff;
	v48 =	vor.u32 v57, v48  }
0x796: {  	v50 =	vor.u32 $0xA, v47;
	_ =	sdelay $0x2  }
0x797: {  	v51 =	vadd.s32 v51, v46  }
0x798: {  	[tilespmem:v48+s29+$0x0] =	vst.idx.msk $0xffff, v49;
	v48 =	vand.u32 $0xFFFFFFF8, v51;
	v51 =	vld [tilespmem:$0x1FAA0]  }
0x799: {  	v49 =	vld.idx.msk [tilespmem:v50+s15+$0x0], $0xffff;
	v48 =	vor.u32 v58, v48  }
0x79a: {  	v50 =	vor.u32 $0xB, v47;
	_ =	sdelay $0x2  }
0x79b: {  	v51 =	vadd.s32 v51, v46  }
0x79c: {  	[tilespmem:v48+s29+$0x0] =	vst.idx.msk $0xffff, v49;
	v48 =	vand.u32 $0xFFFFFFF8, v51;
	v51 =	vld [tilespmem:$0x1FAB0]  }
0x79d: {  	v49 =	vld.idx.msk [tilespmem:v50+s15+$0x0], $0xffff;
	v48 =	vor.u32 v59, v48  }
0x79e: {  	v50 =	vor.u32 $0xC, v47;
	_ =	sdelay $0x2  }
0x79f: {  	v51 =	vadd.s32 v51, v46  }
0x7a0: {  	[tilespmem:v48+s29+$0x0] =	vst.idx.msk $0xffff, v49;
	v48 =	vand.u32 $0xFFFFFFF8, v51;
	v51 =	vld [tilespmem:$0x1FAC0]  }
0x7a1: {  	v49 =	vld.idx.msk [tilespmem:v50+s15+$0x0], $0xffff;
	v48 =	vor.u32 v60, v48  }
0x7a2: {  	v50 =	vor.u32 $0xD, v47;
	_ =	sdelay $0x2  }
0x7a3: {  	v51 =	vadd.s32 v51, v46  }
0x7a4: {  	[tilespmem:v48+s29+$0x0] =	vst.idx.msk $0xffff, v49;
	v48 =	vand.u32 $0xFFFFFFF8, v51  }
0x7a5: {  	v49 =	vld.idx.msk [tilespmem:v50+s15+$0x0], $0xffff;
	v48 =	vor.u32 v61, v48  }
0x7a6: {  	v51 =	vld [tilespmem:$0x1FAD0];
	v50 =	vor.u32 $0xE, v47;
	_ =	sdelay $0x3  }
0x7a7: {  	[tilespmem:v48+s29+$0x0] =	vst.idx.msk $0xffff, v49  }
0x7a8: {  	v51 =	vadd.s32 v51, v46;
	v49 =	vld.idx.msk [tilespmem:v50+s15+$0x0], $0xffff  }
0x7a9: {  	v48 =	vand.u32 $0xFFFFFFF8, v51;
	v50 =	vld [tilespmem:$0x1FAE0]  }
0x7aa: {  	v48 =	vor.u32 v62, v48  }
0x7ab: {  	v47 =	vor.u32 $0xF, v47;
	_ =	sdelay $0x2  }
0x7ac: {  	v50 =	vadd.s32 v50, v46  }
0x7ad: {  	[tilespmem:v48+s29+$0x0] =	vst.idx.msk $0xffff, v49;
	v48 =	vand.u32 $0xFFFFFFF8, v50  }
0x7ae: {  	v47 =	vld.idx.msk [tilespmem:v47+s15+$0x0], $0xffff;
	v48 =	vor.u32 v63, v48;
	_ =	sdelay $0x4  }
0x7af: {  	[tilespmem:v48+s29+$0x0] =	vst.idx.msk $0xffff, v47  }
0x7b0: {  	v47 =	vld [tilespmem:s10+$0x0];
	_ =	sdelay $0x2  }
0x7b1: {  	v48 =	vld [tilespmem:$0x1FAF0];
	_ =	sdelay $0x1  }
0x7b2: {  	v47 =	vshll.u32 v47, $0x4;
	_ =	sdelay $0x2  }
0x7b3: {  	v48 =	vadd.s32 v48, v46  }
0x7b4: {  	v51 =	vld [tilespmem:$0x1FB00];
	v48 =	vand.u32 $0xFFFFFFF8, v48  }
0x7b5: {  	v48 =	vor.u32 v56, v48;
	v49 =	vld.idx.msk [tilespmem:v47+s16+$0x0], $0xffff  }
0x7b6: {  	v50 =	vor.u32 $0x1, v47;
	_ =	sdelay $0x2  }
0x7b7: {  	v51 =	vadd.s32 v51, v46  }
0x7b8: {  	[tilespmem:v48+s29+$0x0] =	vst.idx.msk $0xffff, v49;
	v48 =	vand.u32 $0xFFFFFFF8, v51;
	v51 =	vld [tilespmem:$0x1FB10]  }
0x7b9: {  	v49 =	vld.idx.msk [tilespmem:v50+s16+$0x0], $0xffff;
	v48 =	vor.u32 v57, v48  }
0x7ba: {  	v50 =	vor.u32 $0x2, v47;
	_ =	sdelay $0x2  }
0x7bb: {  	v51 =	vadd.s32 v51, v46  }
0x7bc: {  	[tilespmem:v48+s29+$0x0] =	vst.idx.msk $0xffff, v49;
	v48 =	vand.u32 $0xFFFFFFF8, v51;
	v51 =	vld [tilespmem:$0x1FB20]  }
0x7bd: {  	v49 =	vld.idx.msk [tilespmem:v50+s16+$0x0], $0xffff;
	v48 =	vor.u32 v58, v48  }
0x7be: {  	v50 =	vor.u32 $0x3, v47;
	_ =	sdelay $0x2  }
0x7bf: {  	v51 =	vadd.s32 v51, v46  }
0x7c0: {  	[tilespmem:v48+s29+$0x0] =	vst.idx.msk $0xffff, v49;
	v48 =	vand.u32 $0xFFFFFFF8, v51;
	v51 =	vld [tilespmem:$0x1FB30]  }
0x7c1: {  	v49 =	vld.idx.msk [tilespmem:v50+s16+$0x0], $0xffff;
	v48 =	vor.u32 v59, v48  }
0x7c2: {  	v50 =	vor.u32 $0x4, v47;
	_ =	sdelay $0x2  }
0x7c3: {  	v51 =	vadd.s32 v51, v46  }
0x7c4: {  	[tilespmem:v48+s29+$0x0] =	vst.idx.msk $0xffff, v49;
	v48 =	vand.u32 $0xFFFFFFF8, v51;
	v51 =	vld [tilespmem:$0x1FB40]  }
0x7c5: {  	v49 =	vld.idx.msk [tilespmem:v50+s16+$0x0], $0xffff;
	v48 =	vor.u32 v60, v48  }
0x7c6: {  	v50 =	vor.u32 $0x5, v47;
	_ =	sdelay $0x2  }
0x7c7: {  	v51 =	vadd.s32 v51, v46  }
0x7c8: {  	[tilespmem:v48+s29+$0x0] =	vst.idx.msk $0xffff, v49;
	v48 =	vand.u32 $0xFFFFFFF8, v51;
	v51 =	vld [tilespmem:$0x1FB50]  }
0x7c9: {  	v49 =	vld.idx.msk [tilespmem:v50+s16+$0x0], $0xffff;
	v48 =	vor.u32 v61, v48  }
0x7ca: {  	v50 =	vor.u32 $0x6, v47;
	_ =	sdelay $0x2  }
0x7cb: {  	v51 =	vadd.s32 v51, v46  }
0x7cc: {  	[tilespmem:v48+s29+$0x0] =	vst.idx.msk $0xffff, v49;
	v48 =	vand.u32 $0xFFFFFFF8, v51;
	v51 =	vld [tilespmem:$0x1FB60]  }
0x7cd: {  	v49 =	vld.idx.msk [tilespmem:v50+s16+$0x0], $0xffff;
	v48 =	vor.u32 v62, v48  }
0x7ce: {  	v50 =	vor.u32 $0x7, v47;
	_ =	sdelay $0x2  }
0x7cf: {  	v51 =	vadd.s32 v51, v46  }
0x7d0: {  	[tilespmem:v48+s29+$0x0] =	vst.idx.msk $0xffff, v49;
	v48 =	vand.u32 $0xFFFFFFF8, v51;
	v51 =	vld [tilespmem:$0x1FB70]  }
0x7d1: {  	v49 =	vld.idx.msk [tilespmem:v50+s16+$0x0], $0xffff;
	v48 =	vor.u32 v63, v48  }
0x7d2: {  	v50 =	vor.u32 $0x8, v47;
	_ =	sdelay $0x2  }
0x7d3: {  	v51 =	vadd.s32 v51, v46  }
0x7d4: {  	[tilespmem:v48+s29+$0x0] =	vst.idx.msk $0xffff, v49;
	v48 =	vand.u32 $0xFFFFFFF8, v51;
	v51 =	vld [tilespmem:$0x1FB80]  }
0x7d5: {  	v49 =	vld.idx.msk [tilespmem:v50+s16+$0x0], $0xffff;
	v48 =	vor.u32 v56, v48  }
0x7d6: {  	v50 =	vor.u32 $0x9, v47;
	_ =	sdelay $0x2  }
0x7d7: {  	v51 =	vadd.s32 v51, v46  }
0x7d8: {  	[tilespmem:v48+s29+$0x0] =	vst.idx.msk $0xffff, v49;
	v48 =	vand.u32 $0xFFFFFFF8, v51;
	v51 =	vld [tilespmem:$0x1FB90]  }
0x7d9: {  	v49 =	vld.idx.msk [tilespmem:v50+s16+$0x0], $0xffff;
	v48 =	vor.u32 v57, v48  }
0x7da: {  	v50 =	vor.u32 $0xA, v47;
	_ =	sdelay $0x2  }
0x7db: {  	v51 =	vadd.s32 v51, v46  }
0x7dc: {  	[tilespmem:v48+s29+$0x0] =	vst.idx.msk $0xffff, v49;
	v48 =	vand.u32 $0xFFFFFFF8, v51;
	v51 =	vld [tilespmem:$0x1FBA0]  }
0x7dd: {  	v49 =	vld.idx.msk [tilespmem:v50+s16+$0x0], $0xffff;
	v48 =	vor.u32 v58, v48  }
0x7de: {  	v50 =	vor.u32 $0xB, v47;
	_ =	sdelay $0x2  }
0x7df: {  	v51 =	vadd.s32 v51, v46  }
0x7e0: {  	[tilespmem:v48+s29+$0x0] =	vst.idx.msk $0xffff, v49;
	v48 =	vand.u32 $0xFFFFFFF8, v51;
	v51 =	vld [tilespmem:$0x1FBB0]  }
0x7e1: {  	v49 =	vld.idx.msk [tilespmem:v50+s16+$0x0], $0xffff;
	v48 =	vor.u32 v59, v48  }
0x7e2: {  	v50 =	vor.u32 $0xC, v47;
	_ =	sdelay $0x2  }
0x7e3: {  	v51 =	vadd.s32 v51, v46  }
0x7e4: {  	[tilespmem:v48+s29+$0x0] =	vst.idx.msk $0xffff, v49;
	v48 =	vand.u32 $0xFFFFFFF8, v51;
	v51 =	vld [tilespmem:$0x1FBC0]  }
0x7e5: {  	v49 =	vld.idx.msk [tilespmem:v50+s16+$0x0], $0xffff;
	v48 =	vor.u32 v60, v48  }
0x7e6: {  	v50 =	vor.u32 $0xD, v47;
	_ =	sdelay $0x2  }
0x7e7: {  	v51 =	vadd.s32 v51, v46  }
0x7e8: {  	[tilespmem:v48+s29+$0x0] =	vst.idx.msk $0xffff, v49;
	v48 =	vand.u32 $0xFFFFFFF8, v51  }
0x7e9: {  	v49 =	vld.idx.msk [tilespmem:v50+s16+$0x0], $0xffff;
	v48 =	vor.u32 v61, v48  }
0x7ea: {  	v51 =	vld [tilespmem:$0x1FBD0];
	v50 =	vor.u32 $0xE, v47;
	_ =	sdelay $0x3  }
0x7eb: {  	[tilespmem:v48+s29+$0x0] =	vst.idx.msk $0xffff, v49  }
0x7ec: {  	v51 =	vadd.s32 v51, v46;
	v49 =	vld.idx.msk [tilespmem:v50+s16+$0x0], $0xffff  }
0x7ed: {  	v48 =	vand.u32 $0xFFFFFFF8, v51;
	v50 =	vld [tilespmem:$0x1F900]  }
0x7ee: {  	v48 =	vor.u32 v62, v48  }
0x7ef: {  	v47 =	vor.u32 $0xF, v47;
	_ =	sdelay $0x2  }
0x7f0: {  	v50 =	vadd.s32 v50, v46  }
0x7f1: {  	[tilespmem:v48+s29+$0x0] =	vst.idx.msk $0xffff, v49;
	v48 =	vand.u32 $0xFFFFFFF8, v50  }
0x7f2: {  	v47 =	vld.idx.msk [tilespmem:v47+s16+$0x0], $0xffff;
	v48 =	vor.u32 v63, v48;
	_ =	sdelay $0x4  }
0x7f3: {  	[tilespmem:v48+s29+$0x0] =	vst.idx.msk $0xffff, v47  }
0x7f4: {  	v47 =	vld [tilespmem:s11+$0x0];
	_ =	sdelay $0x2  }
0x7f5: {  	v48 =	vld [tilespmem:$0x1F8F0];
	_ =	sdelay $0x1  }
0x7f6: {  	v47 =	vshll.u32 v47, $0x4;
	_ =	sdelay $0x2  }
0x7f7: {  	v48 =	vadd.s32 v48, v46  }
0x7f8: {  	v48 =	vand.u32 $0xFFFFFFF8, v48  }
0x7f9: {  	v48 =	vor.u32 v56, v48;
	v49 =	vld.idx.msk [tilespmem:v47+s16+$0x0], $0xffff  }
0x7fa: {  	v50 =	vor.u32 $0x1, v47;
	_ =	sdelay $0x2  }
0x7fb: {  	v51 =	vadd.s32 v54, v46  }
0x7fc: {  	[tilespmem:v48+s29+$0x0] =	vst.idx.msk $0xffff, v49;
	v48 =	vand.u32 $0xFFFFFFF8, v51  }
0x7fd: {  	v49 =	vld.idx.msk [tilespmem:v50+s16+$0x0], $0xffff;
	v48 =	vor.u32 v57, v48  }
0x7fe: {  	v50 =	vor.u32 $0x2, v47;
	_ =	sdelay $0x2  }
0x7ff: {  	v51 =	vadd.s32 v0, v46  }
0x800: {  	[tilespmem:v48+s29+$0x0] =	vst.idx.msk $0xffff, v49;
	v48 =	vand.u32 $0xFFFFFFF8, v51  }
0x801: {  	v49 =	vld.idx.msk [tilespmem:v50+s16+$0x0], $0xffff;
	v48 =	vor.u32 v58, v48  }
0x802: {  	v50 =	vor.u32 $0x3, v47;
	_ =	sdelay $0x2  }
0x803: {  	v51 =	vadd.s32 v52, v46  }
0x804: {  	[tilespmem:v48+s29+$0x0] =	vst.idx.msk $0xffff, v49;
	v48 =	vand.u32 $0xFFFFFFF8, v51  }
0x805: {  	v49 =	vld.idx.msk [tilespmem:v50+s16+$0x0], $0xffff;
	v48 =	vor.u32 v59, v48  }
0x806: {  	v50 =	vor.u32 $0x4, v47;
	_ =	sdelay $0x2  }
0x807: {  	v51 =	vadd.s32 v53, v46  }
0x808: {  	[tilespmem:v48+s29+$0x0] =	vst.idx.msk $0xffff, v49;
	v48 =	vand.u32 $0xFFFFFFF8, v51  }
0x809: {  	v49 =	vld.idx.msk [tilespmem:v50+s16+$0x0], $0xffff;
	v48 =	vor.u32 v60, v48  }
0x80a: {  	v50 =	vor.u32 $0x5, v47;
	_ =	sdelay $0x2  }
0x80b: {  	v51 =	vadd.s32 v1, v46  }
0x80c: {  	[tilespmem:v48+s29+$0x0] =	vst.idx.msk $0xffff, v49;
	v48 =	vand.u32 $0xFFFFFFF8, v51  }
0x80d: {  	v49 =	vld.idx.msk [tilespmem:v50+s16+$0x0], $0xffff;
	v48 =	vor.u32 v61, v48  }
0x80e: {  	v50 =	vor.u32 $0x6, v47;
	_ =	sdelay $0x2  }
0x80f: {  	v51 =	vadd.s32 v2, v46  }
0x810: {  	[tilespmem:v48+s29+$0x0] =	vst.idx.msk $0xffff, v49;
	v48 =	vand.u32 $0xFFFFFFF8, v51  }
0x811: {  	v49 =	vld.idx.msk [tilespmem:v50+s16+$0x0], $0xffff;
	v48 =	vor.u32 v62, v48  }
0x812: {  	v50 =	vor.u32 $0x7, v47;
	_ =	sdelay $0x2  }
0x813: {  	v51 =	vadd.s32 v3, v46  }
0x814: {  	[tilespmem:v48+s29+$0x0] =	vst.idx.msk $0xffff, v49;
	v48 =	vand.u32 $0xFFFFFFF8, v51  }
0x815: {  	v49 =	vld.idx.msk [tilespmem:v50+s16+$0x0], $0xffff;
	v48 =	vor.u32 v63, v48  }
0x816: {  	v50 =	vor.u32 $0x8, v47;
	_ =	sdelay $0x2  }
0x817: {  	v51 =	vadd.s32 v4, v46  }
0x818: {  	[tilespmem:v48+s29+$0x0] =	vst.idx.msk $0xffff, v49;
	v48 =	vand.u32 $0xFFFFFFF8, v51  }
0x819: {  	v49 =	vld.idx.msk [tilespmem:v50+s16+$0x0], $0xffff;
	v48 =	vor.u32 v56, v48  }
0x81a: {  	v50 =	vor.u32 $0x9, v47;
	_ =	sdelay $0x2  }
0x81b: {  	v51 =	vadd.s32 v6, v46  }
0x81c: {  	[tilespmem:v48+s29+$0x0] =	vst.idx.msk $0xffff, v49;
	v48 =	vand.u32 $0xFFFFFFF8, v51  }
0x81d: {  	v49 =	vld.idx.msk [tilespmem:v50+s16+$0x0], $0xffff;
	v48 =	vor.u32 v57, v48  }
0x81e: {  	v50 =	vor.u32 $0xA, v47;
	_ =	sdelay $0x2  }
0x81f: {  	v51 =	vadd.s32 v7, v46  }
0x820: {  	[tilespmem:v48+s29+$0x0] =	vst.idx.msk $0xffff, v49;
	v48 =	vand.u32 $0xFFFFFFF8, v51  }
0x821: {  	v49 =	vld.idx.msk [tilespmem:v50+s16+$0x0], $0xffff;
	v48 =	vor.u32 v58, v48  }
0x822: {  	v50 =	vor.u32 $0xB, v47;
	_ =	sdelay $0x2  }
0x823: {  	v51 =	vadd.s32 v8, v46  }
0x824: {  	[tilespmem:v48+s29+$0x0] =	vst.idx.msk $0xffff, v49;
	v48 =	vand.u32 $0xFFFFFFF8, v51  }
0x825: {  	v49 =	vld.idx.msk [tilespmem:v50+s16+$0x0], $0xffff;
	v48 =	vor.u32 v59, v48  }
0x826: {  	v50 =	vor.u32 $0xC, v47;
	_ =	sdelay $0x2  }
0x827: {  	v51 =	vadd.s32 v9, v46  }
0x828: {  	[tilespmem:v48+s29+$0x0] =	vst.idx.msk $0xffff, v49;
	v48 =	vand.u32 $0xFFFFFFF8, v51  }
0x829: {  	v49 =	vld.idx.msk [tilespmem:v50+s16+$0x0], $0xffff;
	v48 =	vor.u32 v60, v48  }
0x82a: {  	v50 =	vor.u32 $0xD, v47;
	_ =	sdelay $0x2  }
0x82b: {  	v51 =	vadd.s32 v10, v46  }
0x82c: {  	[tilespmem:v48+s29+$0x0] =	vst.idx.msk $0xffff, v49;
	v48 =	vand.u32 $0xFFFFFFF8, v51  }
0x82d: {  	v49 =	vld.idx.msk [tilespmem:v50+s16+$0x0], $0xffff;
	v48 =	vor.u32 v61, v48  }
0x82e: {  	v50 =	vor.u32 $0xE, v47;
	_ =	sdelay $0x2  }
0x82f: {  	v51 =	vadd.s32 v11, v46  }
0x830: {  	[tilespmem:v48+s29+$0x0] =	vst.idx.msk $0xffff, v49;
	v48 =	vand.u32 $0xFFFFFFF8, v51  }
0x831: {  	v49 =	vld.idx.msk [tilespmem:v50+s16+$0x0], $0xffff;
	v48 =	vor.u32 v62, v48  }
0x832: {  	v47 =	vor.u32 $0xF, v47;
	_ =	sdelay $0x2  }
0x833: {  	v50 =	vadd.s32 v12, v46  }
0x834: {  	[tilespmem:v48+s29+$0x0] =	vst.idx.msk $0xffff, v49;
	v48 =	vand.u32 $0xFFFFFFF8, v50  }
0x835: {  	v47 =	vld.idx.msk [tilespmem:v47+s16+$0x0], $0xffff;
	v48 =	vor.u32 v63, v48;
	_ =	sdelay $0x4  }
0x836: {  	[tilespmem:v48+s29+$0x0] =	vst.idx.msk $0xffff, v47  }
0x837: {  	v47 =	vld [tilespmem:s12+$0x0];
	_ =	sdelay $0x4  }
0x838: {  	v47 =	vshll.u32 v47, $0x4;
	_ =	sdelay $0x2  }
0x839: {  	v48 =	vadd.s32 v13, v46  }
0x83a: {  	v48 =	vand.u32 $0xFFFFFFF8, v48  }
0x83b: {  	v48 =	vor.u32 v56, v48;
	v49 =	vld.idx.msk [tilespmem:v47+s16+$0x0], $0xffff  }
0x83c: {  	v50 =	vor.u32 $0x1, v47;
	_ =	sdelay $0x2  }
0x83d: {  	v51 =	vadd.s32 v14, v46  }
0x83e: {  	[tilespmem:v48+s29+$0x0] =	vst.idx.msk $0xffff, v49;
	v48 =	vand.u32 $0xFFFFFFF8, v51  }
0x83f: {  	v49 =	vld.idx.msk [tilespmem:v50+s16+$0x0], $0xffff;
	v48 =	vor.u32 v57, v48  }
0x840: {  	v50 =	vor.u32 $0x2, v47;
	_ =	sdelay $0x2  }
0x841: {  	v51 =	vadd.s32 v15, v46  }
0x842: {  	[tilespmem:v48+s29+$0x0] =	vst.idx.msk $0xffff, v49;
	v48 =	vand.u32 $0xFFFFFFF8, v51  }
0x843: {  	v49 =	vld.idx.msk [tilespmem:v50+s16+$0x0], $0xffff;
	v48 =	vor.u32 v58, v48  }
0x844: {  	v50 =	vor.u32 $0x3, v47;
	_ =	sdelay $0x2  }
0x845: {  	v51 =	vadd.s32 v16, v46  }
0x846: {  	[tilespmem:v48+s29+$0x0] =	vst.idx.msk $0xffff, v49;
	v48 =	vand.u32 $0xFFFFFFF8, v51  }
0x847: {  	v49 =	vld.idx.msk [tilespmem:v50+s16+$0x0], $0xffff;
	v48 =	vor.u32 v59, v48  }
0x848: {  	v50 =	vor.u32 $0x4, v47;
	_ =	sdelay $0x2  }
0x849: {  	v51 =	vadd.s32 v17, v46  }
0x84a: {  	[tilespmem:v48+s29+$0x0] =	vst.idx.msk $0xffff, v49;
	v48 =	vand.u32 $0xFFFFFFF8, v51  }
0x84b: {  	v49 =	vld.idx.msk [tilespmem:v50+s16+$0x0], $0xffff;
	v48 =	vor.u32 v60, v48  }
0x84c: {  	v50 =	vor.u32 $0x5, v47;
	_ =	sdelay $0x2  }
0x84d: {  	v51 =	vadd.s32 v18, v46  }
0x84e: {  	[tilespmem:v48+s29+$0x0] =	vst.idx.msk $0xffff, v49;
	v48 =	vand.u32 $0xFFFFFFF8, v51  }
0x84f: {  	v49 =	vld.idx.msk [tilespmem:v50+s16+$0x0], $0xffff;
	v48 =	vor.u32 v61, v48  }
0x850: {  	v50 =	vor.u32 $0x6, v47;
	_ =	sdelay $0x2  }
0x851: {  	v51 =	vadd.s32 v19, v46  }
0x852: {  	[tilespmem:v48+s29+$0x0] =	vst.idx.msk $0xffff, v49;
	v48 =	vand.u32 $0xFFFFFFF8, v51  }
0x853: {  	v49 =	vld.idx.msk [tilespmem:v50+s16+$0x0], $0xffff;
	v48 =	vor.u32 v62, v48  }
0x854: {  	v50 =	vor.u32 $0x7, v47;
	_ =	sdelay $0x2  }
0x855: {  	v51 =	vadd.s32 v20, v46  }
0x856: {  	[tilespmem:v48+s29+$0x0] =	vst.idx.msk $0xffff, v49;
	v48 =	vand.u32 $0xFFFFFFF8, v51  }
0x857: {  	v49 =	vld.idx.msk [tilespmem:v50+s16+$0x0], $0xffff;
	v48 =	vor.u32 v63, v48  }
0x858: {  	v50 =	vor.u32 $0x8, v47;
	_ =	sdelay $0x2  }
0x859: {  	v51 =	vadd.s32 v21, v46  }
0x85a: {  	[tilespmem:v48+s29+$0x0] =	vst.idx.msk $0xffff, v49;
	v48 =	vand.u32 $0xFFFFFFF8, v51  }
0x85b: {  	v49 =	vld.idx.msk [tilespmem:v50+s16+$0x0], $0xffff;
	v48 =	vor.u32 v56, v48  }
0x85c: {  	v50 =	vor.u32 $0x9, v47;
	_ =	sdelay $0x2  }
0x85d: {  	v51 =	vadd.s32 v22, v46  }
0x85e: {  	[tilespmem:v48+s29+$0x0] =	vst.idx.msk $0xffff, v49;
	v48 =	vand.u32 $0xFFFFFFF8, v51  }
0x85f: {  	v49 =	vld.idx.msk [tilespmem:v50+s16+$0x0], $0xffff;
	v48 =	vor.u32 v57, v48  }
0x860: {  	v50 =	vor.u32 $0xA, v47;
	_ =	sdelay $0x2  }
0x861: {  	v51 =	vadd.s32 v23, v46  }
0x862: {  	[tilespmem:v48+s29+$0x0] =	vst.idx.msk $0xffff, v49;
	v48 =	vand.u32 $0xFFFFFFF8, v51  }
0x863: {  	v49 =	vld.idx.msk [tilespmem:v50+s16+$0x0], $0xffff;
	v48 =	vor.u32 v58, v48  }
0x864: {  	v50 =	vor.u32 $0xB, v47;
	_ =	sdelay $0x2  }
0x865: {  	v51 =	vadd.s32 v24, v46  }
0x866: {  	[tilespmem:v48+s29+$0x0] =	vst.idx.msk $0xffff, v49;
	v48 =	vand.u32 $0xFFFFFFF8, v51  }
0x867: {  	v49 =	vld.idx.msk [tilespmem:v50+s16+$0x0], $0xffff;
	v48 =	vor.u32 v59, v48  }
0x868: {  	v50 =	vor.u32 $0xC, v47;
	_ =	sdelay $0x2  }
0x869: {  	v51 =	vadd.s32 v25, v46  }
0x86a: {  	[tilespmem:v48+s29+$0x0] =	vst.idx.msk $0xffff, v49;
	v48 =	vand.u32 $0xFFFFFFF8, v51  }
0x86b: {  	v49 =	vld.idx.msk [tilespmem:v50+s16+$0x0], $0xffff;
	v48 =	vor.u32 v60, v48  }
0x86c: {  	v50 =	vor.u32 $0xD, v47;
	_ =	sdelay $0x2  }
0x86d: {  	v51 =	vadd.s32 v26, v46  }
0x86e: {  	[tilespmem:v48+s29+$0x0] =	vst.idx.msk $0xffff, v49;
	v48 =	vand.u32 $0xFFFFFFF8, v51  }
0x86f: {  	v49 =	vld.idx.msk [tilespmem:v50+s16+$0x0], $0xffff;
	v48 =	vor.u32 v61, v48  }
0x870: {  	v50 =	vor.u32 $0xE, v47;
	_ =	sdelay $0x2  }
0x871: {  	v51 =	vadd.s32 v27, v46  }
0x872: {  	[tilespmem:v48+s29+$0x0] =	vst.idx.msk $0xffff, v49;
	v48 =	vand.u32 $0xFFFFFFF8, v51  }
0x873: {  	v49 =	vld.idx.msk [tilespmem:v50+s16+$0x0], $0xffff;
	v48 =	vor.u32 v62, v48  }
0x874: {  	v47 =	vor.u32 $0xF, v47;
	_ =	sdelay $0x2  }
0x875: {  	v50 =	vadd.s32 v28, v46  }
0x876: {  	[tilespmem:v48+s29+$0x0] =	vst.idx.msk $0xffff, v49;
	v48 =	vand.u32 $0xFFFFFFF8, v50  }
0x877: {  	v47 =	vld.idx.msk [tilespmem:v47+s16+$0x0], $0xffff;
	v48 =	vor.u32 v63, v48;
	_ =	sdelay $0x4  }
0x878: {  	[tilespmem:v48+s29+$0x0] =	vst.idx.msk $0xffff, v47  }
0x879: {  	v47 =	vld [tilespmem:s14+$0x0];
	_ =	sdelay $0x4  }
0x87a: {  	v47 =	vshll.u32 v47, $0x4;
	_ =	sdelay $0x2  }
0x87b: {  	v48 =	vadd.s32 v29, v46  }
0x87c: {  	v48 =	vand.u32 $0xFFFFFFF8, v48  }
0x87d: {  	v48 =	vor.u32 v56, v48;
	v49 =	vld.idx.msk [tilespmem:v47+s16+$0x0], $0xffff  }
0x87e: {  	v50 =	vor.u32 $0x1, v47;
	_ =	sdelay $0x2  }
0x87f: {  	v51 =	vadd.s32 v30, v46  }
0x880: {  	[tilespmem:v48+s29+$0x0] =	vst.idx.msk $0xffff, v49;
	v48 =	vand.u32 $0xFFFFFFF8, v51  }
0x881: {  	v49 =	vld.idx.msk [tilespmem:v50+s16+$0x0], $0xffff;
	v48 =	vor.u32 v57, v48  }
0x882: {  	v50 =	vor.u32 $0x2, v47;
	_ =	sdelay $0x2  }
0x883: {  	v51 =	vadd.s32 v31, v46  }
0x884: {  	[tilespmem:v48+s29+$0x0] =	vst.idx.msk $0xffff, v49;
	v48 =	vand.u32 $0xFFFFFFF8, v51  }
0x885: {  	v49 =	vld.idx.msk [tilespmem:v50+s16+$0x0], $0xffff;
	v48 =	vor.u32 v58, v48  }
0x886: {  	v50 =	vor.u32 $0x3, v47;
	_ =	sdelay $0x2  }
0x887: {  	v51 =	vadd.s32 v32, v46  }
0x888: {  	[tilespmem:v48+s29+$0x0] =	vst.idx.msk $0xffff, v49;
	v48 =	vand.u32 $0xFFFFFFF8, v51  }
0x889: {  	v49 =	vld.idx.msk [tilespmem:v50+s16+$0x0], $0xffff;
	v48 =	vor.u32 v59, v48  }
0x88a: {  	v50 =	vor.u32 $0x4, v47;
	_ =	sdelay $0x2  }
0x88b: {  	v51 =	vadd.s32 v33, v46  }
0x88c: {  	[tilespmem:v48+s29+$0x0] =	vst.idx.msk $0xffff, v49;
	v48 =	vand.u32 $0xFFFFFFF8, v51  }
0x88d: {  	v49 =	vld.idx.msk [tilespmem:v50+s16+$0x0], $0xffff;
	v48 =	vor.u32 v60, v48  }
0x88e: {  	v50 =	vor.u32 $0x5, v47;
	_ =	sdelay $0x2  }
0x88f: {  	v51 =	vadd.s32 v34, v46  }
0x890: {  	[tilespmem:v48+s29+$0x0] =	vst.idx.msk $0xffff, v49;
	v48 =	vand.u32 $0xFFFFFFF8, v51  }
0x891: {  	v49 =	vld.idx.msk [tilespmem:v50+s16+$0x0], $0xffff;
	v48 =	vor.u32 v61, v48  }
0x892: {  	v50 =	vor.u32 $0x6, v47;
	_ =	sdelay $0x2  }
0x893: {  	v51 =	vadd.s32 v35, v46  }
0x894: {  	[tilespmem:v48+s29+$0x0] =	vst.idx.msk $0xffff, v49;
	v48 =	vand.u32 $0xFFFFFFF8, v51  }
0x895: {  	v49 =	vld.idx.msk [tilespmem:v50+s16+$0x0], $0xffff;
	v48 =	vor.u32 v62, v48  }
0x896: {  	v50 =	vor.u32 $0x7, v47;
	_ =	sdelay $0x2  }
0x897: {  	v51 =	vadd.s32 v36, v46  }
0x898: {  	[tilespmem:v48+s29+$0x0] =	vst.idx.msk $0xffff, v49;
	v48 =	vand.u32 $0xFFFFFFF8, v51  }
0x899: {  	v49 =	vld.idx.msk [tilespmem:v50+s16+$0x0], $0xffff;
	v48 =	vor.u32 v63, v48  }
0x89a: {  	v50 =	vor.u32 $0x8, v47;
	_ =	sdelay $0x2  }
0x89b: {  	v51 =	vadd.s32 v37, v46  }
0x89c: {  	[tilespmem:v48+s29+$0x0] =	vst.idx.msk $0xffff, v49;
	v48 =	vand.u32 $0xFFFFFFF8, v51  }
0x89d: {  	v49 =	vld.idx.msk [tilespmem:v50+s16+$0x0], $0xffff;
	v48 =	vor.u32 v56, v48  }
0x89e: {  	v50 =	vor.u32 $0x9, v47;
	_ =	sdelay $0x2  }
0x89f: {  	v51 =	vadd.s32 v38, v46  }
0x8a0: {  	[tilespmem:v48+s29+$0x0] =	vst.idx.msk $0xffff, v49;
	v48 =	vand.u32 $0xFFFFFFF8, v51  }
0x8a1: {  	v49 =	vld.idx.msk [tilespmem:v50+s16+$0x0], $0xffff;
	v48 =	vor.u32 v57, v48  }
0x8a2: {  	v50 =	vor.u32 $0xA, v47;
	_ =	sdelay $0x2  }
0x8a3: {  	v51 =	vadd.s32 v39, v46  }
0x8a4: {  	[tilespmem:v48+s29+$0x0] =	vst.idx.msk $0xffff, v49;
	v48 =	vand.u32 $0xFFFFFFF8, v51  }
0x8a5: {  	v49 =	vld.idx.msk [tilespmem:v50+s16+$0x0], $0xffff;
	v48 =	vor.u32 v58, v48  }
0x8a6: {  	v50 =	vor.u32 $0xB, v47;
	_ =	sdelay $0x2  }
0x8a7: {  	v51 =	vadd.s32 v40, v46  }
0x8a8: {  	[tilespmem:v48+s29+$0x0] =	vst.idx.msk $0xffff, v49;
	v48 =	vand.u32 $0xFFFFFFF8, v51  }
0x8a9: {  	v49 =	vld.idx.msk [tilespmem:v50+s16+$0x0], $0xffff;
	v48 =	vor.u32 v59, v48  }
0x8aa: {  	v50 =	vor.u32 $0xC, v47;
	_ =	sdelay $0x2  }
0x8ab: {  	v51 =	vadd.s32 v41, v46  }
0x8ac: {  	[tilespmem:v48+s29+$0x0] =	vst.idx.msk $0xffff, v49;
	v48 =	vand.u32 $0xFFFFFFF8, v51  }
0x8ad: {  	v49 =	vld.idx.msk [tilespmem:v50+s16+$0x0], $0xffff;
	v48 =	vor.u32 v60, v48  }
0x8ae: {  	v50 =	vor.u32 $0xD, v47;
	_ =	sdelay $0x2  }
0x8af: {  	v51 =	vadd.s32 v42, v46  }
0x8b0: {  	[tilespmem:v48+s29+$0x0] =	vst.idx.msk $0xffff, v49;
	v48 =	vand.u32 $0xFFFFFFF8, v51  }
0x8b1: {  	v49 =	vld.idx.msk [tilespmem:v50+s16+$0x0], $0xffff;
	v48 =	vor.u32 v61, v48  }
0x8b2: {  	v50 =	vor.u32 $0xE, v47;
	_ =	sdelay $0x2  }
0x8b3: {  	v51 =	vadd.s32 v44, v46  }
0x8b4: {  	[tilespmem:v48+s29+$0x0] =	vst.idx.msk $0xffff, v49;
	v48 =	vand.u32 $0xFFFFFFF8, v51  }
0x8b5: {  	v49 =	vld.idx.msk [tilespmem:v50+s16+$0x0], $0xffff;
	v48 =	vor.u32 v62, v48  }
0x8b6: {  	v47 =	vor.u32 $0xF, v47;
	_ =	sdelay $0x2  }
0x8b7: {  	v46 =	vadd.s32 v45, v46  }
0x8b8: {  	v46 =	vand.u32 $0xFFFFFFF8, v46;
	[tilespmem:v48+s29+$0x0] =	vst.idx.msk $0xffff, v49  }
0x8b9: {  	p0 =	sne.s32 s6, $0x70;
	v46 =	vor.u32 v63, v46;
	v47 =	vld.idx.msk [tilespmem:v47+s16+$0x0], $0xffff  }
.Ltmp2:
0x8ba: {  	_ = 	snop;
	(pc) =	sbr.rel @p0 .LBB2_7-.Ltmp2, $4  }
0x8bb: {  	_ = 	snop  }
0x8bc: {  	s7 =	sadd.s32 $0x10, s7  }
0x8bd: {  	s6 =	sadd.s32 $0x10, s6;
	s8 =	sadd.s32 $0x10, s8;
	s10 =	sadd.s32 $0x10, s10  }
0x8be: {  	s11 =	sadd.s32 $0x10, s11;
	s12 =	sadd.s32 $0x10, s12;
	s14 =	sadd.s32 $0x10, s14;
	v49 =	vld [tilespmem:$0x1FFF0];
	[tilespmem:v46+s29+$0x0] =	vst.idx.msk $0xffff, v47  }
0x8bf: {  	_ =	swait.ge [sflag:s26], $0x1000  }
0x8c0: {  	[sflag:s26] =	ssyncset.done $0x0  }
0x8c1: {  	s6 =	simm.s32 $0x10040;
	[sflag:s26] =	ssyncadd.s32 $0xFFFFF000  }
0x8c2: {  	v0 =	vld [tilespmem:s6+$0xFFFFFFC0];
	_ =	sdelay $0x3  }
0x8c3: {  	s7 =	simm.s32 $0x15DB2  }
0x8c4: {  	[tilespmem:s7+$0xFFFFFECE] =	vst v0  }
0x8c5: {  	v0 =	vld [tilespmem:s6+$0xFFFFFFD0];
	_ =	sdelay $0x2  }
0x8c6: {  	s8 =	simm.s32 $0x0  }
0x8c7: {  	s10 =	sand.u32 $0x7FFC, s8  }
0x8c8: {  	s11 =	simm.s32 $0xF047;
	[tilespmem:s10+$0x15C90] =	vst v0  }
0x8c9: {  	v0 =	vld [tilespmem:s11+$0xFFFFFFC0];
	_ =	sdelay $0x4  }
0x8ca: {  	v0 =	vadd.f32 v0, v5;
	_ =	sdelay $0x1  }
0x8cb: {  	[tilespmem:s10+$0x15D00] =	vst v0  }
0x8cc: {  	v0 =	vld [tilespmem:s11+$0xFFFFFFC9];
	_ =	sdelay $0x4  }
0x8cd: {  	v0 =	vadd.f32 v0, v5;
	_ =	sdelay $0x1  }
0x8ce: {  	[tilespmem:s7+$0xFFFFFF57] =	vst v0  }
0x8cf: {  	v0 =	vld [tilespmem:s6+$0xFFFFFFE0];
	_ =	sdelay $0x4  }
0x8d0: {  	[tilespmem:s7+$0xFFFFFF67] =	vst v0  }
0x8d1: {  	v0 =	vld [tilespmem:s6+$0xFFFFFFF0];
	_ =	sdelay $0x2  }
0x8d2: {  	s12 =	simm.s32 $0x99  }
0x8d3: {  	s10 =	sand.u32 $0x7FFD, s12  }
0x8d4: {  	[tilespmem:s10+$0x15C90] =	vst v0  }
0x8d5: {  	v0 =	vld [tilespmem:s11+$0xFFFFFFE0];
	_ =	sdelay $0x4  }
0x8d6: {  	v0 =	vadd.f32 v0, v5;
	_ =	sdelay $0x1  }
0x8d7: {  	[tilespmem:s10+$0x15D00] =	vst v0  }
0x8d8: {  	v0 =	vld [tilespmem:s11+$0xFFFFFFE9];
	_ =	sdelay $0x4  }
0x8d9: {  	v0 =	vadd.f32 v0, v5;
	_ =	sdelay $0x1  }
0x8da: {  	[tilespmem:s7+$0xFFFFFFF0] =	vst v0  }
0x8db: {  	v0 =	vld [tilespmem:s6+$0x0];
	_ =	sdelay $0x4  }
0x8dc: {  	[tilespmem:s7+$0x0] =	vst v0  }
0x8dd: {  	v0 =	vld [tilespmem:s6+$0x10];
	_ =	sdelay $0x2  }
0x8de: {  	s14 =	simm.s32 $0x132  }
0x8df: {  	s10 =	sand.u32 $0x7FFE, s14  }
0x8e0: {  	[tilespmem:s10+$0x15C90] =	vst v0  }
0x8e1: {  	v0 =	vld [tilespmem:s11+$0x0];
	_ =	sdelay $0x4  }
0x8e2: {  	v0 =	vadd.f32 v0, v5;
	_ =	sdelay $0x1  }
0x8e3: {  	[tilespmem:s10+$0x15D00] =	vst v0  }
0x8e4: {  	v0 =	vld [tilespmem:s11+$0x9];
	_ =	sdelay $0x4  }
0x8e5: {  	v0 =	vadd.f32 v0, v5;
	_ =	sdelay $0x1  }
0x8e6: {  	[tilespmem:s7+$0x89] =	vst v0  }
0x8e7: {  	v0 =	vld [tilespmem:s6+$0x20];
	_ =	sdelay $0x4  }
0x8e8: {  	[tilespmem:s7+$0x99] =	vst v0  }
0x8e9: {  	v0 =	vld [tilespmem:s6+$0x30];
	_ =	sdelay $0x2  }
0x8ea: {  	s18 =	simm.s32 $0x1CB  }
0x8eb: {  	s10 =	sand.u32 $0x7FFF, s18  }
0x8ec: {  	[tilespmem:s10+$0x15C90] =	vst v0  }
0x8ed: {  	v0 =	vld [tilespmem:s11+$0x20];
	_ =	sdelay $0x4  }
0x8ee: {  	v0 =	vadd.f32 v0, v5;
	_ =	sdelay $0x1  }
0x8ef: {  	[tilespmem:s10+$0x15D00] =	vst v0  }
0x8f0: {  	v0 =	vld [tilespmem:s11+$0x29];
	_ =	sdelay $0x4  }
0x8f1: {  	v0 =	vadd.f32 v0, v5  }
0x8f2: {  	s12 =	simm.s32 $0xF0C7;
	s10 =	simm.s32 $0x0;
	s11 =	simm.s32 $0x16016  }
.LBB2_9:
0x8f3: {  	s10 =	sadd.s32 $0x4, s10;
	[tilespmem:s7+$0x122] =	vst v0;
	s8 =	sadd.s32 $0x264, s8;
	s6 =	sadd.s32 $0x80, s6  }
0x8f4: {  	s7 =	smov.u32 s11;
	v0 =	vld [tilespmem:s6+$0xFFFFFFC0];
	p0 =	slt.u32 s10, $0x7C;
	_ =	sdelay $0x4  }
0x8f5: {  	[tilespmem:s11+$0xFFFFFECE] =	vst v0  }
0x8f6: {  	v0 =	vld [tilespmem:s6+$0xFFFFFFD0];
	_ =	sdelay $0x3  }
0x8f7: {  	s14 =	sand.u32 $0x7FFC, s8  }
0x8f8: {  	[tilespmem:s14+$0x15C90] =	vst v0  }
0x8f9: {  	v0 =	vld [tilespmem:s12+$0xFFFFFFC0];
	_ =	sdelay $0x4  }
0x8fa: {  	v0 =	vadd.f32 v0, v5;
	_ =	sdelay $0x1  }
0x8fb: {  	[tilespmem:s14+$0x15D00] =	vst v0  }
0x8fc: {  	v0 =	vld [tilespmem:s12+$0xFFFFFFC9];
	_ =	sdelay $0x4  }
0x8fd: {  	v0 =	vadd.f32 v0, v5;
	_ =	sdelay $0x1  }
0x8fe: {  	[tilespmem:s11+$0xFFFFFF57] =	vst v0  }
0x8ff: {  	v0 =	vld [tilespmem:s6+$0xFFFFFFE0];
	_ =	sdelay $0x4  }
0x900: {  	[tilespmem:s11+$0xFFFFFF67] =	vst v0  }
0x901: {  	v0 =	vld [tilespmem:s6+$0xFFFFFFF0];
	_ =	sdelay $0x2  }
0x902: {  	s14 =	sadd.s32 $0x99, s8  }
0x903: {  	s14 =	sand.u32 $0x7FFD, s14  }
0x904: {  	[tilespmem:s14+$0x15C90] =	vst v0  }
0x905: {  	v0 =	vld [tilespmem:s12+$0xFFFFFFE0];
	_ =	sdelay $0x4  }
0x906: {  	v0 =	vadd.f32 v0, v5;
	_ =	sdelay $0x1  }
0x907: {  	[tilespmem:s14+$0x15D00] =	vst v0  }
0x908: {  	v0 =	vld [tilespmem:s12+$0xFFFFFFE9];
	_ =	sdelay $0x4  }
0x909: {  	v0 =	vadd.f32 v0, v5;
	_ =	sdelay $0x1  }
0x90a: {  	[tilespmem:s11+$0xFFFFFFF0] =	vst v0  }
0x90b: {  	v0 =	vld [tilespmem:s6+$0x0];
	_ =	sdelay $0x4  }
0x90c: {  	[tilespmem:s11+$0x0] =	vst v0  }
0x90d: {  	v0 =	vld [tilespmem:s6+$0x10];
	_ =	sdelay $0x2  }
0x90e: {  	s14 =	sadd.s32 $0x132, s8  }
0x90f: {  	s14 =	sand.u32 $0x7FFE, s14  }
0x910: {  	[tilespmem:s14+$0x15C90] =	vst v0  }
0x911: {  	v0 =	vld [tilespmem:s12+$0x0];
	_ =	sdelay $0x4  }
0x912: {  	v0 =	vadd.f32 v0, v5;
	_ =	sdelay $0x1  }
0x913: {  	[tilespmem:s14+$0x15D00] =	vst v0  }
0x914: {  	v0 =	vld [tilespmem:s12+$0x9];
	_ =	sdelay $0x4  }
0x915: {  	v0 =	vadd.f32 v0, v5;
	_ =	sdelay $0x1  }
0x916: {  	[tilespmem:s11+$0x89] =	vst v0  }
0x917: {  	v0 =	vld [tilespmem:s6+$0x20];
	_ =	sdelay $0x4  }
0x918: {  	[tilespmem:s11+$0x99] =	vst v0  }
0x919: {  	v0 =	vld [tilespmem:s6+$0x30];
	_ =	sdelay $0x2  }
0x91a: {  	s14 =	sadd.s32 $0x1CB, s8  }
0x91b: {  	s14 =	sand.u32 $0x7FFF, s14  }
0x91c: {  	[tilespmem:s14+$0x15C90] =	vst v0  }
0x91d: {  	v0 =	vld [tilespmem:s12+$0x20];
	_ =	sdelay $0x4  }
0x91e: {  	v0 =	vadd.f32 v0, v5;
	_ =	sdelay $0x1  }
0x91f: {  	[tilespmem:s14+$0x15D00] =	vst v0  }
0x920: {  	v0 =	vld [tilespmem:s12+$0x29];
	_ =	sdelay $0x1  }
.Ltmp3:
0x921: {  	(pc) =	sbr.rel @p0 .LBB2_9-.Ltmp3, $3  }
0x922: {  	_ =	sdelay $0x1  }
0x923: {  	v0 =	vadd.f32 v0, v5  }
0x924: {  	s11 =	sadd.s32 $0x264, s11;
	s12 =	sadd.s32 $0x80, s12  }
0x925: {  	s4 =	sadd.s32 $0x1, s4  }
0x926: {  	s0 =	smul.u32 $0x99, s0;
	p0 =	sne.s32 s4, $0x19  }
.Ltmp4:
0x927: {  	_ = 	snop;
	(pc) =	sbr.rel @p0 .LBB2_2-.Ltmp4, $4  }
0x928: {  	_ = 	snop  }
0x929: {  	v6 =	vld [tilespmem:$0x1FF50];
	s0 =	sshrl.u32 s0, $0x3  }
0x92a: {  	[tilespmem:s7+$0x122] =	vst v0;
	s0 =	sadd.s32 s1, s0  }
0x92b: {  	v47 =	vld [tilespmem:$0x1FF60];
	[hbm4b:s0+s5] =	stream.linear.scatter [tilespmem:s29], [sflag:$0x4], $0x4C80, $0x38  }
0x92c: {  	_ =	swait.ge [sflag:s30], $0x4C80  }
0x92d: {  	[sflag:s30] =	ssyncset.done $0x0  }
0x92e: {  	[sflag:s30] =	ssyncadd.s32 $0xFFFFB380  }
0x92f: {  	_ =	swait.ge [sflag:s31], $0x4C80  }
0x930: {  	s2 =	sadd.s32 $0x1, s2;
	s0 =	rddreg [dreg:$0xc]  }
0x931: {  	p0 =	sne.s32 s2, s0  }
.Ltmp5:
0x932: {  	_ = 	snop;
	(pc) =	sbr.rel @p0 .LBB2_1-.Ltmp5, $3  }
0x933: {  	_ =	sdelay $0x1  }
0x934: {  	[sflag:s31] =	ssyncset.done $0x0  }
0x935: {  	[sflag:s31] =	ssyncadd.s32 $0xFFFFB380  }
0x936: {  	_ =	sfence.sel $0x180000  }
0x937: {  	[bflag:$0x0] =	sbarrier.arrive $0xFFFF  }
0x938: {  	_ =	strace $0x90000047  }
0x939: {  	s0 =	stileid.u32;
	[bflag:$0x2] =	sbarrier.arrive $0xFFFF  }
0x93a: {  	p0 =	sne.s32 s0, $0x0;
	s0 =	rddreg [dreg:$0x5]  }
0x93b: {  	s0 =	sadd.s32 @!p0 $0x100000, s0  }
0x93c: {  	[sflag:s0] =	ssyncadd.tile.s32 @!p0 $0x1;
	_ =	shalt  }
.Lfunc_end2:
_tile_overlayer_lowered:
.L_overlay_start_2:
0x93d: {  	(tag) =	ssettag $0x2  }
0x93e: {  	s0 =	rddreg [dreg:$0x0];
	s2 =	stileid.u32  }
0x93f: {  	s1 =	rddreg [dreg:$0x1];
	p0 =	sne.s32 s2, $0x0  }
0x940: {  	s3 =	rddreg [dreg:$0x2];
	[bflag:$0x3] =	sbarrier.arrive $0xFFFF;
	s2 =	simm.s32 @!p0 $0x1C06  }
0x941: {  	[timem:s3], [sflag:s2] =	dma.local @!p0 [hbm:s0], s1  }
0x942: {  	s0 =	simm.s32 @!p0 $0x6  }
0x943: {  	_ =	swait.ge @!p0 [sflag:s0], s1  }
0x944: {  	s1 =	ssub.s32 @!p0 $0x0, s1;
	[sflag:s0] =	ssyncset.done @!p0 $0x0  }
0x945: {  	[sflag:s0] =	ssyncadd.s32 @!p0 s1  }
0x946: {  	[bflag:$0x3] =	sbarrier.arrive $0xFFFF  }
0x947: {  	_ =	shalt  }

</sc_bundles>
